<compile_context>
chip_gen: v7x
topology: tpu7x:2x2x1
jax: 0.10.2.dev20260603
libtpu: 0.0.44.dev20260713+nightly
codegen_flags: <defaults>
</compile_context>

<pallas_src>
import functools

import jax
import jax.numpy as jnp
from jax import lax
from jax.experimental import pallas as pl
from jax.experimental.pallas import tpu as pltpu
from jax.experimental.pallas import tpu_sc as plsc

TOP_K = 8
_NC = 2
_NS = 16
_L = 16


def _gemm_body(h_ref, w_ref, a_ref, logits_ref, masked_t_ref):
    logits = lax.dot_general(
        h_ref[...], w_ref[...],
        dimension_numbers=(((1,), (1,)), ((), ())),
        preferred_element_type=jnp.float32,
    )
    logits_ref[...] = logits
    n_avail = a_ref.shape[0]
    iota_e = lax.broadcasted_iota(jnp.int32, (1, logits.shape[1]), 1)
    m = jnp.zeros((1, logits.shape[1]), jnp.float32)
    for j in range(n_avail):
        m = jnp.where(iota_e == a_ref[j], 1.0, m)
    masked_t_ref[...] = (logits * m).T


def _router_gemm(hidden_states, W, available_experts):
    M, H = hidden_states.shape
    E = W.shape[0]
    BM = 512
    return pl.pallas_call(
        _gemm_body,
        grid=(M // BM,),
        in_specs=[
            pl.BlockSpec((BM, H), lambda i: (i, 0)),
            pl.BlockSpec((E, H), lambda i: (0, 0)),
            pl.BlockSpec(memory_space=pltpu.SMEM),
        ],
        out_specs=[
            pl.BlockSpec((BM, E), lambda i: (i, 0)),
            pl.BlockSpec((E, BM), lambda i: (0, i)),
        ],
        out_shape=(
            jax.ShapeDtypeStruct((M, E), jnp.float32),
            jax.ShapeDtypeStruct((E, M), jnp.float32),
        ),
    )(hidden_states, W, available_experts)


def _sc_topk(masked_t):
    E, T = masked_t.shape
    NW = _NC * _NS
    TPW = T // NW
    NG = TPW // _L
    mesh = plsc.VectorSubcoreMesh(
        core_axis_name="c", subcore_axis_name="s",
        num_cores=_NC, num_subcores=_NS,
    )

    @functools.partial(
        pl.kernel,
        out_type=(
            jax.ShapeDtypeStruct((T, TOP_K), jnp.float32),
            jax.ShapeDtypeStruct((T, TOP_K), jnp.int32),
        ),
        mesh=mesh,
        scratch_types=[
            pltpu.VMEM((E, TPW), jnp.float32),
            pltpu.VMEM((TPW, TOP_K), jnp.float32),
            pltpu.VMEM((TPW, TOP_K), jnp.int32),
        ],
        compiler_params=pltpu.CompilerParams(needs_layout_passes=False),
    )
    def topk_kernel(masked_hbm, w_hbm, e_hbm, tile_v, w_v, e_v):
        wid = lax.axis_index("s") * _NC + lax.axis_index("c")
        base = wid * TPW
        pltpu.sync_copy(masked_hbm.at[:, pl.ds(base, TPW)], tile_v)

        def group_body(g, carry):
            rows = g * _L + lax.iota(jnp.int32, _L)
            neg_inf = jnp.full((_L,), -jnp.inf, jnp.float32)
            zero_i = jnp.zeros((_L,), jnp.int32)
            tv = [neg_inf] * TOP_K
            ti = [zero_i] * TOP_K
            for e in range(E):
                x = tile_v[e, pl.ds(g * _L, _L)]
                xi = jnp.full((_L,), e, jnp.int32)
                for j in range(TOP_K):
                    c = x > tv[j]
                    new_t = jnp.where(c, x, tv[j])
                    x = jnp.where(c, tv[j], x)
                    tv[j] = new_t
                    new_i = jnp.where(c, xi, ti[j])
                    xi = jnp.where(c, ti[j], xi)
                    ti[j] = new_i
            s = tv[0]
            for j in range(1, TOP_K):
                s = s + tv[j]
            for j in range(TOP_K):
                col = jnp.full((_L,), j, jnp.int32)
                plsc.store_scatter(w_v, [rows, col], tv[j] / s)
                plsc.store_scatter(e_v, [rows, col], ti[j])
            return carry

        lax.fori_loop(0, NG, group_body, 0)
        pltpu.sync_copy(w_v, w_hbm.at[pl.ds(base, TPW), :])
        pltpu.sync_copy(e_v, e_hbm.at[pl.ds(base, TPW), :])

    return topk_kernel(masked_t)


def kernel(hidden_states, W, available_experts):
    router_logits, masked_t = _router_gemm(hidden_states, W, available_experts)
    routing_weights, selected_experts = _sc_topk(masked_t)
    return (router_logits, routing_weights, selected_experts)

# --- scband reference (transcript-rebuilt; emitter-appended) ---
"""Pipeline reference for scband-top-krouter-16320875724975 (READ-ONLY COPY).

The authoritative reference and input builder live on the scoring server;
editing this copy changes nothing except your own understanding.
"""

import jax, jax.numpy as jnp
import numpy as np

NUM_EXPERTS = 64
TOP_K = 8
HIDDEN = 4096
TOKENS = 8192
NORM_TOPK_PROB = True
N_AVAILABLE = 48


def setup_inputs(seed: int = 0) -> dict:
    key = jax.random.key(seed)
    k1, k2 = jax.random.split(key)
    hidden_states = jax.random.normal(k1, (TOKENS, HIDDEN), dtype=jnp.float32)
    # nn.Linear(hidden_size, num_experts, bias=False) -> weight shape [num_experts, hidden_size]
    W = jax.random.normal(k2, (NUM_EXPERTS, HIDDEN), dtype=jnp.float32) * (1.0 / np.sqrt(HIDDEN))
    available_experts = jnp.arange(N_AVAILABLE, dtype=jnp.int32)
    return {"hidden_states": hidden_states, "W": W, "available_experts": available_experts}


def reference(hidden_states, W, available_experts):
    # router_logits = self.weight(hidden_states)
    router_logits = hidden_states @ W.T
    # F.softmax computed in float32 but then overwritten by masked logits (faithful to original code)
    _unused = jax.nn.softmax(router_logits.astype(jnp.float32), axis=1)
    # _mask_routing_weights(router_logits, dim=1)
    mask_1d = jnp.zeros((router_logits.shape[1],), dtype=bool).at[available_experts].set(True)
    mask = mask_1d.reshape(1, router_logits.shape[1]).astype(router_logits.dtype)
    routing_weights = router_logits * mask
    # topk along last dim
    routing_weights, selected_experts = jax.lax.top_k(routing_weights, TOP_K)
    if NORM_TOPK_PROB:
        routing_weights = routing_weights / jnp.sum(routing_weights, axis=-1, keepdims=True)
    routing_weights = routing_weights.astype(hidden_states.dtype)
    return (router_logits, routing_weights, selected_experts)

if __name__ == "__main__":
    import jax
    _d = setup_inputs()
    print(jax.jit(kernel)(*tuple(_d.values())))

</pallas_src>

<mosaic_0001>
#map = affine_map<(d0, d1) -> (0, 0)>
module attributes {stable_mosaic.version = 14 : i64} {
  func.func @topk_kernel(%arg0: i32, %arg1: i32, %arg2: memref<64x8192xf32, #tpu.memory_space<hbm>>, %arg3: memref<8192x8xf32, #tpu.memory_space<hbm>>, %arg4: memref<8192x8xi32, #tpu.memory_space<hbm>>, %arg5: memref<64x256xf32, #tpu.memory_space<vmem>>, %arg6: memref<256x8xf32, #tpu.memory_space<vmem>>, %arg7: memref<256x8xi32, #tpu.memory_space<vmem>>) attributes {dimension_semantics = [#tpu.dimension_semantics<core_parallel>, #tpu.dimension_semantics<subcore_parallel>], iteration_bounds = array<i64: 2, 16>, scalar_prefetch = 0 : i64, scratch_operands = 3 : i64, tpu.core_type = #tpu.core_type<sc_vector_subcore>, window_params = [{transform_indices = #map}, {transform_indices = #map}, {transform_indices = #map}]} {
    %mul3A = arith.constant 2 : i32
    %mul3A_0 = arith.muli %arg1, %mul3A : i32
    %add3A = arith.addi %mul3A_0, %arg0 : i32
    %mul3A_1 = arith.constant 256 : i32
    %mul3A_2 = arith.muli %add3A, %mul3A_1 : i32
    "tpu.region"() ({
      %run_scoped3A = tpu.sem_alloc : memref<!tpu.dma_semaphore, #tpu.memory_space<semaphore_mem>>
      %dma_start3A = arith.constant 0 : i32
      %dma_start3A_8 = tpu.memref_slice %arg2[%dma_start3A, %mul3A_2] : memref<64x8192xf32, #tpu.memory_space<hbm>> -> memref<64x256xf32, #tpu.memory_space<hbm>>
      %dma_start3A_9 = arith.constant 0 : i32
      %dma_start3A_10 = tpu.memref_slice %arg2[%dma_start3A_9, %mul3A_2] : memref<64x8192xf32, #tpu.memory_space<hbm>> -> memref<64x256xf32, #tpu.memory_space<hbm>>
      tpu.enqueue_dma source(%dma_start3A_10 : memref<64x256xf32, #tpu.memory_space<hbm>>) target(%arg5 : memref<64x256xf32, #tpu.memory_space<vmem>>) target_semaphore(%run_scoped3A : memref<!tpu.dma_semaphore, #tpu.memory_space<semaphore_mem>>)
      %dma_wait3A = arith.constant 0 : i32
      %dma_wait3A_11 = tpu.memref_slice %arg2[%dma_wait3A, %mul3A_2] : memref<64x8192xf32, #tpu.memory_space<hbm>> -> memref<64x256xf32, #tpu.memory_space<hbm>>
      %dma_wait3A_12 = arith.constant 0 : i32
      %dma_wait3A_13 = tpu.memref_slice %arg2[%dma_wait3A_12, %mul3A_2] : memref<64x8192xf32, #tpu.memory_space<hbm>> -> memref<64x256xf32, #tpu.memory_space<hbm>>
      tpu.wait_dma2 semaphore(%run_scoped3A : memref<!tpu.dma_semaphore, #tpu.memory_space<semaphore_mem>>) src(%dma_wait3A_13 : memref<64x256xf32, #tpu.memory_space<hbm>>) dst(%arg5 : memref<64x256xf32, #tpu.memory_space<vmem>>)
      tpu.yield
    }) : () -> ()
    %scan3A = arith.constant 0 : i32
    %scan3A_3 = arith.constant 0 : i32
    %scan3A_4 = arith.constant 16 : i32
    %scan3A_5 = arith.addi %scan3A_3, %scan3A_4 : i32
    %scan3A_6 = arith.constant 1 : i32
    scf.for %scan3A_8 = %scan3A_3 to %scan3A_5 step %scan3A_6  : i32 {
      %mul3A_9 = arith.constant 16 : i32
      %mul3A_10 = arith.muli %scan3A_8, %mul3A_9 : i32
      %iota3A = tpu.iota {dimensions = array<i32: 0>} : vector<16xi32>
      %add3A_11 = vector.broadcast %mul3A_10 : i32 to vector<16xi32>
      %add3A_12 = arith.addi %add3A_11, %iota3A : vector<16xi32>
      %broadcast_in_dim3A = arith.constant 0xFF800000 : f32
      %broadcast_in_dim3A_13 = vector.broadcast %broadcast_in_dim3A : f32 to vector<16xf32>
      %broadcast_in_dim3A_14 = arith.constant 0 : i32
      %broadcast_in_dim3A_15 = vector.broadcast %broadcast_in_dim3A_14 : i32 to vector<16xi32>
      %mul3A_16 = arith.constant 16 : i32
      %mul3A_17 = arith.muli %scan3A_8, %mul3A_16 : i32
      %get3A = arith.constant 0 : i32
      %get3A_18 = arith.index_cast %get3A : i32 to index
      %get3A_19 = arith.index_cast %mul3A_17 : i32 to index
      %get3A_20 = tpu.vector_load %arg5[%get3A_18, %get3A_19] {strides = array<i32>} : memref<64x256xf32, #tpu.memory_space<vmem>>, vector<16xf32>,
      %broadcast_in_dim3A_21 = arith.constant 0 : i32
      %broadcast_in_dim3A_22 = vector.broadcast %broadcast_in_dim3A_21 : i32 to vector<16xi32>
      %gt3A = arith.cmpf ogt, %get3A_20, %broadcast_in_dim3A_13 : vector<16xf32>
      %select_n3A = arith.select %gt3A, %get3A_20, %broadcast_in_dim3A_13 : vector<16xi1>, vector<16xf32>
      %select_n3A_23 = arith.select %gt3A, %broadcast_in_dim3A_13, %get3A_20 : vector<16xi1>, vector<16xf32>
      %select_n3A_24 = arith.select %gt3A, %broadcast_in_dim3A_22, %broadcast_in_dim3A_15 : vector<16xi1>, vector<16xi32>
      %select_n3A_25 = arith.select %gt3A, %broadcast_in_dim3A_15, %broadcast_in_dim3A_22 : vector<16xi1>, vector<16xi32>
      %gt3A_26 = arith.cmpf ogt, %select_n3A_23, %broadcast_in_dim3A_13 : vector<16xf32>
      %select_n3A_27 = arith.select %gt3A_26, %select_n3A_23, %broadcast_in_dim3A_13 : vector<16xi1>, vector<16xf32>
      %select_n3A_28 = arith.select %gt3A_26, %broadcast_in_dim3A_13, %select_n3A_23 : vector<16xi1>, vector<16xf32>
      %select_n3A_29 = arith.select %gt3A_26, %select_n3A_25, %broadcast_in_dim3A_15 : vector<16xi1>, vector<16xi32>
      %select_n3A_30 = arith.select %gt3A_26, %broadcast_in_dim3A_15, %select_n3A_25 : vector<16xi1>, vector<16xi32>
      %gt3A_31 = arith.cmpf ogt, %select_n3A_28, %broadcast_in_dim3A_13 : vector<16xf32>
      %select_n3A_32 = arith.select %gt3A_31, %select_n3A_28, %broadcast_in_dim3A_13 : vector<16xi1>, vector<16xf32>
      %select_n3A_33 = arith.select %gt3A_31, %broadcast_in_dim3A_13, %select_n3A_28 : vector<16xi1>, vector<16xf32>
      %select_n3A_34 = arith.select %gt3A_31, %select_n3A_30, %broadcast_in_dim3A_15 : vector<16xi1>, vector<16xi32>
      %select_n3A_35 = arith.select %gt3A_31, %broadcast_in_dim3A_15, %select_n3A_30 : vector<16xi1>, vector<16xi32>
      %gt3A_36 = arith.cmpf ogt, %select_n3A_33, %broadcast_in_dim3A_13 : vector<16xf32>
      %select_n3A_37 = arith.select %gt3A_36, %select_n3A_33, %broadcast_in_dim3A_13 : vector<16xi1>, vector<16xf32>
      %select_n3A_38 = arith.select %gt3A_36, %broadcast_in_dim3A_13, %select_n3A_33 : vector<16xi1>, vector<16xf32>
      %select_n3A_39 = arith.select %gt3A_36, %select_n3A_35, %broadcast_in_dim3A_15 : vector<16xi1>, vector<16xi32>
      %select_n3A_40 = arith.select %gt3A_36, %broadcast_in_dim3A_15, %select_n3A_35 : vector<16xi1>, vector<16xi32>
      %gt3A_41 = arith.cmpf ogt, %select_n3A_38, %broadcast_in_dim3A_13 : vector<16xf32>
      %select_n3A_42 = arith.select %gt3A_41, %select_n3A_38, %broadcast_in_dim3A_13 : vector<16xi1>, vector<16xf32>
      %select_n3A_43 = arith.select %gt3A_41, %broadcast_in_dim3A_13, %select_n3A_38 : vector<16xi1>, vector<16xf32>
      %select_n3A_44 = arith.select %gt3A_41, %select_n3A_40, %broadcast_in_dim3A_15 : vector<16xi1>, vector<16xi32>
      %select_n3A_45 = arith.select %gt3A_41, %broadcast_in_dim3A_15, %select_n3A_40 : vector<16xi1>, vector<16xi32>
      %gt3A_46 = arith.cmpf ogt, %select_n3A_43, %broadcast_in_dim3A_13 : vector<16xf32>
      %select_n3A_47 = arith.select %gt3A_46, %select_n3A_43, %broadcast_in_dim3A_13 : vector<16xi1>, vector<16xf32>
      %select_n3A_48 = arith.select %gt3A_46, %broadcast_in_dim3A_13, %select_n3A_43 : vector<16xi1>, vector<16xf32>
      %select_n3A_49 = arith.select %gt3A_46, %select_n3A_45, %broadcast_in_dim3A_15 : vector<16xi1>, vector<16xi32>
      %select_n3A_50 = arith.select %gt3A_46, %broadcast_in_dim3A_15, %select_n3A_45 : vector<16xi1>, vector<16xi32>
      %gt3A_51 = arith.cmpf ogt, %select_n3A_48, %broadcast_in_dim3A_13 : vector<16xf32>
      %select_n3A_52 = arith.select %gt3A_51, %select_n3A_48, %broadcast_in_dim3A_13 : vector<16xi1>, vector<16xf32>
      %select_n3A_53 = arith.select %gt3A_51, %broadcast_in_dim3A_13, %select_n3A_48 : vector<16xi1>, vector<16xf32>
      %select_n3A_54 = arith.select %gt3A_51, %select_n3A_50, %broadcast_in_dim3A_15 : vector<16xi1>, vector<16xi32>
      %select_n3A_55 = arith.select %gt3A_51, %broadcast_in_dim3A_15, %select_n3A_50 : vector<16xi1>, vector<16xi32>
      %gt3A_56 = arith.cmpf ogt, %select_n3A_53, %broadcast_in_dim3A_13 : vector<16xf32>
      %select_n3A_57 = arith.select %gt3A_56, %select_n3A_53, %broadcast_in_dim3A_13 : vector<16xi1>, vector<16xf32>
      %select_n3A_58 = arith.select %gt3A_56, %broadcast_in_dim3A_13, %select_n3A_53 : vector<16xi1>, vector<16xf32>
      %select_n3A_59 = arith.select %gt3A_56, %select_n3A_55, %broadcast_in_dim3A_15 : vector<16xi1>, vector<16xi32>
      %select_n3A_60 = arith.select %gt3A_56, %broadcast_in_dim3A_15, %select_n3A_55 : vector<16xi1>, vector<16xi32>
      %mul3A_61 = arith.constant 16 : i32
      %mul3A_62 = arith.muli %scan3A_8, %mul3A_61 : i32
      %get3A_63 = arith.constant 1 : i32
      %get3A_64 = arith.index_cast %get3A_63 : i32 to index
      %get3A_65 = arith.index_cast %mul3A_62 : i32 to index
      %get3A_66 = tpu.vector_load %arg5[%get3A_64, %get3A_65] {strides = array<i32>} : memref<64x256xf32, #tpu.memory_space<vmem>>, vector<16xf32>,
      %broadcast_in_dim3A_67 = arith.constant 1 : i32
      %broadcast_in_dim3A_68 = vector.broadcast %broadcast_in_dim3A_67 : i32 to vector<16xi32>
      %gt3A_69 = arith.cmpf ogt, %get3A_66, %select_n3A : vector<16xf32>
      %select_n3A_70 = arith.select %gt3A_69, %get3A_66, %select_n3A : vector<16xi1>, vector<16xf32>
      %select_n3A_71 = arith.select %gt3A_69, %select_n3A, %get3A_66 : vector<16xi1>, vector<16xf32>
      %select_n3A_72 = arith.select %gt3A_69, %broadcast_in_dim3A_68, %select_n3A_24 : vector<16xi1>, vector<16xi32>
      %select_n3A_73 = arith.select %gt3A_69, %select_n3A_24, %broadcast_in_dim3A_68 : vector<16xi1>, vector<16xi32>
      %gt3A_74 = arith.cmpf ogt, %select_n3A_71, %select_n3A_27 : vector<16xf32>
      %select_n3A_75 = arith.select %gt3A_74, %select_n3A_71, %select_n3A_27 : vector<16xi1>, vector<16xf32>
      %select_n3A_76 = arith.select %gt3A_74, %select_n3A_27, %select_n3A_71 : vector<16xi1>, vector<16xf32>
      %select_n3A_77 = arith.select %gt3A_74, %select_n3A_73, %select_n3A_29 : vector<16xi1>, vector<16xi32>
      %select_n3A_78 = arith.select %gt3A_74, %select_n3A_29, %select_n3A_73 : vector<16xi1>, vector<16xi32>
      %gt3A_79 = arith.cmpf ogt, %select_n3A_76, %select_n3A_32 : vector<16xf32>
      %select_n3A_80 = arith.select %gt3A_79, %select_n3A_76, %select_n3A_32 : vector<16xi1>, vector<16xf32>
      %select_n3A_81 = arith.select %gt3A_79, %select_n3A_32, %select_n3A_76 : vector<16xi1>, vector<16xf32>
      %select_n3A_82 = arith.select %gt3A_79, %select_n3A_78, %select_n3A_34 : vector<16xi1>, vector<16xi32>
      %select_n3A_83 = arith.select %gt3A_79, %select_n3A_34, %select_n3A_78 : vector<16xi1>, vector<16xi32>
      %gt3A_84 = arith.cmpf ogt, %select_n3A_81, %select_n3A_37 : vector<16xf32>
      %select_n3A_85 = arith.select %gt3A_84, %select_n3A_81, %select_n3A_37 : vector<16xi1>, vector<16xf32>
      %select_n3A_86 = arith.select %gt3A_84, %select_n3A_37, %select_n3A_81 : vector<16xi1>, vector<16xf32>
      %select_n3A_87 = arith.select %gt3A_84, %select_n3A_83, %select_n3A_39 : vector<16xi1>, vector<16xi32>
      %select_n3A_88 = arith.select %gt3A_84, %select_n3A_39, %select_n3A_83 : vector<16xi1>, vector<16xi32>
      %gt3A_89 = arith.cmpf ogt, %select_n3A_86, %select_n3A_42 : vector<16xf32>
      %select_n3A_90 = arith.select %gt3A_89, %select_n3A_86, %select_n3A_42 : vector<16xi1>, vector<16xf32>
      %select_n3A_91 = arith.select %gt3A_89, %select_n3A_42, %select_n3A_86 : vector<16xi1>, vector<16xf32>
      %select_n3A_92 = arith.select %gt3A_89, %select_n3A_88, %select_n3A_44 : vector<16xi1>, vector<16xi32>
      %select_n3A_93 = arith.select %gt3A_89, %select_n3A_44, %select_n3A_88 : vector<16xi1>, vector<16xi32>
      %gt3A_94 = arith.cmpf ogt, %select_n3A_91, %select_n3A_47 : vector<16xf32>
      %select_n3A_95 = arith.select %gt3A_94, %select_n3A_91, %select_n3A_47 : vector<16xi1>, vector<16xf32>
      %select_n3A_96 = arith.select %gt3A_94, %select_n3A_47, %select_n3A_91 : vector<16xi1>, vector<16xf32>
      %select_n3A_97 = arith.select %gt3A_94, %select_n3A_93, %select_n3A_49 : vector<16xi1>, vector<16xi32>
      %select_n3A_98 = arith.select %gt3A_94, %select_n3A_49, %select_n3A_93 : vector<16xi1>, vector<16xi32>
      %gt3A_99 = arith.cmpf ogt, %select_n3A_96, %select_n3A_52 : vector<16xf32>
      %select_n3A_100 = arith.select %gt3A_99, %select_n3A_96, %select_n3A_52 : vector<16xi1>, vector<16xf32>
      %select_n3A_101 = arith.select %gt3A_99, %select_n3A_52, %select_n3A_96 : vector<16xi1>, vector<16xf32>
      %select_n3A_102 = arith.select %gt3A_99, %select_n3A_98, %select_n3A_54 : vector<16xi1>, vector<16xi32>
      %select_n3A_103 = arith.select %gt3A_99, %select_n3A_54, %select_n3A_98 : vector<16xi1>, vector<16xi32>
      %gt3A_104 = arith.cmpf ogt, %select_n3A_101, %select_n3A_57 : vector<16xf32>
      %select_n3A_105 = arith.select %gt3A_104, %select_n3A_101, %select_n3A_57 : vector<16xi1>, vector<16xf32>
      %select_n3A_106 = arith.select %gt3A_104, %select_n3A_57, %select_n3A_101 : vector<16xi1>, vector<16xf32>
      %select_n3A_107 = arith.select %gt3A_104, %select_n3A_103, %select_n3A_59 : vector<16xi1>, vector<16xi32>
      %select_n3A_108 = arith.select %gt3A_104, %select_n3A_59, %select_n3A_103 : vector<16xi1>, vector<16xi32>
      %mul3A_109 = arith.constant 16 : i32
      %mul3A_110 = arith.muli %scan3A_8, %mul3A_109 : i32
      %get3A_111 = arith.constant 2 : i32
      %get3A_112 = arith.index_cast %get3A_111 : i32 to index
      %get3A_113 = arith.index_cast %mul3A_110 : i32 to index
      %get3A_114 = tpu.vector_load %arg5[%get3A_112, %get3A_113] {strides = array<i32>} : memref<64x256xf32, #tpu.memory_space<vmem>>, vector<16xf32>,
      %broadcast_in_dim3A_115 = arith.constant 2 : i32
      %broadcast_in_dim3A_116 = vector.broadcast %broadcast_in_dim3A_115 : i32 to vector<16xi32>
      %gt3A_117 = arith.cmpf ogt, %get3A_114, %select_n3A_70 : vector<16xf32>
      %select_n3A_118 = arith.select %gt3A_117, %get3A_114, %select_n3A_70 : vector<16xi1>, vector<16xf32>
      %select_n3A_119 = arith.select %gt3A_117, %select_n3A_70, %get3A_114 : vector<16xi1>, vector<16xf32>
      %select_n3A_120 = arith.select %gt3A_117, %broadcast_in_dim3A_116, %select_n3A_72 : vector<16xi1>, vector<16xi32>
      %select_n3A_121 = arith.select %gt3A_117, %select_n3A_72, %broadcast_in_dim3A_116 : vector<16xi1>, vector<16xi32>
      %gt3A_122 = arith.cmpf ogt, %select_n3A_119, %select_n3A_75 : vector<16xf32>
      %select_n3A_123 = arith.select %gt3A_122, %select_n3A_119, %select_n3A_75 : vector<16xi1>, vector<16xf32>
      %select_n3A_124 = arith.select %gt3A_122, %select_n3A_75, %select_n3A_119 : vector<16xi1>, vector<16xf32>
      %select_n3A_125 = arith.select %gt3A_122, %select_n3A_121, %select_n3A_77 : vector<16xi1>, vector<16xi32>
      %select_n3A_126 = arith.select %gt3A_122, %select_n3A_77, %select_n3A_121 : vector<16xi1>, vector<16xi32>
      %gt3A_127 = arith.cmpf ogt, %select_n3A_124, %select_n3A_80 : vector<16xf32>
      %select_n3A_128 = arith.select %gt3A_127, %select_n3A_124, %select_n3A_80 : vector<16xi1>, vector<16xf32>
      %select_n3A_129 = arith.select %gt3A_127, %select_n3A_80, %select_n3A_124 : vector<16xi1>, vector<16xf32>
      %select_n3A_130 = arith.select %gt3A_127, %select_n3A_126, %select_n3A_82 : vector<16xi1>, vector<16xi32>
      %select_n3A_131 = arith.select %gt3A_127, %select_n3A_82, %select_n3A_126 : vector<16xi1>, vector<16xi32>
      %gt3A_132 = arith.cmpf ogt, %select_n3A_129, %select_n3A_85 : vector<16xf32>
      %select_n3A_133 = arith.select %gt3A_132, %select_n3A_129, %select_n3A_85 : vector<16xi1>, vector<16xf32>
      %select_n3A_134 = arith.select %gt3A_132, %select_n3A_85, %select_n3A_129 : vector<16xi1>, vector<16xf32>
      %select_n3A_135 = arith.select %gt3A_132, %select_n3A_131, %select_n3A_87 : vector<16xi1>, vector<16xi32>
      %select_n3A_136 = arith.select %gt3A_132, %select_n3A_87, %select_n3A_131 : vector<16xi1>, vector<16xi32>
      %gt3A_137 = arith.cmpf ogt, %select_n3A_134, %select_n3A_90 : vector<16xf32>
      %select_n3A_138 = arith.select %gt3A_137, %select_n3A_134, %select_n3A_90 : vector<16xi1>, vector<16xf32>
      %select_n3A_139 = arith.select %gt3A_137, %select_n3A_90, %select_n3A_134 : vector<16xi1>, vector<16xf32>
      %select_n3A_140 = arith.select %gt3A_137, %select_n3A_136, %select_n3A_92 : vector<16xi1>, vector<16xi32>
      %select_n3A_141 = arith.select %gt3A_137, %select_n3A_92, %select_n3A_136 : vector<16xi1>, vector<16xi32>
      %gt3A_142 = arith.cmpf ogt, %select_n3A_139, %select_n3A_95 : vector<16xf32>
      %select_n3A_143 = arith.select %gt3A_142, %select_n3A_139, %select_n3A_95 : vector<16xi1>, vector<16xf32>
      %select_n3A_144 = arith.select %gt3A_142, %select_n3A_95, %select_n3A_139 : vector<16xi1>, vector<16xf32>
      %select_n3A_145 = arith.select %gt3A_142, %select_n3A_141, %select_n3A_97 : vector<16xi1>, vector<16xi32>
      %select_n3A_146 = arith.select %gt3A_142, %select_n3A_97, %select_n3A_141 : vector<16xi1>, vector<16xi32>
      %gt3A_147 = arith.cmpf ogt, %select_n3A_144, %select_n3A_100 : vector<16xf32>
      %select_n3A_148 = arith.select %gt3A_147, %select_n3A_144, %select_n3A_100 : vector<16xi1>, vector<16xf32>
      %select_n3A_149 = arith.select %gt3A_147, %select_n3A_100, %select_n3A_144 : vector<16xi1>, vector<16xf32>
      %select_n3A_150 = arith.select %gt3A_147, %select_n3A_146, %select_n3A_102 : vector<16xi1>, vector<16xi32>
      %select_n3A_151 = arith.select %gt3A_147, %select_n3A_102, %select_n3A_146 : vector<16xi1>, vector<16xi32>
      %gt3A_152 = arith.cmpf ogt, %select_n3A_149, %select_n3A_105 : vector<16xf32>
      %select_n3A_153 = arith.select %gt3A_152, %select_n3A_149, %select_n3A_105 : vector<16xi1>, vector<16xf32>
      %select_n3A_154 = arith.select %gt3A_152, %select_n3A_105, %select_n3A_149 : vector<16xi1>, vector<16xf32>
      %select_n3A_155 = arith.select %gt3A_152, %select_n3A_151, %select_n3A_107 : vector<16xi1>, vector<16xi32>
      %select_n3A_156 = arith.select %gt3A_152, %select_n3A_107, %select_n3A_151 : vector<16xi1>, vector<16xi32>
      %mul3A_157 = arith.constant 16 : i32
      %mul3A_158 = arith.muli %scan3A_8, %mul3A_157 : i32
      %get3A_159 = arith.constant 3 : i32
      %get3A_160 = arith.index_cast %get3A_159 : i32 to index
      %get3A_161 = arith.index_cast %mul3A_158 : i32 to index
      %get3A_162 = tpu.vector_load %arg5[%get3A_160, %get3A_161] {strides = array<i32>} : memref<64x256xf32, #tpu.memory_space<vmem>>, vector<16xf32>,
      %broadcast_in_dim3A_163 = arith.constant 3 : i32
      %broadcast_in_dim3A_164 = vector.broadcast %broadcast_in_dim3A_163 : i32 to vector<16xi32>
      %gt3A_165 = arith.cmpf ogt, %get3A_162, %select_n3A_118 : vector<16xf32>
      %select_n3A_166 = arith.select %gt3A_165, %get3A_162, %select_n3A_118 : vector<16xi1>, vector<16xf32>
      %select_n3A_167 = arith.select %gt3A_165, %select_n3A_118, %get3A_162 : vector<16xi1>, vector<16xf32>
      %select_n3A_168 = arith.select %gt3A_165, %broadcast_in_dim3A_164, %select_n3A_120 : vector<16xi1>, vector<16xi32>
      %select_n3A_169 = arith.select %gt3A_165, %select_n3A_120, %broadcast_in_dim3A_164 : vector<16xi1>, vector<16xi32>
      %gt3A_170 = arith.cmpf ogt, %select_n3A_167, %select_n3A_123 : vector<16xf32>
      %select_n3A_171 = arith.select %gt3A_170, %select_n3A_167, %select_n3A_123 : vector<16xi1>, vector<16xf32>
      %select_n3A_172 = arith.select %gt3A_170, %select_n3A_123, %select_n3A_167 : vector<16xi1>, vector<16xf32>
      %select_n3A_173 = arith.select %gt3A_170, %select_n3A_169, %select_n3A_125 : vector<16xi1>, vector<16xi32>
      %select_n3A_174 = arith.select %gt3A_170, %select_n3A_125, %select_n3A_169 : vector<16xi1>, vector<16xi32>
      %gt3A_175 = arith.cmpf ogt, %select_n3A_172, %select_n3A_128 : vector<16xf32>
      %select_n3A_176 = arith.select %gt3A_175, %select_n3A_172, %select_n3A_128 : vector<16xi1>, vector<16xf32>
      %select_n3A_177 = arith.select %gt3A_175, %select_n3A_128, %select_n3A_172 : vector<16xi1>, vector<16xf32>
      %select_n3A_178 = arith.select %gt3A_175, %select_n3A_174, %select_n3A_130 : vector<16xi1>, vector<16xi32>
      %select_n3A_179 = arith.select %gt3A_175, %select_n3A_130, %select_n3A_174 : vector<16xi1>, vector<16xi32>
      %gt3A_180 = arith.cmpf ogt, %select_n3A_177, %select_n3A_133 : vector<16xf32>
      %select_n3A_181 = arith.select %gt3A_180, %select_n3A_177, %select_n3A_133 : vector<16xi1>, vector<16xf32>
      %select_n3A_182 = arith.select %gt3A_180, %select_n3A_133, %select_n3A_177 : vector<16xi1>, vector<16xf32>
      %select_n3A_183 = arith.select %gt3A_180, %select_n3A_179, %select_n3A_135 : vector<16xi1>, vector<16xi32>
      %select_n3A_184 = arith.select %gt3A_180, %select_n3A_135, %select_n3A_179 : vector<16xi1>, vector<16xi32>
      %gt3A_185 = arith.cmpf ogt, %select_n3A_182, %select_n3A_138 : vector<16xf32>
      %select_n3A_186 = arith.select %gt3A_185, %select_n3A_182, %select_n3A_138 : vector<16xi1>, vector<16xf32>
      %select_n3A_187 = arith.select %gt3A_185, %select_n3A_138, %select_n3A_182 : vector<16xi1>, vector<16xf32>
      %select_n3A_188 = arith.select %gt3A_185, %select_n3A_184, %select_n3A_140 : vector<16xi1>, vector<16xi32>
      %select_n3A_189 = arith.select %gt3A_185, %select_n3A_140, %select_n3A_184 : vector<16xi1>, vector<16xi32>
      %gt3A_190 = arith.cmpf ogt, %select_n3A_187, %select_n3A_143 : vector<16xf32>
      %select_n3A_191 = arith.select %gt3A_190, %select_n3A_187, %select_n3A_143 : vector<16xi1>, vector<16xf32>
      %select_n3A_192 = arith.select %gt3A_190, %select_n3A_143, %select_n3A_187 : vector<16xi1>, vector<16xf32>
      %select_n3A_193 = arith.select %gt3A_190, %select_n3A_189, %select_n3A_145 : vector<16xi1>, vector<16xi32>
      %select_n3A_194 = arith.select %gt3A_190, %select_n3A_145, %select_n3A_189 : vector<16xi1>, vector<16xi32>
      %gt3A_195 = arith.cmpf ogt, %select_n3A_192, %select_n3A_148 : vector<16xf32>
      %select_n3A_196 = arith.select %gt3A_195, %select_n3A_192, %select_n3A_148 : vector<16xi1>, vector<16xf32>
      %select_n3A_197 = arith.select %gt3A_195, %select_n3A_148, %select_n3A_192 : vector<16xi1>, vector<16xf32>
      %select_n3A_198 = arith.select %gt3A_195, %select_n3A_194, %select_n3A_150 : vector<16xi1>, vector<16xi32>
      %select_n3A_199 = arith.select %gt3A_195, %select_n3A_150, %select_n3A_194 : vector<16xi1>, vector<16xi32>
      %gt3A_200 = arith.cmpf ogt, %select_n3A_197, %select_n3A_153 : vector<16xf32>
      %select_n3A_201 = arith.select %gt3A_200, %select_n3A_197, %select_n3A_153 : vector<16xi1>, vector<16xf32>
      %select_n3A_202 = arith.select %gt3A_200, %select_n3A_153, %select_n3A_197 : vector<16xi1>, vector<16xf32>
      %select_n3A_203 = arith.select %gt3A_200, %select_n3A_199, %select_n3A_155 : vector<16xi1>, vector<16xi32>
      %select_n3A_204 = arith.select %gt3A_200, %select_n3A_155, %select_n3A_199 : vector<16xi1>, vector<16xi32>
      %mul3A_205 = arith.constant 16 : i32
      %mul3A_206 = arith.muli %scan3A_8, %mul3A_205 : i32
      %get3A_207 = arith.constant 4 : i32
      %get3A_208 = arith.index_cast %get3A_207 : i32 to index
      %get3A_209 = arith.index_cast %mul3A_206 : i32 to index
      %get3A_210 = tpu.vector_load %arg5[%get3A_208, %get3A_209] {strides = array<i32>} : memref<64x256xf32, #tpu.memory_space<vmem>>, vector<16xf32>,
      %broadcast_in_dim3A_211 = arith.constant 4 : i32
      %broadcast_in_dim3A_212 = vector.broadcast %broadcast_in_dim3A_211 : i32 to vector<16xi32>
      %gt3A_213 = arith.cmpf ogt, %get3A_210, %select_n3A_166 : vector<16xf32>
      %select_n3A_214 = arith.select %gt3A_213, %get3A_210, %select_n3A_166 : vector<16xi1>, vector<16xf32>
      %select_n3A_215 = arith.select %gt3A_213, %select_n3A_166, %get3A_210 : vector<16xi1>, vector<16xf32>
      %select_n3A_216 = arith.select %gt3A_213, %broadcast_in_dim3A_212, %select_n3A_168 : vector<16xi1>, vector<16xi32>
      %select_n3A_217 = arith.select %gt3A_213, %select_n3A_168, %broadcast_in_dim3A_212 : vector<16xi1>, vector<16xi32>
      %gt3A_218 = arith.cmpf ogt, %select_n3A_215, %select_n3A_171 : vector<16xf32>
      %select_n3A_219 = arith.select %gt3A_218, %select_n3A_215, %select_n3A_171 : vector<16xi1>, vector<16xf32>
      %select_n3A_220 = arith.select %gt3A_218, %select_n3A_171, %select_n3A_215 : vector<16xi1>, vector<16xf32>
      %select_n3A_221 = arith.select %gt3A_218, %select_n3A_217, %select_n3A_173 : vector<16xi1>, vector<16xi32>
      %select_n3A_222 = arith.select %gt3A_218, %select_n3A_173, %select_n3A_217 : vector<16xi1>, vector<16xi32>
      %gt3A_223 = arith.cmpf ogt, %select_n3A_220, %select_n3A_176 : vector<16xf32>
      %select_n3A_224 = arith.select %gt3A_223, %select_n3A_220, %select_n3A_176 : vector<16xi1>, vector<16xf32>
      %select_n3A_225 = arith.select %gt3A_223, %select_n3A_176, %select_n3A_220 : vector<16xi1>, vector<16xf32>
      %select_n3A_226 = arith.select %gt3A_223, %select_n3A_222, %select_n3A_178 : vector<16xi1>, vector<16xi32>
      %select_n3A_227 = arith.select %gt3A_223, %select_n3A_178, %select_n3A_222 : vector<16xi1>, vector<16xi32>
      %gt3A_228 = arith.cmpf ogt, %select_n3A_225, %select_n3A_181 : vector<16xf32>
      %select_n3A_229 = arith.select %gt3A_228, %select_n3A_225, %select_n3A_181 : vector<16xi1>, vector<16xf32>
      %select_n3A_230 = arith.select %gt3A_228, %select_n3A_181, %select_n3A_225 : vector<16xi1>, vector<16xf32>
      %select_n3A_231 = arith.select %gt3A_228, %select_n3A_227, %select_n3A_183 : vector<16xi1>, vector<16xi32>
      %select_n3A_232 = arith.select %gt3A_228, %select_n3A_183, %select_n3A_227 : vector<16xi1>, vector<16xi32>
      %gt3A_233 = arith.cmpf ogt, %select_n3A_230, %select_n3A_186 : vector<16xf32>
      %select_n3A_234 = arith.select %gt3A_233, %select_n3A_230, %select_n3A_186 : vector<16xi1>, vector<16xf32>
      %select_n3A_235 = arith.select %gt3A_233, %select_n3A_186, %select_n3A_230 : vector<16xi1>, vector<16xf32>
      %select_n3A_236 = arith.select %gt3A_233, %select_n3A_232, %select_n3A_188 : vector<16xi1>, vector<16xi32>
      %select_n3A_237 = arith.select %gt3A_233, %select_n3A_188, %select_n3A_232 : vector<16xi1>, vector<16xi32>
      %gt3A_238 = arith.cmpf ogt, %select_n3A_235, %select_n3A_191 : vector<16xf32>
      %select_n3A_239 = arith.select %gt3A_238, %select_n3A_235, %select_n3A_191 : vector<16xi1>, vector<16xf32>
      %select_n3A_240 = arith.select %gt3A_238, %select_n3A_191, %select_n3A_235 : vector<16xi1>, vector<16xf32>
      %select_n3A_241 = arith.select %gt3A_238, %select_n3A_237, %select_n3A_193 : vector<16xi1>, vector<16xi32>
      %select_n3A_242 = arith.select %gt3A_238, %select_n3A_193, %select_n3A_237 : vector<16xi1>, vector<16xi32>
      %gt3A_243 = arith.cmpf ogt, %select_n3A_240, %select_n3A_196 : vector<16xf32>
      %select_n3A_244 = arith.select %gt3A_243, %select_n3A_240, %select_n3A_196 : vector<16xi1>, vector<16xf32>
      %select_n3A_245 = arith.select %gt3A_243, %select_n3A_196, %select_n3A_240 : vector<16xi1>, vector<16xf32>
      %select_n3A_246 = arith.select %gt3A_243, %select_n3A_242, %select_n3A_198 : vector<16xi1>, vector<16xi32>
      %select_n3A_247 = arith.select %gt3A_243, %select_n3A_198, %select_n3A_242 : vector<16xi1>, vector<16xi32>
      %gt3A_248 = arith.cmpf ogt, %select_n3A_245, %select_n3A_201 : vector<16xf32>
      %select_n3A_249 = arith.select %gt3A_248, %select_n3A_245, %select_n3A_201 : vector<16xi1>, vector<16xf32>
      %select_n3A_250 = arith.select %gt3A_248, %select_n3A_201, %select_n3A_245 : vector<16xi1>, vector<16xf32>
      %select_n3A_251 = arith.select %gt3A_248, %select_n3A_247, %select_n3A_203 : vector<16xi1>, vector<16xi32>
      %select_n3A_252 = arith.select %gt3A_248, %select_n3A_203, %select_n3A_247 : vector<16xi1>, vector<16xi32>
      %mul3A_253 = arith.constant 16 : i32
      %mul3A_254 = arith.muli %scan3A_8, %mul3A_253 : i32
      %get3A_255 = arith.constant 5 : i32
      %get3A_256 = arith.index_cast %get3A_255 : i32 to index
      %get3A_257 = arith.index_cast %mul3A_254 : i32 to index
      %get3A_258 = tpu.vector_load %arg5[%get3A_256, %get3A_257] {strides = array<i32>} : memref<64x256xf32, #tpu.memory_space<vmem>>, vector<16xf32>,
      %broadcast_in_dim3A_259 = arith.constant 5 : i32
      %broadcast_in_dim3A_260 = vector.broadcast %broadcast_in_dim3A_259 : i32 to vector<16xi32>
      %gt3A_261 = arith.cmpf ogt, %get3A_258, %select_n3A_214 : vector<16xf32>
      %select_n3A_262 = arith.select %gt3A_261, %get3A_258, %select_n3A_214 : vector<16xi1>, vector<16xf32>
      %select_n3A_263 = arith.select %gt3A_261, %select_n3A_214, %get3A_258 : vector<16xi1>, vector<16xf32>
      %select_n3A_264 = arith.select %gt3A_261, %broadcast_in_dim3A_260, %select_n3A_216 : vector<16xi1>, vector<16xi32>
      %select_n3A_265 = arith.select %gt3A_261, %select_n3A_216, %broadcast_in_dim3A_260 : vector<16xi1>, vector<16xi32>
      %gt3A_266 = arith.cmpf ogt, %select_n3A_263, %select_n3A_219 : vector<16xf32>
      %select_n3A_267 = arith.select %gt3A_266, %select_n3A_263, %select_n3A_219 : vector<16xi1>, vector<16xf32>
      %select_n3A_268 = arith.select %gt3A_266, %select_n3A_219, %select_n3A_263 : vector<16xi1>, vector<16xf32>
      %select_n3A_269 = arith.select %gt3A_266, %select_n3A_265, %select_n3A_221 : vector<16xi1>, vector<16xi32>
      %select_n3A_270 = arith.select %gt3A_266, %select_n3A_221, %select_n3A_265 : vector<16xi1>, vector<16xi32>
      %gt3A_271 = arith.cmpf ogt, %select_n3A_268, %select_n3A_224 : vector<16xf32>
      %select_n3A_272 = arith.select %gt3A_271, %select_n3A_268, %select_n3A_224 : vector<16xi1>, vector<16xf32>
      %select_n3A_273 = arith.select %gt3A_271, %select_n3A_224, %select_n3A_268 : vector<16xi1>, vector<16xf32>
      %select_n3A_274 = arith.select %gt3A_271, %select_n3A_270, %select_n3A_226 : vector<16xi1>, vector<16xi32>
      %select_n3A_275 = arith.select %gt3A_271, %select_n3A_226, %select_n3A_270 : vector<16xi1>, vector<16xi32>
      %gt3A_276 = arith.cmpf ogt, %select_n3A_273, %select_n3A_229 : vector<16xf32>
      %select_n3A_277 = arith.select %gt3A_276, %select_n3A_273, %select_n3A_229 : vector<16xi1>, vector<16xf32>
      %select_n3A_278 = arith.select %gt3A_276, %select_n3A_229, %select_n3A_273 : vector<16xi1>, vector<16xf32>
      %select_n3A_279 = arith.select %gt3A_276, %select_n3A_275, %select_n3A_231 : vector<16xi1>, vector<16xi32>
      %select_n3A_280 = arith.select %gt3A_276, %select_n3A_231, %select_n3A_275 : vector<16xi1>, vector<16xi32>
      %gt3A_281 = arith.cmpf ogt, %select_n3A_278, %select_n3A_234 : vector<16xf32>
      %select_n3A_282 = arith.select %gt3A_281, %select_n3A_278, %select_n3A_234 : vector<16xi1>, vector<16xf32>
      %select_n3A_283 = arith.select %gt3A_281, %select_n3A_234, %select_n3A_278 : vector<16xi1>, vector<16xf32>
      %select_n3A_284 = arith.select %gt3A_281, %select_n3A_280, %select_n3A_236 : vector<16xi1>, vector<16xi32>
      %select_n3A_285 = arith.select %gt3A_281, %select_n3A_236, %select_n3A_280 : vector<16xi1>, vector<16xi32>
      %gt3A_286 = arith.cmpf ogt, %select_n3A_283, %select_n3A_239 : vector<16xf32>
      %select_n3A_287 = arith.select %gt3A_286, %select_n3A_283, %select_n3A_239 : vector<16xi1>, vector<16xf32>
      %select_n3A_288 = arith.select %gt3A_286, %select_n3A_239, %select_n3A_283 : vector<16xi1>, vector<16xf32>
      %select_n3A_289 = arith.select %gt3A_286, %select_n3A_285, %select_n3A_241 : vector<16xi1>, vector<16xi32>
      %select_n3A_290 = arith.select %gt3A_286, %select_n3A_241, %select_n3A_285 : vector<16xi1>, vector<16xi32>
      %gt3A_291 = arith.cmpf ogt, %select_n3A_288, %select_n3A_244 : vector<16xf32>
      %select_n3A_292 = arith.select %gt3A_291, %select_n3A_288, %select_n3A_244 : vector<16xi1>, vector<16xf32>
      %select_n3A_293 = arith.select %gt3A_291, %select_n3A_244, %select_n3A_288 : vector<16xi1>, vector<16xf32>
      %select_n3A_294 = arith.select %gt3A_291, %select_n3A_290, %select_n3A_246 : vector<16xi1>, vector<16xi32>
      %select_n3A_295 = arith.select %gt3A_291, %select_n3A_246, %select_n3A_290 : vector<16xi1>, vector<16xi32>
      %gt3A_296 = arith.cmpf ogt, %select_n3A_293, %select_n3A_249 : vector<16xf32>
      %select_n3A_297 = arith.select %gt3A_296, %select_n3A_293, %select_n3A_249 : vector<16xi1>, vector<16xf32>
      %select_n3A_298 = arith.select %gt3A_296, %select_n3A_249, %select_n3A_293 : vector<16xi1>, vector<16xf32>
      %select_n3A_299 = arith.select %gt3A_296, %select_n3A_295, %select_n3A_251 : vector<16xi1>, vector<16xi32>
      %select_n3A_300 = arith.select %gt3A_296, %select_n3A_251, %select_n3A_295 : vector<16xi1>, vector<16xi32>
      %mul3A_301 = arith.constant 16 : i32
      %mul3A_302 = arith.muli %scan3A_8, %mul3A_301 : i32
      %get3A_303 = arith.constant 6 : i32
      %get3A_304 = arith.index_cast %get3A_303 : i32 to index
      %get3A_305 = arith.index_cast %mul3A_302 : i32 to index
      %get3A_306 = tpu.vector_load %arg5[%get3A_304, %get3A_305] {strides = array<i32>} : memref<64x256xf32, #tpu.memory_space<vmem>>, vector<16xf32>,
      %broadcast_in_dim3A_307 = arith.constant 6 : i32
      %broadcast_in_dim3A_308 = vector.broadcast %broadcast_in_dim3A_307 : i32 to vector<16xi32>
      %gt3A_309 = arith.cmpf ogt, %get3A_306, %select_n3A_262 : vector<16xf32>
      %select_n3A_310 = arith.select %gt3A_309, %get3A_306, %select_n3A_262 : vector<16xi1>, vector<16xf32>
      %select_n3A_311 = arith.select %gt3A_309, %select_n3A_262, %get3A_306 : vector<16xi1>, vector<16xf32>
      %select_n3A_312 = arith.select %gt3A_309, %broadcast_in_dim3A_308, %select_n3A_264 : vector<16xi1>, vector<16xi32>
      %select_n3A_313 = arith.select %gt3A_309, %select_n3A_264, %broadcast_in_dim3A_308 : vector<16xi1>, vector<16xi32>
      %gt3A_314 = arith.cmpf ogt, %select_n3A_311, %select_n3A_267 : vector<16xf32>
      %select_n3A_315 = arith.select %gt3A_314, %select_n3A_311, %select_n3A_267 : vector<16xi1>, vector<16xf32>
      %select_n3A_316 = arith.select %gt3A_314, %select_n3A_267, %select_n3A_311 : vector<16xi1>, vector<16xf32>
      %select_n3A_317 = arith.select %gt3A_314, %select_n3A_313, %select_n3A_269 : vector<16xi1>, vector<16xi32>
      %select_n3A_318 = arith.select %gt3A_314, %select_n3A_269, %select_n3A_313 : vector<16xi1>, vector<16xi32>
      %gt3A_319 = arith.cmpf ogt, %select_n3A_316, %select_n3A_272 : vector<16xf32>
      %select_n3A_320 = arith.select %gt3A_319, %select_n3A_316, %select_n3A_272 : vector<16xi1>, vector<16xf32>
      %select_n3A_321 = arith.select %gt3A_319, %select_n3A_272, %select_n3A_316 : vector<16xi1>, vector<16xf32>
      %select_n3A_322 = arith.select %gt3A_319, %select_n3A_318, %select_n3A_274 : vector<16xi1>, vector<16xi32>
      %select_n3A_323 = arith.select %gt3A_319, %select_n3A_274, %select_n3A_318 : vector<16xi1>, vector<16xi32>
      %gt3A_324 = arith.cmpf ogt, %select_n3A_321, %select_n3A_277 : vector<16xf32>
      %select_n3A_325 = arith.select %gt3A_324, %select_n3A_321, %select_n3A_277 : vector<16xi1>, vector<16xf32>
      %select_n3A_326 = arith.select %gt3A_324, %select_n3A_277, %select_n3A_321 : vector<16xi1>, vector<16xf32>
      %select_n3A_327 = arith.select %gt3A_324, %select_n3A_323, %select_n3A_279 : vector<16xi1>, vector<16xi32>
      %select_n3A_328 = arith.select %gt3A_324, %select_n3A_279, %select_n3A_323 : vector<16xi1>, vector<16xi32>
      %gt3A_329 = arith.cmpf ogt, %select_n3A_326, %select_n3A_282 : vector<16xf32>
      %select_n3A_330 = arith.select %gt3A_329, %select_n3A_326, %select_n3A_282 : vector<16xi1>, vector<16xf32>
      %select_n3A_331 = arith.select %gt3A_329, %select_n3A_282, %select_n3A_326 : vector<16xi1>, vector<16xf32>
      %select_n3A_332 = arith.select %gt3A_329, %select_n3A_328, %select_n3A_284 : vector<16xi1>, vector<16xi32>
      %select_n3A_333 = arith.select %gt3A_329, %select_n3A_284, %select_n3A_328 : vector<16xi1>, vector<16xi32>
      %gt3A_334 = arith.cmpf ogt, %select_n3A_331, %select_n3A_287 : vector<16xf32>
      %select_n3A_335 = arith.select %gt3A_334, %select_n3A_331, %select_n3A_287 : vector<16xi1>, vector<16xf32>
      %select_n3A_336 = arith.select %gt3A_334, %select_n3A_287, %select_n3A_331 : vector<16xi1>, vector<16xf32>
      %select_n3A_337 = arith.select %gt3A_334, %select_n3A_333, %select_n3A_289 : vector<16xi1>, vector<16xi32>
      %select_n3A_338 = arith.select %gt3A_334, %select_n3A_289, %select_n3A_333 : vector<16xi1>, vector<16xi32>
      %gt3A_339 = arith.cmpf ogt, %select_n3A_336, %select_n3A_292 : vector<16xf32>
      %select_n3A_340 = arith.select %gt3A_339, %select_n3A_336, %select_n3A_292 : vector<16xi1>, vector<16xf32>
      %select_n3A_341 = arith.select %gt3A_339, %select_n3A_292, %select_n3A_336 : vector<16xi1>, vector<16xf32>
      %select_n3A_342 = arith.select %gt3A_339, %select_n3A_338, %select_n3A_294 : vector<16xi1>, vector<16xi32>
      %select_n3A_343 = arith.select %gt3A_339, %select_n3A_294, %select_n3A_338 : vector<16xi1>, vector<16xi32>
      %gt3A_344 = arith.cmpf ogt, %select_n3A_341, %select_n3A_297 : vector<16xf32>
      %select_n3A_345 = arith.select %gt3A_344, %select_n3A_341, %select_n3A_297 : vector<16xi1>, vector<16xf32>
      %select_n3A_346 = arith.select %gt3A_344, %select_n3A_297, %select_n3A_341 : vector<16xi1>, vector<16xf32>
      %select_n3A_347 = arith.select %gt3A_344, %select_n3A_343, %select_n3A_299 : vector<16xi1>, vector<16xi32>
      %select_n3A_348 = arith.select %gt3A_344, %select_n3A_299, %select_n3A_343 : vector<16xi1>, vector<16xi32>
      %mul3A_349 = arith.constant 16 : i32
      %mul3A_350 = arith.muli %scan3A_8, %mul3A_349 : i32
      %get3A_351 = arith.constant 7 : i32
      %get3A_352 = arith.index_cast %get3A_351 : i32 to index
      %get3A_353 = arith.index_cast %mul3A_350 : i32 to index
      %get3A_354 = tpu.vector_load %arg5[%get3A_352, %get3A_353] {strides = array<i32>} : memref<64x256xf32, #tpu.memory_space<vmem>>, vector<16xf32>,
      %broadcast_in_dim3A_355 = arith.constant 7 : i32
      %broadcast_in_dim3A_356 = vector.broadcast %broadcast_in_dim3A_355 : i32 to vector<16xi32>
      %gt3A_357 = arith.cmpf ogt, %get3A_354, %select_n3A_310 : vector<16xf32>
      %select_n3A_358 = arith.select %gt3A_357, %get3A_354, %select_n3A_310 : vector<16xi1>, vector<16xf32>
      %select_n3A_359 = arith.select %gt3A_357, %select_n3A_310, %get3A_354 : vector<16xi1>, vector<16xf32>
      %select_n3A_360 = arith.select %gt3A_357, %broadcast_in_dim3A_356, %select_n3A_312 : vector<16xi1>, vector<16xi32>
      %select_n3A_361 = arith.select %gt3A_357, %select_n3A_312, %broadcast_in_dim3A_356 : vector<16xi1>, vector<16xi32>
      %gt3A_362 = arith.cmpf ogt, %select_n3A_359, %select_n3A_315 : vector<16xf32>
      %select_n3A_363 = arith.select %gt3A_362, %select_n3A_359, %select_n3A_315 : vector<16xi1>, vector<16xf32>
      %select_n3A_364 = arith.select %gt3A_362, %select_n3A_315, %select_n3A_359 : vector<16xi1>, vector<16xf32>
      %select_n3A_365 = arith.select %gt3A_362, %select_n3A_361, %select_n3A_317 : vector<16xi1>, vector<16xi32>
      %select_n3A_366 = arith.select %gt3A_362, %select_n3A_317, %select_n3A_361 : vector<16xi1>, vector<16xi32>
      %gt3A_367 = arith.cmpf ogt, %select_n3A_364, %select_n3A_320 : vector<16xf32>
      %select_n3A_368 = arith.select %gt3A_367, %select_n3A_364, %select_n3A_320 : vector<16xi1>, vector<16xf32>
      %select_n3A_369 = arith.select %gt3A_367, %select_n3A_320, %select_n3A_364 : vector<16xi1>, vector<16xf32>
      %select_n3A_370 = arith.select %gt3A_367, %select_n3A_366, %select_n3A_322 : vector<16xi1>, vector<16xi32>
      %select_n3A_371 = arith.select %gt3A_367, %select_n3A_322, %select_n3A_366 : vector<16xi1>, vector<16xi32>
      %gt3A_372 = arith.cmpf ogt, %select_n3A_369, %select_n3A_325 : vector<16xf32>
      %select_n3A_373 = arith.select %gt3A_372, %select_n3A_369, %select_n3A_325 : vector<16xi1>, vector<16xf32>
      %select_n3A_374 = arith.select %gt3A_372, %select_n3A_325, %select_n3A_369 : vector<16xi1>, vector<16xf32>
      %select_n3A_375 = arith.select %gt3A_372, %select_n3A_371, %select_n3A_327 : vector<16xi1>, vector<16xi32>
      %select_n3A_376 = arith.select %gt3A_372, %select_n3A_327, %select_n3A_371 : vector<16xi1>, vector<16xi32>
      %gt3A_377 = arith.cmpf ogt, %select_n3A_374, %select_n3A_330 : vector<16xf32>
      %select_n3A_378 = arith.select %gt3A_377, %select_n3A_374, %select_n3A_330 : vector<16xi1>, vector<16xf32>
      %select_n3A_379 = arith.select %gt3A_377, %select_n3A_330, %select_n3A_374 : vector<16xi1>, vector<16xf32>
      %select_n3A_380 = arith.select %gt3A_377, %select_n3A_376, %select_n3A_332 : vector<16xi1>, vector<16xi32>
      %select_n3A_381 = arith.select %gt3A_377, %select_n3A_332, %select_n3A_376 : vector<16xi1>, vector<16xi32>
      %gt3A_382 = arith.cmpf ogt, %select_n3A_379, %select_n3A_335 : vector<16xf32>
      %select_n3A_383 = arith.select %gt3A_382, %select_n3A_379, %select_n3A_335 : vector<16xi1>, vector<16xf32>
      %select_n3A_384 = arith.select %gt3A_382, %select_n3A_335, %select_n3A_379 : vector<16xi1>, vector<16xf32>
      %select_n3A_385 = arith.select %gt3A_382, %select_n3A_381, %select_n3A_337 : vector<16xi1>, vector<16xi32>
      %select_n3A_386 = arith.select %gt3A_382, %select_n3A_337, %select_n3A_381 : vector<16xi1>, vector<16xi32>
      %gt3A_387 = arith.cmpf ogt, %select_n3A_384, %select_n3A_340 : vector<16xf32>
      %select_n3A_388 = arith.select %gt3A_387, %select_n3A_384, %select_n3A_340 : vector<16xi1>, vector<16xf32>
      %select_n3A_389 = arith.select %gt3A_387, %select_n3A_340, %select_n3A_384 : vector<16xi1>, vector<16xf32>
      %select_n3A_390 = arith.select %gt3A_387, %select_n3A_386, %select_n3A_342 : vector<16xi1>, vector<16xi32>
      %select_n3A_391 = arith.select %gt3A_387, %select_n3A_342, %select_n3A_386 : vector<16xi1>, vector<16xi32>
      %gt3A_392 = arith.cmpf ogt, %select_n3A_389, %select_n3A_345 : vector<16xf32>
      %select_n3A_393 = arith.select %gt3A_392, %select_n3A_389, %select_n3A_345 : vector<16xi1>, vector<16xf32>
      %select_n3A_394 = arith.select %gt3A_392, %select_n3A_345, %select_n3A_389 : vector<16xi1>, vector<16xf32>
      %select_n3A_395 = arith.select %gt3A_392, %select_n3A_391, %select_n3A_347 : vector<16xi1>, vector<16xi32>
      %select_n3A_396 = arith.select %gt3A_392, %select_n3A_347, %select_n3A_391 : vector<16xi1>, vector<16xi32>
      %mul3A_397 = arith.constant 16 : i32
      %mul3A_398 = arith.muli %scan3A_8, %mul3A_397 : i32
      %get3A_399 = arith.constant 8 : i32
      %get3A_400 = arith.index_cast %get3A_399 : i32 to index
      %get3A_401 = arith.index_cast %mul3A_398 : i32 to index
      %get3A_402 = tpu.vector_load %arg5[%get3A_400, %get3A_401] {strides = array<i32>} : memref<64x256xf32, #tpu.memory_space<vmem>>, vector<16xf32>,
      %broadcast_in_dim3A_403 = arith.constant 8 : i32
      %broadcast_in_dim3A_404 = vector.broadcast %broadcast_in_dim3A_403 : i32 to vector<16xi32>
      %gt3A_405 = arith.cmpf ogt, %get3A_402, %select_n3A_358 : vector<16xf32>
      %select_n3A_406 = arith.select %gt3A_405, %get3A_402, %select_n3A_358 : vector<16xi1>, vector<16xf32>
      %select_n3A_407 = arith.select %gt3A_405, %select_n3A_358, %get3A_402 : vector<16xi1>, vector<16xf32>
      %select_n3A_408 = arith.select %gt3A_405, %broadcast_in_dim3A_404, %select_n3A_360 : vector<16xi1>, vector<16xi32>
      %select_n3A_409 = arith.select %gt3A_405, %select_n3A_360, %broadcast_in_dim3A_404 : vector<16xi1>, vector<16xi32>
      %gt3A_410 = arith.cmpf ogt, %select_n3A_407, %select_n3A_363 : vector<16xf32>
      %select_n3A_411 = arith.select %gt3A_410, %select_n3A_407, %select_n3A_363 : vector<16xi1>, vector<16xf32>
      %select_n3A_412 = arith.select %gt3A_410, %select_n3A_363, %select_n3A_407 : vector<16xi1>, vector<16xf32>
      %select_n3A_413 = arith.select %gt3A_410, %select_n3A_409, %select_n3A_365 : vector<16xi1>, vector<16xi32>
      %select_n3A_414 = arith.select %gt3A_410, %select_n3A_365, %select_n3A_409 : vector<16xi1>, vector<16xi32>
      %gt3A_415 = arith.cmpf ogt, %select_n3A_412, %select_n3A_368 : vector<16xf32>
      %select_n3A_416 = arith.select %gt3A_415, %select_n3A_412, %select_n3A_368 : vector<16xi1>, vector<16xf32>
      %select_n3A_417 = arith.select %gt3A_415, %select_n3A_368, %select_n3A_412 : vector<16xi1>, vector<16xf32>
      %select_n3A_418 = arith.select %gt3A_415, %select_n3A_414, %select_n3A_370 : vector<16xi1>, vector<16xi32>
      %select_n3A_419 = arith.select %gt3A_415, %select_n3A_370, %select_n3A_414 : vector<16xi1>, vector<16xi32>
      %gt3A_420 = arith.cmpf ogt, %select_n3A_417, %select_n3A_373 : vector<16xf32>
      %select_n3A_421 = arith.select %gt3A_420, %select_n3A_417, %select_n3A_373 : vector<16xi1>, vector<16xf32>
      %select_n3A_422 = arith.select %gt3A_420, %select_n3A_373, %select_n3A_417 : vector<16xi1>, vector<16xf32>
      %select_n3A_423 = arith.select %gt3A_420, %select_n3A_419, %select_n3A_375 : vector<16xi1>, vector<16xi32>
      %select_n3A_424 = arith.select %gt3A_420, %select_n3A_375, %select_n3A_419 : vector<16xi1>, vector<16xi32>
      %gt3A_425 = arith.cmpf ogt, %select_n3A_422, %select_n3A_378 : vector<16xf32>
      %select_n3A_426 = arith.select %gt3A_425, %select_n3A_422, %select_n3A_378 : vector<16xi1>, vector<16xf32>
      %select_n3A_427 = arith.select %gt3A_425, %select_n3A_378, %select_n3A_422 : vector<16xi1>, vector<16xf32>
      %select_n3A_428 = arith.select %gt3A_425, %select_n3A_424, %select_n3A_380 : vector<16xi1>, vector<16xi32>
      %select_n3A_429 = arith.select %gt3A_425, %select_n3A_380, %select_n3A_424 : vector<16xi1>, vector<16xi32>
      %gt3A_430 = arith.cmpf ogt, %select_n3A_427, %select_n3A_383 : vector<16xf32>
      %select_n3A_431 = arith.select %gt3A_430, %select_n3A_427, %select_n3A_383 : vector<16xi1>, vector<16xf32>
      %select_n3A_432 = arith.select %gt3A_430, %select_n3A_383, %select_n3A_427 : vector<16xi1>, vector<16xf32>
      %select_n3A_433 = arith.select %gt3A_430, %select_n3A_429, %select_n3A_385 : vector<16xi1>, vector<16xi32>
      %select_n3A_434 = arith.select %gt3A_430, %select_n3A_385, %select_n3A_429 : vector<16xi1>, vector<16xi32>
      %gt3A_435 = arith.cmpf ogt, %select_n3A_432, %select_n3A_388 : vector<16xf32>
      %select_n3A_436 = arith.select %gt3A_435, %select_n3A_432, %select_n3A_388 : vector<16xi1>, vector<16xf32>
      %select_n3A_437 = arith.select %gt3A_435, %select_n3A_388, %select_n3A_432 : vector<16xi1>, vector<16xf32>
      %select_n3A_438 = arith.select %gt3A_435, %select_n3A_434, %select_n3A_390 : vector<16xi1>, vector<16xi32>
      %select_n3A_439 = arith.select %gt3A_435, %select_n3A_390, %select_n3A_434 : vector<16xi1>, vector<16xi32>
      %gt3A_440 = arith.cmpf ogt, %select_n3A_437, %select_n3A_393 : vector<16xf32>
      %select_n3A_441 = arith.select %gt3A_440, %select_n3A_437, %select_n3A_393 : vector<16xi1>, vector<16xf32>
      %select_n3A_442 = arith.select %gt3A_440, %select_n3A_393, %select_n3A_437 : vector<16xi1>, vector<16xf32>
      %select_n3A_443 = arith.select %gt3A_440, %select_n3A_439, %select_n3A_395 : vector<16xi1>, vector<16xi32>
      %select_n3A_444 = arith.select %gt3A_440, %select_n3A_395, %select_n3A_439 : vector<16xi1>, vector<16xi32>
      %mul3A_445 = arith.constant 16 : i32
      %mul3A_446 = arith.muli %scan3A_8, %mul3A_445 : i32
      %get3A_447 = arith.constant 9 : i32
      %get3A_448 = arith.index_cast %get3A_447 : i32 to index
      %get3A_449 = arith.index_cast %mul3A_446 : i32 to index
      %get3A_450 = tpu.vector_load %arg5[%get3A_448, %get3A_449] {strides = array<i32>} : memref<64x256xf32, #tpu.memory_space<vmem>>, vector<16xf32>,
      %broadcast_in_dim3A_451 = arith.constant 9 : i32
      %broadcast_in_dim3A_452 = vector.broadcast %broadcast_in_dim3A_451 : i32 to vector<16xi32>
      %gt3A_453 = arith.cmpf ogt, %get3A_450, %select_n3A_406 : vector<16xf32>
      %select_n3A_454 = arith.select %gt3A_453, %get3A_450, %select_n3A_406 : vector<16xi1>, vector<16xf32>
      %select_n3A_455 = arith.select %gt3A_453, %select_n3A_406, %get3A_450 : vector<16xi1>, vector<16xf32>
      %select_n3A_456 = arith.select %gt3A_453, %broadcast_in_dim3A_452, %select_n3A_408 : vector<16xi1>, vector<16xi32>
      %select_n3A_457 = arith.select %gt3A_453, %select_n3A_408, %broadcast_in_dim3A_452 : vector<16xi1>, vector<16xi32>
      %gt3A_458 = arith.cmpf ogt, %select_n3A_455, %select_n3A_411 : vector<16xf32>
      %select_n3A_459 = arith.select %gt3A_458, %select_n3A_455, %select_n3A_411 : vector<16xi1>, vector<16xf32>
      %select_n3A_460 = arith.select %gt3A_458, %select_n3A_411, %select_n3A_455 : vector<16xi1>, vector<16xf32>
      %select_n3A_461 = arith.select %gt3A_458, %select_n3A_457, %select_n3A_413 : vector<16xi1>, vector<16xi32>
      %select_n3A_462 = arith.select %gt3A_458, %select_n3A_413, %select_n3A_457 : vector<16xi1>, vector<16xi32>
      %gt3A_463 = arith.cmpf ogt, %select_n3A_460, %select_n3A_416 : vector<16xf32>
      %select_n3A_464 = arith.select %gt3A_463, %select_n3A_460, %select_n3A_416 : vector<16xi1>, vector<16xf32>
      %select_n3A_465 = arith.select %gt3A_463, %select_n3A_416, %select_n3A_460 : vector<16xi1>, vector<16xf32>
      %select_n3A_466 = arith.select %gt3A_463, %select_n3A_462, %select_n3A_418 : vector<16xi1>, vector<16xi32>
      %select_n3A_467 = arith.select %gt3A_463, %select_n3A_418, %select_n3A_462 : vector<16xi1>, vector<16xi32>
      %gt3A_468 = arith.cmpf ogt, %select_n3A_465, %select_n3A_421 : vector<16xf32>
      %select_n3A_469 = arith.select %gt3A_468, %select_n3A_465, %select_n3A_421 : vector<16xi1>, vector<16xf32>
      %select_n3A_470 = arith.select %gt3A_468, %select_n3A_421, %select_n3A_465 : vector<16xi1>, vector<16xf32>
      %select_n3A_471 = arith.select %gt3A_468, %select_n3A_467, %select_n3A_423 : vector<16xi1>, vector<16xi32>
      %select_n3A_472 = arith.select %gt3A_468, %select_n3A_423, %select_n3A_467 : vector<16xi1>, vector<16xi32>
      %gt3A_473 = arith.cmpf ogt, %select_n3A_470, %select_n3A_426 : vector<16xf32>
      %select_n3A_474 = arith.select %gt3A_473, %select_n3A_470, %select_n3A_426 : vector<16xi1>, vector<16xf32>
      %select_n3A_475 = arith.select %gt3A_473, %select_n3A_426, %select_n3A_470 : vector<16xi1>, vector<16xf32>
      %select_n3A_476 = arith.select %gt3A_473, %select_n3A_472, %select_n3A_428 : vector<16xi1>, vector<16xi32>
      %select_n3A_477 = arith.select %gt3A_473, %select_n3A_428, %select_n3A_472 : vector<16xi1>, vector<16xi32>
      %gt3A_478 = arith.cmpf ogt, %select_n3A_475, %select_n3A_431 : vector<16xf32>
      %select_n3A_479 = arith.select %gt3A_478, %select_n3A_475, %select_n3A_431 : vector<16xi1>, vector<16xf32>
      %select_n3A_480 = arith.select %gt3A_478, %select_n3A_431, %select_n3A_475 : vector<16xi1>, vector<16xf32>
      %select_n3A_481 = arith.select %gt3A_478, %select_n3A_477, %select_n3A_433 : vector<16xi1>, vector<16xi32>
      %select_n3A_482 = arith.select %gt3A_478, %select_n3A_433, %select_n3A_477 : vector<16xi1>, vector<16xi32>
      %gt3A_483 = arith.cmpf ogt, %select_n3A_480, %select_n3A_436 : vector<16xf32>
      %select_n3A_484 = arith.select %gt3A_483, %select_n3A_480, %select_n3A_436 : vector<16xi1>, vector<16xf32>
      %select_n3A_485 = arith.select %gt3A_483, %select_n3A_436, %select_n3A_480 : vector<16xi1>, vector<16xf32>
      %select_n3A_486 = arith.select %gt3A_483, %select_n3A_482, %select_n3A_438 : vector<16xi1>, vector<16xi32>
      %select_n3A_487 = arith.select %gt3A_483, %select_n3A_438, %select_n3A_482 : vector<16xi1>, vector<16xi32>
      %gt3A_488 = arith.cmpf ogt, %select_n3A_485, %select_n3A_441 : vector<16xf32>
      %select_n3A_489 = arith.select %gt3A_488, %select_n3A_485, %select_n3A_441 : vector<16xi1>, vector<16xf32>
      %select_n3A_490 = arith.select %gt3A_488, %select_n3A_441, %select_n3A_485 : vector<16xi1>, vector<16xf32>
      %select_n3A_491 = arith.select %gt3A_488, %select_n3A_487, %select_n3A_443 : vector<16xi1>, vector<16xi32>
      %select_n3A_492 = arith.select %gt3A_488, %select_n3A_443, %select_n3A_487 : vector<16xi1>, vector<16xi32>
      %mul3A_493 = arith.constant 16 : i32
      %mul3A_494 = arith.muli %scan3A_8, %mul3A_493 : i32
      %get3A_495 = arith.constant 10 : i32
      %get3A_496 = arith.index_cast %get3A_495 : i32 to index
      %get3A_497 = arith.index_cast %mul3A_494 : i32 to index
      %get3A_498 = tpu.vector_load %arg5[%get3A_496, %get3A_497] {strides = array<i32>} : memref<64x256xf32, #tpu.memory_space<vmem>>, vector<16xf32>,
      %broadcast_in_dim3A_499 = arith.constant 10 : i32
      %broadcast_in_dim3A_500 = vector.broadcast %broadcast_in_dim3A_499 : i32 to vector<16xi32>
      %gt3A_501 = arith.cmpf ogt, %get3A_498, %select_n3A_454 : vector<16xf32>
      %select_n3A_502 = arith.select %gt3A_501, %get3A_498, %select_n3A_454 : vector<16xi1>, vector<16xf32>
      %select_n3A_503 = arith.select %gt3A_501, %select_n3A_454, %get3A_498 : vector<16xi1>, vector<16xf32>
      %select_n3A_504 = arith.select %gt3A_501, %broadcast_in_dim3A_500, %select_n3A_456 : vector<16xi1>, vector<16xi32>
      %select_n3A_505 = arith.select %gt3A_501, %select_n3A_456, %broadcast_in_dim3A_500 : vector<16xi1>, vector<16xi32>
      %gt3A_506 = arith.cmpf ogt, %select_n3A_503, %select_n3A_459 : vector<16xf32>
      %select_n3A_507 = arith.select %gt3A_506, %select_n3A_503, %select_n3A_459 : vector<16xi1>, vector<16xf32>
      %select_n3A_508 = arith.select %gt3A_506, %select_n3A_459, %select_n3A_503 : vector<16xi1>, vector<16xf32>
      %select_n3A_509 = arith.select %gt3A_506, %select_n3A_505, %select_n3A_461 : vector<16xi1>, vector<16xi32>
      %select_n3A_510 = arith.select %gt3A_506, %select_n3A_461, %select_n3A_505 : vector<16xi1>, vector<16xi32>
      %gt3A_511 = arith.cmpf ogt, %select_n3A_508, %select_n3A_464 : vector<16xf32>
      %select_n3A_512 = arith.select %gt3A_511, %select_n3A_508, %select_n3A_464 : vector<16xi1>, vector<16xf32>
      %select_n3A_513 = arith.select %gt3A_511, %select_n3A_464, %select_n3A_508 : vector<16xi1>, vector<16xf32>
      %select_n3A_514 = arith.select %gt3A_511, %select_n3A_510, %select_n3A_466 : vector<16xi1>, vector<16xi32>
      %select_n3A_515 = arith.select %gt3A_511, %select_n3A_466, %select_n3A_510 : vector<16xi1>, vector<16xi32>
      %gt3A_516 = arith.cmpf ogt, %select_n3A_513, %select_n3A_469 : vector<16xf32>
      %select_n3A_517 = arith.select %gt3A_516, %select_n3A_513, %select_n3A_469 : vector<16xi1>, vector<16xf32>
      %select_n3A_518 = arith.select %gt3A_516, %select_n3A_469, %select_n3A_513 : vector<16xi1>, vector<16xf32>
      %select_n3A_519 = arith.select %gt3A_516, %select_n3A_515, %select_n3A_471 : vector<16xi1>, vector<16xi32>
      %select_n3A_520 = arith.select %gt3A_516, %select_n3A_471, %select_n3A_515 : vector<16xi1>, vector<16xi32>
      %gt3A_521 = arith.cmpf ogt, %select_n3A_518, %select_n3A_474 : vector<16xf32>
      %select_n3A_522 = arith.select %gt3A_521, %select_n3A_518, %select_n3A_474 : vector<16xi1>, vector<16xf32>
      %select_n3A_523 = arith.select %gt3A_521, %select_n3A_474, %select_n3A_518 : vector<16xi1>, vector<16xf32>
      %select_n3A_524 = arith.select %gt3A_521, %select_n3A_520, %select_n3A_476 : vector<16xi1>, vector<16xi32>
      %select_n3A_525 = arith.select %gt3A_521, %select_n3A_476, %select_n3A_520 : vector<16xi1>, vector<16xi32>
      %gt3A_526 = arith.cmpf ogt, %select_n3A_523, %select_n3A_479 : vector<16xf32>
      %select_n3A_527 = arith.select %gt3A_526, %select_n3A_523, %select_n3A_479 : vector<16xi1>, vector<16xf32>
      %select_n3A_528 = arith.select %gt3A_526, %select_n3A_479, %select_n3A_523 : vector<16xi1>, vector<16xf32>
      %select_n3A_529 = arith.select %gt3A_526, %select_n3A_525, %select_n3A_481 : vector<16xi1>, vector<16xi32>
      %select_n3A_530 = arith.select %gt3A_526, %select_n3A_481, %select_n3A_525 : vector<16xi1>, vector<16xi32>
      %gt3A_531 = arith.cmpf ogt, %select_n3A_528, %select_n3A_484 : vector<16xf32>
      %select_n3A_532 = arith.select %gt3A_531, %select_n3A_528, %select_n3A_484 : vector<16xi1>, vector<16xf32>
      %select_n3A_533 = arith.select %gt3A_531, %select_n3A_484, %select_n3A_528 : vector<16xi1>, vector<16xf32>
      %select_n3A_534 = arith.select %gt3A_531, %select_n3A_530, %select_n3A_486 : vector<16xi1>, vector<16xi32>
      %select_n3A_535 = arith.select %gt3A_531, %select_n3A_486, %select_n3A_530 : vector<16xi1>, vector<16xi32>
      %gt3A_536 = arith.cmpf ogt, %select_n3A_533, %select_n3A_489 : vector<16xf32>
      %select_n3A_537 = arith.select %gt3A_536, %select_n3A_533, %select_n3A_489 : vector<16xi1>, vector<16xf32>
      %select_n3A_538 = arith.select %gt3A_536, %select_n3A_489, %select_n3A_533 : vector<16xi1>, vector<16xf32>
      %select_n3A_539 = arith.select %gt3A_536, %select_n3A_535, %select_n3A_491 : vector<16xi1>, vector<16xi32>
      %select_n3A_540 = arith.select %gt3A_536, %select_n3A_491, %select_n3A_535 : vector<16xi1>, vector<16xi32>
      %mul3A_541 = arith.constant 16 : i32
      %mul3A_542 = arith.muli %scan3A_8, %mul3A_541 : i32
      %get3A_543 = arith.constant 11 : i32
      %get3A_544 = arith.index_cast %get3A_543 : i32 to index
      %get3A_545 = arith.index_cast %mul3A_542 : i32 to index
      %get3A_546 = tpu.vector_load %arg5[%get3A_544, %get3A_545] {strides = array<i32>} : memref<64x256xf32, #tpu.memory_space<vmem>>, vector<16xf32>,
      %broadcast_in_dim3A_547 = arith.constant 11 : i32
      %broadcast_in_dim3A_548 = vector.broadcast %broadcast_in_dim3A_547 : i32 to vector<16xi32>
      %gt3A_549 = arith.cmpf ogt, %get3A_546, %select_n3A_502 : vector<16xf32>
      %select_n3A_550 = arith.select %gt3A_549, %get3A_546, %select_n3A_502 : vector<16xi1>, vector<16xf32>
      %select_n3A_551 = arith.select %gt3A_549, %select_n3A_502, %get3A_546 : vector<16xi1>, vector<16xf32>
      %select_n3A_552 = arith.select %gt3A_549, %broadcast_in_dim3A_548, %select_n3A_504 : vector<16xi1>, vector<16xi32>
      %select_n3A_553 = arith.select %gt3A_549, %select_n3A_504, %broadcast_in_dim3A_548 : vector<16xi1>, vector<16xi32>
      %gt3A_554 = arith.cmpf ogt, %select_n3A_551, %select_n3A_507 : vector<16xf32>
      %select_n3A_555 = arith.select %gt3A_554, %select_n3A_551, %select_n3A_507 : vector<16xi1>, vector<16xf32>
      %select_n3A_556 = arith.select %gt3A_554, %select_n3A_507, %select_n3A_551 : vector<16xi1>, vector<16xf32>
      %select_n3A_557 = arith.select %gt3A_554, %select_n3A_553, %select_n3A_509 : vector<16xi1>, vector<16xi32>
      %select_n3A_558 = arith.select %gt3A_554, %select_n3A_509, %select_n3A_553 : vector<16xi1>, vector<16xi32>
      %gt3A_559 = arith.cmpf ogt, %select_n3A_556, %select_n3A_512 : vector<16xf32>
      %select_n3A_560 = arith.select %gt3A_559, %select_n3A_556, %select_n3A_512 : vector<16xi1>, vector<16xf32>
      %select_n3A_561 = arith.select %gt3A_559, %select_n3A_512, %select_n3A_556 : vector<16xi1>, vector<16xf32>
      %select_n3A_562 = arith.select %gt3A_559, %select_n3A_558, %select_n3A_514 : vector<16xi1>, vector<16xi32>
      %select_n3A_563 = arith.select %gt3A_559, %select_n3A_514, %select_n3A_558 : vector<16xi1>, vector<16xi32>
      %gt3A_564 = arith.cmpf ogt, %select_n3A_561, %select_n3A_517 : vector<16xf32>
      %select_n3A_565 = arith.select %gt3A_564, %select_n3A_561, %select_n3A_517 : vector<16xi1>, vector<16xf32>
      %select_n3A_566 = arith.select %gt3A_564, %select_n3A_517, %select_n3A_561 : vector<16xi1>, vector<16xf32>
      %select_n3A_567 = arith.select %gt3A_564, %select_n3A_563, %select_n3A_519 : vector<16xi1>, vector<16xi32>
      %select_n3A_568 = arith.select %gt3A_564, %select_n3A_519, %select_n3A_563 : vector<16xi1>, vector<16xi32>
      %gt3A_569 = arith.cmpf ogt, %select_n3A_566, %select_n3A_522 : vector<16xf32>
      %select_n3A_570 = arith.select %gt3A_569, %select_n3A_566, %select_n3A_522 : vector<16xi1>, vector<16xf32>
      %select_n3A_571 = arith.select %gt3A_569, %select_n3A_522, %select_n3A_566 : vector<16xi1>, vector<16xf32>
      %select_n3A_572 = arith.select %gt3A_569, %select_n3A_568, %select_n3A_524 : vector<16xi1>, vector<16xi32>
      %select_n3A_573 = arith.select %gt3A_569, %select_n3A_524, %select_n3A_568 : vector<16xi1>, vector<16xi32>
      %gt3A_574 = arith.cmpf ogt, %select_n3A_571, %select_n3A_527 : vector<16xf32>
      %select_n3A_575 = arith.select %gt3A_574, %select_n3A_571, %select_n3A_527 : vector<16xi1>, vector<16xf32>
      %select_n3A_576 = arith.select %gt3A_574, %select_n3A_527, %select_n3A_571 : vector<16xi1>, vector<16xf32>
      %select_n3A_577 = arith.select %gt3A_574, %select_n3A_573, %select_n3A_529 : vector<16xi1>, vector<16xi32>
      %select_n3A_578 = arith.select %gt3A_574, %select_n3A_529, %select_n3A_573 : vector<16xi1>, vector<16xi32>
      %gt3A_579 = arith.cmpf ogt, %select_n3A_576, %select_n3A_532 : vector<16xf32>
      %select_n3A_580 = arith.select %gt3A_579, %select_n3A_576, %select_n3A_532 : vector<16xi1>, vector<16xf32>
      %select_n3A_581 = arith.select %gt3A_579, %select_n3A_532, %select_n3A_576 : vector<16xi1>, vector<16xf32>
      %select_n3A_582 = arith.select %gt3A_579, %select_n3A_578, %select_n3A_534 : vector<16xi1>, vector<16xi32>
      %select_n3A_583 = arith.select %gt3A_579, %select_n3A_534, %select_n3A_578 : vector<16xi1>, vector<16xi32>
      %gt3A_584 = arith.cmpf ogt, %select_n3A_581, %select_n3A_537 : vector<16xf32>
      %select_n3A_585 = arith.select %gt3A_584, %select_n3A_581, %select_n3A_537 : vector<16xi1>, vector<16xf32>
      %select_n3A_586 = arith.select %gt3A_584, %select_n3A_537, %select_n3A_581 : vector<16xi1>, vector<16xf32>
      %select_n3A_587 = arith.select %gt3A_584, %select_n3A_583, %select_n3A_539 : vector<16xi1>, vector<16xi32>
      %select_n3A_588 = arith.select %gt3A_584, %select_n3A_539, %select_n3A_583 : vector<16xi1>, vector<16xi32>
      %mul3A_589 = arith.constant 16 : i32
      %mul3A_590 = arith.muli %scan3A_8, %mul3A_589 : i32
      %get3A_591 = arith.constant 12 : i32
      %get3A_592 = arith.index_cast %get3A_591 : i32 to index
      %get3A_593 = arith.index_cast %mul3A_590 : i32 to index
      %get3A_594 = tpu.vector_load %arg5[%get3A_592, %get3A_593] {strides = array<i32>} : memref<64x256xf32, #tpu.memory_space<vmem>>, vector<16xf32>,
      %broadcast_in_dim3A_595 = arith.constant 12 : i32
      %broadcast_in_dim3A_596 = vector.broadcast %broadcast_in_dim3A_595 : i32 to vector<16xi32>
      %gt3A_597 = arith.cmpf ogt, %get3A_594, %select_n3A_550 : vector<16xf32>
      %select_n3A_598 = arith.select %gt3A_597, %get3A_594, %select_n3A_550 : vector<16xi1>, vector<16xf32>
      %select_n3A_599 = arith.select %gt3A_597, %select_n3A_550, %get3A_594 : vector<16xi1>, vector<16xf32>
      %select_n3A_600 = arith.select %gt3A_597, %broadcast_in_dim3A_596, %select_n3A_552 : vector<16xi1>, vector<16xi32>
      %select_n3A_601 = arith.select %gt3A_597, %select_n3A_552, %broadcast_in_dim3A_596 : vector<16xi1>, vector<16xi32>
      %gt3A_602 = arith.cmpf ogt, %select_n3A_599, %select_n3A_555 : vector<16xf32>
      %select_n3A_603 = arith.select %gt3A_602, %select_n3A_599, %select_n3A_555 : vector<16xi1>, vector<16xf32>
      %select_n3A_604 = arith.select %gt3A_602, %select_n3A_555, %select_n3A_599 : vector<16xi1>, vector<16xf32>
      %select_n3A_605 = arith.select %gt3A_602, %select_n3A_601, %select_n3A_557 : vector<16xi1>, vector<16xi32>
      %select_n3A_606 = arith.select %gt3A_602, %select_n3A_557, %select_n3A_601 : vector<16xi1>, vector<16xi32>
      %gt3A_607 = arith.cmpf ogt, %select_n3A_604, %select_n3A_560 : vector<16xf32>
      %select_n3A_608 = arith.select %gt3A_607, %select_n3A_604, %select_n3A_560 : vector<16xi1>, vector<16xf32>
      %select_n3A_609 = arith.select %gt3A_607, %select_n3A_560, %select_n3A_604 : vector<16xi1>, vector<16xf32>
      %select_n3A_610 = arith.select %gt3A_607, %select_n3A_606, %select_n3A_562 : vector<16xi1>, vector<16xi32>
      %select_n3A_611 = arith.select %gt3A_607, %select_n3A_562, %select_n3A_606 : vector<16xi1>, vector<16xi32>
      %gt3A_612 = arith.cmpf ogt, %select_n3A_609, %select_n3A_565 : vector<16xf32>
      %select_n3A_613 = arith.select %gt3A_612, %select_n3A_609, %select_n3A_565 : vector<16xi1>, vector<16xf32>
      %select_n3A_614 = arith.select %gt3A_612, %select_n3A_565, %select_n3A_609 : vector<16xi1>, vector<16xf32>
      %select_n3A_615 = arith.select %gt3A_612, %select_n3A_611, %select_n3A_567 : vector<16xi1>, vector<16xi32>
      %select_n3A_616 = arith.select %gt3A_612, %select_n3A_567, %select_n3A_611 : vector<16xi1>, vector<16xi32>
      %gt3A_617 = arith.cmpf ogt, %select_n3A_614, %select_n3A_570 : vector<16xf32>
      %select_n3A_618 = arith.select %gt3A_617, %select_n3A_614, %select_n3A_570 : vector<16xi1>, vector<16xf32>
      %select_n3A_619 = arith.select %gt3A_617, %select_n3A_570, %select_n3A_614 : vector<16xi1>, vector<16xf32>
      %select_n3A_620 = arith.select %gt3A_617, %select_n3A_616, %select_n3A_572 : vector<16xi1>, vector<16xi32>
      %select_n3A_621 = arith.select %gt3A_617, %select_n3A_572, %select_n3A_616 : vector<16xi1>, vector<16xi32>
      %gt3A_622 = arith.cmpf ogt, %select_n3A_619, %select_n3A_575 : vector<16xf32>
      %select_n3A_623 = arith.select %gt3A_622, %select_n3A_619, %select_n3A_575 : vector<16xi1>, vector<16xf32>
      %select_n3A_624 = arith.select %gt3A_622, %select_n3A_575, %select_n3A_619 : vector<16xi1>, vector<16xf32>
      %select_n3A_625 = arith.select %gt3A_622, %select_n3A_621, %select_n3A_577 : vector<16xi1>, vector<16xi32>
      %select_n3A_626 = arith.select %gt3A_622, %select_n3A_577, %select_n3A_621 : vector<16xi1>, vector<16xi32>
      %gt3A_627 = arith.cmpf ogt, %select_n3A_624, %select_n3A_580 : vector<16xf32>
      %select_n3A_628 = arith.select %gt3A_627, %select_n3A_624, %select_n3A_580 : vector<16xi1>, vector<16xf32>
      %select_n3A_629 = arith.select %gt3A_627, %select_n3A_580, %select_n3A_624 : vector<16xi1>, vector<16xf32>
      %select_n3A_630 = arith.select %gt3A_627, %select_n3A_626, %select_n3A_582 : vector<16xi1>, vector<16xi32>
      %select_n3A_631 = arith.select %gt3A_627, %select_n3A_582, %select_n3A_626 : vector<16xi1>, vector<16xi32>
      %gt3A_632 = arith.cmpf ogt, %select_n3A_629, %select_n3A_585 : vector<16xf32>
      %select_n3A_633 = arith.select %gt3A_632, %select_n3A_629, %select_n3A_585 : vector<16xi1>, vector<16xf32>
      %select_n3A_634 = arith.select %gt3A_632, %select_n3A_585, %select_n3A_629 : vector<16xi1>, vector<16xf32>
      %select_n3A_635 = arith.select %gt3A_632, %select_n3A_631, %select_n3A_587 : vector<16xi1>, vector<16xi32>
      %select_n3A_636 = arith.select %gt3A_632, %select_n3A_587, %select_n3A_631 : vector<16xi1>, vector<16xi32>
      %mul3A_637 = arith.constant 16 : i32
      %mul3A_638 = arith.muli %scan3A_8, %mul3A_637 : i32
      %get3A_639 = arith.constant 13 : i32
      %get3A_640 = arith.index_cast %get3A_639 : i32 to index
      %get3A_641 = arith.index_cast %mul3A_638 : i32 to index
      %get3A_642 = tpu.vector_load %arg5[%get3A_640, %get3A_641] {strides = array<i32>} : memref<64x256xf32, #tpu.memory_space<vmem>>, vector<16xf32>,
      %broadcast_in_dim3A_643 = arith.constant 13 : i32
      %broadcast_in_dim3A_644 = vector.broadcast %broadcast_in_dim3A_643 : i32 to vector<16xi32>
      %gt3A_645 = arith.cmpf ogt, %get3A_642, %select_n3A_598 : vector<16xf32>
      %select_n3A_646 = arith.select %gt3A_645, %get3A_642, %select_n3A_598 : vector<16xi1>, vector<16xf32>
      %select_n3A_647 = arith.select %gt3A_645, %select_n3A_598, %get3A_642 : vector<16xi1>, vector<16xf32>
      %select_n3A_648 = arith.select %gt3A_645, %broadcast_in_dim3A_644, %select_n3A_600 : vector<16xi1>, vector<16xi32>
      %select_n3A_649 = arith.select %gt3A_645, %select_n3A_600, %broadcast_in_dim3A_644 : vector<16xi1>, vector<16xi32>
      %gt3A_650 = arith.cmpf ogt, %select_n3A_647, %select_n3A_603 : vector<16xf32>
      %select_n3A_651 = arith.select %gt3A_650, %select_n3A_647, %select_n3A_603 : vector<16xi1>, vector<16xf32>
      %select_n3A_652 = arith.select %gt3A_650, %select_n3A_603, %select_n3A_647 : vector<16xi1>, vector<16xf32>
      %select_n3A_653 = arith.select %gt3A_650, %select_n3A_649, %select_n3A_605 : vector<16xi1>, vector<16xi32>
      %select_n3A_654 = arith.select %gt3A_650, %select_n3A_605, %select_n3A_649 : vector<16xi1>, vector<16xi32>
      %gt3A_655 = arith.cmpf ogt, %select_n3A_652, %select_n3A_608 : vector<16xf32>
      %select_n3A_656 = arith.select %gt3A_655, %select_n3A_652, %select_n3A_608 : vector<16xi1>, vector<16xf32>
      %select_n3A_657 = arith.select %gt3A_655, %select_n3A_608, %select_n3A_652 : vector<16xi1>, vector<16xf32>
      %select_n3A_658 = arith.select %gt3A_655, %select_n3A_654, %select_n3A_610 : vector<16xi1>, vector<16xi32>
      %select_n3A_659 = arith.select %gt3A_655, %select_n3A_610, %select_n3A_654 : vector<16xi1>, vector<16xi32>
      %gt3A_660 = arith.cmpf ogt, %select_n3A_657, %select_n3A_613 : vector<16xf32>
      %select_n3A_661 = arith.select %gt3A_660, %select_n3A_657, %select_n3A_613 : vector<16xi1>, vector<16xf32>
      %select_n3A_662 = arith.select %gt3A_660, %select_n3A_613, %select_n3A_657 : vector<16xi1>, vector<16xf32>
      %select_n3A_663 = arith.select %gt3A_660, %select_n3A_659, %select_n3A_615 : vector<16xi1>, vector<16xi32>
      %select_n3A_664 = arith.select %gt3A_660, %select_n3A_615, %select_n3A_659 : vector<16xi1>, vector<16xi32>
      %gt3A_665 = arith.cmpf ogt, %select_n3A_662, %select_n3A_618 : vector<16xf32>
      %select_n3A_666 = arith.select %gt3A_665, %select_n3A_662, %select_n3A_618 : vector<16xi1>, vector<16xf32>
      %select_n3A_667 = arith.select %gt3A_665, %select_n3A_618, %select_n3A_662 : vector<16xi1>, vector<16xf32>
      %select_n3A_668 = arith.select %gt3A_665, %select_n3A_664, %select_n3A_620 : vector<16xi1>, vector<16xi32>
      %select_n3A_669 = arith.select %gt3A_665, %select_n3A_620, %select_n3A_664 : vector<16xi1>, vector<16xi32>
      %gt3A_670 = arith.cmpf ogt, %select_n3A_667, %select_n3A_623 : vector<16xf32>
      %select_n3A_671 = arith.select %gt3A_670, %select_n3A_667, %select_n3A_623 : vector<16xi1>, vector<16xf32>
      %select_n3A_672 = arith.select %gt3A_670, %select_n3A_623, %select_n3A_667 : vector<16xi1>, vector<16xf32>
      %select_n3A_673 = arith.select %gt3A_670, %select_n3A_669, %select_n3A_625 : vector<16xi1>, vector<16xi32>
      %select_n3A_674 = arith.select %gt3A_670, %select_n3A_625, %select_n3A_669 : vector<16xi1>, vector<16xi32>
      %gt3A_675 = arith.cmpf ogt, %select_n3A_672, %select_n3A_628 : vector<16xf32>
      %select_n3A_676 = arith.select %gt3A_675, %select_n3A_672, %select_n3A_628 : vector<16xi1>, vector<16xf32>
      %select_n3A_677 = arith.select %gt3A_675, %select_n3A_628, %select_n3A_672 : vector<16xi1>, vector<16xf32>
      %select_n3A_678 = arith.select %gt3A_675, %select_n3A_674, %select_n3A_630 : vector<16xi1>, vector<16xi32>
      %select_n3A_679 = arith.select %gt3A_675, %select_n3A_630, %select_n3A_674 : vector<16xi1>, vector<16xi32>
      %gt3A_680 = arith.cmpf ogt, %select_n3A_677, %select_n3A_633 : vector<16xf32>
      %select_n3A_681 = arith.select %gt3A_680, %select_n3A_677, %select_n3A_633 : vector<16xi1>, vector<16xf32>
      %select_n3A_682 = arith.select %gt3A_680, %select_n3A_633, %select_n3A_677 : vector<16xi1>, vector<16xf32>
      %select_n3A_683 = arith.select %gt3A_680, %select_n3A_679, %select_n3A_635 : vector<16xi1>, vector<16xi32>
      %select_n3A_684 = arith.select %gt3A_680, %select_n3A_635, %select_n3A_679 : vector<16xi1>, vector<16xi32>
      %mul3A_685 = arith.constant 16 : i32
      %mul3A_686 = arith.muli %scan3A_8, %mul3A_685 : i32
      %get3A_687 = arith.constant 14 : i32
      %get3A_688 = arith.index_cast %get3A_687 : i32 to index
      %get3A_689 = arith.index_cast %mul3A_686 : i32 to index
      %get3A_690 = tpu.vector_load %arg5[%get3A_688, %get3A_689] {strides = array<i32>} : memref<64x256xf32, #tpu.memory_space<vmem>>, vector<16xf32>,
      %broadcast_in_dim3A_691 = arith.constant 14 : i32
      %broadcast_in_dim3A_692 = vector.broadcast %broadcast_in_dim3A_691 : i32 to vector<16xi32>
      %gt3A_693 = arith.cmpf ogt, %get3A_690, %select_n3A_646 : vector<16xf32>
      %select_n3A_694 = arith.select %gt3A_693, %get3A_690, %select_n3A_646 : vector<16xi1>, vector<16xf32>
      %select_n3A_695 = arith.select %gt3A_693, %select_n3A_646, %get3A_690 : vector<16xi1>, vector<16xf32>
      %select_n3A_696 = arith.select %gt3A_693, %broadcast_in_dim3A_692, %select_n3A_648 : vector<16xi1>, vector<16xi32>
      %select_n3A_697 = arith.select %gt3A_693, %select_n3A_648, %broadcast_in_dim3A_692 : vector<16xi1>, vector<16xi32>
      %gt3A_698 = arith.cmpf ogt, %select_n3A_695, %select_n3A_651 : vector<16xf32>
      %select_n3A_699 = arith.select %gt3A_698, %select_n3A_695, %select_n3A_651 : vector<16xi1>, vector<16xf32>
      %select_n3A_700 = arith.select %gt3A_698, %select_n3A_651, %select_n3A_695 : vector<16xi1>, vector<16xf32>
      %select_n3A_701 = arith.select %gt3A_698, %select_n3A_697, %select_n3A_653 : vector<16xi1>, vector<16xi32>
      %select_n3A_702 = arith.select %gt3A_698, %select_n3A_653, %select_n3A_697 : vector<16xi1>, vector<16xi32>
      %gt3A_703 = arith.cmpf ogt, %select_n3A_700, %select_n3A_656 : vector<16xf32>
      %select_n3A_704 = arith.select %gt3A_703, %select_n3A_700, %select_n3A_656 : vector<16xi1>, vector<16xf32>
      %select_n3A_705 = arith.select %gt3A_703, %select_n3A_656, %select_n3A_700 : vector<16xi1>, vector<16xf32>
      %select_n3A_706 = arith.select %gt3A_703, %select_n3A_702, %select_n3A_658 : vector<16xi1>, vector<16xi32>
      %select_n3A_707 = arith.select %gt3A_703, %select_n3A_658, %select_n3A_702 : vector<16xi1>, vector<16xi32>
      %gt3A_708 = arith.cmpf ogt, %select_n3A_705, %select_n3A_661 : vector<16xf32>
      %select_n3A_709 = arith.select %gt3A_708, %select_n3A_705, %select_n3A_661 : vector<16xi1>, vector<16xf32>
      %select_n3A_710 = arith.select %gt3A_708, %select_n3A_661, %select_n3A_705 : vector<16xi1>, vector<16xf32>
      %select_n3A_711 = arith.select %gt3A_708, %select_n3A_707, %select_n3A_663 : vector<16xi1>, vector<16xi32>
      %select_n3A_712 = arith.select %gt3A_708, %select_n3A_663, %select_n3A_707 : vector<16xi1>, vector<16xi32>
      %gt3A_713 = arith.cmpf ogt, %select_n3A_710, %select_n3A_666 : vector<16xf32>
      %select_n3A_714 = arith.select %gt3A_713, %select_n3A_710, %select_n3A_666 : vector<16xi1>, vector<16xf32>
      %select_n3A_715 = arith.select %gt3A_713, %select_n3A_666, %select_n3A_710 : vector<16xi1>, vector<16xf32>
      %select_n3A_716 = arith.select %gt3A_713, %select_n3A_712, %select_n3A_668 : vector<16xi1>, vector<16xi32>
      %select_n3A_717 = arith.select %gt3A_713, %select_n3A_668, %select_n3A_712 : vector<16xi1>, vector<16xi32>
      %gt3A_718 = arith.cmpf ogt, %select_n3A_715, %select_n3A_671 : vector<16xf32>
      %select_n3A_719 = arith.select %gt3A_718, %select_n3A_715, %select_n3A_671 : vector<16xi1>, vector<16xf32>
      %select_n3A_720 = arith.select %gt3A_718, %select_n3A_671, %select_n3A_715 : vector<16xi1>, vector<16xf32>
      %select_n3A_721 = arith.select %gt3A_718, %select_n3A_717, %select_n3A_673 : vector<16xi1>, vector<16xi32>
      %select_n3A_722 = arith.select %gt3A_718, %select_n3A_673, %select_n3A_717 : vector<16xi1>, vector<16xi32>
      %gt3A_723 = arith.cmpf ogt, %select_n3A_720, %select_n3A_676 : vector<16xf32>
      %select_n3A_724 = arith.select %gt3A_723, %select_n3A_720, %select_n3A_676 : vector<16xi1>, vector<16xf32>
      %select_n3A_725 = arith.select %gt3A_723, %select_n3A_676, %select_n3A_720 : vector<16xi1>, vector<16xf32>
      %select_n3A_726 = arith.select %gt3A_723, %select_n3A_722, %select_n3A_678 : vector<16xi1>, vector<16xi32>
      %select_n3A_727 = arith.select %gt3A_723, %select_n3A_678, %select_n3A_722 : vector<16xi1>, vector<16xi32>
      %gt3A_728 = arith.cmpf ogt, %select_n3A_725, %select_n3A_681 : vector<16xf32>
      %select_n3A_729 = arith.select %gt3A_728, %select_n3A_725, %select_n3A_681 : vector<16xi1>, vector<16xf32>
      %select_n3A_730 = arith.select %gt3A_728, %select_n3A_681, %select_n3A_725 : vector<16xi1>, vector<16xf32>
      %select_n3A_731 = arith.select %gt3A_728, %select_n3A_727, %select_n3A_683 : vector<16xi1>, vector<16xi32>
      %select_n3A_732 = arith.select %gt3A_728, %select_n3A_683, %select_n3A_727 : vector<16xi1>, vector<16xi32>
      %mul3A_733 = arith.constant 16 : i32
      %mul3A_734 = arith.muli %scan3A_8, %mul3A_733 : i32
      %get3A_735 = arith.constant 15 : i32
      %get3A_736 = arith.index_cast %get3A_735 : i32 to index
      %get3A_737 = arith.index_cast %mul3A_734 : i32 to index
      %get3A_738 = tpu.vector_load %arg5[%get3A_736, %get3A_737] {strides = array<i32>} : memref<64x256xf32, #tpu.memory_space<vmem>>, vector<16xf32>,
      %broadcast_in_dim3A_739 = arith.constant 15 : i32
      %broadcast_in_dim3A_740 = vector.broadcast %broadcast_in_dim3A_739 : i32 to vector<16xi32>
      %gt3A_741 = arith.cmpf ogt, %get3A_738, %select_n3A_694 : vector<16xf32>
      %select_n3A_742 = arith.select %gt3A_741, %get3A_738, %select_n3A_694 : vector<16xi1>, vector<16xf32>
      %select_n3A_743 = arith.select %gt3A_741, %select_n3A_694, %get3A_738 : vector<16xi1>, vector<16xf32>
      %select_n3A_744 = arith.select %gt3A_741, %broadcast_in_dim3A_740, %select_n3A_696 : vector<16xi1>, vector<16xi32>
      %select_n3A_745 = arith.select %gt3A_741, %select_n3A_696, %broadcast_in_dim3A_740 : vector<16xi1>, vector<16xi32>
      %gt3A_746 = arith.cmpf ogt, %select_n3A_743, %select_n3A_699 : vector<16xf32>
      %select_n3A_747 = arith.select %gt3A_746, %select_n3A_743, %select_n3A_699 : vector<16xi1>, vector<16xf32>
      %select_n3A_748 = arith.select %gt3A_746, %select_n3A_699, %select_n3A_743 : vector<16xi1>, vector<16xf32>
      %select_n3A_749 = arith.select %gt3A_746, %select_n3A_745, %select_n3A_701 : vector<16xi1>, vector<16xi32>
      %select_n3A_750 = arith.select %gt3A_746, %select_n3A_701, %select_n3A_745 : vector<16xi1>, vector<16xi32>
      %gt3A_751 = arith.cmpf ogt, %select_n3A_748, %select_n3A_704 : vector<16xf32>
      %select_n3A_752 = arith.select %gt3A_751, %select_n3A_748, %select_n3A_704 : vector<16xi1>, vector<16xf32>
      %select_n3A_753 = arith.select %gt3A_751, %select_n3A_704, %select_n3A_748 : vector<16xi1>, vector<16xf32>
      %select_n3A_754 = arith.select %gt3A_751, %select_n3A_750, %select_n3A_706 : vector<16xi1>, vector<16xi32>
      %select_n3A_755 = arith.select %gt3A_751, %select_n3A_706, %select_n3A_750 : vector<16xi1>, vector<16xi32>
      %gt3A_756 = arith.cmpf ogt, %select_n3A_753, %select_n3A_709 : vector<16xf32>
      %select_n3A_757 = arith.select %gt3A_756, %select_n3A_753, %select_n3A_709 : vector<16xi1>, vector<16xf32>
      %select_n3A_758 = arith.select %gt3A_756, %select_n3A_709, %select_n3A_753 : vector<16xi1>, vector<16xf32>
      %select_n3A_759 = arith.select %gt3A_756, %select_n3A_755, %select_n3A_711 : vector<16xi1>, vector<16xi32>
      %select_n3A_760 = arith.select %gt3A_756, %select_n3A_711, %select_n3A_755 : vector<16xi1>, vector<16xi32>
      %gt3A_761 = arith.cmpf ogt, %select_n3A_758, %select_n3A_714 : vector<16xf32>
      %select_n3A_762 = arith.select %gt3A_761, %select_n3A_758, %select_n3A_714 : vector<16xi1>, vector<16xf32>
      %select_n3A_763 = arith.select %gt3A_761, %select_n3A_714, %select_n3A_758 : vector<16xi1>, vector<16xf32>
      %select_n3A_764 = arith.select %gt3A_761, %select_n3A_760, %select_n3A_716 : vector<16xi1>, vector<16xi32>
      %select_n3A_765 = arith.select %gt3A_761, %select_n3A_716, %select_n3A_760 : vector<16xi1>, vector<16xi32>
      %gt3A_766 = arith.cmpf ogt, %select_n3A_763, %select_n3A_719 : vector<16xf32>
      %select_n3A_767 = arith.select %gt3A_766, %select_n3A_763, %select_n3A_719 : vector<16xi1>, vector<16xf32>
      %select_n3A_768 = arith.select %gt3A_766, %select_n3A_719, %select_n3A_763 : vector<16xi1>, vector<16xf32>
      %select_n3A_769 = arith.select %gt3A_766, %select_n3A_765, %select_n3A_721 : vector<16xi1>, vector<16xi32>
      %select_n3A_770 = arith.select %gt3A_766, %select_n3A_721, %select_n3A_765 : vector<16xi1>, vector<16xi32>
      %gt3A_771 = arith.cmpf ogt, %select_n3A_768, %select_n3A_724 : vector<16xf32>
      %select_n3A_772 = arith.select %gt3A_771, %select_n3A_768, %select_n3A_724 : vector<16xi1>, vector<16xf32>
      %select_n3A_773 = arith.select %gt3A_771, %select_n3A_724, %select_n3A_768 : vector<16xi1>, vector<16xf32>
      %select_n3A_774 = arith.select %gt3A_771, %select_n3A_770, %select_n3A_726 : vector<16xi1>, vector<16xi32>
      %select_n3A_775 = arith.select %gt3A_771, %select_n3A_726, %select_n3A_770 : vector<16xi1>, vector<16xi32>
      %gt3A_776 = arith.cmpf ogt, %select_n3A_773, %select_n3A_729 : vector<16xf32>
      %select_n3A_777 = arith.select %gt3A_776, %select_n3A_773, %select_n3A_729 : vector<16xi1>, vector<16xf32>
      %select_n3A_778 = arith.select %gt3A_776, %select_n3A_729, %select_n3A_773 : vector<16xi1>, vector<16xf32>
      %select_n3A_779 = arith.select %gt3A_776, %select_n3A_775, %select_n3A_731 : vector<16xi1>, vector<16xi32>
      %select_n3A_780 = arith.select %gt3A_776, %select_n3A_731, %select_n3A_775 : vector<16xi1>, vector<16xi32>
      %mul3A_781 = arith.constant 16 : i32
      %mul3A_782 = arith.muli %scan3A_8, %mul3A_781 : i32
      %get3A_783 = arith.constant 16 : i32
      %get3A_784 = arith.index_cast %get3A_783 : i32 to index
      %get3A_785 = arith.index_cast %mul3A_782 : i32 to index
      %get3A_786 = tpu.vector_load %arg5[%get3A_784, %get3A_785] {strides = array<i32>} : memref<64x256xf32, #tpu.memory_space<vmem>>, vector<16xf32>,
      %broadcast_in_dim3A_787 = arith.constant 16 : i32
      %broadcast_in_dim3A_788 = vector.broadcast %broadcast_in_dim3A_787 : i32 to vector<16xi32>
      %gt3A_789 = arith.cmpf ogt, %get3A_786, %select_n3A_742 : vector<16xf32>
      %select_n3A_790 = arith.select %gt3A_789, %get3A_786, %select_n3A_742 : vector<16xi1>, vector<16xf32>
      %select_n3A_791 = arith.select %gt3A_789, %select_n3A_742, %get3A_786 : vector<16xi1>, vector<16xf32>
      %select_n3A_792 = arith.select %gt3A_789, %broadcast_in_dim3A_788, %select_n3A_744 : vector<16xi1>, vector<16xi32>
      %select_n3A_793 = arith.select %gt3A_789, %select_n3A_744, %broadcast_in_dim3A_788 : vector<16xi1>, vector<16xi32>
      %gt3A_794 = arith.cmpf ogt, %select_n3A_791, %select_n3A_747 : vector<16xf32>
      %select_n3A_795 = arith.select %gt3A_794, %select_n3A_791, %select_n3A_747 : vector<16xi1>, vector<16xf32>
      %select_n3A_796 = arith.select %gt3A_794, %select_n3A_747, %select_n3A_791 : vector<16xi1>, vector<16xf32>
      %select_n3A_797 = arith.select %gt3A_794, %select_n3A_793, %select_n3A_749 : vector<16xi1>, vector<16xi32>
      %select_n3A_798 = arith.select %gt3A_794, %select_n3A_749, %select_n3A_793 : vector<16xi1>, vector<16xi32>
      %gt3A_799 = arith.cmpf ogt, %select_n3A_796, %select_n3A_752 : vector<16xf32>
      %select_n3A_800 = arith.select %gt3A_799, %select_n3A_796, %select_n3A_752 : vector<16xi1>, vector<16xf32>
      %select_n3A_801 = arith.select %gt3A_799, %select_n3A_752, %select_n3A_796 : vector<16xi1>, vector<16xf32>
      %select_n3A_802 = arith.select %gt3A_799, %select_n3A_798, %select_n3A_754 : vector<16xi1>, vector<16xi32>
      %select_n3A_803 = arith.select %gt3A_799, %select_n3A_754, %select_n3A_798 : vector<16xi1>, vector<16xi32>
      %gt3A_804 = arith.cmpf ogt, %select_n3A_801, %select_n3A_757 : vector<16xf32>
      %select_n3A_805 = arith.select %gt3A_804, %select_n3A_801, %select_n3A_757 : vector<16xi1>, vector<16xf32>
      %select_n3A_806 = arith.select %gt3A_804, %select_n3A_757, %select_n3A_801 : vector<16xi1>, vector<16xf32>
      %select_n3A_807 = arith.select %gt3A_804, %select_n3A_803, %select_n3A_759 : vector<16xi1>, vector<16xi32>
      %select_n3A_808 = arith.select %gt3A_804, %select_n3A_759, %select_n3A_803 : vector<16xi1>, vector<16xi32>
      %gt3A_809 = arith.cmpf ogt, %select_n3A_806, %select_n3A_762 : vector<16xf32>
      %select_n3A_810 = arith.select %gt3A_809, %select_n3A_806, %select_n3A_762 : vector<16xi1>, vector<16xf32>
      %select_n3A_811 = arith.select %gt3A_809, %select_n3A_762, %select_n3A_806 : vector<16xi1>, vector<16xf32>
      %select_n3A_812 = arith.select %gt3A_809, %select_n3A_808, %select_n3A_764 : vector<16xi1>, vector<16xi32>
      %select_n3A_813 = arith.select %gt3A_809, %select_n3A_764, %select_n3A_808 : vector<16xi1>, vector<16xi32>
      %gt3A_814 = arith.cmpf ogt, %select_n3A_811, %select_n3A_767 : vector<16xf32>
      %select_n3A_815 = arith.select %gt3A_814, %select_n3A_811, %select_n3A_767 : vector<16xi1>, vector<16xf32>
      %select_n3A_816 = arith.select %gt3A_814, %select_n3A_767, %select_n3A_811 : vector<16xi1>, vector<16xf32>
      %select_n3A_817 = arith.select %gt3A_814, %select_n3A_813, %select_n3A_769 : vector<16xi1>, vector<16xi32>
      %select_n3A_818 = arith.select %gt3A_814, %select_n3A_769, %select_n3A_813 : vector<16xi1>, vector<16xi32>
      %gt3A_819 = arith.cmpf ogt, %select_n3A_816, %select_n3A_772 : vector<16xf32>
      %select_n3A_820 = arith.select %gt3A_819, %select_n3A_816, %select_n3A_772 : vector<16xi1>, vector<16xf32>
      %select_n3A_821 = arith.select %gt3A_819, %select_n3A_772, %select_n3A_816 : vector<16xi1>, vector<16xf32>
      %select_n3A_822 = arith.select %gt3A_819, %select_n3A_818, %select_n3A_774 : vector<16xi1>, vector<16xi32>
      %select_n3A_823 = arith.select %gt3A_819, %select_n3A_774, %select_n3A_818 : vector<16xi1>, vector<16xi32>
      %gt3A_824 = arith.cmpf ogt, %select_n3A_821, %select_n3A_777 : vector<16xf32>
      %select_n3A_825 = arith.select %gt3A_824, %select_n3A_821, %select_n3A_777 : vector<16xi1>, vector<16xf32>
      %select_n3A_826 = arith.select %gt3A_824, %select_n3A_777, %select_n3A_821 : vector<16xi1>, vector<16xf32>
      %select_n3A_827 = arith.select %gt3A_824, %select_n3A_823, %select_n3A_779 : vector<16xi1>, vector<16xi32>
      %select_n3A_828 = arith.select %gt3A_824, %select_n3A_779, %select_n3A_823 : vector<16xi1>, vector<16xi32>
      %mul3A_829 = arith.constant 16 : i32
      %mul3A_830 = arith.muli %scan3A_8, %mul3A_829 : i32
      %get3A_831 = arith.constant 17 : i32
      %get3A_832 = arith.index_cast %get3A_831 : i32 to index
      %get3A_833 = arith.index_cast %mul3A_830 : i32 to index
      %get3A_834 = tpu.vector_load %arg5[%get3A_832, %get3A_833] {strides = array<i32>} : memref<64x256xf32, #tpu.memory_space<vmem>>, vector<16xf32>,
      %broadcast_in_dim3A_835 = arith.constant 17 : i32
      %broadcast_in_dim3A_836 = vector.broadcast %broadcast_in_dim3A_835 : i32 to vector<16xi32>
      %gt3A_837 = arith.cmpf ogt, %get3A_834, %select_n3A_790 : vector<16xf32>
      %select_n3A_838 = arith.select %gt3A_837, %get3A_834, %select_n3A_790 : vector<16xi1>, vector<16xf32>
      %select_n3A_839 = arith.select %gt3A_837, %select_n3A_790, %get3A_834 : vector<16xi1>, vector<16xf32>
      %select_n3A_840 = arith.select %gt3A_837, %broadcast_in_dim3A_836, %select_n3A_792 : vector<16xi1>, vector<16xi32>
      %select_n3A_841 = arith.select %gt3A_837, %select_n3A_792, %broadcast_in_dim3A_836 : vector<16xi1>, vector<16xi32>
      %gt3A_842 = arith.cmpf ogt, %select_n3A_839, %select_n3A_795 : vector<16xf32>
      %select_n3A_843 = arith.select %gt3A_842, %select_n3A_839, %select_n3A_795 : vector<16xi1>, vector<16xf32>
      %select_n3A_844 = arith.select %gt3A_842, %select_n3A_795, %select_n3A_839 : vector<16xi1>, vector<16xf32>
      %select_n3A_845 = arith.select %gt3A_842, %select_n3A_841, %select_n3A_797 : vector<16xi1>, vector<16xi32>
      %select_n3A_846 = arith.select %gt3A_842, %select_n3A_797, %select_n3A_841 : vector<16xi1>, vector<16xi32>
      %gt3A_847 = arith.cmpf ogt, %select_n3A_844, %select_n3A_800 : vector<16xf32>
      %select_n3A_848 = arith.select %gt3A_847, %select_n3A_844, %select_n3A_800 : vector<16xi1>, vector<16xf32>
      %select_n3A_849 = arith.select %gt3A_847, %select_n3A_800, %select_n3A_844 : vector<16xi1>, vector<16xf32>
      %select_n3A_850 = arith.select %gt3A_847, %select_n3A_846, %select_n3A_802 : vector<16xi1>, vector<16xi32>
      %select_n3A_851 = arith.select %gt3A_847, %select_n3A_802, %select_n3A_846 : vector<16xi1>, vector<16xi32>
      %gt3A_852 = arith.cmpf ogt, %select_n3A_849, %select_n3A_805 : vector<16xf32>
      %select_n3A_853 = arith.select %gt3A_852, %select_n3A_849, %select_n3A_805 : vector<16xi1>, vector<16xf32>
      %select_n3A_854 = arith.select %gt3A_852, %select_n3A_805, %select_n3A_849 : vector<16xi1>, vector<16xf32>
      %select_n3A_855 = arith.select %gt3A_852, %select_n3A_851, %select_n3A_807 : vector<16xi1>, vector<16xi32>
      %select_n3A_856 = arith.select %gt3A_852, %select_n3A_807, %select_n3A_851 : vector<16xi1>, vector<16xi32>
      %gt3A_857 = arith.cmpf ogt, %select_n3A_854, %select_n3A_810 : vector<16xf32>
      %select_n3A_858 = arith.select %gt3A_857, %select_n3A_854, %select_n3A_810 : vector<16xi1>, vector<16xf32>
      %select_n3A_859 = arith.select %gt3A_857, %select_n3A_810, %select_n3A_854 : vector<16xi1>, vector<16xf32>
      %select_n3A_860 = arith.select %gt3A_857, %select_n3A_856, %select_n3A_812 : vector<16xi1>, vector<16xi32>
      %select_n3A_861 = arith.select %gt3A_857, %select_n3A_812, %select_n3A_856 : vector<16xi1>, vector<16xi32>
      %gt3A_862 = arith.cmpf ogt, %select_n3A_859, %select_n3A_815 : vector<16xf32>
      %select_n3A_863 = arith.select %gt3A_862, %select_n3A_859, %select_n3A_815 : vector<16xi1>, vector<16xf32>
      %select_n3A_864 = arith.select %gt3A_862, %select_n3A_815, %select_n3A_859 : vector<16xi1>, vector<16xf32>
      %select_n3A_865 = arith.select %gt3A_862, %select_n3A_861, %select_n3A_817 : vector<16xi1>, vector<16xi32>
      %select_n3A_866 = arith.select %gt3A_862, %select_n3A_817, %select_n3A_861 : vector<16xi1>, vector<16xi32>
      %gt3A_867 = arith.cmpf ogt, %select_n3A_864, %select_n3A_820 : vector<16xf32>
      %select_n3A_868 = arith.select %gt3A_867, %select_n3A_864, %select_n3A_820 : vector<16xi1>, vector<16xf32>
      %select_n3A_869 = arith.select %gt3A_867, %select_n3A_820, %select_n3A_864 : vector<16xi1>, vector<16xf32>
      %select_n3A_870 = arith.select %gt3A_867, %select_n3A_866, %select_n3A_822 : vector<16xi1>, vector<16xi32>
      %select_n3A_871 = arith.select %gt3A_867, %select_n3A_822, %select_n3A_866 : vector<16xi1>, vector<16xi32>
      %gt3A_872 = arith.cmpf ogt, %select_n3A_869, %select_n3A_825 : vector<16xf32>
      %select_n3A_873 = arith.select %gt3A_872, %select_n3A_869, %select_n3A_825 : vector<16xi1>, vector<16xf32>
      %select_n3A_874 = arith.select %gt3A_872, %select_n3A_825, %select_n3A_869 : vector<16xi1>, vector<16xf32>
      %select_n3A_875 = arith.select %gt3A_872, %select_n3A_871, %select_n3A_827 : vector<16xi1>, vector<16xi32>
      %select_n3A_876 = arith.select %gt3A_872, %select_n3A_827, %select_n3A_871 : vector<16xi1>, vector<16xi32>
      %mul3A_877 = arith.constant 16 : i32
      %mul3A_878 = arith.muli %scan3A_8, %mul3A_877 : i32
      %get3A_879 = arith.constant 18 : i32
      %get3A_880 = arith.index_cast %get3A_879 : i32 to index
      %get3A_881 = arith.index_cast %mul3A_878 : i32 to index
      %get3A_882 = tpu.vector_load %arg5[%get3A_880, %get3A_881] {strides = array<i32>} : memref<64x256xf32, #tpu.memory_space<vmem>>, vector<16xf32>,
      %broadcast_in_dim3A_883 = arith.constant 18 : i32
      %broadcast_in_dim3A_884 = vector.broadcast %broadcast_in_dim3A_883 : i32 to vector<16xi32>
      %gt3A_885 = arith.cmpf ogt, %get3A_882, %select_n3A_838 : vector<16xf32>
      %select_n3A_886 = arith.select %gt3A_885, %get3A_882, %select_n3A_838 : vector<16xi1>, vector<16xf32>
      %select_n3A_887 = arith.select %gt3A_885, %select_n3A_838, %get3A_882 : vector<16xi1>, vector<16xf32>
      %select_n3A_888 = arith.select %gt3A_885, %broadcast_in_dim3A_884, %select_n3A_840 : vector<16xi1>, vector<16xi32>
      %select_n3A_889 = arith.select %gt3A_885, %select_n3A_840, %broadcast_in_dim3A_884 : vector<16xi1>, vector<16xi32>
      %gt3A_890 = arith.cmpf ogt, %select_n3A_887, %select_n3A_843 : vector<16xf32>
      %select_n3A_891 = arith.select %gt3A_890, %select_n3A_887, %select_n3A_843 : vector<16xi1>, vector<16xf32>
      %select_n3A_892 = arith.select %gt3A_890, %select_n3A_843, %select_n3A_887 : vector<16xi1>, vector<16xf32>
      %select_n3A_893 = arith.select %gt3A_890, %select_n3A_889, %select_n3A_845 : vector<16xi1>, vector<16xi32>
      %select_n3A_894 = arith.select %gt3A_890, %select_n3A_845, %select_n3A_889 : vector<16xi1>, vector<16xi32>
      %gt3A_895 = arith.cmpf ogt, %select_n3A_892, %select_n3A_848 : vector<16xf32>
      %select_n3A_896 = arith.select %gt3A_895, %select_n3A_892, %select_n3A_848 : vector<16xi1>, vector<16xf32>
      %select_n3A_897 = arith.select %gt3A_895, %select_n3A_848, %select_n3A_892 : vector<16xi1>, vector<16xf32>
      %select_n3A_898 = arith.select %gt3A_895, %select_n3A_894, %select_n3A_850 : vector<16xi1>, vector<16xi32>
      %select_n3A_899 = arith.select %gt3A_895, %select_n3A_850, %select_n3A_894 : vector<16xi1>, vector<16xi32>
      %gt3A_900 = arith.cmpf ogt, %select_n3A_897, %select_n3A_853 : vector<16xf32>
      %select_n3A_901 = arith.select %gt3A_900, %select_n3A_897, %select_n3A_853 : vector<16xi1>, vector<16xf32>
      %select_n3A_902 = arith.select %gt3A_900, %select_n3A_853, %select_n3A_897 : vector<16xi1>, vector<16xf32>
      %select_n3A_903 = arith.select %gt3A_900, %select_n3A_899, %select_n3A_855 : vector<16xi1>, vector<16xi32>
      %select_n3A_904 = arith.select %gt3A_900, %select_n3A_855, %select_n3A_899 : vector<16xi1>, vector<16xi32>
      %gt3A_905 = arith.cmpf ogt, %select_n3A_902, %select_n3A_858 : vector<16xf32>
      %select_n3A_906 = arith.select %gt3A_905, %select_n3A_902, %select_n3A_858 : vector<16xi1>, vector<16xf32>
      %select_n3A_907 = arith.select %gt3A_905, %select_n3A_858, %select_n3A_902 : vector<16xi1>, vector<16xf32>
      %select_n3A_908 = arith.select %gt3A_905, %select_n3A_904, %select_n3A_860 : vector<16xi1>, vector<16xi32>
      %select_n3A_909 = arith.select %gt3A_905, %select_n3A_860, %select_n3A_904 : vector<16xi1>, vector<16xi32>
      %gt3A_910 = arith.cmpf ogt, %select_n3A_907, %select_n3A_863 : vector<16xf32>
      %select_n3A_911 = arith.select %gt3A_910, %select_n3A_907, %select_n3A_863 : vector<16xi1>, vector<16xf32>
      %select_n3A_912 = arith.select %gt3A_910, %select_n3A_863, %select_n3A_907 : vector<16xi1>, vector<16xf32>
      %select_n3A_913 = arith.select %gt3A_910, %select_n3A_909, %select_n3A_865 : vector<16xi1>, vector<16xi32>
      %select_n3A_914 = arith.select %gt3A_910, %select_n3A_865, %select_n3A_909 : vector<16xi1>, vector<16xi32>
      %gt3A_915 = arith.cmpf ogt, %select_n3A_912, %select_n3A_868 : vector<16xf32>
      %select_n3A_916 = arith.select %gt3A_915, %select_n3A_912, %select_n3A_868 : vector<16xi1>, vector<16xf32>
      %select_n3A_917 = arith.select %gt3A_915, %select_n3A_868, %select_n3A_912 : vector<16xi1>, vector<16xf32>
      %select_n3A_918 = arith.select %gt3A_915, %select_n3A_914, %select_n3A_870 : vector<16xi1>, vector<16xi32>
      %select_n3A_919 = arith.select %gt3A_915, %select_n3A_870, %select_n3A_914 : vector<16xi1>, vector<16xi32>
      %gt3A_920 = arith.cmpf ogt, %select_n3A_917, %select_n3A_873 : vector<16xf32>
      %select_n3A_921 = arith.select %gt3A_920, %select_n3A_917, %select_n3A_873 : vector<16xi1>, vector<16xf32>
      %select_n3A_922 = arith.select %gt3A_920, %select_n3A_873, %select_n3A_917 : vector<16xi1>, vector<16xf32>
      %select_n3A_923 = arith.select %gt3A_920, %select_n3A_919, %select_n3A_875 : vector<16xi1>, vector<16xi32>
      %select_n3A_924 = arith.select %gt3A_920, %select_n3A_875, %select_n3A_919 : vector<16xi1>, vector<16xi32>
      %mul3A_925 = arith.constant 16 : i32
      %mul3A_926 = arith.muli %scan3A_8, %mul3A_925 : i32
      %get3A_927 = arith.constant 19 : i32
      %get3A_928 = arith.index_cast %get3A_927 : i32 to index
      %get3A_929 = arith.index_cast %mul3A_926 : i32 to index
      %get3A_930 = tpu.vector_load %arg5[%get3A_928, %get3A_929] {strides = array<i32>} : memref<64x256xf32, #tpu.memory_space<vmem>>, vector<16xf32>,
      %broadcast_in_dim3A_931 = arith.constant 19 : i32
      %broadcast_in_dim3A_932 = vector.broadcast %broadcast_in_dim3A_931 : i32 to vector<16xi32>
      %gt3A_933 = arith.cmpf ogt, %get3A_930, %select_n3A_886 : vector<16xf32>
      %select_n3A_934 = arith.select %gt3A_933, %get3A_930, %select_n3A_886 : vector<16xi1>, vector<16xf32>
      %select_n3A_935 = arith.select %gt3A_933, %select_n3A_886, %get3A_930 : vector<16xi1>, vector<16xf32>
      %select_n3A_936 = arith.select %gt3A_933, %broadcast_in_dim3A_932, %select_n3A_888 : vector<16xi1>, vector<16xi32>
      %select_n3A_937 = arith.select %gt3A_933, %select_n3A_888, %broadcast_in_dim3A_932 : vector<16xi1>, vector<16xi32>
      %gt3A_938 = arith.cmpf ogt, %select_n3A_935, %select_n3A_891 : vector<16xf32>
      %select_n3A_939 = arith.select %gt3A_938, %select_n3A_935, %select_n3A_891 : vector<16xi1>, vector<16xf32>
      %select_n3A_940 = arith.select %gt3A_938, %select_n3A_891, %select_n3A_935 : vector<16xi1>, vector<16xf32>
      %select_n3A_941 = arith.select %gt3A_938, %select_n3A_937, %select_n3A_893 : vector<16xi1>, vector<16xi32>
      %select_n3A_942 = arith.select %gt3A_938, %select_n3A_893, %select_n3A_937 : vector<16xi1>, vector<16xi32>
      %gt3A_943 = arith.cmpf ogt, %select_n3A_940, %select_n3A_896 : vector<16xf32>
      %select_n3A_944 = arith.select %gt3A_943, %select_n3A_940, %select_n3A_896 : vector<16xi1>, vector<16xf32>
      %select_n3A_945 = arith.select %gt3A_943, %select_n3A_896, %select_n3A_940 : vector<16xi1>, vector<16xf32>
      %select_n3A_946 = arith.select %gt3A_943, %select_n3A_942, %select_n3A_898 : vector<16xi1>, vector<16xi32>
      %select_n3A_947 = arith.select %gt3A_943, %select_n3A_898, %select_n3A_942 : vector<16xi1>, vector<16xi32>
      %gt3A_948 = arith.cmpf ogt, %select_n3A_945, %select_n3A_901 : vector<16xf32>
      %select_n3A_949 = arith.select %gt3A_948, %select_n3A_945, %select_n3A_901 : vector<16xi1>, vector<16xf32>
      %select_n3A_950 = arith.select %gt3A_948, %select_n3A_901, %select_n3A_945 : vector<16xi1>, vector<16xf32>
      %select_n3A_951 = arith.select %gt3A_948, %select_n3A_947, %select_n3A_903 : vector<16xi1>, vector<16xi32>
      %select_n3A_952 = arith.select %gt3A_948, %select_n3A_903, %select_n3A_947 : vector<16xi1>, vector<16xi32>
      %gt3A_953 = arith.cmpf ogt, %select_n3A_950, %select_n3A_906 : vector<16xf32>
      %select_n3A_954 = arith.select %gt3A_953, %select_n3A_950, %select_n3A_906 : vector<16xi1>, vector<16xf32>
      %select_n3A_955 = arith.select %gt3A_953, %select_n3A_906, %select_n3A_950 : vector<16xi1>, vector<16xf32>
      %select_n3A_956 = arith.select %gt3A_953, %select_n3A_952, %select_n3A_908 : vector<16xi1>, vector<16xi32>
      %select_n3A_957 = arith.select %gt3A_953, %select_n3A_908, %select_n3A_952 : vector<16xi1>, vector<16xi32>
      %gt3A_958 = arith.cmpf ogt, %select_n3A_955, %select_n3A_911 : vector<16xf32>
      %select_n3A_959 = arith.select %gt3A_958, %select_n3A_955, %select_n3A_911 : vector<16xi1>, vector<16xf32>
      %select_n3A_960 = arith.select %gt3A_958, %select_n3A_911, %select_n3A_955 : vector<16xi1>, vector<16xf32>
      %select_n3A_961 = arith.select %gt3A_958, %select_n3A_957, %select_n3A_913 : vector<16xi1>, vector<16xi32>
      %select_n3A_962 = arith.select %gt3A_958, %select_n3A_913, %select_n3A_957 : vector<16xi1>, vector<16xi32>
      %gt3A_963 = arith.cmpf ogt, %select_n3A_960, %select_n3A_916 : vector<16xf32>
      %select_n3A_964 = arith.select %gt3A_963, %select_n3A_960, %select_n3A_916 : vector<16xi1>, vector<16xf32>
      %select_n3A_965 = arith.select %gt3A_963, %select_n3A_916, %select_n3A_960 : vector<16xi1>, vector<16xf32>
      %select_n3A_966 = arith.select %gt3A_963, %select_n3A_962, %select_n3A_918 : vector<16xi1>, vector<16xi32>
      %select_n3A_967 = arith.select %gt3A_963, %select_n3A_918, %select_n3A_962 : vector<16xi1>, vector<16xi32>
      %gt3A_968 = arith.cmpf ogt, %select_n3A_965, %select_n3A_921 : vector<16xf32>
      %select_n3A_969 = arith.select %gt3A_968, %select_n3A_965, %select_n3A_921 : vector<16xi1>, vector<16xf32>
      %select_n3A_970 = arith.select %gt3A_968, %select_n3A_921, %select_n3A_965 : vector<16xi1>, vector<16xf32>
      %select_n3A_971 = arith.select %gt3A_968, %select_n3A_967, %select_n3A_923 : vector<16xi1>, vector<16xi32>
      %select_n3A_972 = arith.select %gt3A_968, %select_n3A_923, %select_n3A_967 : vector<16xi1>, vector<16xi32>
      %mul3A_973 = arith.constant 16 : i32
      %mul3A_974 = arith.muli %scan3A_8, %mul3A_973 : i32
      %get3A_975 = arith.constant 20 : i32
      %get3A_976 = arith.index_cast %get3A_975 : i32 to index
      %get3A_977 = arith.index_cast %mul3A_974 : i32 to index
      %get3A_978 = tpu.vector_load %arg5[%get3A_976, %get3A_977] {strides = array<i32>} : memref<64x256xf32, #tpu.memory_space<vmem>>, vector<16xf32>,
      %broadcast_in_dim3A_979 = arith.constant 20 : i32
      %broadcast_in_dim3A_980 = vector.broadcast %broadcast_in_dim3A_979 : i32 to vector<16xi32>
      %gt3A_981 = arith.cmpf ogt, %get3A_978, %select_n3A_934 : vector<16xf32>
      %select_n3A_982 = arith.select %gt3A_981, %get3A_978, %select_n3A_934 : vector<16xi1>, vector<16xf32>
      %select_n3A_983 = arith.select %gt3A_981, %select_n3A_934, %get3A_978 : vector<16xi1>, vector<16xf32>
      %select_n3A_984 = arith.select %gt3A_981, %broadcast_in_dim3A_980, %select_n3A_936 : vector<16xi1>, vector<16xi32>
      %select_n3A_985 = arith.select %gt3A_981, %select_n3A_936, %broadcast_in_dim3A_980 : vector<16xi1>, vector<16xi32>
      %gt3A_986 = arith.cmpf ogt, %select_n3A_983, %select_n3A_939 : vector<16xf32>
      %select_n3A_987 = arith.select %gt3A_986, %select_n3A_983, %select_n3A_939 : vector<16xi1>, vector<16xf32>
      %select_n3A_988 = arith.select %gt3A_986, %select_n3A_939, %select_n3A_983 : vector<16xi1>, vector<16xf32>
      %select_n3A_989 = arith.select %gt3A_986, %select_n3A_985, %select_n3A_941 : vector<16xi1>, vector<16xi32>
      %select_n3A_990 = arith.select %gt3A_986, %select_n3A_941, %select_n3A_985 : vector<16xi1>, vector<16xi32>
      %gt3A_991 = arith.cmpf ogt, %select_n3A_988, %select_n3A_944 : vector<16xf32>
      %select_n3A_992 = arith.select %gt3A_991, %select_n3A_988, %select_n3A_944 : vector<16xi1>, vector<16xf32>
      %select_n3A_993 = arith.select %gt3A_991, %select_n3A_944, %select_n3A_988 : vector<16xi1>, vector<16xf32>
      %select_n3A_994 = arith.select %gt3A_991, %select_n3A_990, %select_n3A_946 : vector<16xi1>, vector<16xi32>
      %select_n3A_995 = arith.select %gt3A_991, %select_n3A_946, %select_n3A_990 : vector<16xi1>, vector<16xi32>
      %gt3A_996 = arith.cmpf ogt, %select_n3A_993, %select_n3A_949 : vector<16xf32>
      %select_n3A_997 = arith.select %gt3A_996, %select_n3A_993, %select_n3A_949 : vector<16xi1>, vector<16xf32>
      %select_n3A_998 = arith.select %gt3A_996, %select_n3A_949, %select_n3A_993 : vector<16xi1>, vector<16xf32>
      %select_n3A_999 = arith.select %gt3A_996, %select_n3A_995, %select_n3A_951 : vector<16xi1>, vector<16xi32>
      %select_n3A_1000 = arith.select %gt3A_996, %select_n3A_951, %select_n3A_995 : vector<16xi1>, vector<16xi32>
      %gt3A_1001 = arith.cmpf ogt, %select_n3A_998, %select_n3A_954 : vector<16xf32>
      %select_n3A_1002 = arith.select %gt3A_1001, %select_n3A_998, %select_n3A_954 : vector<16xi1>, vector<16xf32>
      %select_n3A_1003 = arith.select %gt3A_1001, %select_n3A_954, %select_n3A_998 : vector<16xi1>, vector<16xf32>
      %select_n3A_1004 = arith.select %gt3A_1001, %select_n3A_1000, %select_n3A_956 : vector<16xi1>, vector<16xi32>
      %select_n3A_1005 = arith.select %gt3A_1001, %select_n3A_956, %select_n3A_1000 : vector<16xi1>, vector<16xi32>
      %gt3A_1006 = arith.cmpf ogt, %select_n3A_1003, %select_n3A_959 : vector<16xf32>
      %select_n3A_1007 = arith.select %gt3A_1006, %select_n3A_1003, %select_n3A_959 : vector<16xi1>, vector<16xf32>
      %select_n3A_1008 = arith.select %gt3A_1006, %select_n3A_959, %select_n3A_1003 : vector<16xi1>, vector<16xf32>
      %select_n3A_1009 = arith.select %gt3A_1006, %select_n3A_1005, %select_n3A_961 : vector<16xi1>, vector<16xi32>
      %select_n3A_1010 = arith.select %gt3A_1006, %select_n3A_961, %select_n3A_1005 : vector<16xi1>, vector<16xi32>
      %gt3A_1011 = arith.cmpf ogt, %select_n3A_1008, %select_n3A_964 : vector<16xf32>
      %select_n3A_1012 = arith.select %gt3A_1011, %select_n3A_1008, %select_n3A_964 : vector<16xi1>, vector<16xf32>
      %select_n3A_1013 = arith.select %gt3A_1011, %select_n3A_964, %select_n3A_1008 : vector<16xi1>, vector<16xf32>
      %select_n3A_1014 = arith.select %gt3A_1011, %select_n3A_1010, %select_n3A_966 : vector<16xi1>, vector<16xi32>
      %select_n3A_1015 = arith.select %gt3A_1011, %select_n3A_966, %select_n3A_1010 : vector<16xi1>, vector<16xi32>
      %gt3A_1016 = arith.cmpf ogt, %select_n3A_1013, %select_n3A_969 : vector<16xf32>
      %select_n3A_1017 = arith.select %gt3A_1016, %select_n3A_1013, %select_n3A_969 : vector<16xi1>, vector<16xf32>
      %select_n3A_1018 = arith.select %gt3A_1016, %select_n3A_969, %select_n3A_1013 : vector<16xi1>, vector<16xf32>
      %select_n3A_1019 = arith.select %gt3A_1016, %select_n3A_1015, %select_n3A_971 : vector<16xi1>, vector<16xi32>
      %select_n3A_1020 = arith.select %gt3A_1016, %select_n3A_971, %select_n3A_1015 : vector<16xi1>, vector<16xi32>
      %mul3A_1021 = arith.constant 16 : i32
      %mul3A_1022 = arith.muli %scan3A_8, %mul3A_1021 : i32
      %get3A_1023 = arith.constant 21 : i32
      %get3A_1024 = arith.index_cast %get3A_1023 : i32 to index
      %get3A_1025 = arith.index_cast %mul3A_1022 : i32 to index
      %get3A_1026 = tpu.vector_load %arg5[%get3A_1024, %get3A_1025] {strides = array<i32>} : memref<64x256xf32, #tpu.memory_space<vmem>>, vector<16xf32>,
      %broadcast_in_dim3A_1027 = arith.constant 21 : i32
      %broadcast_in_dim3A_1028 = vector.broadcast %broadcast_in_dim3A_1027 : i32 to vector<16xi32>
      %gt3A_1029 = arith.cmpf ogt, %get3A_1026, %select_n3A_982 : vector<16xf32>
      %select_n3A_1030 = arith.select %gt3A_1029, %get3A_1026, %select_n3A_982 : vector<16xi1>, vector<16xf32>
      %select_n3A_1031 = arith.select %gt3A_1029, %select_n3A_982, %get3A_1026 : vector<16xi1>, vector<16xf32>
      %select_n3A_1032 = arith.select %gt3A_1029, %broadcast_in_dim3A_1028, %select_n3A_984 : vector<16xi1>, vector<16xi32>
      %select_n3A_1033 = arith.select %gt3A_1029, %select_n3A_984, %broadcast_in_dim3A_1028 : vector<16xi1>, vector<16xi32>
      %gt3A_1034 = arith.cmpf ogt, %select_n3A_1031, %select_n3A_987 : vector<16xf32>
      %select_n3A_1035 = arith.select %gt3A_1034, %select_n3A_1031, %select_n3A_987 : vector<16xi1>, vector<16xf32>
      %select_n3A_1036 = arith.select %gt3A_1034, %select_n3A_987, %select_n3A_1031 : vector<16xi1>, vector<16xf32>
      %select_n3A_1037 = arith.select %gt3A_1034, %select_n3A_1033, %select_n3A_989 : vector<16xi1>, vector<16xi32>
      %select_n3A_1038 = arith.select %gt3A_1034, %select_n3A_989, %select_n3A_1033 : vector<16xi1>, vector<16xi32>
      %gt3A_1039 = arith.cmpf ogt, %select_n3A_1036, %select_n3A_992 : vector<16xf32>
      %select_n3A_1040 = arith.select %gt3A_1039, %select_n3A_1036, %select_n3A_992 : vector<16xi1>, vector<16xf32>
      %select_n3A_1041 = arith.select %gt3A_1039, %select_n3A_992, %select_n3A_1036 : vector<16xi1>, vector<16xf32>
      %select_n3A_1042 = arith.select %gt3A_1039, %select_n3A_1038, %select_n3A_994 : vector<16xi1>, vector<16xi32>
      %select_n3A_1043 = arith.select %gt3A_1039, %select_n3A_994, %select_n3A_1038 : vector<16xi1>, vector<16xi32>
      %gt3A_1044 = arith.cmpf ogt, %select_n3A_1041, %select_n3A_997 : vector<16xf32>
      %select_n3A_1045 = arith.select %gt3A_1044, %select_n3A_1041, %select_n3A_997 : vector<16xi1>, vector<16xf32>
      %select_n3A_1046 = arith.select %gt3A_1044, %select_n3A_997, %select_n3A_1041 : vector<16xi1>, vector<16xf32>
      %select_n3A_1047 = arith.select %gt3A_1044, %select_n3A_1043, %select_n3A_999 : vector<16xi1>, vector<16xi32>
      %select_n3A_1048 = arith.select %gt3A_1044, %select_n3A_999, %select_n3A_1043 : vector<16xi1>, vector<16xi32>
      %gt3A_1049 = arith.cmpf ogt, %select_n3A_1046, %select_n3A_1002 : vector<16xf32>
      %select_n3A_1050 = arith.select %gt3A_1049, %select_n3A_1046, %select_n3A_1002 : vector<16xi1>, vector<16xf32>
      %select_n3A_1051 = arith.select %gt3A_1049, %select_n3A_1002, %select_n3A_1046 : vector<16xi1>, vector<16xf32>
      %select_n3A_1052 = arith.select %gt3A_1049, %select_n3A_1048, %select_n3A_1004 : vector<16xi1>, vector<16xi32>
      %select_n3A_1053 = arith.select %gt3A_1049, %select_n3A_1004, %select_n3A_1048 : vector<16xi1>, vector<16xi32>
      %gt3A_1054 = arith.cmpf ogt, %select_n3A_1051, %select_n3A_1007 : vector<16xf32>
      %select_n3A_1055 = arith.select %gt3A_1054, %select_n3A_1051, %select_n3A_1007 : vector<16xi1>, vector<16xf32>
      %select_n3A_1056 = arith.select %gt3A_1054, %select_n3A_1007, %select_n3A_1051 : vector<16xi1>, vector<16xf32>
      %select_n3A_1057 = arith.select %gt3A_1054, %select_n3A_1053, %select_n3A_1009 : vector<16xi1>, vector<16xi32>
      %select_n3A_1058 = arith.select %gt3A_1054, %select_n3A_1009, %select_n3A_1053 : vector<16xi1>, vector<16xi32>
      %gt3A_1059 = arith.cmpf ogt, %select_n3A_1056, %select_n3A_1012 : vector<16xf32>
      %select_n3A_1060 = arith.select %gt3A_1059, %select_n3A_1056, %select_n3A_1012 : vector<16xi1>, vector<16xf32>
      %select_n3A_1061 = arith.select %gt3A_1059, %select_n3A_1012, %select_n3A_1056 : vector<16xi1>, vector<16xf32>
      %select_n3A_1062 = arith.select %gt3A_1059, %select_n3A_1058, %select_n3A_1014 : vector<16xi1>, vector<16xi32>
      %select_n3A_1063 = arith.select %gt3A_1059, %select_n3A_1014, %select_n3A_1058 : vector<16xi1>, vector<16xi32>
      %gt3A_1064 = arith.cmpf ogt, %select_n3A_1061, %select_n3A_1017 : vector<16xf32>
      %select_n3A_1065 = arith.select %gt3A_1064, %select_n3A_1061, %select_n3A_1017 : vector<16xi1>, vector<16xf32>
      %select_n3A_1066 = arith.select %gt3A_1064, %select_n3A_1017, %select_n3A_1061 : vector<16xi1>, vector<16xf32>
      %select_n3A_1067 = arith.select %gt3A_1064, %select_n3A_1063, %select_n3A_1019 : vector<16xi1>, vector<16xi32>
      %select_n3A_1068 = arith.select %gt3A_1064, %select_n3A_1019, %select_n3A_1063 : vector<16xi1>, vector<16xi32>
      %mul3A_1069 = arith.constant 16 : i32
      %mul3A_1070 = arith.muli %scan3A_8, %mul3A_1069 : i32
      %get3A_1071 = arith.constant 22 : i32
      %get3A_1072 = arith.index_cast %get3A_1071 : i32 to index
      %get3A_1073 = arith.index_cast %mul3A_1070 : i32 to index
      %get3A_1074 = tpu.vector_load %arg5[%get3A_1072, %get3A_1073] {strides = array<i32>} : memref<64x256xf32, #tpu.memory_space<vmem>>, vector<16xf32>,
      %broadcast_in_dim3A_1075 = arith.constant 22 : i32
      %broadcast_in_dim3A_1076 = vector.broadcast %broadcast_in_dim3A_1075 : i32 to vector<16xi32>
      %gt3A_1077 = arith.cmpf ogt, %get3A_1074, %select_n3A_1030 : vector<16xf32>
      %select_n3A_1078 = arith.select %gt3A_1077, %get3A_1074, %select_n3A_1030 : vector<16xi1>, vector<16xf32>
      %select_n3A_1079 = arith.select %gt3A_1077, %select_n3A_1030, %get3A_1074 : vector<16xi1>, vector<16xf32>
      %select_n3A_1080 = arith.select %gt3A_1077, %broadcast_in_dim3A_1076, %select_n3A_1032 : vector<16xi1>, vector<16xi32>
      %select_n3A_1081 = arith.select %gt3A_1077, %select_n3A_1032, %broadcast_in_dim3A_1076 : vector<16xi1>, vector<16xi32>
      %gt3A_1082 = arith.cmpf ogt, %select_n3A_1079, %select_n3A_1035 : vector<16xf32>
      %select_n3A_1083 = arith.select %gt3A_1082, %select_n3A_1079, %select_n3A_1035 : vector<16xi1>, vector<16xf32>
      %select_n3A_1084 = arith.select %gt3A_1082, %select_n3A_1035, %select_n3A_1079 : vector<16xi1>, vector<16xf32>
      %select_n3A_1085 = arith.select %gt3A_1082, %select_n3A_1081, %select_n3A_1037 : vector<16xi1>, vector<16xi32>
      %select_n3A_1086 = arith.select %gt3A_1082, %select_n3A_1037, %select_n3A_1081 : vector<16xi1>, vector<16xi32>
      %gt3A_1087 = arith.cmpf ogt, %select_n3A_1084, %select_n3A_1040 : vector<16xf32>
      %select_n3A_1088 = arith.select %gt3A_1087, %select_n3A_1084, %select_n3A_1040 : vector<16xi1>, vector<16xf32>
      %select_n3A_1089 = arith.select %gt3A_1087, %select_n3A_1040, %select_n3A_1084 : vector<16xi1>, vector<16xf32>
      %select_n3A_1090 = arith.select %gt3A_1087, %select_n3A_1086, %select_n3A_1042 : vector<16xi1>, vector<16xi32>
      %select_n3A_1091 = arith.select %gt3A_1087, %select_n3A_1042, %select_n3A_1086 : vector<16xi1>, vector<16xi32>
      %gt3A_1092 = arith.cmpf ogt, %select_n3A_1089, %select_n3A_1045 : vector<16xf32>
      %select_n3A_1093 = arith.select %gt3A_1092, %select_n3A_1089, %select_n3A_1045 : vector<16xi1>, vector<16xf32>
      %select_n3A_1094 = arith.select %gt3A_1092, %select_n3A_1045, %select_n3A_1089 : vector<16xi1>, vector<16xf32>
      %select_n3A_1095 = arith.select %gt3A_1092, %select_n3A_1091, %select_n3A_1047 : vector<16xi1>, vector<16xi32>
      %select_n3A_1096 = arith.select %gt3A_1092, %select_n3A_1047, %select_n3A_1091 : vector<16xi1>, vector<16xi32>
      %gt3A_1097 = arith.cmpf ogt, %select_n3A_1094, %select_n3A_1050 : vector<16xf32>
      %select_n3A_1098 = arith.select %gt3A_1097, %select_n3A_1094, %select_n3A_1050 : vector<16xi1>, vector<16xf32>
      %select_n3A_1099 = arith.select %gt3A_1097, %select_n3A_1050, %select_n3A_1094 : vector<16xi1>, vector<16xf32>
      %select_n3A_1100 = arith.select %gt3A_1097, %select_n3A_1096, %select_n3A_1052 : vector<16xi1>, vector<16xi32>
      %select_n3A_1101 = arith.select %gt3A_1097, %select_n3A_1052, %select_n3A_1096 : vector<16xi1>, vector<16xi32>
      %gt3A_1102 = arith.cmpf ogt, %select_n3A_1099, %select_n3A_1055 : vector<16xf32>
      %select_n3A_1103 = arith.select %gt3A_1102, %select_n3A_1099, %select_n3A_1055 : vector<16xi1>, vector<16xf32>
      %select_n3A_1104 = arith.select %gt3A_1102, %select_n3A_1055, %select_n3A_1099 : vector<16xi1>, vector<16xf32>
      %select_n3A_1105 = arith.select %gt3A_1102, %select_n3A_1101, %select_n3A_1057 : vector<16xi1>, vector<16xi32>
      %select_n3A_1106 = arith.select %gt3A_1102, %select_n3A_1057, %select_n3A_1101 : vector<16xi1>, vector<16xi32>
      %gt3A_1107 = arith.cmpf ogt, %select_n3A_1104, %select_n3A_1060 : vector<16xf32>
      %select_n3A_1108 = arith.select %gt3A_1107, %select_n3A_1104, %select_n3A_1060 : vector<16xi1>, vector<16xf32>
      %select_n3A_1109 = arith.select %gt3A_1107, %select_n3A_1060, %select_n3A_1104 : vector<16xi1>, vector<16xf32>
      %select_n3A_1110 = arith.select %gt3A_1107, %select_n3A_1106, %select_n3A_1062 : vector<16xi1>, vector<16xi32>
      %select_n3A_1111 = arith.select %gt3A_1107, %select_n3A_1062, %select_n3A_1106 : vector<16xi1>, vector<16xi32>
      %gt3A_1112 = arith.cmpf ogt, %select_n3A_1109, %select_n3A_1065 : vector<16xf32>
      %select_n3A_1113 = arith.select %gt3A_1112, %select_n3A_1109, %select_n3A_1065 : vector<16xi1>, vector<16xf32>
      %select_n3A_1114 = arith.select %gt3A_1112, %select_n3A_1065, %select_n3A_1109 : vector<16xi1>, vector<16xf32>
      %select_n3A_1115 = arith.select %gt3A_1112, %select_n3A_1111, %select_n3A_1067 : vector<16xi1>, vector<16xi32>
      %select_n3A_1116 = arith.select %gt3A_1112, %select_n3A_1067, %select_n3A_1111 : vector<16xi1>, vector<16xi32>
      %mul3A_1117 = arith.constant 16 : i32
      %mul3A_1118 = arith.muli %scan3A_8, %mul3A_1117 : i32
      %get3A_1119 = arith.constant 23 : i32
      %get3A_1120 = arith.index_cast %get3A_1119 : i32 to index
      %get3A_1121 = arith.index_cast %mul3A_1118 : i32 to index
      %get3A_1122 = tpu.vector_load %arg5[%get3A_1120, %get3A_1121] {strides = array<i32>} : memref<64x256xf32, #tpu.memory_space<vmem>>, vector<16xf32>,
      %broadcast_in_dim3A_1123 = arith.constant 23 : i32
      %broadcast_in_dim3A_1124 = vector.broadcast %broadcast_in_dim3A_1123 : i32 to vector<16xi32>
      %gt3A_1125 = arith.cmpf ogt, %get3A_1122, %select_n3A_1078 : vector<16xf32>
      %select_n3A_1126 = arith.select %gt3A_1125, %get3A_1122, %select_n3A_1078 : vector<16xi1>, vector<16xf32>
      %select_n3A_1127 = arith.select %gt3A_1125, %select_n3A_1078, %get3A_1122 : vector<16xi1>, vector<16xf32>
      %select_n3A_1128 = arith.select %gt3A_1125, %broadcast_in_dim3A_1124, %select_n3A_1080 : vector<16xi1>, vector<16xi32>
      %select_n3A_1129 = arith.select %gt3A_1125, %select_n3A_1080, %broadcast_in_dim3A_1124 : vector<16xi1>, vector<16xi32>
      %gt3A_1130 = arith.cmpf ogt, %select_n3A_1127, %select_n3A_1083 : vector<16xf32>
      %select_n3A_1131 = arith.select %gt3A_1130, %select_n3A_1127, %select_n3A_1083 : vector<16xi1>, vector<16xf32>
      %select_n3A_1132 = arith.select %gt3A_1130, %select_n3A_1083, %select_n3A_1127 : vector<16xi1>, vector<16xf32>
      %select_n3A_1133 = arith.select %gt3A_1130, %select_n3A_1129, %select_n3A_1085 : vector<16xi1>, vector<16xi32>
      %select_n3A_1134 = arith.select %gt3A_1130, %select_n3A_1085, %select_n3A_1129 : vector<16xi1>, vector<16xi32>
      %gt3A_1135 = arith.cmpf ogt, %select_n3A_1132, %select_n3A_1088 : vector<16xf32>
      %select_n3A_1136 = arith.select %gt3A_1135, %select_n3A_1132, %select_n3A_1088 : vector<16xi1>, vector<16xf32>
      %select_n3A_1137 = arith.select %gt3A_1135, %select_n3A_1088, %select_n3A_1132 : vector<16xi1>, vector<16xf32>
      %select_n3A_1138 = arith.select %gt3A_1135, %select_n3A_1134, %select_n3A_1090 : vector<16xi1>, vector<16xi32>
      %select_n3A_1139 = arith.select %gt3A_1135, %select_n3A_1090, %select_n3A_1134 : vector<16xi1>, vector<16xi32>
      %gt3A_1140 = arith.cmpf ogt, %select_n3A_1137, %select_n3A_1093 : vector<16xf32>
      %select_n3A_1141 = arith.select %gt3A_1140, %select_n3A_1137, %select_n3A_1093 : vector<16xi1>, vector<16xf32>
      %select_n3A_1142 = arith.select %gt3A_1140, %select_n3A_1093, %select_n3A_1137 : vector<16xi1>, vector<16xf32>
      %select_n3A_1143 = arith.select %gt3A_1140, %select_n3A_1139, %select_n3A_1095 : vector<16xi1>, vector<16xi32>
      %select_n3A_1144 = arith.select %gt3A_1140, %select_n3A_1095, %select_n3A_1139 : vector<16xi1>, vector<16xi32>
      %gt3A_1145 = arith.cmpf ogt, %select_n3A_1142, %select_n3A_1098 : vector<16xf32>
      %select_n3A_1146 = arith.select %gt3A_1145, %select_n3A_1142, %select_n3A_1098 : vector<16xi1>, vector<16xf32>
      %select_n3A_1147 = arith.select %gt3A_1145, %select_n3A_1098, %select_n3A_1142 : vector<16xi1>, vector<16xf32>
      %select_n3A_1148 = arith.select %gt3A_1145, %select_n3A_1144, %select_n3A_1100 : vector<16xi1>, vector<16xi32>
      %select_n3A_1149 = arith.select %gt3A_1145, %select_n3A_1100, %select_n3A_1144 : vector<16xi1>, vector<16xi32>
      %gt3A_1150 = arith.cmpf ogt, %select_n3A_1147, %select_n3A_1103 : vector<16xf32>
      %select_n3A_1151 = arith.select %gt3A_1150, %select_n3A_1147, %select_n3A_1103 : vector<16xi1>, vector<16xf32>
      %select_n3A_1152 = arith.select %gt3A_1150, %select_n3A_1103, %select_n3A_1147 : vector<16xi1>, vector<16xf32>
      %select_n3A_1153 = arith.select %gt3A_1150, %select_n3A_1149, %select_n3A_1105 : vector<16xi1>, vector<16xi32>
      %select_n3A_1154 = arith.select %gt3A_1150, %select_n3A_1105, %select_n3A_1149 : vector<16xi1>, vector<16xi32>
      %gt3A_1155 = arith.cmpf ogt, %select_n3A_1152, %select_n3A_1108 : vector<16xf32>
      %select_n3A_1156 = arith.select %gt3A_1155, %select_n3A_1152, %select_n3A_1108 : vector<16xi1>, vector<16xf32>
      %select_n3A_1157 = arith.select %gt3A_1155, %select_n3A_1108, %select_n3A_1152 : vector<16xi1>, vector<16xf32>
      %select_n3A_1158 = arith.select %gt3A_1155, %select_n3A_1154, %select_n3A_1110 : vector<16xi1>, vector<16xi32>
      %select_n3A_1159 = arith.select %gt3A_1155, %select_n3A_1110, %select_n3A_1154 : vector<16xi1>, vector<16xi32>
      %gt3A_1160 = arith.cmpf ogt, %select_n3A_1157, %select_n3A_1113 : vector<16xf32>
      %select_n3A_1161 = arith.select %gt3A_1160, %select_n3A_1157, %select_n3A_1113 : vector<16xi1>, vector<16xf32>
      %select_n3A_1162 = arith.select %gt3A_1160, %select_n3A_1113, %select_n3A_1157 : vector<16xi1>, vector<16xf32>
      %select_n3A_1163 = arith.select %gt3A_1160, %select_n3A_1159, %select_n3A_1115 : vector<16xi1>, vector<16xi32>
      %select_n3A_1164 = arith.select %gt3A_1160, %select_n3A_1115, %select_n3A_1159 : vector<16xi1>, vector<16xi32>
      %mul3A_1165 = arith.constant 16 : i32
      %mul3A_1166 = arith.muli %scan3A_8, %mul3A_1165 : i32
      %get3A_1167 = arith.constant 24 : i32
      %get3A_1168 = arith.index_cast %get3A_1167 : i32 to index
      %get3A_1169 = arith.index_cast %mul3A_1166 : i32 to index
      %get3A_1170 = tpu.vector_load %arg5[%get3A_1168, %get3A_1169] {strides = array<i32>} : memref<64x256xf32, #tpu.memory_space<vmem>>, vector<16xf32>,
      %broadcast_in_dim3A_1171 = arith.constant 24 : i32
      %broadcast_in_dim3A_1172 = vector.broadcast %broadcast_in_dim3A_1171 : i32 to vector<16xi32>
      %gt3A_1173 = arith.cmpf ogt, %get3A_1170, %select_n3A_1126 : vector<16xf32>
      %select_n3A_1174 = arith.select %gt3A_1173, %get3A_1170, %select_n3A_1126 : vector<16xi1>, vector<16xf32>
      %select_n3A_1175 = arith.select %gt3A_1173, %select_n3A_1126, %get3A_1170 : vector<16xi1>, vector<16xf32>
      %select_n3A_1176 = arith.select %gt3A_1173, %broadcast_in_dim3A_1172, %select_n3A_1128 : vector<16xi1>, vector<16xi32>
      %select_n3A_1177 = arith.select %gt3A_1173, %select_n3A_1128, %broadcast_in_dim3A_1172 : vector<16xi1>, vector<16xi32>
      %gt3A_1178 = arith.cmpf ogt, %select_n3A_1175, %select_n3A_1131 : vector<16xf32>
      %select_n3A_1179 = arith.select %gt3A_1178, %select_n3A_1175, %select_n3A_1131 : vector<16xi1>, vector<16xf32>
      %select_n3A_1180 = arith.select %gt3A_1178, %select_n3A_1131, %select_n3A_1175 : vector<16xi1>, vector<16xf32>
      %select_n3A_1181 = arith.select %gt3A_1178, %select_n3A_1177, %select_n3A_1133 : vector<16xi1>, vector<16xi32>
      %select_n3A_1182 = arith.select %gt3A_1178, %select_n3A_1133, %select_n3A_1177 : vector<16xi1>, vector<16xi32>
      %gt3A_1183 = arith.cmpf ogt, %select_n3A_1180, %select_n3A_1136 : vector<16xf32>
      %select_n3A_1184 = arith.select %gt3A_1183, %select_n3A_1180, %select_n3A_1136 : vector<16xi1>, vector<16xf32>
      %select_n3A_1185 = arith.select %gt3A_1183, %select_n3A_1136, %select_n3A_1180 : vector<16xi1>, vector<16xf32>
      %select_n3A_1186 = arith.select %gt3A_1183, %select_n3A_1182, %select_n3A_1138 : vector<16xi1>, vector<16xi32>
      %select_n3A_1187 = arith.select %gt3A_1183, %select_n3A_1138, %select_n3A_1182 : vector<16xi1>, vector<16xi32>
      %gt3A_1188 = arith.cmpf ogt, %select_n3A_1185, %select_n3A_1141 : vector<16xf32>
      %select_n3A_1189 = arith.select %gt3A_1188, %select_n3A_1185, %select_n3A_1141 : vector<16xi1>, vector<16xf32>
      %select_n3A_1190 = arith.select %gt3A_1188, %select_n3A_1141, %select_n3A_1185 : vector<16xi1>, vector<16xf32>
      %select_n3A_1191 = arith.select %gt3A_1188, %select_n3A_1187, %select_n3A_1143 : vector<16xi1>, vector<16xi32>
      %select_n3A_1192 = arith.select %gt3A_1188, %select_n3A_1143, %select_n3A_1187 : vector<16xi1>, vector<16xi32>
      %gt3A_1193 = arith.cmpf ogt, %select_n3A_1190, %select_n3A_1146 : vector<16xf32>
      %select_n3A_1194 = arith.select %gt3A_1193, %select_n3A_1190, %select_n3A_1146 : vector<16xi1>, vector<16xf32>
      %select_n3A_1195 = arith.select %gt3A_1193, %select_n3A_1146, %select_n3A_1190 : vector<16xi1>, vector<16xf32>
      %select_n3A_1196 = arith.select %gt3A_1193, %select_n3A_1192, %select_n3A_1148 : vector<16xi1>, vector<16xi32>
      %select_n3A_1197 = arith.select %gt3A_1193, %select_n3A_1148, %select_n3A_1192 : vector<16xi1>, vector<16xi32>
      %gt3A_1198 = arith.cmpf ogt, %select_n3A_1195, %select_n3A_1151 : vector<16xf32>
      %select_n3A_1199 = arith.select %gt3A_1198, %select_n3A_1195, %select_n3A_1151 : vector<16xi1>, vector<16xf32>
      %select_n3A_1200 = arith.select %gt3A_1198, %select_n3A_1151, %select_n3A_1195 : vector<16xi1>, vector<16xf32>
      %select_n3A_1201 = arith.select %gt3A_1198, %select_n3A_1197, %select_n3A_1153 : vector<16xi1>, vector<16xi32>
      %select_n3A_1202 = arith.select %gt3A_1198, %select_n3A_1153, %select_n3A_1197 : vector<16xi1>, vector<16xi32>
      %gt3A_1203 = arith.cmpf ogt, %select_n3A_1200, %select_n3A_1156 : vector<16xf32>
      %select_n3A_1204 = arith.select %gt3A_1203, %select_n3A_1200, %select_n3A_1156 : vector<16xi1>, vector<16xf32>
      %select_n3A_1205 = arith.select %gt3A_1203, %select_n3A_1156, %select_n3A_1200 : vector<16xi1>, vector<16xf32>
      %select_n3A_1206 = arith.select %gt3A_1203, %select_n3A_1202, %select_n3A_1158 : vector<16xi1>, vector<16xi32>
      %select_n3A_1207 = arith.select %gt3A_1203, %select_n3A_1158, %select_n3A_1202 : vector<16xi1>, vector<16xi32>
      %gt3A_1208 = arith.cmpf ogt, %select_n3A_1205, %select_n3A_1161 : vector<16xf32>
      %select_n3A_1209 = arith.select %gt3A_1208, %select_n3A_1205, %select_n3A_1161 : vector<16xi1>, vector<16xf32>
      %select_n3A_1210 = arith.select %gt3A_1208, %select_n3A_1161, %select_n3A_1205 : vector<16xi1>, vector<16xf32>
      %select_n3A_1211 = arith.select %gt3A_1208, %select_n3A_1207, %select_n3A_1163 : vector<16xi1>, vector<16xi32>
      %select_n3A_1212 = arith.select %gt3A_1208, %select_n3A_1163, %select_n3A_1207 : vector<16xi1>, vector<16xi32>
      %mul3A_1213 = arith.constant 16 : i32
      %mul3A_1214 = arith.muli %scan3A_8, %mul3A_1213 : i32
      %get3A_1215 = arith.constant 25 : i32
      %get3A_1216 = arith.index_cast %get3A_1215 : i32 to index
      %get3A_1217 = arith.index_cast %mul3A_1214 : i32 to index
      %get3A_1218 = tpu.vector_load %arg5[%get3A_1216, %get3A_1217] {strides = array<i32>} : memref<64x256xf32, #tpu.memory_space<vmem>>, vector<16xf32>,
      %broadcast_in_dim3A_1219 = arith.constant 25 : i32
      %broadcast_in_dim3A_1220 = vector.broadcast %broadcast_in_dim3A_1219 : i32 to vector<16xi32>
      %gt3A_1221 = arith.cmpf ogt, %get3A_1218, %select_n3A_1174 : vector<16xf32>
      %select_n3A_1222 = arith.select %gt3A_1221, %get3A_1218, %select_n3A_1174 : vector<16xi1>, vector<16xf32>
      %select_n3A_1223 = arith.select %gt3A_1221, %select_n3A_1174, %get3A_1218 : vector<16xi1>, vector<16xf32>
      %select_n3A_1224 = arith.select %gt3A_1221, %broadcast_in_dim3A_1220, %select_n3A_1176 : vector<16xi1>, vector<16xi32>
      %select_n3A_1225 = arith.select %gt3A_1221, %select_n3A_1176, %broadcast_in_dim3A_1220 : vector<16xi1>, vector<16xi32>
      %gt3A_1226 = arith.cmpf ogt, %select_n3A_1223, %select_n3A_1179 : vector<16xf32>
      %select_n3A_1227 = arith.select %gt3A_1226, %select_n3A_1223, %select_n3A_1179 : vector<16xi1>, vector<16xf32>
      %select_n3A_1228 = arith.select %gt3A_1226, %select_n3A_1179, %select_n3A_1223 : vector<16xi1>, vector<16xf32>
      %select_n3A_1229 = arith.select %gt3A_1226, %select_n3A_1225, %select_n3A_1181 : vector<16xi1>, vector<16xi32>
      %select_n3A_1230 = arith.select %gt3A_1226, %select_n3A_1181, %select_n3A_1225 : vector<16xi1>, vector<16xi32>
      %gt3A_1231 = arith.cmpf ogt, %select_n3A_1228, %select_n3A_1184 : vector<16xf32>
      %select_n3A_1232 = arith.select %gt3A_1231, %select_n3A_1228, %select_n3A_1184 : vector<16xi1>, vector<16xf32>
      %select_n3A_1233 = arith.select %gt3A_1231, %select_n3A_1184, %select_n3A_1228 : vector<16xi1>, vector<16xf32>
      %select_n3A_1234 = arith.select %gt3A_1231, %select_n3A_1230, %select_n3A_1186 : vector<16xi1>, vector<16xi32>
      %select_n3A_1235 = arith.select %gt3A_1231, %select_n3A_1186, %select_n3A_1230 : vector<16xi1>, vector<16xi32>
      %gt3A_1236 = arith.cmpf ogt, %select_n3A_1233, %select_n3A_1189 : vector<16xf32>
      %select_n3A_1237 = arith.select %gt3A_1236, %select_n3A_1233, %select_n3A_1189 : vector<16xi1>, vector<16xf32>
      %select_n3A_1238 = arith.select %gt3A_1236, %select_n3A_1189, %select_n3A_1233 : vector<16xi1>, vector<16xf32>
      %select_n3A_1239 = arith.select %gt3A_1236, %select_n3A_1235, %select_n3A_1191 : vector<16xi1>, vector<16xi32>
      %select_n3A_1240 = arith.select %gt3A_1236, %select_n3A_1191, %select_n3A_1235 : vector<16xi1>, vector<16xi32>
      %gt3A_1241 = arith.cmpf ogt, %select_n3A_1238, %select_n3A_1194 : vector<16xf32>
      %select_n3A_1242 = arith.select %gt3A_1241, %select_n3A_1238, %select_n3A_1194 : vector<16xi1>, vector<16xf32>
      %select_n3A_1243 = arith.select %gt3A_1241, %select_n3A_1194, %select_n3A_1238 : vector<16xi1>, vector<16xf32>
      %select_n3A_1244 = arith.select %gt3A_1241, %select_n3A_1240, %select_n3A_1196 : vector<16xi1>, vector<16xi32>
      %select_n3A_1245 = arith.select %gt3A_1241, %select_n3A_1196, %select_n3A_1240 : vector<16xi1>, vector<16xi32>
      %gt3A_1246 = arith.cmpf ogt, %select_n3A_1243, %select_n3A_1199 : vector<16xf32>
      %select_n3A_1247 = arith.select %gt3A_1246, %select_n3A_1243, %select_n3A_1199 : vector<16xi1>, vector<16xf32>
      %select_n3A_1248 = arith.select %gt3A_1246, %select_n3A_1199, %select_n3A_1243 : vector<16xi1>, vector<16xf32>
      %select_n3A_1249 = arith.select %gt3A_1246, %select_n3A_1245, %select_n3A_1201 : vector<16xi1>, vector<16xi32>
      %select_n3A_1250 = arith.select %gt3A_1246, %select_n3A_1201, %select_n3A_1245 : vector<16xi1>, vector<16xi32>
      %gt3A_1251 = arith.cmpf ogt, %select_n3A_1248, %select_n3A_1204 : vector<16xf32>
      %select_n3A_1252 = arith.select %gt3A_1251, %select_n3A_1248, %select_n3A_1204 : vector<16xi1>, vector<16xf32>
      %select_n3A_1253 = arith.select %gt3A_1251, %select_n3A_1204, %select_n3A_1248 : vector<16xi1>, vector<16xf32>
      %select_n3A_1254 = arith.select %gt3A_1251, %select_n3A_1250, %select_n3A_1206 : vector<16xi1>, vector<16xi32>
      %select_n3A_1255 = arith.select %gt3A_1251, %select_n3A_1206, %select_n3A_1250 : vector<16xi1>, vector<16xi32>
      %gt3A_1256 = arith.cmpf ogt, %select_n3A_1253, %select_n3A_1209 : vector<16xf32>
      %select_n3A_1257 = arith.select %gt3A_1256, %select_n3A_1253, %select_n3A_1209 : vector<16xi1>, vector<16xf32>
      %select_n3A_1258 = arith.select %gt3A_1256, %select_n3A_1209, %select_n3A_1253 : vector<16xi1>, vector<16xf32>
      %select_n3A_1259 = arith.select %gt3A_1256, %select_n3A_1255, %select_n3A_1211 : vector<16xi1>, vector<16xi32>
      %select_n3A_1260 = arith.select %gt3A_1256, %select_n3A_1211, %select_n3A_1255 : vector<16xi1>, vector<16xi32>
      %mul3A_1261 = arith.constant 16 : i32
      %mul3A_1262 = arith.muli %scan3A_8, %mul3A_1261 : i32
      %get3A_1263 = arith.constant 26 : i32
      %get3A_1264 = arith.index_cast %get3A_1263 : i32 to index
      %get3A_1265 = arith.index_cast %mul3A_1262 : i32 to index
      %get3A_1266 = tpu.vector_load %arg5[%get3A_1264, %get3A_1265] {strides = array<i32>} : memref<64x256xf32, #tpu.memory_space<vmem>>, vector<16xf32>,
      %broadcast_in_dim3A_1267 = arith.constant 26 : i32
      %broadcast_in_dim3A_1268 = vector.broadcast %broadcast_in_dim3A_1267 : i32 to vector<16xi32>
      %gt3A_1269 = arith.cmpf ogt, %get3A_1266, %select_n3A_1222 : vector<16xf32>
      %select_n3A_1270 = arith.select %gt3A_1269, %get3A_1266, %select_n3A_1222 : vector<16xi1>, vector<16xf32>
      %select_n3A_1271 = arith.select %gt3A_1269, %select_n3A_1222, %get3A_1266 : vector<16xi1>, vector<16xf32>
      %select_n3A_1272 = arith.select %gt3A_1269, %broadcast_in_dim3A_1268, %select_n3A_1224 : vector<16xi1>, vector<16xi32>
      %select_n3A_1273 = arith.select %gt3A_1269, %select_n3A_1224, %broadcast_in_dim3A_1268 : vector<16xi1>, vector<16xi32>
      %gt3A_1274 = arith.cmpf ogt, %select_n3A_1271, %select_n3A_1227 : vector<16xf32>
      %select_n3A_1275 = arith.select %gt3A_1274, %select_n3A_1271, %select_n3A_1227 : vector<16xi1>, vector<16xf32>
      %select_n3A_1276 = arith.select %gt3A_1274, %select_n3A_1227, %select_n3A_1271 : vector<16xi1>, vector<16xf32>
      %select_n3A_1277 = arith.select %gt3A_1274, %select_n3A_1273, %select_n3A_1229 : vector<16xi1>, vector<16xi32>
      %select_n3A_1278 = arith.select %gt3A_1274, %select_n3A_1229, %select_n3A_1273 : vector<16xi1>, vector<16xi32>
      %gt3A_1279 = arith.cmpf ogt, %select_n3A_1276, %select_n3A_1232 : vector<16xf32>
      %select_n3A_1280 = arith.select %gt3A_1279, %select_n3A_1276, %select_n3A_1232 : vector<16xi1>, vector<16xf32>
      %select_n3A_1281 = arith.select %gt3A_1279, %select_n3A_1232, %select_n3A_1276 : vector<16xi1>, vector<16xf32>
      %select_n3A_1282 = arith.select %gt3A_1279, %select_n3A_1278, %select_n3A_1234 : vector<16xi1>, vector<16xi32>
      %select_n3A_1283 = arith.select %gt3A_1279, %select_n3A_1234, %select_n3A_1278 : vector<16xi1>, vector<16xi32>
      %gt3A_1284 = arith.cmpf ogt, %select_n3A_1281, %select_n3A_1237 : vector<16xf32>
      %select_n3A_1285 = arith.select %gt3A_1284, %select_n3A_1281, %select_n3A_1237 : vector<16xi1>, vector<16xf32>
      %select_n3A_1286 = arith.select %gt3A_1284, %select_n3A_1237, %select_n3A_1281 : vector<16xi1>, vector<16xf32>
      %select_n3A_1287 = arith.select %gt3A_1284, %select_n3A_1283, %select_n3A_1239 : vector<16xi1>, vector<16xi32>
      %select_n3A_1288 = arith.select %gt3A_1284, %select_n3A_1239, %select_n3A_1283 : vector<16xi1>, vector<16xi32>
      %gt3A_1289 = arith.cmpf ogt, %select_n3A_1286, %select_n3A_1242 : vector<16xf32>
      %select_n3A_1290 = arith.select %gt3A_1289, %select_n3A_1286, %select_n3A_1242 : vector<16xi1>, vector<16xf32>
      %select_n3A_1291 = arith.select %gt3A_1289, %select_n3A_1242, %select_n3A_1286 : vector<16xi1>, vector<16xf32>
      %select_n3A_1292 = arith.select %gt3A_1289, %select_n3A_1288, %select_n3A_1244 : vector<16xi1>, vector<16xi32>
      %select_n3A_1293 = arith.select %gt3A_1289, %select_n3A_1244, %select_n3A_1288 : vector<16xi1>, vector<16xi32>
      %gt3A_1294 = arith.cmpf ogt, %select_n3A_1291, %select_n3A_1247 : vector<16xf32>
      %select_n3A_1295 = arith.select %gt3A_1294, %select_n3A_1291, %select_n3A_1247 : vector<16xi1>, vector<16xf32>
      %select_n3A_1296 = arith.select %gt3A_1294, %select_n3A_1247, %select_n3A_1291 : vector<16xi1>, vector<16xf32>
      %select_n3A_1297 = arith.select %gt3A_1294, %select_n3A_1293, %select_n3A_1249 : vector<16xi1>, vector<16xi32>
      %select_n3A_1298 = arith.select %gt3A_1294, %select_n3A_1249, %select_n3A_1293 : vector<16xi1>, vector<16xi32>
      %gt3A_1299 = arith.cmpf ogt, %select_n3A_1296, %select_n3A_1252 : vector<16xf32>
      %select_n3A_1300 = arith.select %gt3A_1299, %select_n3A_1296, %select_n3A_1252 : vector<16xi1>, vector<16xf32>
      %select_n3A_1301 = arith.select %gt3A_1299, %select_n3A_1252, %select_n3A_1296 : vector<16xi1>, vector<16xf32>
      %select_n3A_1302 = arith.select %gt3A_1299, %select_n3A_1298, %select_n3A_1254 : vector<16xi1>, vector<16xi32>
      %select_n3A_1303 = arith.select %gt3A_1299, %select_n3A_1254, %select_n3A_1298 : vector<16xi1>, vector<16xi32>
      %gt3A_1304 = arith.cmpf ogt, %select_n3A_1301, %select_n3A_1257 : vector<16xf32>
      %select_n3A_1305 = arith.select %gt3A_1304, %select_n3A_1301, %select_n3A_1257 : vector<16xi1>, vector<16xf32>
      %select_n3A_1306 = arith.select %gt3A_1304, %select_n3A_1257, %select_n3A_1301 : vector<16xi1>, vector<16xf32>
      %select_n3A_1307 = arith.select %gt3A_1304, %select_n3A_1303, %select_n3A_1259 : vector<16xi1>, vector<16xi32>
      %select_n3A_1308 = arith.select %gt3A_1304, %select_n3A_1259, %select_n3A_1303 : vector<16xi1>, vector<16xi32>
      %mul3A_1309 = arith.constant 16 : i32
      %mul3A_1310 = arith.muli %scan3A_8, %mul3A_1309 : i32
      %get3A_1311 = arith.constant 27 : i32
      %get3A_1312 = arith.index_cast %get3A_1311 : i32 to index
      %get3A_1313 = arith.index_cast %mul3A_1310 : i32 to index
      %get3A_1314 = tpu.vector_load %arg5[%get3A_1312, %get3A_1313] {strides = array<i32>} : memref<64x256xf32, #tpu.memory_space<vmem>>, vector<16xf32>,
      %broadcast_in_dim3A_1315 = arith.constant 27 : i32
      %broadcast_in_dim3A_1316 = vector.broadcast %broadcast_in_dim3A_1315 : i32 to vector<16xi32>
      %gt3A_1317 = arith.cmpf ogt, %get3A_1314, %select_n3A_1270 : vector<16xf32>
      %select_n3A_1318 = arith.select %gt3A_1317, %get3A_1314, %select_n3A_1270 : vector<16xi1>, vector<16xf32>
      %select_n3A_1319 = arith.select %gt3A_1317, %select_n3A_1270, %get3A_1314 : vector<16xi1>, vector<16xf32>
      %select_n3A_1320 = arith.select %gt3A_1317, %broadcast_in_dim3A_1316, %select_n3A_1272 : vector<16xi1>, vector<16xi32>
      %select_n3A_1321 = arith.select %gt3A_1317, %select_n3A_1272, %broadcast_in_dim3A_1316 : vector<16xi1>, vector<16xi32>
      %gt3A_1322 = arith.cmpf ogt, %select_n3A_1319, %select_n3A_1275 : vector<16xf32>
      %select_n3A_1323 = arith.select %gt3A_1322, %select_n3A_1319, %select_n3A_1275 : vector<16xi1>, vector<16xf32>
      %select_n3A_1324 = arith.select %gt3A_1322, %select_n3A_1275, %select_n3A_1319 : vector<16xi1>, vector<16xf32>
      %select_n3A_1325 = arith.select %gt3A_1322, %select_n3A_1321, %select_n3A_1277 : vector<16xi1>, vector<16xi32>
      %select_n3A_1326 = arith.select %gt3A_1322, %select_n3A_1277, %select_n3A_1321 : vector<16xi1>, vector<16xi32>
      %gt3A_1327 = arith.cmpf ogt, %select_n3A_1324, %select_n3A_1280 : vector<16xf32>
      %select_n3A_1328 = arith.select %gt3A_1327, %select_n3A_1324, %select_n3A_1280 : vector<16xi1>, vector<16xf32>
      %select_n3A_1329 = arith.select %gt3A_1327, %select_n3A_1280, %select_n3A_1324 : vector<16xi1>, vector<16xf32>
      %select_n3A_1330 = arith.select %gt3A_1327, %select_n3A_1326, %select_n3A_1282 : vector<16xi1>, vector<16xi32>
      %select_n3A_1331 = arith.select %gt3A_1327, %select_n3A_1282, %select_n3A_1326 : vector<16xi1>, vector<16xi32>
      %gt3A_1332 = arith.cmpf ogt, %select_n3A_1329, %select_n3A_1285 : vector<16xf32>
      %select_n3A_1333 = arith.select %gt3A_1332, %select_n3A_1329, %select_n3A_1285 : vector<16xi1>, vector<16xf32>
      %select_n3A_1334 = arith.select %gt3A_1332, %select_n3A_1285, %select_n3A_1329 : vector<16xi1>, vector<16xf32>
      %select_n3A_1335 = arith.select %gt3A_1332, %select_n3A_1331, %select_n3A_1287 : vector<16xi1>, vector<16xi32>
      %select_n3A_1336 = arith.select %gt3A_1332, %select_n3A_1287, %select_n3A_1331 : vector<16xi1>, vector<16xi32>
      %gt3A_1337 = arith.cmpf ogt, %select_n3A_1334, %select_n3A_1290 : vector<16xf32>
      %select_n3A_1338 = arith.select %gt3A_1337, %select_n3A_1334, %select_n3A_1290 : vector<16xi1>, vector<16xf32>
      %select_n3A_1339 = arith.select %gt3A_1337, %select_n3A_1290, %select_n3A_1334 : vector<16xi1>, vector<16xf32>
      %select_n3A_1340 = arith.select %gt3A_1337, %select_n3A_1336, %select_n3A_1292 : vector<16xi1>, vector<16xi32>
      %select_n3A_1341 = arith.select %gt3A_1337, %select_n3A_1292, %select_n3A_1336 : vector<16xi1>, vector<16xi32>
      %gt3A_1342 = arith.cmpf ogt, %select_n3A_1339, %select_n3A_1295 : vector<16xf32>
      %select_n3A_1343 = arith.select %gt3A_1342, %select_n3A_1339, %select_n3A_1295 : vector<16xi1>, vector<16xf32>
      %select_n3A_1344 = arith.select %gt3A_1342, %select_n3A_1295, %select_n3A_1339 : vector<16xi1>, vector<16xf32>
      %select_n3A_1345 = arith.select %gt3A_1342, %select_n3A_1341, %select_n3A_1297 : vector<16xi1>, vector<16xi32>
      %select_n3A_1346 = arith.select %gt3A_1342, %select_n3A_1297, %select_n3A_1341 : vector<16xi1>, vector<16xi32>
      %gt3A_1347 = arith.cmpf ogt, %select_n3A_1344, %select_n3A_1300 : vector<16xf32>
      %select_n3A_1348 = arith.select %gt3A_1347, %select_n3A_1344, %select_n3A_1300 : vector<16xi1>, vector<16xf32>
      %select_n3A_1349 = arith.select %gt3A_1347, %select_n3A_1300, %select_n3A_1344 : vector<16xi1>, vector<16xf32>
      %select_n3A_1350 = arith.select %gt3A_1347, %select_n3A_1346, %select_n3A_1302 : vector<16xi1>, vector<16xi32>
      %select_n3A_1351 = arith.select %gt3A_1347, %select_n3A_1302, %select_n3A_1346 : vector<16xi1>, vector<16xi32>
      %gt3A_1352 = arith.cmpf ogt, %select_n3A_1349, %select_n3A_1305 : vector<16xf32>
      %select_n3A_1353 = arith.select %gt3A_1352, %select_n3A_1349, %select_n3A_1305 : vector<16xi1>, vector<16xf32>
      %select_n3A_1354 = arith.select %gt3A_1352, %select_n3A_1305, %select_n3A_1349 : vector<16xi1>, vector<16xf32>
      %select_n3A_1355 = arith.select %gt3A_1352, %select_n3A_1351, %select_n3A_1307 : vector<16xi1>, vector<16xi32>
      %select_n3A_1356 = arith.select %gt3A_1352, %select_n3A_1307, %select_n3A_1351 : vector<16xi1>, vector<16xi32>
      %mul3A_1357 = arith.constant 16 : i32
      %mul3A_1358 = arith.muli %scan3A_8, %mul3A_1357 : i32
      %get3A_1359 = arith.constant 28 : i32
      %get3A_1360 = arith.index_cast %get3A_1359 : i32 to index
      %get3A_1361 = arith.index_cast %mul3A_1358 : i32 to index
      %get3A_1362 = tpu.vector_load %arg5[%get3A_1360, %get3A_1361] {strides = array<i32>} : memref<64x256xf32, #tpu.memory_space<vmem>>, vector<16xf32>,
      %broadcast_in_dim3A_1363 = arith.constant 28 : i32
      %broadcast_in_dim3A_1364 = vector.broadcast %broadcast_in_dim3A_1363 : i32 to vector<16xi32>
      %gt3A_1365 = arith.cmpf ogt, %get3A_1362, %select_n3A_1318 : vector<16xf32>
      %select_n3A_1366 = arith.select %gt3A_1365, %get3A_1362, %select_n3A_1318 : vector<16xi1>, vector<16xf32>
      %select_n3A_1367 = arith.select %gt3A_1365, %select_n3A_1318, %get3A_1362 : vector<16xi1>, vector<16xf32>
      %select_n3A_1368 = arith.select %gt3A_1365, %broadcast_in_dim3A_1364, %select_n3A_1320 : vector<16xi1>, vector<16xi32>
      %select_n3A_1369 = arith.select %gt3A_1365, %select_n3A_1320, %broadcast_in_dim3A_1364 : vector<16xi1>, vector<16xi32>
      %gt3A_1370 = arith.cmpf ogt, %select_n3A_1367, %select_n3A_1323 : vector<16xf32>
      %select_n3A_1371 = arith.select %gt3A_1370, %select_n3A_1367, %select_n3A_1323 : vector<16xi1>, vector<16xf32>
      %select_n3A_1372 = arith.select %gt3A_1370, %select_n3A_1323, %select_n3A_1367 : vector<16xi1>, vector<16xf32>
      %select_n3A_1373 = arith.select %gt3A_1370, %select_n3A_1369, %select_n3A_1325 : vector<16xi1>, vector<16xi32>
      %select_n3A_1374 = arith.select %gt3A_1370, %select_n3A_1325, %select_n3A_1369 : vector<16xi1>, vector<16xi32>
      %gt3A_1375 = arith.cmpf ogt, %select_n3A_1372, %select_n3A_1328 : vector<16xf32>
      %select_n3A_1376 = arith.select %gt3A_1375, %select_n3A_1372, %select_n3A_1328 : vector<16xi1>, vector<16xf32>
      %select_n3A_1377 = arith.select %gt3A_1375, %select_n3A_1328, %select_n3A_1372 : vector<16xi1>, vector<16xf32>
      %select_n3A_1378 = arith.select %gt3A_1375, %select_n3A_1374, %select_n3A_1330 : vector<16xi1>, vector<16xi32>
      %select_n3A_1379 = arith.select %gt3A_1375, %select_n3A_1330, %select_n3A_1374 : vector<16xi1>, vector<16xi32>
      %gt3A_1380 = arith.cmpf ogt, %select_n3A_1377, %select_n3A_1333 : vector<16xf32>
      %select_n3A_1381 = arith.select %gt3A_1380, %select_n3A_1377, %select_n3A_1333 : vector<16xi1>, vector<16xf32>
      %select_n3A_1382 = arith.select %gt3A_1380, %select_n3A_1333, %select_n3A_1377 : vector<16xi1>, vector<16xf32>
      %select_n3A_1383 = arith.select %gt3A_1380, %select_n3A_1379, %select_n3A_1335 : vector<16xi1>, vector<16xi32>
      %select_n3A_1384 = arith.select %gt3A_1380, %select_n3A_1335, %select_n3A_1379 : vector<16xi1>, vector<16xi32>
      %gt3A_1385 = arith.cmpf ogt, %select_n3A_1382, %select_n3A_1338 : vector<16xf32>
      %select_n3A_1386 = arith.select %gt3A_1385, %select_n3A_1382, %select_n3A_1338 : vector<16xi1>, vector<16xf32>
      %select_n3A_1387 = arith.select %gt3A_1385, %select_n3A_1338, %select_n3A_1382 : vector<16xi1>, vector<16xf32>
      %select_n3A_1388 = arith.select %gt3A_1385, %select_n3A_1384, %select_n3A_1340 : vector<16xi1>, vector<16xi32>
      %select_n3A_1389 = arith.select %gt3A_1385, %select_n3A_1340, %select_n3A_1384 : vector<16xi1>, vector<16xi32>
      %gt3A_1390 = arith.cmpf ogt, %select_n3A_1387, %select_n3A_1343 : vector<16xf32>
      %select_n3A_1391 = arith.select %gt3A_1390, %select_n3A_1387, %select_n3A_1343 : vector<16xi1>, vector<16xf32>
      %select_n3A_1392 = arith.select %gt3A_1390, %select_n3A_1343, %select_n3A_1387 : vector<16xi1>, vector<16xf32>
      %select_n3A_1393 = arith.select %gt3A_1390, %select_n3A_1389, %select_n3A_1345 : vector<16xi1>, vector<16xi32>
      %select_n3A_1394 = arith.select %gt3A_1390, %select_n3A_1345, %select_n3A_1389 : vector<16xi1>, vector<16xi32>
      %gt3A_1395 = arith.cmpf ogt, %select_n3A_1392, %select_n3A_1348 : vector<16xf32>
      %select_n3A_1396 = arith.select %gt3A_1395, %select_n3A_1392, %select_n3A_1348 : vector<16xi1>, vector<16xf32>
      %select_n3A_1397 = arith.select %gt3A_1395, %select_n3A_1348, %select_n3A_1392 : vector<16xi1>, vector<16xf32>
      %select_n3A_1398 = arith.select %gt3A_1395, %select_n3A_1394, %select_n3A_1350 : vector<16xi1>, vector<16xi32>
      %select_n3A_1399 = arith.select %gt3A_1395, %select_n3A_1350, %select_n3A_1394 : vector<16xi1>, vector<16xi32>
      %gt3A_1400 = arith.cmpf ogt, %select_n3A_1397, %select_n3A_1353 : vector<16xf32>
      %select_n3A_1401 = arith.select %gt3A_1400, %select_n3A_1397, %select_n3A_1353 : vector<16xi1>, vector<16xf32>
      %select_n3A_1402 = arith.select %gt3A_1400, %select_n3A_1353, %select_n3A_1397 : vector<16xi1>, vector<16xf32>
      %select_n3A_1403 = arith.select %gt3A_1400, %select_n3A_1399, %select_n3A_1355 : vector<16xi1>, vector<16xi32>
      %select_n3A_1404 = arith.select %gt3A_1400, %select_n3A_1355, %select_n3A_1399 : vector<16xi1>, vector<16xi32>
      %mul3A_1405 = arith.constant 16 : i32
      %mul3A_1406 = arith.muli %scan3A_8, %mul3A_1405 : i32
      %get3A_1407 = arith.constant 29 : i32
      %get3A_1408 = arith.index_cast %get3A_1407 : i32 to index
      %get3A_1409 = arith.index_cast %mul3A_1406 : i32 to index
      %get3A_1410 = tpu.vector_load %arg5[%get3A_1408, %get3A_1409] {strides = array<i32>} : memref<64x256xf32, #tpu.memory_space<vmem>>, vector<16xf32>,
      %broadcast_in_dim3A_1411 = arith.constant 29 : i32
      %broadcast_in_dim3A_1412 = vector.broadcast %broadcast_in_dim3A_1411 : i32 to vector<16xi32>
      %gt3A_1413 = arith.cmpf ogt, %get3A_1410, %select_n3A_1366 : vector<16xf32>
      %select_n3A_1414 = arith.select %gt3A_1413, %get3A_1410, %select_n3A_1366 : vector<16xi1>, vector<16xf32>
      %select_n3A_1415 = arith.select %gt3A_1413, %select_n3A_1366, %get3A_1410 : vector<16xi1>, vector<16xf32>
      %select_n3A_1416 = arith.select %gt3A_1413, %broadcast_in_dim3A_1412, %select_n3A_1368 : vector<16xi1>, vector<16xi32>
      %select_n3A_1417 = arith.select %gt3A_1413, %select_n3A_1368, %broadcast_in_dim3A_1412 : vector<16xi1>, vector<16xi32>
      %gt3A_1418 = arith.cmpf ogt, %select_n3A_1415, %select_n3A_1371 : vector<16xf32>
      %select_n3A_1419 = arith.select %gt3A_1418, %select_n3A_1415, %select_n3A_1371 : vector<16xi1>, vector<16xf32>
      %select_n3A_1420 = arith.select %gt3A_1418, %select_n3A_1371, %select_n3A_1415 : vector<16xi1>, vector<16xf32>
      %select_n3A_1421 = arith.select %gt3A_1418, %select_n3A_1417, %select_n3A_1373 : vector<16xi1>, vector<16xi32>
      %select_n3A_1422 = arith.select %gt3A_1418, %select_n3A_1373, %select_n3A_1417 : vector<16xi1>, vector<16xi32>
      %gt3A_1423 = arith.cmpf ogt, %select_n3A_1420, %select_n3A_1376 : vector<16xf32>
      %select_n3A_1424 = arith.select %gt3A_1423, %select_n3A_1420, %select_n3A_1376 : vector<16xi1>, vector<16xf32>
      %select_n3A_1425 = arith.select %gt3A_1423, %select_n3A_1376, %select_n3A_1420 : vector<16xi1>, vector<16xf32>
      %select_n3A_1426 = arith.select %gt3A_1423, %select_n3A_1422, %select_n3A_1378 : vector<16xi1>, vector<16xi32>
      %select_n3A_1427 = arith.select %gt3A_1423, %select_n3A_1378, %select_n3A_1422 : vector<16xi1>, vector<16xi32>
      %gt3A_1428 = arith.cmpf ogt, %select_n3A_1425, %select_n3A_1381 : vector<16xf32>
      %select_n3A_1429 = arith.select %gt3A_1428, %select_n3A_1425, %select_n3A_1381 : vector<16xi1>, vector<16xf32>
      %select_n3A_1430 = arith.select %gt3A_1428, %select_n3A_1381, %select_n3A_1425 : vector<16xi1>, vector<16xf32>
      %select_n3A_1431 = arith.select %gt3A_1428, %select_n3A_1427, %select_n3A_1383 : vector<16xi1>, vector<16xi32>
      %select_n3A_1432 = arith.select %gt3A_1428, %select_n3A_1383, %select_n3A_1427 : vector<16xi1>, vector<16xi32>
      %gt3A_1433 = arith.cmpf ogt, %select_n3A_1430, %select_n3A_1386 : vector<16xf32>
      %select_n3A_1434 = arith.select %gt3A_1433, %select_n3A_1430, %select_n3A_1386 : vector<16xi1>, vector<16xf32>
      %select_n3A_1435 = arith.select %gt3A_1433, %select_n3A_1386, %select_n3A_1430 : vector<16xi1>, vector<16xf32>
      %select_n3A_1436 = arith.select %gt3A_1433, %select_n3A_1432, %select_n3A_1388 : vector<16xi1>, vector<16xi32>
      %select_n3A_1437 = arith.select %gt3A_1433, %select_n3A_1388, %select_n3A_1432 : vector<16xi1>, vector<16xi32>
      %gt3A_1438 = arith.cmpf ogt, %select_n3A_1435, %select_n3A_1391 : vector<16xf32>
      %select_n3A_1439 = arith.select %gt3A_1438, %select_n3A_1435, %select_n3A_1391 : vector<16xi1>, vector<16xf32>
      %select_n3A_1440 = arith.select %gt3A_1438, %select_n3A_1391, %select_n3A_1435 : vector<16xi1>, vector<16xf32>
      %select_n3A_1441 = arith.select %gt3A_1438, %select_n3A_1437, %select_n3A_1393 : vector<16xi1>, vector<16xi32>
      %select_n3A_1442 = arith.select %gt3A_1438, %select_n3A_1393, %select_n3A_1437 : vector<16xi1>, vector<16xi32>
      %gt3A_1443 = arith.cmpf ogt, %select_n3A_1440, %select_n3A_1396 : vector<16xf32>
      %select_n3A_1444 = arith.select %gt3A_1443, %select_n3A_1440, %select_n3A_1396 : vector<16xi1>, vector<16xf32>
      %select_n3A_1445 = arith.select %gt3A_1443, %select_n3A_1396, %select_n3A_1440 : vector<16xi1>, vector<16xf32>
      %select_n3A_1446 = arith.select %gt3A_1443, %select_n3A_1442, %select_n3A_1398 : vector<16xi1>, vector<16xi32>
      %select_n3A_1447 = arith.select %gt3A_1443, %select_n3A_1398, %select_n3A_1442 : vector<16xi1>, vector<16xi32>
      %gt3A_1448 = arith.cmpf ogt, %select_n3A_1445, %select_n3A_1401 : vector<16xf32>
      %select_n3A_1449 = arith.select %gt3A_1448, %select_n3A_1445, %select_n3A_1401 : vector<16xi1>, vector<16xf32>
      %select_n3A_1450 = arith.select %gt3A_1448, %select_n3A_1401, %select_n3A_1445 : vector<16xi1>, vector<16xf32>
      %select_n3A_1451 = arith.select %gt3A_1448, %select_n3A_1447, %select_n3A_1403 : vector<16xi1>, vector<16xi32>
      %select_n3A_1452 = arith.select %gt3A_1448, %select_n3A_1403, %select_n3A_1447 : vector<16xi1>, vector<16xi32>
      %mul3A_1453 = arith.constant 16 : i32
      %mul3A_1454 = arith.muli %scan3A_8, %mul3A_1453 : i32
      %get3A_1455 = arith.constant 30 : i32
      %get3A_1456 = arith.index_cast %get3A_1455 : i32 to index
      %get3A_1457 = arith.index_cast %mul3A_1454 : i32 to index
      %get3A_1458 = tpu.vector_load %arg5[%get3A_1456, %get3A_1457] {strides = array<i32>} : memref<64x256xf32, #tpu.memory_space<vmem>>, vector<16xf32>,
      %broadcast_in_dim3A_1459 = arith.constant 30 : i32
      %broadcast_in_dim3A_1460 = vector.broadcast %broadcast_in_dim3A_1459 : i32 to vector<16xi32>
      %gt3A_1461 = arith.cmpf ogt, %get3A_1458, %select_n3A_1414 : vector<16xf32>
      %select_n3A_1462 = arith.select %gt3A_1461, %get3A_1458, %select_n3A_1414 : vector<16xi1>, vector<16xf32>
      %select_n3A_1463 = arith.select %gt3A_1461, %select_n3A_1414, %get3A_1458 : vector<16xi1>, vector<16xf32>
      %select_n3A_1464 = arith.select %gt3A_1461, %broadcast_in_dim3A_1460, %select_n3A_1416 : vector<16xi1>, vector<16xi32>
      %select_n3A_1465 = arith.select %gt3A_1461, %select_n3A_1416, %broadcast_in_dim3A_1460 : vector<16xi1>, vector<16xi32>
      %gt3A_1466 = arith.cmpf ogt, %select_n3A_1463, %select_n3A_1419 : vector<16xf32>
      %select_n3A_1467 = arith.select %gt3A_1466, %select_n3A_1463, %select_n3A_1419 : vector<16xi1>, vector<16xf32>
      %select_n3A_1468 = arith.select %gt3A_1466, %select_n3A_1419, %select_n3A_1463 : vector<16xi1>, vector<16xf32>
      %select_n3A_1469 = arith.select %gt3A_1466, %select_n3A_1465, %select_n3A_1421 : vector<16xi1>, vector<16xi32>
      %select_n3A_1470 = arith.select %gt3A_1466, %select_n3A_1421, %select_n3A_1465 : vector<16xi1>, vector<16xi32>
      %gt3A_1471 = arith.cmpf ogt, %select_n3A_1468, %select_n3A_1424 : vector<16xf32>
      %select_n3A_1472 = arith.select %gt3A_1471, %select_n3A_1468, %select_n3A_1424 : vector<16xi1>, vector<16xf32>
      %select_n3A_1473 = arith.select %gt3A_1471, %select_n3A_1424, %select_n3A_1468 : vector<16xi1>, vector<16xf32>
      %select_n3A_1474 = arith.select %gt3A_1471, %select_n3A_1470, %select_n3A_1426 : vector<16xi1>, vector<16xi32>
      %select_n3A_1475 = arith.select %gt3A_1471, %select_n3A_1426, %select_n3A_1470 : vector<16xi1>, vector<16xi32>
      %gt3A_1476 = arith.cmpf ogt, %select_n3A_1473, %select_n3A_1429 : vector<16xf32>
      %select_n3A_1477 = arith.select %gt3A_1476, %select_n3A_1473, %select_n3A_1429 : vector<16xi1>, vector<16xf32>
      %select_n3A_1478 = arith.select %gt3A_1476, %select_n3A_1429, %select_n3A_1473 : vector<16xi1>, vector<16xf32>
      %select_n3A_1479 = arith.select %gt3A_1476, %select_n3A_1475, %select_n3A_1431 : vector<16xi1>, vector<16xi32>
      %select_n3A_1480 = arith.select %gt3A_1476, %select_n3A_1431, %select_n3A_1475 : vector<16xi1>, vector<16xi32>
      %gt3A_1481 = arith.cmpf ogt, %select_n3A_1478, %select_n3A_1434 : vector<16xf32>
      %select_n3A_1482 = arith.select %gt3A_1481, %select_n3A_1478, %select_n3A_1434 : vector<16xi1>, vector<16xf32>
      %select_n3A_1483 = arith.select %gt3A_1481, %select_n3A_1434, %select_n3A_1478 : vector<16xi1>, vector<16xf32>
      %select_n3A_1484 = arith.select %gt3A_1481, %select_n3A_1480, %select_n3A_1436 : vector<16xi1>, vector<16xi32>
      %select_n3A_1485 = arith.select %gt3A_1481, %select_n3A_1436, %select_n3A_1480 : vector<16xi1>, vector<16xi32>
      %gt3A_1486 = arith.cmpf ogt, %select_n3A_1483, %select_n3A_1439 : vector<16xf32>
      %select_n3A_1487 = arith.select %gt3A_1486, %select_n3A_1483, %select_n3A_1439 : vector<16xi1>, vector<16xf32>
      %select_n3A_1488 = arith.select %gt3A_1486, %select_n3A_1439, %select_n3A_1483 : vector<16xi1>, vector<16xf32>
      %select_n3A_1489 = arith.select %gt3A_1486, %select_n3A_1485, %select_n3A_1441 : vector<16xi1>, vector<16xi32>
      %select_n3A_1490 = arith.select %gt3A_1486, %select_n3A_1441, %select_n3A_1485 : vector<16xi1>, vector<16xi32>
      %gt3A_1491 = arith.cmpf ogt, %select_n3A_1488, %select_n3A_1444 : vector<16xf32>
      %select_n3A_1492 = arith.select %gt3A_1491, %select_n3A_1488, %select_n3A_1444 : vector<16xi1>, vector<16xf32>
      %select_n3A_1493 = arith.select %gt3A_1491, %select_n3A_1444, %select_n3A_1488 : vector<16xi1>, vector<16xf32>
      %select_n3A_1494 = arith.select %gt3A_1491, %select_n3A_1490, %select_n3A_1446 : vector<16xi1>, vector<16xi32>
      %select_n3A_1495 = arith.select %gt3A_1491, %select_n3A_1446, %select_n3A_1490 : vector<16xi1>, vector<16xi32>
      %gt3A_1496 = arith.cmpf ogt, %select_n3A_1493, %select_n3A_1449 : vector<16xf32>
      %select_n3A_1497 = arith.select %gt3A_1496, %select_n3A_1493, %select_n3A_1449 : vector<16xi1>, vector<16xf32>
      %select_n3A_1498 = arith.select %gt3A_1496, %select_n3A_1449, %select_n3A_1493 : vector<16xi1>, vector<16xf32>
      %select_n3A_1499 = arith.select %gt3A_1496, %select_n3A_1495, %select_n3A_1451 : vector<16xi1>, vector<16xi32>
      %select_n3A_1500 = arith.select %gt3A_1496, %select_n3A_1451, %select_n3A_1495 : vector<16xi1>, vector<16xi32>
      %mul3A_1501 = arith.constant 16 : i32
      %mul3A_1502 = arith.muli %scan3A_8, %mul3A_1501 : i32
      %get3A_1503 = arith.constant 31 : i32
      %get3A_1504 = arith.index_cast %get3A_1503 : i32 to index
      %get3A_1505 = arith.index_cast %mul3A_1502 : i32 to index
      %get3A_1506 = tpu.vector_load %arg5[%get3A_1504, %get3A_1505] {strides = array<i32>} : memref<64x256xf32, #tpu.memory_space<vmem>>, vector<16xf32>,
      %broadcast_in_dim3A_1507 = arith.constant 31 : i32
      %broadcast_in_dim3A_1508 = vector.broadcast %broadcast_in_dim3A_1507 : i32 to vector<16xi32>
      %gt3A_1509 = arith.cmpf ogt, %get3A_1506, %select_n3A_1462 : vector<16xf32>
      %select_n3A_1510 = arith.select %gt3A_1509, %get3A_1506, %select_n3A_1462 : vector<16xi1>, vector<16xf32>
      %select_n3A_1511 = arith.select %gt3A_1509, %select_n3A_1462, %get3A_1506 : vector<16xi1>, vector<16xf32>
      %select_n3A_1512 = arith.select %gt3A_1509, %broadcast_in_dim3A_1508, %select_n3A_1464 : vector<16xi1>, vector<16xi32>
      %select_n3A_1513 = arith.select %gt3A_1509, %select_n3A_1464, %broadcast_in_dim3A_1508 : vector<16xi1>, vector<16xi32>
      %gt3A_1514 = arith.cmpf ogt, %select_n3A_1511, %select_n3A_1467 : vector<16xf32>
      %select_n3A_1515 = arith.select %gt3A_1514, %select_n3A_1511, %select_n3A_1467 : vector<16xi1>, vector<16xf32>
      %select_n3A_1516 = arith.select %gt3A_1514, %select_n3A_1467, %select_n3A_1511 : vector<16xi1>, vector<16xf32>
      %select_n3A_1517 = arith.select %gt3A_1514, %select_n3A_1513, %select_n3A_1469 : vector<16xi1>, vector<16xi32>
      %select_n3A_1518 = arith.select %gt3A_1514, %select_n3A_1469, %select_n3A_1513 : vector<16xi1>, vector<16xi32>
      %gt3A_1519 = arith.cmpf ogt, %select_n3A_1516, %select_n3A_1472 : vector<16xf32>
      %select_n3A_1520 = arith.select %gt3A_1519, %select_n3A_1516, %select_n3A_1472 : vector<16xi1>, vector<16xf32>
      %select_n3A_1521 = arith.select %gt3A_1519, %select_n3A_1472, %select_n3A_1516 : vector<16xi1>, vector<16xf32>
      %select_n3A_1522 = arith.select %gt3A_1519, %select_n3A_1518, %select_n3A_1474 : vector<16xi1>, vector<16xi32>
      %select_n3A_1523 = arith.select %gt3A_1519, %select_n3A_1474, %select_n3A_1518 : vector<16xi1>, vector<16xi32>
      %gt3A_1524 = arith.cmpf ogt, %select_n3A_1521, %select_n3A_1477 : vector<16xf32>
      %select_n3A_1525 = arith.select %gt3A_1524, %select_n3A_1521, %select_n3A_1477 : vector<16xi1>, vector<16xf32>
      %select_n3A_1526 = arith.select %gt3A_1524, %select_n3A_1477, %select_n3A_1521 : vector<16xi1>, vector<16xf32>
      %select_n3A_1527 = arith.select %gt3A_1524, %select_n3A_1523, %select_n3A_1479 : vector<16xi1>, vector<16xi32>
      %select_n3A_1528 = arith.select %gt3A_1524, %select_n3A_1479, %select_n3A_1523 : vector<16xi1>, vector<16xi32>
      %gt3A_1529 = arith.cmpf ogt, %select_n3A_1526, %select_n3A_1482 : vector<16xf32>
      %select_n3A_1530 = arith.select %gt3A_1529, %select_n3A_1526, %select_n3A_1482 : vector<16xi1>, vector<16xf32>
      %select_n3A_1531 = arith.select %gt3A_1529, %select_n3A_1482, %select_n3A_1526 : vector<16xi1>, vector<16xf32>
      %select_n3A_1532 = arith.select %gt3A_1529, %select_n3A_1528, %select_n3A_1484 : vector<16xi1>, vector<16xi32>
      %select_n3A_1533 = arith.select %gt3A_1529, %select_n3A_1484, %select_n3A_1528 : vector<16xi1>, vector<16xi32>
      %gt3A_1534 = arith.cmpf ogt, %select_n3A_1531, %select_n3A_1487 : vector<16xf32>
      %select_n3A_1535 = arith.select %gt3A_1534, %select_n3A_1531, %select_n3A_1487 : vector<16xi1>, vector<16xf32>
      %select_n3A_1536 = arith.select %gt3A_1534, %select_n3A_1487, %select_n3A_1531 : vector<16xi1>, vector<16xf32>
      %select_n3A_1537 = arith.select %gt3A_1534, %select_n3A_1533, %select_n3A_1489 : vector<16xi1>, vector<16xi32>
      %select_n3A_1538 = arith.select %gt3A_1534, %select_n3A_1489, %select_n3A_1533 : vector<16xi1>, vector<16xi32>
      %gt3A_1539 = arith.cmpf ogt, %select_n3A_1536, %select_n3A_1492 : vector<16xf32>
      %select_n3A_1540 = arith.select %gt3A_1539, %select_n3A_1536, %select_n3A_1492 : vector<16xi1>, vector<16xf32>
      %select_n3A_1541 = arith.select %gt3A_1539, %select_n3A_1492, %select_n3A_1536 : vector<16xi1>, vector<16xf32>
      %select_n3A_1542 = arith.select %gt3A_1539, %select_n3A_1538, %select_n3A_1494 : vector<16xi1>, vector<16xi32>
      %select_n3A_1543 = arith.select %gt3A_1539, %select_n3A_1494, %select_n3A_1538 : vector<16xi1>, vector<16xi32>
      %gt3A_1544 = arith.cmpf ogt, %select_n3A_1541, %select_n3A_1497 : vector<16xf32>
      %select_n3A_1545 = arith.select %gt3A_1544, %select_n3A_1541, %select_n3A_1497 : vector<16xi1>, vector<16xf32>
      %select_n3A_1546 = arith.select %gt3A_1544, %select_n3A_1497, %select_n3A_1541 : vector<16xi1>, vector<16xf32>
      %select_n3A_1547 = arith.select %gt3A_1544, %select_n3A_1543, %select_n3A_1499 : vector<16xi1>, vector<16xi32>
      %select_n3A_1548 = arith.select %gt3A_1544, %select_n3A_1499, %select_n3A_1543 : vector<16xi1>, vector<16xi32>
      %mul3A_1549 = arith.constant 16 : i32
      %mul3A_1550 = arith.muli %scan3A_8, %mul3A_1549 : i32
      %get3A_1551 = arith.constant 32 : i32
      %get3A_1552 = arith.index_cast %get3A_1551 : i32 to index
      %get3A_1553 = arith.index_cast %mul3A_1550 : i32 to index
      %get3A_1554 = tpu.vector_load %arg5[%get3A_1552, %get3A_1553] {strides = array<i32>} : memref<64x256xf32, #tpu.memory_space<vmem>>, vector<16xf32>,
      %broadcast_in_dim3A_1555 = arith.constant 32 : i32
      %broadcast_in_dim3A_1556 = vector.broadcast %broadcast_in_dim3A_1555 : i32 to vector<16xi32>
      %gt3A_1557 = arith.cmpf ogt, %get3A_1554, %select_n3A_1510 : vector<16xf32>
      %select_n3A_1558 = arith.select %gt3A_1557, %get3A_1554, %select_n3A_1510 : vector<16xi1>, vector<16xf32>
      %select_n3A_1559 = arith.select %gt3A_1557, %select_n3A_1510, %get3A_1554 : vector<16xi1>, vector<16xf32>
      %select_n3A_1560 = arith.select %gt3A_1557, %broadcast_in_dim3A_1556, %select_n3A_1512 : vector<16xi1>, vector<16xi32>
      %select_n3A_1561 = arith.select %gt3A_1557, %select_n3A_1512, %broadcast_in_dim3A_1556 : vector<16xi1>, vector<16xi32>
      %gt3A_1562 = arith.cmpf ogt, %select_n3A_1559, %select_n3A_1515 : vector<16xf32>
      %select_n3A_1563 = arith.select %gt3A_1562, %select_n3A_1559, %select_n3A_1515 : vector<16xi1>, vector<16xf32>
      %select_n3A_1564 = arith.select %gt3A_1562, %select_n3A_1515, %select_n3A_1559 : vector<16xi1>, vector<16xf32>
      %select_n3A_1565 = arith.select %gt3A_1562, %select_n3A_1561, %select_n3A_1517 : vector<16xi1>, vector<16xi32>
      %select_n3A_1566 = arith.select %gt3A_1562, %select_n3A_1517, %select_n3A_1561 : vector<16xi1>, vector<16xi32>
      %gt3A_1567 = arith.cmpf ogt, %select_n3A_1564, %select_n3A_1520 : vector<16xf32>
      %select_n3A_1568 = arith.select %gt3A_1567, %select_n3A_1564, %select_n3A_1520 : vector<16xi1>, vector<16xf32>
      %select_n3A_1569 = arith.select %gt3A_1567, %select_n3A_1520, %select_n3A_1564 : vector<16xi1>, vector<16xf32>
      %select_n3A_1570 = arith.select %gt3A_1567, %select_n3A_1566, %select_n3A_1522 : vector<16xi1>, vector<16xi32>
      %select_n3A_1571 = arith.select %gt3A_1567, %select_n3A_1522, %select_n3A_1566 : vector<16xi1>, vector<16xi32>
      %gt3A_1572 = arith.cmpf ogt, %select_n3A_1569, %select_n3A_1525 : vector<16xf32>
      %select_n3A_1573 = arith.select %gt3A_1572, %select_n3A_1569, %select_n3A_1525 : vector<16xi1>, vector<16xf32>
      %select_n3A_1574 = arith.select %gt3A_1572, %select_n3A_1525, %select_n3A_1569 : vector<16xi1>, vector<16xf32>
      %select_n3A_1575 = arith.select %gt3A_1572, %select_n3A_1571, %select_n3A_1527 : vector<16xi1>, vector<16xi32>
      %select_n3A_1576 = arith.select %gt3A_1572, %select_n3A_1527, %select_n3A_1571 : vector<16xi1>, vector<16xi32>
      %gt3A_1577 = arith.cmpf ogt, %select_n3A_1574, %select_n3A_1530 : vector<16xf32>
      %select_n3A_1578 = arith.select %gt3A_1577, %select_n3A_1574, %select_n3A_1530 : vector<16xi1>, vector<16xf32>
      %select_n3A_1579 = arith.select %gt3A_1577, %select_n3A_1530, %select_n3A_1574 : vector<16xi1>, vector<16xf32>
      %select_n3A_1580 = arith.select %gt3A_1577, %select_n3A_1576, %select_n3A_1532 : vector<16xi1>, vector<16xi32>
      %select_n3A_1581 = arith.select %gt3A_1577, %select_n3A_1532, %select_n3A_1576 : vector<16xi1>, vector<16xi32>
      %gt3A_1582 = arith.cmpf ogt, %select_n3A_1579, %select_n3A_1535 : vector<16xf32>
      %select_n3A_1583 = arith.select %gt3A_1582, %select_n3A_1579, %select_n3A_1535 : vector<16xi1>, vector<16xf32>
      %select_n3A_1584 = arith.select %gt3A_1582, %select_n3A_1535, %select_n3A_1579 : vector<16xi1>, vector<16xf32>
      %select_n3A_1585 = arith.select %gt3A_1582, %select_n3A_1581, %select_n3A_1537 : vector<16xi1>, vector<16xi32>
      %select_n3A_1586 = arith.select %gt3A_1582, %select_n3A_1537, %select_n3A_1581 : vector<16xi1>, vector<16xi32>
      %gt3A_1587 = arith.cmpf ogt, %select_n3A_1584, %select_n3A_1540 : vector<16xf32>
      %select_n3A_1588 = arith.select %gt3A_1587, %select_n3A_1584, %select_n3A_1540 : vector<16xi1>, vector<16xf32>
      %select_n3A_1589 = arith.select %gt3A_1587, %select_n3A_1540, %select_n3A_1584 : vector<16xi1>, vector<16xf32>
      %select_n3A_1590 = arith.select %gt3A_1587, %select_n3A_1586, %select_n3A_1542 : vector<16xi1>, vector<16xi32>
      %select_n3A_1591 = arith.select %gt3A_1587, %select_n3A_1542, %select_n3A_1586 : vector<16xi1>, vector<16xi32>
      %gt3A_1592 = arith.cmpf ogt, %select_n3A_1589, %select_n3A_1545 : vector<16xf32>
      %select_n3A_1593 = arith.select %gt3A_1592, %select_n3A_1589, %select_n3A_1545 : vector<16xi1>, vector<16xf32>
      %select_n3A_1594 = arith.select %gt3A_1592, %select_n3A_1545, %select_n3A_1589 : vector<16xi1>, vector<16xf32>
      %select_n3A_1595 = arith.select %gt3A_1592, %select_n3A_1591, %select_n3A_1547 : vector<16xi1>, vector<16xi32>
      %select_n3A_1596 = arith.select %gt3A_1592, %select_n3A_1547, %select_n3A_1591 : vector<16xi1>, vector<16xi32>
      %mul3A_1597 = arith.constant 16 : i32
      %mul3A_1598 = arith.muli %scan3A_8, %mul3A_1597 : i32
      %get3A_1599 = arith.constant 33 : i32
      %get3A_1600 = arith.index_cast %get3A_1599 : i32 to index
      %get3A_1601 = arith.index_cast %mul3A_1598 : i32 to index
      %get3A_1602 = tpu.vector_load %arg5[%get3A_1600, %get3A_1601] {strides = array<i32>} : memref<64x256xf32, #tpu.memory_space<vmem>>, vector<16xf32>,
      %broadcast_in_dim3A_1603 = arith.constant 33 : i32
      %broadcast_in_dim3A_1604 = vector.broadcast %broadcast_in_dim3A_1603 : i32 to vector<16xi32>
      %gt3A_1605 = arith.cmpf ogt, %get3A_1602, %select_n3A_1558 : vector<16xf32>
      %select_n3A_1606 = arith.select %gt3A_1605, %get3A_1602, %select_n3A_1558 : vector<16xi1>, vector<16xf32>
      %select_n3A_1607 = arith.select %gt3A_1605, %select_n3A_1558, %get3A_1602 : vector<16xi1>, vector<16xf32>
      %select_n3A_1608 = arith.select %gt3A_1605, %broadcast_in_dim3A_1604, %select_n3A_1560 : vector<16xi1>, vector<16xi32>
      %select_n3A_1609 = arith.select %gt3A_1605, %select_n3A_1560, %broadcast_in_dim3A_1604 : vector<16xi1>, vector<16xi32>
      %gt3A_1610 = arith.cmpf ogt, %select_n3A_1607, %select_n3A_1563 : vector<16xf32>
      %select_n3A_1611 = arith.select %gt3A_1610, %select_n3A_1607, %select_n3A_1563 : vector<16xi1>, vector<16xf32>
      %select_n3A_1612 = arith.select %gt3A_1610, %select_n3A_1563, %select_n3A_1607 : vector<16xi1>, vector<16xf32>
      %select_n3A_1613 = arith.select %gt3A_1610, %select_n3A_1609, %select_n3A_1565 : vector<16xi1>, vector<16xi32>
      %select_n3A_1614 = arith.select %gt3A_1610, %select_n3A_1565, %select_n3A_1609 : vector<16xi1>, vector<16xi32>
      %gt3A_1615 = arith.cmpf ogt, %select_n3A_1612, %select_n3A_1568 : vector<16xf32>
      %select_n3A_1616 = arith.select %gt3A_1615, %select_n3A_1612, %select_n3A_1568 : vector<16xi1>, vector<16xf32>
      %select_n3A_1617 = arith.select %gt3A_1615, %select_n3A_1568, %select_n3A_1612 : vector<16xi1>, vector<16xf32>
      %select_n3A_1618 = arith.select %gt3A_1615, %select_n3A_1614, %select_n3A_1570 : vector<16xi1>, vector<16xi32>
      %select_n3A_1619 = arith.select %gt3A_1615, %select_n3A_1570, %select_n3A_1614 : vector<16xi1>, vector<16xi32>
      %gt3A_1620 = arith.cmpf ogt, %select_n3A_1617, %select_n3A_1573 : vector<16xf32>
      %select_n3A_1621 = arith.select %gt3A_1620, %select_n3A_1617, %select_n3A_1573 : vector<16xi1>, vector<16xf32>
      %select_n3A_1622 = arith.select %gt3A_1620, %select_n3A_1573, %select_n3A_1617 : vector<16xi1>, vector<16xf32>
      %select_n3A_1623 = arith.select %gt3A_1620, %select_n3A_1619, %select_n3A_1575 : vector<16xi1>, vector<16xi32>
      %select_n3A_1624 = arith.select %gt3A_1620, %select_n3A_1575, %select_n3A_1619 : vector<16xi1>, vector<16xi32>
      %gt3A_1625 = arith.cmpf ogt, %select_n3A_1622, %select_n3A_1578 : vector<16xf32>
      %select_n3A_1626 = arith.select %gt3A_1625, %select_n3A_1622, %select_n3A_1578 : vector<16xi1>, vector<16xf32>
      %select_n3A_1627 = arith.select %gt3A_1625, %select_n3A_1578, %select_n3A_1622 : vector<16xi1>, vector<16xf32>
      %select_n3A_1628 = arith.select %gt3A_1625, %select_n3A_1624, %select_n3A_1580 : vector<16xi1>, vector<16xi32>
      %select_n3A_1629 = arith.select %gt3A_1625, %select_n3A_1580, %select_n3A_1624 : vector<16xi1>, vector<16xi32>
      %gt3A_1630 = arith.cmpf ogt, %select_n3A_1627, %select_n3A_1583 : vector<16xf32>
      %select_n3A_1631 = arith.select %gt3A_1630, %select_n3A_1627, %select_n3A_1583 : vector<16xi1>, vector<16xf32>
      %select_n3A_1632 = arith.select %gt3A_1630, %select_n3A_1583, %select_n3A_1627 : vector<16xi1>, vector<16xf32>
      %select_n3A_1633 = arith.select %gt3A_1630, %select_n3A_1629, %select_n3A_1585 : vector<16xi1>, vector<16xi32>
      %select_n3A_1634 = arith.select %gt3A_1630, %select_n3A_1585, %select_n3A_1629 : vector<16xi1>, vector<16xi32>
      %gt3A_1635 = arith.cmpf ogt, %select_n3A_1632, %select_n3A_1588 : vector<16xf32>
      %select_n3A_1636 = arith.select %gt3A_1635, %select_n3A_1632, %select_n3A_1588 : vector<16xi1>, vector<16xf32>
      %select_n3A_1637 = arith.select %gt3A_1635, %select_n3A_1588, %select_n3A_1632 : vector<16xi1>, vector<16xf32>
      %select_n3A_1638 = arith.select %gt3A_1635, %select_n3A_1634, %select_n3A_1590 : vector<16xi1>, vector<16xi32>
      %select_n3A_1639 = arith.select %gt3A_1635, %select_n3A_1590, %select_n3A_1634 : vector<16xi1>, vector<16xi32>
      %gt3A_1640 = arith.cmpf ogt, %select_n3A_1637, %select_n3A_1593 : vector<16xf32>
      %select_n3A_1641 = arith.select %gt3A_1640, %select_n3A_1637, %select_n3A_1593 : vector<16xi1>, vector<16xf32>
      %select_n3A_1642 = arith.select %gt3A_1640, %select_n3A_1593, %select_n3A_1637 : vector<16xi1>, vector<16xf32>
      %select_n3A_1643 = arith.select %gt3A_1640, %select_n3A_1639, %select_n3A_1595 : vector<16xi1>, vector<16xi32>
      %select_n3A_1644 = arith.select %gt3A_1640, %select_n3A_1595, %select_n3A_1639 : vector<16xi1>, vector<16xi32>
      %mul3A_1645 = arith.constant 16 : i32
      %mul3A_1646 = arith.muli %scan3A_8, %mul3A_1645 : i32
      %get3A_1647 = arith.constant 34 : i32
      %get3A_1648 = arith.index_cast %get3A_1647 : i32 to index
      %get3A_1649 = arith.index_cast %mul3A_1646 : i32 to index
      %get3A_1650 = tpu.vector_load %arg5[%get3A_1648, %get3A_1649] {strides = array<i32>} : memref<64x256xf32, #tpu.memory_space<vmem>>, vector<16xf32>,
      %broadcast_in_dim3A_1651 = arith.constant 34 : i32
      %broadcast_in_dim3A_1652 = vector.broadcast %broadcast_in_dim3A_1651 : i32 to vector<16xi32>
      %gt3A_1653 = arith.cmpf ogt, %get3A_1650, %select_n3A_1606 : vector<16xf32>
      %select_n3A_1654 = arith.select %gt3A_1653, %get3A_1650, %select_n3A_1606 : vector<16xi1>, vector<16xf32>
      %select_n3A_1655 = arith.select %gt3A_1653, %select_n3A_1606, %get3A_1650 : vector<16xi1>, vector<16xf32>
      %select_n3A_1656 = arith.select %gt3A_1653, %broadcast_in_dim3A_1652, %select_n3A_1608 : vector<16xi1>, vector<16xi32>
      %select_n3A_1657 = arith.select %gt3A_1653, %select_n3A_1608, %broadcast_in_dim3A_1652 : vector<16xi1>, vector<16xi32>
      %gt3A_1658 = arith.cmpf ogt, %select_n3A_1655, %select_n3A_1611 : vector<16xf32>
      %select_n3A_1659 = arith.select %gt3A_1658, %select_n3A_1655, %select_n3A_1611 : vector<16xi1>, vector<16xf32>
      %select_n3A_1660 = arith.select %gt3A_1658, %select_n3A_1611, %select_n3A_1655 : vector<16xi1>, vector<16xf32>
      %select_n3A_1661 = arith.select %gt3A_1658, %select_n3A_1657, %select_n3A_1613 : vector<16xi1>, vector<16xi32>
      %select_n3A_1662 = arith.select %gt3A_1658, %select_n3A_1613, %select_n3A_1657 : vector<16xi1>, vector<16xi32>
      %gt3A_1663 = arith.cmpf ogt, %select_n3A_1660, %select_n3A_1616 : vector<16xf32>
      %select_n3A_1664 = arith.select %gt3A_1663, %select_n3A_1660, %select_n3A_1616 : vector<16xi1>, vector<16xf32>
      %select_n3A_1665 = arith.select %gt3A_1663, %select_n3A_1616, %select_n3A_1660 : vector<16xi1>, vector<16xf32>
      %select_n3A_1666 = arith.select %gt3A_1663, %select_n3A_1662, %select_n3A_1618 : vector<16xi1>, vector<16xi32>
      %select_n3A_1667 = arith.select %gt3A_1663, %select_n3A_1618, %select_n3A_1662 : vector<16xi1>, vector<16xi32>
      %gt3A_1668 = arith.cmpf ogt, %select_n3A_1665, %select_n3A_1621 : vector<16xf32>
      %select_n3A_1669 = arith.select %gt3A_1668, %select_n3A_1665, %select_n3A_1621 : vector<16xi1>, vector<16xf32>
      %select_n3A_1670 = arith.select %gt3A_1668, %select_n3A_1621, %select_n3A_1665 : vector<16xi1>, vector<16xf32>
      %select_n3A_1671 = arith.select %gt3A_1668, %select_n3A_1667, %select_n3A_1623 : vector<16xi1>, vector<16xi32>
      %select_n3A_1672 = arith.select %gt3A_1668, %select_n3A_1623, %select_n3A_1667 : vector<16xi1>, vector<16xi32>
      %gt3A_1673 = arith.cmpf ogt, %select_n3A_1670, %select_n3A_1626 : vector<16xf32>
      %select_n3A_1674 = arith.select %gt3A_1673, %select_n3A_1670, %select_n3A_1626 : vector<16xi1>, vector<16xf32>
      %select_n3A_1675 = arith.select %gt3A_1673, %select_n3A_1626, %select_n3A_1670 : vector<16xi1>, vector<16xf32>
      %select_n3A_1676 = arith.select %gt3A_1673, %select_n3A_1672, %select_n3A_1628 : vector<16xi1>, vector<16xi32>
      %select_n3A_1677 = arith.select %gt3A_1673, %select_n3A_1628, %select_n3A_1672 : vector<16xi1>, vector<16xi32>
      %gt3A_1678 = arith.cmpf ogt, %select_n3A_1675, %select_n3A_1631 : vector<16xf32>
      %select_n3A_1679 = arith.select %gt3A_1678, %select_n3A_1675, %select_n3A_1631 : vector<16xi1>, vector<16xf32>
      %select_n3A_1680 = arith.select %gt3A_1678, %select_n3A_1631, %select_n3A_1675 : vector<16xi1>, vector<16xf32>
      %select_n3A_1681 = arith.select %gt3A_1678, %select_n3A_1677, %select_n3A_1633 : vector<16xi1>, vector<16xi32>
      %select_n3A_1682 = arith.select %gt3A_1678, %select_n3A_1633, %select_n3A_1677 : vector<16xi1>, vector<16xi32>
      %gt3A_1683 = arith.cmpf ogt, %select_n3A_1680, %select_n3A_1636 : vector<16xf32>
      %select_n3A_1684 = arith.select %gt3A_1683, %select_n3A_1680, %select_n3A_1636 : vector<16xi1>, vector<16xf32>
      %select_n3A_1685 = arith.select %gt3A_1683, %select_n3A_1636, %select_n3A_1680 : vector<16xi1>, vector<16xf32>
      %select_n3A_1686 = arith.select %gt3A_1683, %select_n3A_1682, %select_n3A_1638 : vector<16xi1>, vector<16xi32>
      %select_n3A_1687 = arith.select %gt3A_1683, %select_n3A_1638, %select_n3A_1682 : vector<16xi1>, vector<16xi32>
      %gt3A_1688 = arith.cmpf ogt, %select_n3A_1685, %select_n3A_1641 : vector<16xf32>
      %select_n3A_1689 = arith.select %gt3A_1688, %select_n3A_1685, %select_n3A_1641 : vector<16xi1>, vector<16xf32>
      %select_n3A_1690 = arith.select %gt3A_1688, %select_n3A_1641, %select_n3A_1685 : vector<16xi1>, vector<16xf32>
      %select_n3A_1691 = arith.select %gt3A_1688, %select_n3A_1687, %select_n3A_1643 : vector<16xi1>, vector<16xi32>
      %select_n3A_1692 = arith.select %gt3A_1688, %select_n3A_1643, %select_n3A_1687 : vector<16xi1>, vector<16xi32>
      %mul3A_1693 = arith.constant 16 : i32
      %mul3A_1694 = arith.muli %scan3A_8, %mul3A_1693 : i32
      %get3A_1695 = arith.constant 35 : i32
      %get3A_1696 = arith.index_cast %get3A_1695 : i32 to index
      %get3A_1697 = arith.index_cast %mul3A_1694 : i32 to index
      %get3A_1698 = tpu.vector_load %arg5[%get3A_1696, %get3A_1697] {strides = array<i32>} : memref<64x256xf32, #tpu.memory_space<vmem>>, vector<16xf32>,
      %broadcast_in_dim3A_1699 = arith.constant 35 : i32
      %broadcast_in_dim3A_1700 = vector.broadcast %broadcast_in_dim3A_1699 : i32 to vector<16xi32>
      %gt3A_1701 = arith.cmpf ogt, %get3A_1698, %select_n3A_1654 : vector<16xf32>
      %select_n3A_1702 = arith.select %gt3A_1701, %get3A_1698, %select_n3A_1654 : vector<16xi1>, vector<16xf32>
      %select_n3A_1703 = arith.select %gt3A_1701, %select_n3A_1654, %get3A_1698 : vector<16xi1>, vector<16xf32>
      %select_n3A_1704 = arith.select %gt3A_1701, %broadcast_in_dim3A_1700, %select_n3A_1656 : vector<16xi1>, vector<16xi32>
      %select_n3A_1705 = arith.select %gt3A_1701, %select_n3A_1656, %broadcast_in_dim3A_1700 : vector<16xi1>, vector<16xi32>
      %gt3A_1706 = arith.cmpf ogt, %select_n3A_1703, %select_n3A_1659 : vector<16xf32>
      %select_n3A_1707 = arith.select %gt3A_1706, %select_n3A_1703, %select_n3A_1659 : vector<16xi1>, vector<16xf32>
      %select_n3A_1708 = arith.select %gt3A_1706, %select_n3A_1659, %select_n3A_1703 : vector<16xi1>, vector<16xf32>
      %select_n3A_1709 = arith.select %gt3A_1706, %select_n3A_1705, %select_n3A_1661 : vector<16xi1>, vector<16xi32>
      %select_n3A_1710 = arith.select %gt3A_1706, %select_n3A_1661, %select_n3A_1705 : vector<16xi1>, vector<16xi32>
      %gt3A_1711 = arith.cmpf ogt, %select_n3A_1708, %select_n3A_1664 : vector<16xf32>
      %select_n3A_1712 = arith.select %gt3A_1711, %select_n3A_1708, %select_n3A_1664 : vector<16xi1>, vector<16xf32>
      %select_n3A_1713 = arith.select %gt3A_1711, %select_n3A_1664, %select_n3A_1708 : vector<16xi1>, vector<16xf32>
      %select_n3A_1714 = arith.select %gt3A_1711, %select_n3A_1710, %select_n3A_1666 : vector<16xi1>, vector<16xi32>
      %select_n3A_1715 = arith.select %gt3A_1711, %select_n3A_1666, %select_n3A_1710 : vector<16xi1>, vector<16xi32>
      %gt3A_1716 = arith.cmpf ogt, %select_n3A_1713, %select_n3A_1669 : vector<16xf32>
      %select_n3A_1717 = arith.select %gt3A_1716, %select_n3A_1713, %select_n3A_1669 : vector<16xi1>, vector<16xf32>
      %select_n3A_1718 = arith.select %gt3A_1716, %select_n3A_1669, %select_n3A_1713 : vector<16xi1>, vector<16xf32>
      %select_n3A_1719 = arith.select %gt3A_1716, %select_n3A_1715, %select_n3A_1671 : vector<16xi1>, vector<16xi32>
      %select_n3A_1720 = arith.select %gt3A_1716, %select_n3A_1671, %select_n3A_1715 : vector<16xi1>, vector<16xi32>
      %gt3A_1721 = arith.cmpf ogt, %select_n3A_1718, %select_n3A_1674 : vector<16xf32>
      %select_n3A_1722 = arith.select %gt3A_1721, %select_n3A_1718, %select_n3A_1674 : vector<16xi1>, vector<16xf32>
      %select_n3A_1723 = arith.select %gt3A_1721, %select_n3A_1674, %select_n3A_1718 : vector<16xi1>, vector<16xf32>
      %select_n3A_1724 = arith.select %gt3A_1721, %select_n3A_1720, %select_n3A_1676 : vector<16xi1>, vector<16xi32>
      %select_n3A_1725 = arith.select %gt3A_1721, %select_n3A_1676, %select_n3A_1720 : vector<16xi1>, vector<16xi32>
      %gt3A_1726 = arith.cmpf ogt, %select_n3A_1723, %select_n3A_1679 : vector<16xf32>
      %select_n3A_1727 = arith.select %gt3A_1726, %select_n3A_1723, %select_n3A_1679 : vector<16xi1>, vector<16xf32>
      %select_n3A_1728 = arith.select %gt3A_1726, %select_n3A_1679, %select_n3A_1723 : vector<16xi1>, vector<16xf32>
      %select_n3A_1729 = arith.select %gt3A_1726, %select_n3A_1725, %select_n3A_1681 : vector<16xi1>, vector<16xi32>
      %select_n3A_1730 = arith.select %gt3A_1726, %select_n3A_1681, %select_n3A_1725 : vector<16xi1>, vector<16xi32>
      %gt3A_1731 = arith.cmpf ogt, %select_n3A_1728, %select_n3A_1684 : vector<16xf32>
      %select_n3A_1732 = arith.select %gt3A_1731, %select_n3A_1728, %select_n3A_1684 : vector<16xi1>, vector<16xf32>
      %select_n3A_1733 = arith.select %gt3A_1731, %select_n3A_1684, %select_n3A_1728 : vector<16xi1>, vector<16xf32>
      %select_n3A_1734 = arith.select %gt3A_1731, %select_n3A_1730, %select_n3A_1686 : vector<16xi1>, vector<16xi32>
      %select_n3A_1735 = arith.select %gt3A_1731, %select_n3A_1686, %select_n3A_1730 : vector<16xi1>, vector<16xi32>
      %gt3A_1736 = arith.cmpf ogt, %select_n3A_1733, %select_n3A_1689 : vector<16xf32>
      %select_n3A_1737 = arith.select %gt3A_1736, %select_n3A_1733, %select_n3A_1689 : vector<16xi1>, vector<16xf32>
      %select_n3A_1738 = arith.select %gt3A_1736, %select_n3A_1689, %select_n3A_1733 : vector<16xi1>, vector<16xf32>
      %select_n3A_1739 = arith.select %gt3A_1736, %select_n3A_1735, %select_n3A_1691 : vector<16xi1>, vector<16xi32>
      %select_n3A_1740 = arith.select %gt3A_1736, %select_n3A_1691, %select_n3A_1735 : vector<16xi1>, vector<16xi32>
      %mul3A_1741 = arith.constant 16 : i32
      %mul3A_1742 = arith.muli %scan3A_8, %mul3A_1741 : i32
      %get3A_1743 = arith.constant 36 : i32
      %get3A_1744 = arith.index_cast %get3A_1743 : i32 to index
      %get3A_1745 = arith.index_cast %mul3A_1742 : i32 to index
      %get3A_1746 = tpu.vector_load %arg5[%get3A_1744, %get3A_1745] {strides = array<i32>} : memref<64x256xf32, #tpu.memory_space<vmem>>, vector<16xf32>,
      %broadcast_in_dim3A_1747 = arith.constant 36 : i32
      %broadcast_in_dim3A_1748 = vector.broadcast %broadcast_in_dim3A_1747 : i32 to vector<16xi32>
      %gt3A_1749 = arith.cmpf ogt, %get3A_1746, %select_n3A_1702 : vector<16xf32>
      %select_n3A_1750 = arith.select %gt3A_1749, %get3A_1746, %select_n3A_1702 : vector<16xi1>, vector<16xf32>
      %select_n3A_1751 = arith.select %gt3A_1749, %select_n3A_1702, %get3A_1746 : vector<16xi1>, vector<16xf32>
      %select_n3A_1752 = arith.select %gt3A_1749, %broadcast_in_dim3A_1748, %select_n3A_1704 : vector<16xi1>, vector<16xi32>
      %select_n3A_1753 = arith.select %gt3A_1749, %select_n3A_1704, %broadcast_in_dim3A_1748 : vector<16xi1>, vector<16xi32>
      %gt3A_1754 = arith.cmpf ogt, %select_n3A_1751, %select_n3A_1707 : vector<16xf32>
      %select_n3A_1755 = arith.select %gt3A_1754, %select_n3A_1751, %select_n3A_1707 : vector<16xi1>, vector<16xf32>
      %select_n3A_1756 = arith.select %gt3A_1754, %select_n3A_1707, %select_n3A_1751 : vector<16xi1>, vector<16xf32>
      %select_n3A_1757 = arith.select %gt3A_1754, %select_n3A_1753, %select_n3A_1709 : vector<16xi1>, vector<16xi32>
      %select_n3A_1758 = arith.select %gt3A_1754, %select_n3A_1709, %select_n3A_1753 : vector<16xi1>, vector<16xi32>
      %gt3A_1759 = arith.cmpf ogt, %select_n3A_1756, %select_n3A_1712 : vector<16xf32>
      %select_n3A_1760 = arith.select %gt3A_1759, %select_n3A_1756, %select_n3A_1712 : vector<16xi1>, vector<16xf32>
      %select_n3A_1761 = arith.select %gt3A_1759, %select_n3A_1712, %select_n3A_1756 : vector<16xi1>, vector<16xf32>
      %select_n3A_1762 = arith.select %gt3A_1759, %select_n3A_1758, %select_n3A_1714 : vector<16xi1>, vector<16xi32>
      %select_n3A_1763 = arith.select %gt3A_1759, %select_n3A_1714, %select_n3A_1758 : vector<16xi1>, vector<16xi32>
      %gt3A_1764 = arith.cmpf ogt, %select_n3A_1761, %select_n3A_1717 : vector<16xf32>
      %select_n3A_1765 = arith.select %gt3A_1764, %select_n3A_1761, %select_n3A_1717 : vector<16xi1>, vector<16xf32>
      %select_n3A_1766 = arith.select %gt3A_1764, %select_n3A_1717, %select_n3A_1761 : vector<16xi1>, vector<16xf32>
      %select_n3A_1767 = arith.select %gt3A_1764, %select_n3A_1763, %select_n3A_1719 : vector<16xi1>, vector<16xi32>
      %select_n3A_1768 = arith.select %gt3A_1764, %select_n3A_1719, %select_n3A_1763 : vector<16xi1>, vector<16xi32>
      %gt3A_1769 = arith.cmpf ogt, %select_n3A_1766, %select_n3A_1722 : vector<16xf32>
      %select_n3A_1770 = arith.select %gt3A_1769, %select_n3A_1766, %select_n3A_1722 : vector<16xi1>, vector<16xf32>
      %select_n3A_1771 = arith.select %gt3A_1769, %select_n3A_1722, %select_n3A_1766 : vector<16xi1>, vector<16xf32>
      %select_n3A_1772 = arith.select %gt3A_1769, %select_n3A_1768, %select_n3A_1724 : vector<16xi1>, vector<16xi32>
      %select_n3A_1773 = arith.select %gt3A_1769, %select_n3A_1724, %select_n3A_1768 : vector<16xi1>, vector<16xi32>
      %gt3A_1774 = arith.cmpf ogt, %select_n3A_1771, %select_n3A_1727 : vector<16xf32>
      %select_n3A_1775 = arith.select %gt3A_1774, %select_n3A_1771, %select_n3A_1727 : vector<16xi1>, vector<16xf32>
      %select_n3A_1776 = arith.select %gt3A_1774, %select_n3A_1727, %select_n3A_1771 : vector<16xi1>, vector<16xf32>
      %select_n3A_1777 = arith.select %gt3A_1774, %select_n3A_1773, %select_n3A_1729 : vector<16xi1>, vector<16xi32>
      %select_n3A_1778 = arith.select %gt3A_1774, %select_n3A_1729, %select_n3A_1773 : vector<16xi1>, vector<16xi32>
      %gt3A_1779 = arith.cmpf ogt, %select_n3A_1776, %select_n3A_1732 : vector<16xf32>
      %select_n3A_1780 = arith.select %gt3A_1779, %select_n3A_1776, %select_n3A_1732 : vector<16xi1>, vector<16xf32>
      %select_n3A_1781 = arith.select %gt3A_1779, %select_n3A_1732, %select_n3A_1776 : vector<16xi1>, vector<16xf32>
      %select_n3A_1782 = arith.select %gt3A_1779, %select_n3A_1778, %select_n3A_1734 : vector<16xi1>, vector<16xi32>
      %select_n3A_1783 = arith.select %gt3A_1779, %select_n3A_1734, %select_n3A_1778 : vector<16xi1>, vector<16xi32>
      %gt3A_1784 = arith.cmpf ogt, %select_n3A_1781, %select_n3A_1737 : vector<16xf32>
      %select_n3A_1785 = arith.select %gt3A_1784, %select_n3A_1781, %select_n3A_1737 : vector<16xi1>, vector<16xf32>
      %select_n3A_1786 = arith.select %gt3A_1784, %select_n3A_1737, %select_n3A_1781 : vector<16xi1>, vector<16xf32>
      %select_n3A_1787 = arith.select %gt3A_1784, %select_n3A_1783, %select_n3A_1739 : vector<16xi1>, vector<16xi32>
      %select_n3A_1788 = arith.select %gt3A_1784, %select_n3A_1739, %select_n3A_1783 : vector<16xi1>, vector<16xi32>
      %mul3A_1789 = arith.constant 16 : i32
      %mul3A_1790 = arith.muli %scan3A_8, %mul3A_1789 : i32
      %get3A_1791 = arith.constant 37 : i32
      %get3A_1792 = arith.index_cast %get3A_1791 : i32 to index
      %get3A_1793 = arith.index_cast %mul3A_1790 : i32 to index
      %get3A_1794 = tpu.vector_load %arg5[%get3A_1792, %get3A_1793] {strides = array<i32>} : memref<64x256xf32, #tpu.memory_space<vmem>>, vector<16xf32>,
      %broadcast_in_dim3A_1795 = arith.constant 37 : i32
      %broadcast_in_dim3A_1796 = vector.broadcast %broadcast_in_dim3A_1795 : i32 to vector<16xi32>
      %gt3A_1797 = arith.cmpf ogt, %get3A_1794, %select_n3A_1750 : vector<16xf32>
      %select_n3A_1798 = arith.select %gt3A_1797, %get3A_1794, %select_n3A_1750 : vector<16xi1>, vector<16xf32>
      %select_n3A_1799 = arith.select %gt3A_1797, %select_n3A_1750, %get3A_1794 : vector<16xi1>, vector<16xf32>
      %select_n3A_1800 = arith.select %gt3A_1797, %broadcast_in_dim3A_1796, %select_n3A_1752 : vector<16xi1>, vector<16xi32>
      %select_n3A_1801 = arith.select %gt3A_1797, %select_n3A_1752, %broadcast_in_dim3A_1796 : vector<16xi1>, vector<16xi32>
      %gt3A_1802 = arith.cmpf ogt, %select_n3A_1799, %select_n3A_1755 : vector<16xf32>
      %select_n3A_1803 = arith.select %gt3A_1802, %select_n3A_1799, %select_n3A_1755 : vector<16xi1>, vector<16xf32>
      %select_n3A_1804 = arith.select %gt3A_1802, %select_n3A_1755, %select_n3A_1799 : vector<16xi1>, vector<16xf32>
      %select_n3A_1805 = arith.select %gt3A_1802, %select_n3A_1801, %select_n3A_1757 : vector<16xi1>, vector<16xi32>
      %select_n3A_1806 = arith.select %gt3A_1802, %select_n3A_1757, %select_n3A_1801 : vector<16xi1>, vector<16xi32>
      %gt3A_1807 = arith.cmpf ogt, %select_n3A_1804, %select_n3A_1760 : vector<16xf32>
      %select_n3A_1808 = arith.select %gt3A_1807, %select_n3A_1804, %select_n3A_1760 : vector<16xi1>, vector<16xf32>
      %select_n3A_1809 = arith.select %gt3A_1807, %select_n3A_1760, %select_n3A_1804 : vector<16xi1>, vector<16xf32>
      %select_n3A_1810 = arith.select %gt3A_1807, %select_n3A_1806, %select_n3A_1762 : vector<16xi1>, vector<16xi32>
      %select_n3A_1811 = arith.select %gt3A_1807, %select_n3A_1762, %select_n3A_1806 : vector<16xi1>, vector<16xi32>
      %gt3A_1812 = arith.cmpf ogt, %select_n3A_1809, %select_n3A_1765 : vector<16xf32>
      %select_n3A_1813 = arith.select %gt3A_1812, %select_n3A_1809, %select_n3A_1765 : vector<16xi1>, vector<16xf32>
      %select_n3A_1814 = arith.select %gt3A_1812, %select_n3A_1765, %select_n3A_1809 : vector<16xi1>, vector<16xf32>
      %select_n3A_1815 = arith.select %gt3A_1812, %select_n3A_1811, %select_n3A_1767 : vector<16xi1>, vector<16xi32>
      %select_n3A_1816 = arith.select %gt3A_1812, %select_n3A_1767, %select_n3A_1811 : vector<16xi1>, vector<16xi32>
      %gt3A_1817 = arith.cmpf ogt, %select_n3A_1814, %select_n3A_1770 : vector<16xf32>
      %select_n3A_1818 = arith.select %gt3A_1817, %select_n3A_1814, %select_n3A_1770 : vector<16xi1>, vector<16xf32>
      %select_n3A_1819 = arith.select %gt3A_1817, %select_n3A_1770, %select_n3A_1814 : vector<16xi1>, vector<16xf32>
      %select_n3A_1820 = arith.select %gt3A_1817, %select_n3A_1816, %select_n3A_1772 : vector<16xi1>, vector<16xi32>
      %select_n3A_1821 = arith.select %gt3A_1817, %select_n3A_1772, %select_n3A_1816 : vector<16xi1>, vector<16xi32>
      %gt3A_1822 = arith.cmpf ogt, %select_n3A_1819, %select_n3A_1775 : vector<16xf32>
      %select_n3A_1823 = arith.select %gt3A_1822, %select_n3A_1819, %select_n3A_1775 : vector<16xi1>, vector<16xf32>
      %select_n3A_1824 = arith.select %gt3A_1822, %select_n3A_1775, %select_n3A_1819 : vector<16xi1>, vector<16xf32>
      %select_n3A_1825 = arith.select %gt3A_1822, %select_n3A_1821, %select_n3A_1777 : vector<16xi1>, vector<16xi32>
      %select_n3A_1826 = arith.select %gt3A_1822, %select_n3A_1777, %select_n3A_1821 : vector<16xi1>, vector<16xi32>
      %gt3A_1827 = arith.cmpf ogt, %select_n3A_1824, %select_n3A_1780 : vector<16xf32>
      %select_n3A_1828 = arith.select %gt3A_1827, %select_n3A_1824, %select_n3A_1780 : vector<16xi1>, vector<16xf32>
      %select_n3A_1829 = arith.select %gt3A_1827, %select_n3A_1780, %select_n3A_1824 : vector<16xi1>, vector<16xf32>
      %select_n3A_1830 = arith.select %gt3A_1827, %select_n3A_1826, %select_n3A_1782 : vector<16xi1>, vector<16xi32>
      %select_n3A_1831 = arith.select %gt3A_1827, %select_n3A_1782, %select_n3A_1826 : vector<16xi1>, vector<16xi32>
      %gt3A_1832 = arith.cmpf ogt, %select_n3A_1829, %select_n3A_1785 : vector<16xf32>
      %select_n3A_1833 = arith.select %gt3A_1832, %select_n3A_1829, %select_n3A_1785 : vector<16xi1>, vector<16xf32>
      %select_n3A_1834 = arith.select %gt3A_1832, %select_n3A_1785, %select_n3A_1829 : vector<16xi1>, vector<16xf32>
      %select_n3A_1835 = arith.select %gt3A_1832, %select_n3A_1831, %select_n3A_1787 : vector<16xi1>, vector<16xi32>
      %select_n3A_1836 = arith.select %gt3A_1832, %select_n3A_1787, %select_n3A_1831 : vector<16xi1>, vector<16xi32>
      %mul3A_1837 = arith.constant 16 : i32
      %mul3A_1838 = arith.muli %scan3A_8, %mul3A_1837 : i32
      %get3A_1839 = arith.constant 38 : i32
      %get3A_1840 = arith.index_cast %get3A_1839 : i32 to index
      %get3A_1841 = arith.index_cast %mul3A_1838 : i32 to index
      %get3A_1842 = tpu.vector_load %arg5[%get3A_1840, %get3A_1841] {strides = array<i32>} : memref<64x256xf32, #tpu.memory_space<vmem>>, vector<16xf32>,
      %broadcast_in_dim3A_1843 = arith.constant 38 : i32
      %broadcast_in_dim3A_1844 = vector.broadcast %broadcast_in_dim3A_1843 : i32 to vector<16xi32>
      %gt3A_1845 = arith.cmpf ogt, %get3A_1842, %select_n3A_1798 : vector<16xf32>
      %select_n3A_1846 = arith.select %gt3A_1845, %get3A_1842, %select_n3A_1798 : vector<16xi1>, vector<16xf32>
      %select_n3A_1847 = arith.select %gt3A_1845, %select_n3A_1798, %get3A_1842 : vector<16xi1>, vector<16xf32>
      %select_n3A_1848 = arith.select %gt3A_1845, %broadcast_in_dim3A_1844, %select_n3A_1800 : vector<16xi1>, vector<16xi32>
      %select_n3A_1849 = arith.select %gt3A_1845, %select_n3A_1800, %broadcast_in_dim3A_1844 : vector<16xi1>, vector<16xi32>
      %gt3A_1850 = arith.cmpf ogt, %select_n3A_1847, %select_n3A_1803 : vector<16xf32>
      %select_n3A_1851 = arith.select %gt3A_1850, %select_n3A_1847, %select_n3A_1803 : vector<16xi1>, vector<16xf32>
      %select_n3A_1852 = arith.select %gt3A_1850, %select_n3A_1803, %select_n3A_1847 : vector<16xi1>, vector<16xf32>
      %select_n3A_1853 = arith.select %gt3A_1850, %select_n3A_1849, %select_n3A_1805 : vector<16xi1>, vector<16xi32>
      %select_n3A_1854 = arith.select %gt3A_1850, %select_n3A_1805, %select_n3A_1849 : vector<16xi1>, vector<16xi32>
      %gt3A_1855 = arith.cmpf ogt, %select_n3A_1852, %select_n3A_1808 : vector<16xf32>
      %select_n3A_1856 = arith.select %gt3A_1855, %select_n3A_1852, %select_n3A_1808 : vector<16xi1>, vector<16xf32>
      %select_n3A_1857 = arith.select %gt3A_1855, %select_n3A_1808, %select_n3A_1852 : vector<16xi1>, vector<16xf32>
      %select_n3A_1858 = arith.select %gt3A_1855, %select_n3A_1854, %select_n3A_1810 : vector<16xi1>, vector<16xi32>
      %select_n3A_1859 = arith.select %gt3A_1855, %select_n3A_1810, %select_n3A_1854 : vector<16xi1>, vector<16xi32>
      %gt3A_1860 = arith.cmpf ogt, %select_n3A_1857, %select_n3A_1813 : vector<16xf32>
      %select_n3A_1861 = arith.select %gt3A_1860, %select_n3A_1857, %select_n3A_1813 : vector<16xi1>, vector<16xf32>
      %select_n3A_1862 = arith.select %gt3A_1860, %select_n3A_1813, %select_n3A_1857 : vector<16xi1>, vector<16xf32>
      %select_n3A_1863 = arith.select %gt3A_1860, %select_n3A_1859, %select_n3A_1815 : vector<16xi1>, vector<16xi32>
      %select_n3A_1864 = arith.select %gt3A_1860, %select_n3A_1815, %select_n3A_1859 : vector<16xi1>, vector<16xi32>
      %gt3A_1865 = arith.cmpf ogt, %select_n3A_1862, %select_n3A_1818 : vector<16xf32>
      %select_n3A_1866 = arith.select %gt3A_1865, %select_n3A_1862, %select_n3A_1818 : vector<16xi1>, vector<16xf32>
      %select_n3A_1867 = arith.select %gt3A_1865, %select_n3A_1818, %select_n3A_1862 : vector<16xi1>, vector<16xf32>
      %select_n3A_1868 = arith.select %gt3A_1865, %select_n3A_1864, %select_n3A_1820 : vector<16xi1>, vector<16xi32>
      %select_n3A_1869 = arith.select %gt3A_1865, %select_n3A_1820, %select_n3A_1864 : vector<16xi1>, vector<16xi32>
      %gt3A_1870 = arith.cmpf ogt, %select_n3A_1867, %select_n3A_1823 : vector<16xf32>
      %select_n3A_1871 = arith.select %gt3A_1870, %select_n3A_1867, %select_n3A_1823 : vector<16xi1>, vector<16xf32>
      %select_n3A_1872 = arith.select %gt3A_1870, %select_n3A_1823, %select_n3A_1867 : vector<16xi1>, vector<16xf32>
      %select_n3A_1873 = arith.select %gt3A_1870, %select_n3A_1869, %select_n3A_1825 : vector<16xi1>, vector<16xi32>
      %select_n3A_1874 = arith.select %gt3A_1870, %select_n3A_1825, %select_n3A_1869 : vector<16xi1>, vector<16xi32>
      %gt3A_1875 = arith.cmpf ogt, %select_n3A_1872, %select_n3A_1828 : vector<16xf32>
      %select_n3A_1876 = arith.select %gt3A_1875, %select_n3A_1872, %select_n3A_1828 : vector<16xi1>, vector<16xf32>
      %select_n3A_1877 = arith.select %gt3A_1875, %select_n3A_1828, %select_n3A_1872 : vector<16xi1>, vector<16xf32>
      %select_n3A_1878 = arith.select %gt3A_1875, %select_n3A_1874, %select_n3A_1830 : vector<16xi1>, vector<16xi32>
      %select_n3A_1879 = arith.select %gt3A_1875, %select_n3A_1830, %select_n3A_1874 : vector<16xi1>, vector<16xi32>
      %gt3A_1880 = arith.cmpf ogt, %select_n3A_1877, %select_n3A_1833 : vector<16xf32>
      %select_n3A_1881 = arith.select %gt3A_1880, %select_n3A_1877, %select_n3A_1833 : vector<16xi1>, vector<16xf32>
      %select_n3A_1882 = arith.select %gt3A_1880, %select_n3A_1833, %select_n3A_1877 : vector<16xi1>, vector<16xf32>
      %select_n3A_1883 = arith.select %gt3A_1880, %select_n3A_1879, %select_n3A_1835 : vector<16xi1>, vector<16xi32>
      %select_n3A_1884 = arith.select %gt3A_1880, %select_n3A_1835, %select_n3A_1879 : vector<16xi1>, vector<16xi32>
      %mul3A_1885 = arith.constant 16 : i32
      %mul3A_1886 = arith.muli %scan3A_8, %mul3A_1885 : i32
      %get3A_1887 = arith.constant 39 : i32
      %get3A_1888 = arith.index_cast %get3A_1887 : i32 to index
      %get3A_1889 = arith.index_cast %mul3A_1886 : i32 to index
      %get3A_1890 = tpu.vector_load %arg5[%get3A_1888, %get3A_1889] {strides = array<i32>} : memref<64x256xf32, #tpu.memory_space<vmem>>, vector<16xf32>,
      %broadcast_in_dim3A_1891 = arith.constant 39 : i32
      %broadcast_in_dim3A_1892 = vector.broadcast %broadcast_in_dim3A_1891 : i32 to vector<16xi32>
      %gt3A_1893 = arith.cmpf ogt, %get3A_1890, %select_n3A_1846 : vector<16xf32>
      %select_n3A_1894 = arith.select %gt3A_1893, %get3A_1890, %select_n3A_1846 : vector<16xi1>, vector<16xf32>
      %select_n3A_1895 = arith.select %gt3A_1893, %select_n3A_1846, %get3A_1890 : vector<16xi1>, vector<16xf32>
      %select_n3A_1896 = arith.select %gt3A_1893, %broadcast_in_dim3A_1892, %select_n3A_1848 : vector<16xi1>, vector<16xi32>
      %select_n3A_1897 = arith.select %gt3A_1893, %select_n3A_1848, %broadcast_in_dim3A_1892 : vector<16xi1>, vector<16xi32>
      %gt3A_1898 = arith.cmpf ogt, %select_n3A_1895, %select_n3A_1851 : vector<16xf32>
      %select_n3A_1899 = arith.select %gt3A_1898, %select_n3A_1895, %select_n3A_1851 : vector<16xi1>, vector<16xf32>
      %select_n3A_1900 = arith.select %gt3A_1898, %select_n3A_1851, %select_n3A_1895 : vector<16xi1>, vector<16xf32>
      %select_n3A_1901 = arith.select %gt3A_1898, %select_n3A_1897, %select_n3A_1853 : vector<16xi1>, vector<16xi32>
      %select_n3A_1902 = arith.select %gt3A_1898, %select_n3A_1853, %select_n3A_1897 : vector<16xi1>, vector<16xi32>
      %gt3A_1903 = arith.cmpf ogt, %select_n3A_1900, %select_n3A_1856 : vector<16xf32>
      %select_n3A_1904 = arith.select %gt3A_1903, %select_n3A_1900, %select_n3A_1856 : vector<16xi1>, vector<16xf32>
      %select_n3A_1905 = arith.select %gt3A_1903, %select_n3A_1856, %select_n3A_1900 : vector<16xi1>, vector<16xf32>
      %select_n3A_1906 = arith.select %gt3A_1903, %select_n3A_1902, %select_n3A_1858 : vector<16xi1>, vector<16xi32>
      %select_n3A_1907 = arith.select %gt3A_1903, %select_n3A_1858, %select_n3A_1902 : vector<16xi1>, vector<16xi32>
      %gt3A_1908 = arith.cmpf ogt, %select_n3A_1905, %select_n3A_1861 : vector<16xf32>
      %select_n3A_1909 = arith.select %gt3A_1908, %select_n3A_1905, %select_n3A_1861 : vector<16xi1>, vector<16xf32>
      %select_n3A_1910 = arith.select %gt3A_1908, %select_n3A_1861, %select_n3A_1905 : vector<16xi1>, vector<16xf32>
      %select_n3A_1911 = arith.select %gt3A_1908, %select_n3A_1907, %select_n3A_1863 : vector<16xi1>, vector<16xi32>
      %select_n3A_1912 = arith.select %gt3A_1908, %select_n3A_1863, %select_n3A_1907 : vector<16xi1>, vector<16xi32>
      %gt3A_1913 = arith.cmpf ogt, %select_n3A_1910, %select_n3A_1866 : vector<16xf32>
      %select_n3A_1914 = arith.select %gt3A_1913, %select_n3A_1910, %select_n3A_1866 : vector<16xi1>, vector<16xf32>
      %select_n3A_1915 = arith.select %gt3A_1913, %select_n3A_1866, %select_n3A_1910 : vector<16xi1>, vector<16xf32>
      %select_n3A_1916 = arith.select %gt3A_1913, %select_n3A_1912, %select_n3A_1868 : vector<16xi1>, vector<16xi32>
      %select_n3A_1917 = arith.select %gt3A_1913, %select_n3A_1868, %select_n3A_1912 : vector<16xi1>, vector<16xi32>
      %gt3A_1918 = arith.cmpf ogt, %select_n3A_1915, %select_n3A_1871 : vector<16xf32>
      %select_n3A_1919 = arith.select %gt3A_1918, %select_n3A_1915, %select_n3A_1871 : vector<16xi1>, vector<16xf32>
      %select_n3A_1920 = arith.select %gt3A_1918, %select_n3A_1871, %select_n3A_1915 : vector<16xi1>, vector<16xf32>
      %select_n3A_1921 = arith.select %gt3A_1918, %select_n3A_1917, %select_n3A_1873 : vector<16xi1>, vector<16xi32>
      %select_n3A_1922 = arith.select %gt3A_1918, %select_n3A_1873, %select_n3A_1917 : vector<16xi1>, vector<16xi32>
      %gt3A_1923 = arith.cmpf ogt, %select_n3A_1920, %select_n3A_1876 : vector<16xf32>
      %select_n3A_1924 = arith.select %gt3A_1923, %select_n3A_1920, %select_n3A_1876 : vector<16xi1>, vector<16xf32>
      %select_n3A_1925 = arith.select %gt3A_1923, %select_n3A_1876, %select_n3A_1920 : vector<16xi1>, vector<16xf32>
      %select_n3A_1926 = arith.select %gt3A_1923, %select_n3A_1922, %select_n3A_1878 : vector<16xi1>, vector<16xi32>
      %select_n3A_1927 = arith.select %gt3A_1923, %select_n3A_1878, %select_n3A_1922 : vector<16xi1>, vector<16xi32>
      %gt3A_1928 = arith.cmpf ogt, %select_n3A_1925, %select_n3A_1881 : vector<16xf32>
      %select_n3A_1929 = arith.select %gt3A_1928, %select_n3A_1925, %select_n3A_1881 : vector<16xi1>, vector<16xf32>
      %select_n3A_1930 = arith.select %gt3A_1928, %select_n3A_1881, %select_n3A_1925 : vector<16xi1>, vector<16xf32>
      %select_n3A_1931 = arith.select %gt3A_1928, %select_n3A_1927, %select_n3A_1883 : vector<16xi1>, vector<16xi32>
      %select_n3A_1932 = arith.select %gt3A_1928, %select_n3A_1883, %select_n3A_1927 : vector<16xi1>, vector<16xi32>
      %mul3A_1933 = arith.constant 16 : i32
      %mul3A_1934 = arith.muli %scan3A_8, %mul3A_1933 : i32
      %get3A_1935 = arith.constant 40 : i32
      %get3A_1936 = arith.index_cast %get3A_1935 : i32 to index
      %get3A_1937 = arith.index_cast %mul3A_1934 : i32 to index
      %get3A_1938 = tpu.vector_load %arg5[%get3A_1936, %get3A_1937] {strides = array<i32>} : memref<64x256xf32, #tpu.memory_space<vmem>>, vector<16xf32>,
      %broadcast_in_dim3A_1939 = arith.constant 40 : i32
      %broadcast_in_dim3A_1940 = vector.broadcast %broadcast_in_dim3A_1939 : i32 to vector<16xi32>
      %gt3A_1941 = arith.cmpf ogt, %get3A_1938, %select_n3A_1894 : vector<16xf32>
      %select_n3A_1942 = arith.select %gt3A_1941, %get3A_1938, %select_n3A_1894 : vector<16xi1>, vector<16xf32>
      %select_n3A_1943 = arith.select %gt3A_1941, %select_n3A_1894, %get3A_1938 : vector<16xi1>, vector<16xf32>
      %select_n3A_1944 = arith.select %gt3A_1941, %broadcast_in_dim3A_1940, %select_n3A_1896 : vector<16xi1>, vector<16xi32>
      %select_n3A_1945 = arith.select %gt3A_1941, %select_n3A_1896, %broadcast_in_dim3A_1940 : vector<16xi1>, vector<16xi32>
      %gt3A_1946 = arith.cmpf ogt, %select_n3A_1943, %select_n3A_1899 : vector<16xf32>
      %select_n3A_1947 = arith.select %gt3A_1946, %select_n3A_1943, %select_n3A_1899 : vector<16xi1>, vector<16xf32>
      %select_n3A_1948 = arith.select %gt3A_1946, %select_n3A_1899, %select_n3A_1943 : vector<16xi1>, vector<16xf32>
      %select_n3A_1949 = arith.select %gt3A_1946, %select_n3A_1945, %select_n3A_1901 : vector<16xi1>, vector<16xi32>
      %select_n3A_1950 = arith.select %gt3A_1946, %select_n3A_1901, %select_n3A_1945 : vector<16xi1>, vector<16xi32>
      %gt3A_1951 = arith.cmpf ogt, %select_n3A_1948, %select_n3A_1904 : vector<16xf32>
      %select_n3A_1952 = arith.select %gt3A_1951, %select_n3A_1948, %select_n3A_1904 : vector<16xi1>, vector<16xf32>
      %select_n3A_1953 = arith.select %gt3A_1951, %select_n3A_1904, %select_n3A_1948 : vector<16xi1>, vector<16xf32>
      %select_n3A_1954 = arith.select %gt3A_1951, %select_n3A_1950, %select_n3A_1906 : vector<16xi1>, vector<16xi32>
      %select_n3A_1955 = arith.select %gt3A_1951, %select_n3A_1906, %select_n3A_1950 : vector<16xi1>, vector<16xi32>
      %gt3A_1956 = arith.cmpf ogt, %select_n3A_1953, %select_n3A_1909 : vector<16xf32>
      %select_n3A_1957 = arith.select %gt3A_1956, %select_n3A_1953, %select_n3A_1909 : vector<16xi1>, vector<16xf32>
      %select_n3A_1958 = arith.select %gt3A_1956, %select_n3A_1909, %select_n3A_1953 : vector<16xi1>, vector<16xf32>
      %select_n3A_1959 = arith.select %gt3A_1956, %select_n3A_1955, %select_n3A_1911 : vector<16xi1>, vector<16xi32>
      %select_n3A_1960 = arith.select %gt3A_1956, %select_n3A_1911, %select_n3A_1955 : vector<16xi1>, vector<16xi32>
      %gt3A_1961 = arith.cmpf ogt, %select_n3A_1958, %select_n3A_1914 : vector<16xf32>
      %select_n3A_1962 = arith.select %gt3A_1961, %select_n3A_1958, %select_n3A_1914 : vector<16xi1>, vector<16xf32>
      %select_n3A_1963 = arith.select %gt3A_1961, %select_n3A_1914, %select_n3A_1958 : vector<16xi1>, vector<16xf32>
      %select_n3A_1964 = arith.select %gt3A_1961, %select_n3A_1960, %select_n3A_1916 : vector<16xi1>, vector<16xi32>
      %select_n3A_1965 = arith.select %gt3A_1961, %select_n3A_1916, %select_n3A_1960 : vector<16xi1>, vector<16xi32>
      %gt3A_1966 = arith.cmpf ogt, %select_n3A_1963, %select_n3A_1919 : vector<16xf32>
      %select_n3A_1967 = arith.select %gt3A_1966, %select_n3A_1963, %select_n3A_1919 : vector<16xi1>, vector<16xf32>
      %select_n3A_1968 = arith.select %gt3A_1966, %select_n3A_1919, %select_n3A_1963 : vector<16xi1>, vector<16xf32>
      %select_n3A_1969 = arith.select %gt3A_1966, %select_n3A_1965, %select_n3A_1921 : vector<16xi1>, vector<16xi32>
      %select_n3A_1970 = arith.select %gt3A_1966, %select_n3A_1921, %select_n3A_1965 : vector<16xi1>, vector<16xi32>
      %gt3A_1971 = arith.cmpf ogt, %select_n3A_1968, %select_n3A_1924 : vector<16xf32>
      %select_n3A_1972 = arith.select %gt3A_1971, %select_n3A_1968, %select_n3A_1924 : vector<16xi1>, vector<16xf32>
      %select_n3A_1973 = arith.select %gt3A_1971, %select_n3A_1924, %select_n3A_1968 : vector<16xi1>, vector<16xf32>
      %select_n3A_1974 = arith.select %gt3A_1971, %select_n3A_1970, %select_n3A_1926 : vector<16xi1>, vector<16xi32>
      %select_n3A_1975 = arith.select %gt3A_1971, %select_n3A_1926, %select_n3A_1970 : vector<16xi1>, vector<16xi32>
      %gt3A_1976 = arith.cmpf ogt, %select_n3A_1973, %select_n3A_1929 : vector<16xf32>
      %select_n3A_1977 = arith.select %gt3A_1976, %select_n3A_1973, %select_n3A_1929 : vector<16xi1>, vector<16xf32>
      %select_n3A_1978 = arith.select %gt3A_1976, %select_n3A_1929, %select_n3A_1973 : vector<16xi1>, vector<16xf32>
      %select_n3A_1979 = arith.select %gt3A_1976, %select_n3A_1975, %select_n3A_1931 : vector<16xi1>, vector<16xi32>
      %select_n3A_1980 = arith.select %gt3A_1976, %select_n3A_1931, %select_n3A_1975 : vector<16xi1>, vector<16xi32>
      %mul3A_1981 = arith.constant 16 : i32
      %mul3A_1982 = arith.muli %scan3A_8, %mul3A_1981 : i32
      %get3A_1983 = arith.constant 41 : i32
      %get3A_1984 = arith.index_cast %get3A_1983 : i32 to index
      %get3A_1985 = arith.index_cast %mul3A_1982 : i32 to index
      %get3A_1986 = tpu.vector_load %arg5[%get3A_1984, %get3A_1985] {strides = array<i32>} : memref<64x256xf32, #tpu.memory_space<vmem>>, vector<16xf32>,
      %broadcast_in_dim3A_1987 = arith.constant 41 : i32
      %broadcast_in_dim3A_1988 = vector.broadcast %broadcast_in_dim3A_1987 : i32 to vector<16xi32>
      %gt3A_1989 = arith.cmpf ogt, %get3A_1986, %select_n3A_1942 : vector<16xf32>
      %select_n3A_1990 = arith.select %gt3A_1989, %get3A_1986, %select_n3A_1942 : vector<16xi1>, vector<16xf32>
      %select_n3A_1991 = arith.select %gt3A_1989, %select_n3A_1942, %get3A_1986 : vector<16xi1>, vector<16xf32>
      %select_n3A_1992 = arith.select %gt3A_1989, %broadcast_in_dim3A_1988, %select_n3A_1944 : vector<16xi1>, vector<16xi32>
      %select_n3A_1993 = arith.select %gt3A_1989, %select_n3A_1944, %broadcast_in_dim3A_1988 : vector<16xi1>, vector<16xi32>
      %gt3A_1994 = arith.cmpf ogt, %select_n3A_1991, %select_n3A_1947 : vector<16xf32>
      %select_n3A_1995 = arith.select %gt3A_1994, %select_n3A_1991, %select_n3A_1947 : vector<16xi1>, vector<16xf32>
      %select_n3A_1996 = arith.select %gt3A_1994, %select_n3A_1947, %select_n3A_1991 : vector<16xi1>, vector<16xf32>
      %select_n3A_1997 = arith.select %gt3A_1994, %select_n3A_1993, %select_n3A_1949 : vector<16xi1>, vector<16xi32>
      %select_n3A_1998 = arith.select %gt3A_1994, %select_n3A_1949, %select_n3A_1993 : vector<16xi1>, vector<16xi32>
      %gt3A_1999 = arith.cmpf ogt, %select_n3A_1996, %select_n3A_1952 : vector<16xf32>
      %select_n3A_2000 = arith.select %gt3A_1999, %select_n3A_1996, %select_n3A_1952 : vector<16xi1>, vector<16xf32>
      %select_n3A_2001 = arith.select %gt3A_1999, %select_n3A_1952, %select_n3A_1996 : vector<16xi1>, vector<16xf32>
      %select_n3A_2002 = arith.select %gt3A_1999, %select_n3A_1998, %select_n3A_1954 : vector<16xi1>, vector<16xi32>
      %select_n3A_2003 = arith.select %gt3A_1999, %select_n3A_1954, %select_n3A_1998 : vector<16xi1>, vector<16xi32>
      %gt3A_2004 = arith.cmpf ogt, %select_n3A_2001, %select_n3A_1957 : vector<16xf32>
      %select_n3A_2005 = arith.select %gt3A_2004, %select_n3A_2001, %select_n3A_1957 : vector<16xi1>, vector<16xf32>
      %select_n3A_2006 = arith.select %gt3A_2004, %select_n3A_1957, %select_n3A_2001 : vector<16xi1>, vector<16xf32>
      %select_n3A_2007 = arith.select %gt3A_2004, %select_n3A_2003, %select_n3A_1959 : vector<16xi1>, vector<16xi32>
      %select_n3A_2008 = arith.select %gt3A_2004, %select_n3A_1959, %select_n3A_2003 : vector<16xi1>, vector<16xi32>
      %gt3A_2009 = arith.cmpf ogt, %select_n3A_2006, %select_n3A_1962 : vector<16xf32>
      %select_n3A_2010 = arith.select %gt3A_2009, %select_n3A_2006, %select_n3A_1962 : vector<16xi1>, vector<16xf32>
      %select_n3A_2011 = arith.select %gt3A_2009, %select_n3A_1962, %select_n3A_2006 : vector<16xi1>, vector<16xf32>
      %select_n3A_2012 = arith.select %gt3A_2009, %select_n3A_2008, %select_n3A_1964 : vector<16xi1>, vector<16xi32>
      %select_n3A_2013 = arith.select %gt3A_2009, %select_n3A_1964, %select_n3A_2008 : vector<16xi1>, vector<16xi32>
      %gt3A_2014 = arith.cmpf ogt, %select_n3A_2011, %select_n3A_1967 : vector<16xf32>
      %select_n3A_2015 = arith.select %gt3A_2014, %select_n3A_2011, %select_n3A_1967 : vector<16xi1>, vector<16xf32>
      %select_n3A_2016 = arith.select %gt3A_2014, %select_n3A_1967, %select_n3A_2011 : vector<16xi1>, vector<16xf32>
      %select_n3A_2017 = arith.select %gt3A_2014, %select_n3A_2013, %select_n3A_1969 : vector<16xi1>, vector<16xi32>
      %select_n3A_2018 = arith.select %gt3A_2014, %select_n3A_1969, %select_n3A_2013 : vector<16xi1>, vector<16xi32>
      %gt3A_2019 = arith.cmpf ogt, %select_n3A_2016, %select_n3A_1972 : vector<16xf32>
      %select_n3A_2020 = arith.select %gt3A_2019, %select_n3A_2016, %select_n3A_1972 : vector<16xi1>, vector<16xf32>
      %select_n3A_2021 = arith.select %gt3A_2019, %select_n3A_1972, %select_n3A_2016 : vector<16xi1>, vector<16xf32>
      %select_n3A_2022 = arith.select %gt3A_2019, %select_n3A_2018, %select_n3A_1974 : vector<16xi1>, vector<16xi32>
      %select_n3A_2023 = arith.select %gt3A_2019, %select_n3A_1974, %select_n3A_2018 : vector<16xi1>, vector<16xi32>
      %gt3A_2024 = arith.cmpf ogt, %select_n3A_2021, %select_n3A_1977 : vector<16xf32>
      %select_n3A_2025 = arith.select %gt3A_2024, %select_n3A_2021, %select_n3A_1977 : vector<16xi1>, vector<16xf32>
      %select_n3A_2026 = arith.select %gt3A_2024, %select_n3A_1977, %select_n3A_2021 : vector<16xi1>, vector<16xf32>
      %select_n3A_2027 = arith.select %gt3A_2024, %select_n3A_2023, %select_n3A_1979 : vector<16xi1>, vector<16xi32>
      %select_n3A_2028 = arith.select %gt3A_2024, %select_n3A_1979, %select_n3A_2023 : vector<16xi1>, vector<16xi32>
      %mul3A_2029 = arith.constant 16 : i32
      %mul3A_2030 = arith.muli %scan3A_8, %mul3A_2029 : i32
      %get3A_2031 = arith.constant 42 : i32
      %get3A_2032 = arith.index_cast %get3A_2031 : i32 to index
      %get3A_2033 = arith.index_cast %mul3A_2030 : i32 to index
      %get3A_2034 = tpu.vector_load %arg5[%get3A_2032, %get3A_2033] {strides = array<i32>} : memref<64x256xf32, #tpu.memory_space<vmem>>, vector<16xf32>,
      %broadcast_in_dim3A_2035 = arith.constant 42 : i32
      %broadcast_in_dim3A_2036 = vector.broadcast %broadcast_in_dim3A_2035 : i32 to vector<16xi32>
      %gt3A_2037 = arith.cmpf ogt, %get3A_2034, %select_n3A_1990 : vector<16xf32>
      %select_n3A_2038 = arith.select %gt3A_2037, %get3A_2034, %select_n3A_1990 : vector<16xi1>, vector<16xf32>
      %select_n3A_2039 = arith.select %gt3A_2037, %select_n3A_1990, %get3A_2034 : vector<16xi1>, vector<16xf32>
      %select_n3A_2040 = arith.select %gt3A_2037, %broadcast_in_dim3A_2036, %select_n3A_1992 : vector<16xi1>, vector<16xi32>
      %select_n3A_2041 = arith.select %gt3A_2037, %select_n3A_1992, %broadcast_in_dim3A_2036 : vector<16xi1>, vector<16xi32>
      %gt3A_2042 = arith.cmpf ogt, %select_n3A_2039, %select_n3A_1995 : vector<16xf32>
      %select_n3A_2043 = arith.select %gt3A_2042, %select_n3A_2039, %select_n3A_1995 : vector<16xi1>, vector<16xf32>
      %select_n3A_2044 = arith.select %gt3A_2042, %select_n3A_1995, %select_n3A_2039 : vector<16xi1>, vector<16xf32>
      %select_n3A_2045 = arith.select %gt3A_2042, %select_n3A_2041, %select_n3A_1997 : vector<16xi1>, vector<16xi32>
      %select_n3A_2046 = arith.select %gt3A_2042, %select_n3A_1997, %select_n3A_2041 : vector<16xi1>, vector<16xi32>
      %gt3A_2047 = arith.cmpf ogt, %select_n3A_2044, %select_n3A_2000 : vector<16xf32>
      %select_n3A_2048 = arith.select %gt3A_2047, %select_n3A_2044, %select_n3A_2000 : vector<16xi1>, vector<16xf32>
      %select_n3A_2049 = arith.select %gt3A_2047, %select_n3A_2000, %select_n3A_2044 : vector<16xi1>, vector<16xf32>
      %select_n3A_2050 = arith.select %gt3A_2047, %select_n3A_2046, %select_n3A_2002 : vector<16xi1>, vector<16xi32>
      %select_n3A_2051 = arith.select %gt3A_2047, %select_n3A_2002, %select_n3A_2046 : vector<16xi1>, vector<16xi32>
      %gt3A_2052 = arith.cmpf ogt, %select_n3A_2049, %select_n3A_2005 : vector<16xf32>
      %select_n3A_2053 = arith.select %gt3A_2052, %select_n3A_2049, %select_n3A_2005 : vector<16xi1>, vector<16xf32>
      %select_n3A_2054 = arith.select %gt3A_2052, %select_n3A_2005, %select_n3A_2049 : vector<16xi1>, vector<16xf32>
      %select_n3A_2055 = arith.select %gt3A_2052, %select_n3A_2051, %select_n3A_2007 : vector<16xi1>, vector<16xi32>
      %select_n3A_2056 = arith.select %gt3A_2052, %select_n3A_2007, %select_n3A_2051 : vector<16xi1>, vector<16xi32>
      %gt3A_2057 = arith.cmpf ogt, %select_n3A_2054, %select_n3A_2010 : vector<16xf32>
      %select_n3A_2058 = arith.select %gt3A_2057, %select_n3A_2054, %select_n3A_2010 : vector<16xi1>, vector<16xf32>
      %select_n3A_2059 = arith.select %gt3A_2057, %select_n3A_2010, %select_n3A_2054 : vector<16xi1>, vector<16xf32>
      %select_n3A_2060 = arith.select %gt3A_2057, %select_n3A_2056, %select_n3A_2012 : vector<16xi1>, vector<16xi32>
      %select_n3A_2061 = arith.select %gt3A_2057, %select_n3A_2012, %select_n3A_2056 : vector<16xi1>, vector<16xi32>
      %gt3A_2062 = arith.cmpf ogt, %select_n3A_2059, %select_n3A_2015 : vector<16xf32>
      %select_n3A_2063 = arith.select %gt3A_2062, %select_n3A_2059, %select_n3A_2015 : vector<16xi1>, vector<16xf32>
      %select_n3A_2064 = arith.select %gt3A_2062, %select_n3A_2015, %select_n3A_2059 : vector<16xi1>, vector<16xf32>
      %select_n3A_2065 = arith.select %gt3A_2062, %select_n3A_2061, %select_n3A_2017 : vector<16xi1>, vector<16xi32>
      %select_n3A_2066 = arith.select %gt3A_2062, %select_n3A_2017, %select_n3A_2061 : vector<16xi1>, vector<16xi32>
      %gt3A_2067 = arith.cmpf ogt, %select_n3A_2064, %select_n3A_2020 : vector<16xf32>
      %select_n3A_2068 = arith.select %gt3A_2067, %select_n3A_2064, %select_n3A_2020 : vector<16xi1>, vector<16xf32>
      %select_n3A_2069 = arith.select %gt3A_2067, %select_n3A_2020, %select_n3A_2064 : vector<16xi1>, vector<16xf32>
      %select_n3A_2070 = arith.select %gt3A_2067, %select_n3A_2066, %select_n3A_2022 : vector<16xi1>, vector<16xi32>
      %select_n3A_2071 = arith.select %gt3A_2067, %select_n3A_2022, %select_n3A_2066 : vector<16xi1>, vector<16xi32>
      %gt3A_2072 = arith.cmpf ogt, %select_n3A_2069, %select_n3A_2025 : vector<16xf32>
      %select_n3A_2073 = arith.select %gt3A_2072, %select_n3A_2069, %select_n3A_2025 : vector<16xi1>, vector<16xf32>
      %select_n3A_2074 = arith.select %gt3A_2072, %select_n3A_2025, %select_n3A_2069 : vector<16xi1>, vector<16xf32>
      %select_n3A_2075 = arith.select %gt3A_2072, %select_n3A_2071, %select_n3A_2027 : vector<16xi1>, vector<16xi32>
      %select_n3A_2076 = arith.select %gt3A_2072, %select_n3A_2027, %select_n3A_2071 : vector<16xi1>, vector<16xi32>
      %mul3A_2077 = arith.constant 16 : i32
      %mul3A_2078 = arith.muli %scan3A_8, %mul3A_2077 : i32
      %get3A_2079 = arith.constant 43 : i32
      %get3A_2080 = arith.index_cast %get3A_2079 : i32 to index
      %get3A_2081 = arith.index_cast %mul3A_2078 : i32 to index
      %get3A_2082 = tpu.vector_load %arg5[%get3A_2080, %get3A_2081] {strides = array<i32>} : memref<64x256xf32, #tpu.memory_space<vmem>>, vector<16xf32>,
      %broadcast_in_dim3A_2083 = arith.constant 43 : i32
      %broadcast_in_dim3A_2084 = vector.broadcast %broadcast_in_dim3A_2083 : i32 to vector<16xi32>
      %gt3A_2085 = arith.cmpf ogt, %get3A_2082, %select_n3A_2038 : vector<16xf32>
      %select_n3A_2086 = arith.select %gt3A_2085, %get3A_2082, %select_n3A_2038 : vector<16xi1>, vector<16xf32>
      %select_n3A_2087 = arith.select %gt3A_2085, %select_n3A_2038, %get3A_2082 : vector<16xi1>, vector<16xf32>
      %select_n3A_2088 = arith.select %gt3A_2085, %broadcast_in_dim3A_2084, %select_n3A_2040 : vector<16xi1>, vector<16xi32>
      %select_n3A_2089 = arith.select %gt3A_2085, %select_n3A_2040, %broadcast_in_dim3A_2084 : vector<16xi1>, vector<16xi32>
      %gt3A_2090 = arith.cmpf ogt, %select_n3A_2087, %select_n3A_2043 : vector<16xf32>
      %select_n3A_2091 = arith.select %gt3A_2090, %select_n3A_2087, %select_n3A_2043 : vector<16xi1>, vector<16xf32>
      %select_n3A_2092 = arith.select %gt3A_2090, %select_n3A_2043, %select_n3A_2087 : vector<16xi1>, vector<16xf32>
      %select_n3A_2093 = arith.select %gt3A_2090, %select_n3A_2089, %select_n3A_2045 : vector<16xi1>, vector<16xi32>
      %select_n3A_2094 = arith.select %gt3A_2090, %select_n3A_2045, %select_n3A_2089 : vector<16xi1>, vector<16xi32>
      %gt3A_2095 = arith.cmpf ogt, %select_n3A_2092, %select_n3A_2048 : vector<16xf32>
      %select_n3A_2096 = arith.select %gt3A_2095, %select_n3A_2092, %select_n3A_2048 : vector<16xi1>, vector<16xf32>
      %select_n3A_2097 = arith.select %gt3A_2095, %select_n3A_2048, %select_n3A_2092 : vector<16xi1>, vector<16xf32>
      %select_n3A_2098 = arith.select %gt3A_2095, %select_n3A_2094, %select_n3A_2050 : vector<16xi1>, vector<16xi32>
      %select_n3A_2099 = arith.select %gt3A_2095, %select_n3A_2050, %select_n3A_2094 : vector<16xi1>, vector<16xi32>
      %gt3A_2100 = arith.cmpf ogt, %select_n3A_2097, %select_n3A_2053 : vector<16xf32>
      %select_n3A_2101 = arith.select %gt3A_2100, %select_n3A_2097, %select_n3A_2053 : vector<16xi1>, vector<16xf32>
      %select_n3A_2102 = arith.select %gt3A_2100, %select_n3A_2053, %select_n3A_2097 : vector<16xi1>, vector<16xf32>
      %select_n3A_2103 = arith.select %gt3A_2100, %select_n3A_2099, %select_n3A_2055 : vector<16xi1>, vector<16xi32>
      %select_n3A_2104 = arith.select %gt3A_2100, %select_n3A_2055, %select_n3A_2099 : vector<16xi1>, vector<16xi32>
      %gt3A_2105 = arith.cmpf ogt, %select_n3A_2102, %select_n3A_2058 : vector<16xf32>
      %select_n3A_2106 = arith.select %gt3A_2105, %select_n3A_2102, %select_n3A_2058 : vector<16xi1>, vector<16xf32>
      %select_n3A_2107 = arith.select %gt3A_2105, %select_n3A_2058, %select_n3A_2102 : vector<16xi1>, vector<16xf32>
      %select_n3A_2108 = arith.select %gt3A_2105, %select_n3A_2104, %select_n3A_2060 : vector<16xi1>, vector<16xi32>
      %select_n3A_2109 = arith.select %gt3A_2105, %select_n3A_2060, %select_n3A_2104 : vector<16xi1>, vector<16xi32>
      %gt3A_2110 = arith.cmpf ogt, %select_n3A_2107, %select_n3A_2063 : vector<16xf32>
      %select_n3A_2111 = arith.select %gt3A_2110, %select_n3A_2107, %select_n3A_2063 : vector<16xi1>, vector<16xf32>
      %select_n3A_2112 = arith.select %gt3A_2110, %select_n3A_2063, %select_n3A_2107 : vector<16xi1>, vector<16xf32>
      %select_n3A_2113 = arith.select %gt3A_2110, %select_n3A_2109, %select_n3A_2065 : vector<16xi1>, vector<16xi32>
      %select_n3A_2114 = arith.select %gt3A_2110, %select_n3A_2065, %select_n3A_2109 : vector<16xi1>, vector<16xi32>
      %gt3A_2115 = arith.cmpf ogt, %select_n3A_2112, %select_n3A_2068 : vector<16xf32>
      %select_n3A_2116 = arith.select %gt3A_2115, %select_n3A_2112, %select_n3A_2068 : vector<16xi1>, vector<16xf32>
      %select_n3A_2117 = arith.select %gt3A_2115, %select_n3A_2068, %select_n3A_2112 : vector<16xi1>, vector<16xf32>
      %select_n3A_2118 = arith.select %gt3A_2115, %select_n3A_2114, %select_n3A_2070 : vector<16xi1>, vector<16xi32>
      %select_n3A_2119 = arith.select %gt3A_2115, %select_n3A_2070, %select_n3A_2114 : vector<16xi1>, vector<16xi32>
      %gt3A_2120 = arith.cmpf ogt, %select_n3A_2117, %select_n3A_2073 : vector<16xf32>
      %select_n3A_2121 = arith.select %gt3A_2120, %select_n3A_2117, %select_n3A_2073 : vector<16xi1>, vector<16xf32>
      %select_n3A_2122 = arith.select %gt3A_2120, %select_n3A_2073, %select_n3A_2117 : vector<16xi1>, vector<16xf32>
      %select_n3A_2123 = arith.select %gt3A_2120, %select_n3A_2119, %select_n3A_2075 : vector<16xi1>, vector<16xi32>
      %select_n3A_2124 = arith.select %gt3A_2120, %select_n3A_2075, %select_n3A_2119 : vector<16xi1>, vector<16xi32>
      %mul3A_2125 = arith.constant 16 : i32
      %mul3A_2126 = arith.muli %scan3A_8, %mul3A_2125 : i32
      %get3A_2127 = arith.constant 44 : i32
      %get3A_2128 = arith.index_cast %get3A_2127 : i32 to index
      %get3A_2129 = arith.index_cast %mul3A_2126 : i32 to index
      %get3A_2130 = tpu.vector_load %arg5[%get3A_2128, %get3A_2129] {strides = array<i32>} : memref<64x256xf32, #tpu.memory_space<vmem>>, vector<16xf32>,
      %broadcast_in_dim3A_2131 = arith.constant 44 : i32
      %broadcast_in_dim3A_2132 = vector.broadcast %broadcast_in_dim3A_2131 : i32 to vector<16xi32>
      %gt3A_2133 = arith.cmpf ogt, %get3A_2130, %select_n3A_2086 : vector<16xf32>
      %select_n3A_2134 = arith.select %gt3A_2133, %get3A_2130, %select_n3A_2086 : vector<16xi1>, vector<16xf32>
      %select_n3A_2135 = arith.select %gt3A_2133, %select_n3A_2086, %get3A_2130 : vector<16xi1>, vector<16xf32>
      %select_n3A_2136 = arith.select %gt3A_2133, %broadcast_in_dim3A_2132, %select_n3A_2088 : vector<16xi1>, vector<16xi32>
      %select_n3A_2137 = arith.select %gt3A_2133, %select_n3A_2088, %broadcast_in_dim3A_2132 : vector<16xi1>, vector<16xi32>
      %gt3A_2138 = arith.cmpf ogt, %select_n3A_2135, %select_n3A_2091 : vector<16xf32>
      %select_n3A_2139 = arith.select %gt3A_2138, %select_n3A_2135, %select_n3A_2091 : vector<16xi1>, vector<16xf32>
      %select_n3A_2140 = arith.select %gt3A_2138, %select_n3A_2091, %select_n3A_2135 : vector<16xi1>, vector<16xf32>
      %select_n3A_2141 = arith.select %gt3A_2138, %select_n3A_2137, %select_n3A_2093 : vector<16xi1>, vector<16xi32>
      %select_n3A_2142 = arith.select %gt3A_2138, %select_n3A_2093, %select_n3A_2137 : vector<16xi1>, vector<16xi32>
      %gt3A_2143 = arith.cmpf ogt, %select_n3A_2140, %select_n3A_2096 : vector<16xf32>
      %select_n3A_2144 = arith.select %gt3A_2143, %select_n3A_2140, %select_n3A_2096 : vector<16xi1>, vector<16xf32>
      %select_n3A_2145 = arith.select %gt3A_2143, %select_n3A_2096, %select_n3A_2140 : vector<16xi1>, vector<16xf32>
      %select_n3A_2146 = arith.select %gt3A_2143, %select_n3A_2142, %select_n3A_2098 : vector<16xi1>, vector<16xi32>
      %select_n3A_2147 = arith.select %gt3A_2143, %select_n3A_2098, %select_n3A_2142 : vector<16xi1>, vector<16xi32>
      %gt3A_2148 = arith.cmpf ogt, %select_n3A_2145, %select_n3A_2101 : vector<16xf32>
      %select_n3A_2149 = arith.select %gt3A_2148, %select_n3A_2145, %select_n3A_2101 : vector<16xi1>, vector<16xf32>
      %select_n3A_2150 = arith.select %gt3A_2148, %select_n3A_2101, %select_n3A_2145 : vector<16xi1>, vector<16xf32>
      %select_n3A_2151 = arith.select %gt3A_2148, %select_n3A_2147, %select_n3A_2103 : vector<16xi1>, vector<16xi32>
      %select_n3A_2152 = arith.select %gt3A_2148, %select_n3A_2103, %select_n3A_2147 : vector<16xi1>, vector<16xi32>
      %gt3A_2153 = arith.cmpf ogt, %select_n3A_2150, %select_n3A_2106 : vector<16xf32>
      %select_n3A_2154 = arith.select %gt3A_2153, %select_n3A_2150, %select_n3A_2106 : vector<16xi1>, vector<16xf32>
      %select_n3A_2155 = arith.select %gt3A_2153, %select_n3A_2106, %select_n3A_2150 : vector<16xi1>, vector<16xf32>
      %select_n3A_2156 = arith.select %gt3A_2153, %select_n3A_2152, %select_n3A_2108 : vector<16xi1>, vector<16xi32>
      %select_n3A_2157 = arith.select %gt3A_2153, %select_n3A_2108, %select_n3A_2152 : vector<16xi1>, vector<16xi32>
      %gt3A_2158 = arith.cmpf ogt, %select_n3A_2155, %select_n3A_2111 : vector<16xf32>
      %select_n3A_2159 = arith.select %gt3A_2158, %select_n3A_2155, %select_n3A_2111 : vector<16xi1>, vector<16xf32>
      %select_n3A_2160 = arith.select %gt3A_2158, %select_n3A_2111, %select_n3A_2155 : vector<16xi1>, vector<16xf32>
      %select_n3A_2161 = arith.select %gt3A_2158, %select_n3A_2157, %select_n3A_2113 : vector<16xi1>, vector<16xi32>
      %select_n3A_2162 = arith.select %gt3A_2158, %select_n3A_2113, %select_n3A_2157 : vector<16xi1>, vector<16xi32>
      %gt3A_2163 = arith.cmpf ogt, %select_n3A_2160, %select_n3A_2116 : vector<16xf32>
      %select_n3A_2164 = arith.select %gt3A_2163, %select_n3A_2160, %select_n3A_2116 : vector<16xi1>, vector<16xf32>
      %select_n3A_2165 = arith.select %gt3A_2163, %select_n3A_2116, %select_n3A_2160 : vector<16xi1>, vector<16xf32>
      %select_n3A_2166 = arith.select %gt3A_2163, %select_n3A_2162, %select_n3A_2118 : vector<16xi1>, vector<16xi32>
      %select_n3A_2167 = arith.select %gt3A_2163, %select_n3A_2118, %select_n3A_2162 : vector<16xi1>, vector<16xi32>
      %gt3A_2168 = arith.cmpf ogt, %select_n3A_2165, %select_n3A_2121 : vector<16xf32>
      %select_n3A_2169 = arith.select %gt3A_2168, %select_n3A_2165, %select_n3A_2121 : vector<16xi1>, vector<16xf32>
      %select_n3A_2170 = arith.select %gt3A_2168, %select_n3A_2121, %select_n3A_2165 : vector<16xi1>, vector<16xf32>
      %select_n3A_2171 = arith.select %gt3A_2168, %select_n3A_2167, %select_n3A_2123 : vector<16xi1>, vector<16xi32>
      %select_n3A_2172 = arith.select %gt3A_2168, %select_n3A_2123, %select_n3A_2167 : vector<16xi1>, vector<16xi32>
      %mul3A_2173 = arith.constant 16 : i32
      %mul3A_2174 = arith.muli %scan3A_8, %mul3A_2173 : i32
      %get3A_2175 = arith.constant 45 : i32
      %get3A_2176 = arith.index_cast %get3A_2175 : i32 to index
      %get3A_2177 = arith.index_cast %mul3A_2174 : i32 to index
      %get3A_2178 = tpu.vector_load %arg5[%get3A_2176, %get3A_2177] {strides = array<i32>} : memref<64x256xf32, #tpu.memory_space<vmem>>, vector<16xf32>,
      %broadcast_in_dim3A_2179 = arith.constant 45 : i32
      %broadcast_in_dim3A_2180 = vector.broadcast %broadcast_in_dim3A_2179 : i32 to vector<16xi32>
      %gt3A_2181 = arith.cmpf ogt, %get3A_2178, %select_n3A_2134 : vector<16xf32>
      %select_n3A_2182 = arith.select %gt3A_2181, %get3A_2178, %select_n3A_2134 : vector<16xi1>, vector<16xf32>
      %select_n3A_2183 = arith.select %gt3A_2181, %select_n3A_2134, %get3A_2178 : vector<16xi1>, vector<16xf32>
      %select_n3A_2184 = arith.select %gt3A_2181, %broadcast_in_dim3A_2180, %select_n3A_2136 : vector<16xi1>, vector<16xi32>
      %select_n3A_2185 = arith.select %gt3A_2181, %select_n3A_2136, %broadcast_in_dim3A_2180 : vector<16xi1>, vector<16xi32>
      %gt3A_2186 = arith.cmpf ogt, %select_n3A_2183, %select_n3A_2139 : vector<16xf32>
      %select_n3A_2187 = arith.select %gt3A_2186, %select_n3A_2183, %select_n3A_2139 : vector<16xi1>, vector<16xf32>
      %select_n3A_2188 = arith.select %gt3A_2186, %select_n3A_2139, %select_n3A_2183 : vector<16xi1>, vector<16xf32>
      %select_n3A_2189 = arith.select %gt3A_2186, %select_n3A_2185, %select_n3A_2141 : vector<16xi1>, vector<16xi32>
      %select_n3A_2190 = arith.select %gt3A_2186, %select_n3A_2141, %select_n3A_2185 : vector<16xi1>, vector<16xi32>
      %gt3A_2191 = arith.cmpf ogt, %select_n3A_2188, %select_n3A_2144 : vector<16xf32>
      %select_n3A_2192 = arith.select %gt3A_2191, %select_n3A_2188, %select_n3A_2144 : vector<16xi1>, vector<16xf32>
      %select_n3A_2193 = arith.select %gt3A_2191, %select_n3A_2144, %select_n3A_2188 : vector<16xi1>, vector<16xf32>
      %select_n3A_2194 = arith.select %gt3A_2191, %select_n3A_2190, %select_n3A_2146 : vector<16xi1>, vector<16xi32>
      %select_n3A_2195 = arith.select %gt3A_2191, %select_n3A_2146, %select_n3A_2190 : vector<16xi1>, vector<16xi32>
      %gt3A_2196 = arith.cmpf ogt, %select_n3A_2193, %select_n3A_2149 : vector<16xf32>
      %select_n3A_2197 = arith.select %gt3A_2196, %select_n3A_2193, %select_n3A_2149 : vector<16xi1>, vector<16xf32>
      %select_n3A_2198 = arith.select %gt3A_2196, %select_n3A_2149, %select_n3A_2193 : vector<16xi1>, vector<16xf32>
      %select_n3A_2199 = arith.select %gt3A_2196, %select_n3A_2195, %select_n3A_2151 : vector<16xi1>, vector<16xi32>
      %select_n3A_2200 = arith.select %gt3A_2196, %select_n3A_2151, %select_n3A_2195 : vector<16xi1>, vector<16xi32>
      %gt3A_2201 = arith.cmpf ogt, %select_n3A_2198, %select_n3A_2154 : vector<16xf32>
      %select_n3A_2202 = arith.select %gt3A_2201, %select_n3A_2198, %select_n3A_2154 : vector<16xi1>, vector<16xf32>
      %select_n3A_2203 = arith.select %gt3A_2201, %select_n3A_2154, %select_n3A_2198 : vector<16xi1>, vector<16xf32>
      %select_n3A_2204 = arith.select %gt3A_2201, %select_n3A_2200, %select_n3A_2156 : vector<16xi1>, vector<16xi32>
      %select_n3A_2205 = arith.select %gt3A_2201, %select_n3A_2156, %select_n3A_2200 : vector<16xi1>, vector<16xi32>
      %gt3A_2206 = arith.cmpf ogt, %select_n3A_2203, %select_n3A_2159 : vector<16xf32>
      %select_n3A_2207 = arith.select %gt3A_2206, %select_n3A_2203, %select_n3A_2159 : vector<16xi1>, vector<16xf32>
      %select_n3A_2208 = arith.select %gt3A_2206, %select_n3A_2159, %select_n3A_2203 : vector<16xi1>, vector<16xf32>
      %select_n3A_2209 = arith.select %gt3A_2206, %select_n3A_2205, %select_n3A_2161 : vector<16xi1>, vector<16xi32>
      %select_n3A_2210 = arith.select %gt3A_2206, %select_n3A_2161, %select_n3A_2205 : vector<16xi1>, vector<16xi32>
      %gt3A_2211 = arith.cmpf ogt, %select_n3A_2208, %select_n3A_2164 : vector<16xf32>
      %select_n3A_2212 = arith.select %gt3A_2211, %select_n3A_2208, %select_n3A_2164 : vector<16xi1>, vector<16xf32>
      %select_n3A_2213 = arith.select %gt3A_2211, %select_n3A_2164, %select_n3A_2208 : vector<16xi1>, vector<16xf32>
      %select_n3A_2214 = arith.select %gt3A_2211, %select_n3A_2210, %select_n3A_2166 : vector<16xi1>, vector<16xi32>
      %select_n3A_2215 = arith.select %gt3A_2211, %select_n3A_2166, %select_n3A_2210 : vector<16xi1>, vector<16xi32>
      %gt3A_2216 = arith.cmpf ogt, %select_n3A_2213, %select_n3A_2169 : vector<16xf32>
      %select_n3A_2217 = arith.select %gt3A_2216, %select_n3A_2213, %select_n3A_2169 : vector<16xi1>, vector<16xf32>
      %select_n3A_2218 = arith.select %gt3A_2216, %select_n3A_2169, %select_n3A_2213 : vector<16xi1>, vector<16xf32>
      %select_n3A_2219 = arith.select %gt3A_2216, %select_n3A_2215, %select_n3A_2171 : vector<16xi1>, vector<16xi32>
      %select_n3A_2220 = arith.select %gt3A_2216, %select_n3A_2171, %select_n3A_2215 : vector<16xi1>, vector<16xi32>
      %mul3A_2221 = arith.constant 16 : i32
      %mul3A_2222 = arith.muli %scan3A_8, %mul3A_2221 : i32
      %get3A_2223 = arith.constant 46 : i32
      %get3A_2224 = arith.index_cast %get3A_2223 : i32 to index
      %get3A_2225 = arith.index_cast %mul3A_2222 : i32 to index
      %get3A_2226 = tpu.vector_load %arg5[%get3A_2224, %get3A_2225] {strides = array<i32>} : memref<64x256xf32, #tpu.memory_space<vmem>>, vector<16xf32>,
      %broadcast_in_dim3A_2227 = arith.constant 46 : i32
      %broadcast_in_dim3A_2228 = vector.broadcast %broadcast_in_dim3A_2227 : i32 to vector<16xi32>
      %gt3A_2229 = arith.cmpf ogt, %get3A_2226, %select_n3A_2182 : vector<16xf32>
      %select_n3A_2230 = arith.select %gt3A_2229, %get3A_2226, %select_n3A_2182 : vector<16xi1>, vector<16xf32>
      %select_n3A_2231 = arith.select %gt3A_2229, %select_n3A_2182, %get3A_2226 : vector<16xi1>, vector<16xf32>
      %select_n3A_2232 = arith.select %gt3A_2229, %broadcast_in_dim3A_2228, %select_n3A_2184 : vector<16xi1>, vector<16xi32>
      %select_n3A_2233 = arith.select %gt3A_2229, %select_n3A_2184, %broadcast_in_dim3A_2228 : vector<16xi1>, vector<16xi32>
      %gt3A_2234 = arith.cmpf ogt, %select_n3A_2231, %select_n3A_2187 : vector<16xf32>
      %select_n3A_2235 = arith.select %gt3A_2234, %select_n3A_2231, %select_n3A_2187 : vector<16xi1>, vector<16xf32>
      %select_n3A_2236 = arith.select %gt3A_2234, %select_n3A_2187, %select_n3A_2231 : vector<16xi1>, vector<16xf32>
      %select_n3A_2237 = arith.select %gt3A_2234, %select_n3A_2233, %select_n3A_2189 : vector<16xi1>, vector<16xi32>
      %select_n3A_2238 = arith.select %gt3A_2234, %select_n3A_2189, %select_n3A_2233 : vector<16xi1>, vector<16xi32>
      %gt3A_2239 = arith.cmpf ogt, %select_n3A_2236, %select_n3A_2192 : vector<16xf32>
      %select_n3A_2240 = arith.select %gt3A_2239, %select_n3A_2236, %select_n3A_2192 : vector<16xi1>, vector<16xf32>
      %select_n3A_2241 = arith.select %gt3A_2239, %select_n3A_2192, %select_n3A_2236 : vector<16xi1>, vector<16xf32>
      %select_n3A_2242 = arith.select %gt3A_2239, %select_n3A_2238, %select_n3A_2194 : vector<16xi1>, vector<16xi32>
      %select_n3A_2243 = arith.select %gt3A_2239, %select_n3A_2194, %select_n3A_2238 : vector<16xi1>, vector<16xi32>
      %gt3A_2244 = arith.cmpf ogt, %select_n3A_2241, %select_n3A_2197 : vector<16xf32>
      %select_n3A_2245 = arith.select %gt3A_2244, %select_n3A_2241, %select_n3A_2197 : vector<16xi1>, vector<16xf32>
      %select_n3A_2246 = arith.select %gt3A_2244, %select_n3A_2197, %select_n3A_2241 : vector<16xi1>, vector<16xf32>
      %select_n3A_2247 = arith.select %gt3A_2244, %select_n3A_2243, %select_n3A_2199 : vector<16xi1>, vector<16xi32>
      %select_n3A_2248 = arith.select %gt3A_2244, %select_n3A_2199, %select_n3A_2243 : vector<16xi1>, vector<16xi32>
      %gt3A_2249 = arith.cmpf ogt, %select_n3A_2246, %select_n3A_2202 : vector<16xf32>
      %select_n3A_2250 = arith.select %gt3A_2249, %select_n3A_2246, %select_n3A_2202 : vector<16xi1>, vector<16xf32>
      %select_n3A_2251 = arith.select %gt3A_2249, %select_n3A_2202, %select_n3A_2246 : vector<16xi1>, vector<16xf32>
      %select_n3A_2252 = arith.select %gt3A_2249, %select_n3A_2248, %select_n3A_2204 : vector<16xi1>, vector<16xi32>
      %select_n3A_2253 = arith.select %gt3A_2249, %select_n3A_2204, %select_n3A_2248 : vector<16xi1>, vector<16xi32>
      %gt3A_2254 = arith.cmpf ogt, %select_n3A_2251, %select_n3A_2207 : vector<16xf32>
      %select_n3A_2255 = arith.select %gt3A_2254, %select_n3A_2251, %select_n3A_2207 : vector<16xi1>, vector<16xf32>
      %select_n3A_2256 = arith.select %gt3A_2254, %select_n3A_2207, %select_n3A_2251 : vector<16xi1>, vector<16xf32>
      %select_n3A_2257 = arith.select %gt3A_2254, %select_n3A_2253, %select_n3A_2209 : vector<16xi1>, vector<16xi32>
      %select_n3A_2258 = arith.select %gt3A_2254, %select_n3A_2209, %select_n3A_2253 : vector<16xi1>, vector<16xi32>
      %gt3A_2259 = arith.cmpf ogt, %select_n3A_2256, %select_n3A_2212 : vector<16xf32>
      %select_n3A_2260 = arith.select %gt3A_2259, %select_n3A_2256, %select_n3A_2212 : vector<16xi1>, vector<16xf32>
      %select_n3A_2261 = arith.select %gt3A_2259, %select_n3A_2212, %select_n3A_2256 : vector<16xi1>, vector<16xf32>
      %select_n3A_2262 = arith.select %gt3A_2259, %select_n3A_2258, %select_n3A_2214 : vector<16xi1>, vector<16xi32>
      %select_n3A_2263 = arith.select %gt3A_2259, %select_n3A_2214, %select_n3A_2258 : vector<16xi1>, vector<16xi32>
      %gt3A_2264 = arith.cmpf ogt, %select_n3A_2261, %select_n3A_2217 : vector<16xf32>
      %select_n3A_2265 = arith.select %gt3A_2264, %select_n3A_2261, %select_n3A_2217 : vector<16xi1>, vector<16xf32>
      %select_n3A_2266 = arith.select %gt3A_2264, %select_n3A_2217, %select_n3A_2261 : vector<16xi1>, vector<16xf32>
      %select_n3A_2267 = arith.select %gt3A_2264, %select_n3A_2263, %select_n3A_2219 : vector<16xi1>, vector<16xi32>
      %select_n3A_2268 = arith.select %gt3A_2264, %select_n3A_2219, %select_n3A_2263 : vector<16xi1>, vector<16xi32>
      %mul3A_2269 = arith.constant 16 : i32
      %mul3A_2270 = arith.muli %scan3A_8, %mul3A_2269 : i32
      %get3A_2271 = arith.constant 47 : i32
      %get3A_2272 = arith.index_cast %get3A_2271 : i32 to index
      %get3A_2273 = arith.index_cast %mul3A_2270 : i32 to index
      %get3A_2274 = tpu.vector_load %arg5[%get3A_2272, %get3A_2273] {strides = array<i32>} : memref<64x256xf32, #tpu.memory_space<vmem>>, vector<16xf32>,
      %broadcast_in_dim3A_2275 = arith.constant 47 : i32
      %broadcast_in_dim3A_2276 = vector.broadcast %broadcast_in_dim3A_2275 : i32 to vector<16xi32>
      %gt3A_2277 = arith.cmpf ogt, %get3A_2274, %select_n3A_2230 : vector<16xf32>
      %select_n3A_2278 = arith.select %gt3A_2277, %get3A_2274, %select_n3A_2230 : vector<16xi1>, vector<16xf32>
      %select_n3A_2279 = arith.select %gt3A_2277, %select_n3A_2230, %get3A_2274 : vector<16xi1>, vector<16xf32>
      %select_n3A_2280 = arith.select %gt3A_2277, %broadcast_in_dim3A_2276, %select_n3A_2232 : vector<16xi1>, vector<16xi32>
      %select_n3A_2281 = arith.select %gt3A_2277, %select_n3A_2232, %broadcast_in_dim3A_2276 : vector<16xi1>, vector<16xi32>
      %gt3A_2282 = arith.cmpf ogt, %select_n3A_2279, %select_n3A_2235 : vector<16xf32>
      %select_n3A_2283 = arith.select %gt3A_2282, %select_n3A_2279, %select_n3A_2235 : vector<16xi1>, vector<16xf32>
      %select_n3A_2284 = arith.select %gt3A_2282, %select_n3A_2235, %select_n3A_2279 : vector<16xi1>, vector<16xf32>
      %select_n3A_2285 = arith.select %gt3A_2282, %select_n3A_2281, %select_n3A_2237 : vector<16xi1>, vector<16xi32>
      %select_n3A_2286 = arith.select %gt3A_2282, %select_n3A_2237, %select_n3A_2281 : vector<16xi1>, vector<16xi32>
      %gt3A_2287 = arith.cmpf ogt, %select_n3A_2284, %select_n3A_2240 : vector<16xf32>
      %select_n3A_2288 = arith.select %gt3A_2287, %select_n3A_2284, %select_n3A_2240 : vector<16xi1>, vector<16xf32>
      %select_n3A_2289 = arith.select %gt3A_2287, %select_n3A_2240, %select_n3A_2284 : vector<16xi1>, vector<16xf32>
      %select_n3A_2290 = arith.select %gt3A_2287, %select_n3A_2286, %select_n3A_2242 : vector<16xi1>, vector<16xi32>
      %select_n3A_2291 = arith.select %gt3A_2287, %select_n3A_2242, %select_n3A_2286 : vector<16xi1>, vector<16xi32>
      %gt3A_2292 = arith.cmpf ogt, %select_n3A_2289, %select_n3A_2245 : vector<16xf32>
      %select_n3A_2293 = arith.select %gt3A_2292, %select_n3A_2289, %select_n3A_2245 : vector<16xi1>, vector<16xf32>
      %select_n3A_2294 = arith.select %gt3A_2292, %select_n3A_2245, %select_n3A_2289 : vector<16xi1>, vector<16xf32>
      %select_n3A_2295 = arith.select %gt3A_2292, %select_n3A_2291, %select_n3A_2247 : vector<16xi1>, vector<16xi32>
      %select_n3A_2296 = arith.select %gt3A_2292, %select_n3A_2247, %select_n3A_2291 : vector<16xi1>, vector<16xi32>
      %gt3A_2297 = arith.cmpf ogt, %select_n3A_2294, %select_n3A_2250 : vector<16xf32>
      %select_n3A_2298 = arith.select %gt3A_2297, %select_n3A_2294, %select_n3A_2250 : vector<16xi1>, vector<16xf32>
      %select_n3A_2299 = arith.select %gt3A_2297, %select_n3A_2250, %select_n3A_2294 : vector<16xi1>, vector<16xf32>
      %select_n3A_2300 = arith.select %gt3A_2297, %select_n3A_2296, %select_n3A_2252 : vector<16xi1>, vector<16xi32>
      %select_n3A_2301 = arith.select %gt3A_2297, %select_n3A_2252, %select_n3A_2296 : vector<16xi1>, vector<16xi32>
      %gt3A_2302 = arith.cmpf ogt, %select_n3A_2299, %select_n3A_2255 : vector<16xf32>
      %select_n3A_2303 = arith.select %gt3A_2302, %select_n3A_2299, %select_n3A_2255 : vector<16xi1>, vector<16xf32>
      %select_n3A_2304 = arith.select %gt3A_2302, %select_n3A_2255, %select_n3A_2299 : vector<16xi1>, vector<16xf32>
      %select_n3A_2305 = arith.select %gt3A_2302, %select_n3A_2301, %select_n3A_2257 : vector<16xi1>, vector<16xi32>
      %select_n3A_2306 = arith.select %gt3A_2302, %select_n3A_2257, %select_n3A_2301 : vector<16xi1>, vector<16xi32>
      %gt3A_2307 = arith.cmpf ogt, %select_n3A_2304, %select_n3A_2260 : vector<16xf32>
      %select_n3A_2308 = arith.select %gt3A_2307, %select_n3A_2304, %select_n3A_2260 : vector<16xi1>, vector<16xf32>
      %select_n3A_2309 = arith.select %gt3A_2307, %select_n3A_2260, %select_n3A_2304 : vector<16xi1>, vector<16xf32>
      %select_n3A_2310 = arith.select %gt3A_2307, %select_n3A_2306, %select_n3A_2262 : vector<16xi1>, vector<16xi32>
      %select_n3A_2311 = arith.select %gt3A_2307, %select_n3A_2262, %select_n3A_2306 : vector<16xi1>, vector<16xi32>
      %gt3A_2312 = arith.cmpf ogt, %select_n3A_2309, %select_n3A_2265 : vector<16xf32>
      %select_n3A_2313 = arith.select %gt3A_2312, %select_n3A_2309, %select_n3A_2265 : vector<16xi1>, vector<16xf32>
      %select_n3A_2314 = arith.select %gt3A_2312, %select_n3A_2265, %select_n3A_2309 : vector<16xi1>, vector<16xf32>
      %select_n3A_2315 = arith.select %gt3A_2312, %select_n3A_2311, %select_n3A_2267 : vector<16xi1>, vector<16xi32>
      %select_n3A_2316 = arith.select %gt3A_2312, %select_n3A_2267, %select_n3A_2311 : vector<16xi1>, vector<16xi32>
      %mul3A_2317 = arith.constant 16 : i32
      %mul3A_2318 = arith.muli %scan3A_8, %mul3A_2317 : i32
      %get3A_2319 = arith.constant 48 : i32
      %get3A_2320 = arith.index_cast %get3A_2319 : i32 to index
      %get3A_2321 = arith.index_cast %mul3A_2318 : i32 to index
      %get3A_2322 = tpu.vector_load %arg5[%get3A_2320, %get3A_2321] {strides = array<i32>} : memref<64x256xf32, #tpu.memory_space<vmem>>, vector<16xf32>,
      %broadcast_in_dim3A_2323 = arith.constant 48 : i32
      %broadcast_in_dim3A_2324 = vector.broadcast %broadcast_in_dim3A_2323 : i32 to vector<16xi32>
      %gt3A_2325 = arith.cmpf ogt, %get3A_2322, %select_n3A_2278 : vector<16xf32>
      %select_n3A_2326 = arith.select %gt3A_2325, %get3A_2322, %select_n3A_2278 : vector<16xi1>, vector<16xf32>
      %select_n3A_2327 = arith.select %gt3A_2325, %select_n3A_2278, %get3A_2322 : vector<16xi1>, vector<16xf32>
      %select_n3A_2328 = arith.select %gt3A_2325, %broadcast_in_dim3A_2324, %select_n3A_2280 : vector<16xi1>, vector<16xi32>
      %select_n3A_2329 = arith.select %gt3A_2325, %select_n3A_2280, %broadcast_in_dim3A_2324 : vector<16xi1>, vector<16xi32>
      %gt3A_2330 = arith.cmpf ogt, %select_n3A_2327, %select_n3A_2283 : vector<16xf32>
      %select_n3A_2331 = arith.select %gt3A_2330, %select_n3A_2327, %select_n3A_2283 : vector<16xi1>, vector<16xf32>
      %select_n3A_2332 = arith.select %gt3A_2330, %select_n3A_2283, %select_n3A_2327 : vector<16xi1>, vector<16xf32>
      %select_n3A_2333 = arith.select %gt3A_2330, %select_n3A_2329, %select_n3A_2285 : vector<16xi1>, vector<16xi32>
      %select_n3A_2334 = arith.select %gt3A_2330, %select_n3A_2285, %select_n3A_2329 : vector<16xi1>, vector<16xi32>
      %gt3A_2335 = arith.cmpf ogt, %select_n3A_2332, %select_n3A_2288 : vector<16xf32>
      %select_n3A_2336 = arith.select %gt3A_2335, %select_n3A_2332, %select_n3A_2288 : vector<16xi1>, vector<16xf32>
      %select_n3A_2337 = arith.select %gt3A_2335, %select_n3A_2288, %select_n3A_2332 : vector<16xi1>, vector<16xf32>
      %select_n3A_2338 = arith.select %gt3A_2335, %select_n3A_2334, %select_n3A_2290 : vector<16xi1>, vector<16xi32>
      %select_n3A_2339 = arith.select %gt3A_2335, %select_n3A_2290, %select_n3A_2334 : vector<16xi1>, vector<16xi32>
      %gt3A_2340 = arith.cmpf ogt, %select_n3A_2337, %select_n3A_2293 : vector<16xf32>
      %select_n3A_2341 = arith.select %gt3A_2340, %select_n3A_2337, %select_n3A_2293 : vector<16xi1>, vector<16xf32>
      %select_n3A_2342 = arith.select %gt3A_2340, %select_n3A_2293, %select_n3A_2337 : vector<16xi1>, vector<16xf32>
      %select_n3A_2343 = arith.select %gt3A_2340, %select_n3A_2339, %select_n3A_2295 : vector<16xi1>, vector<16xi32>
      %select_n3A_2344 = arith.select %gt3A_2340, %select_n3A_2295, %select_n3A_2339 : vector<16xi1>, vector<16xi32>
      %gt3A_2345 = arith.cmpf ogt, %select_n3A_2342, %select_n3A_2298 : vector<16xf32>
      %select_n3A_2346 = arith.select %gt3A_2345, %select_n3A_2342, %select_n3A_2298 : vector<16xi1>, vector<16xf32>
      %select_n3A_2347 = arith.select %gt3A_2345, %select_n3A_2298, %select_n3A_2342 : vector<16xi1>, vector<16xf32>
      %select_n3A_2348 = arith.select %gt3A_2345, %select_n3A_2344, %select_n3A_2300 : vector<16xi1>, vector<16xi32>
      %select_n3A_2349 = arith.select %gt3A_2345, %select_n3A_2300, %select_n3A_2344 : vector<16xi1>, vector<16xi32>
      %gt3A_2350 = arith.cmpf ogt, %select_n3A_2347, %select_n3A_2303 : vector<16xf32>
      %select_n3A_2351 = arith.select %gt3A_2350, %select_n3A_2347, %select_n3A_2303 : vector<16xi1>, vector<16xf32>
      %select_n3A_2352 = arith.select %gt3A_2350, %select_n3A_2303, %select_n3A_2347 : vector<16xi1>, vector<16xf32>
      %select_n3A_2353 = arith.select %gt3A_2350, %select_n3A_2349, %select_n3A_2305 : vector<16xi1>, vector<16xi32>
      %select_n3A_2354 = arith.select %gt3A_2350, %select_n3A_2305, %select_n3A_2349 : vector<16xi1>, vector<16xi32>
      %gt3A_2355 = arith.cmpf ogt, %select_n3A_2352, %select_n3A_2308 : vector<16xf32>
      %select_n3A_2356 = arith.select %gt3A_2355, %select_n3A_2352, %select_n3A_2308 : vector<16xi1>, vector<16xf32>
      %select_n3A_2357 = arith.select %gt3A_2355, %select_n3A_2308, %select_n3A_2352 : vector<16xi1>, vector<16xf32>
      %select_n3A_2358 = arith.select %gt3A_2355, %select_n3A_2354, %select_n3A_2310 : vector<16xi1>, vector<16xi32>
      %select_n3A_2359 = arith.select %gt3A_2355, %select_n3A_2310, %select_n3A_2354 : vector<16xi1>, vector<16xi32>
      %gt3A_2360 = arith.cmpf ogt, %select_n3A_2357, %select_n3A_2313 : vector<16xf32>
      %select_n3A_2361 = arith.select %gt3A_2360, %select_n3A_2357, %select_n3A_2313 : vector<16xi1>, vector<16xf32>
      %select_n3A_2362 = arith.select %gt3A_2360, %select_n3A_2313, %select_n3A_2357 : vector<16xi1>, vector<16xf32>
      %select_n3A_2363 = arith.select %gt3A_2360, %select_n3A_2359, %select_n3A_2315 : vector<16xi1>, vector<16xi32>
      %select_n3A_2364 = arith.select %gt3A_2360, %select_n3A_2315, %select_n3A_2359 : vector<16xi1>, vector<16xi32>
      %mul3A_2365 = arith.constant 16 : i32
      %mul3A_2366 = arith.muli %scan3A_8, %mul3A_2365 : i32
      %get3A_2367 = arith.constant 49 : i32
      %get3A_2368 = arith.index_cast %get3A_2367 : i32 to index
      %get3A_2369 = arith.index_cast %mul3A_2366 : i32 to index
      %get3A_2370 = tpu.vector_load %arg5[%get3A_2368, %get3A_2369] {strides = array<i32>} : memref<64x256xf32, #tpu.memory_space<vmem>>, vector<16xf32>,
      %broadcast_in_dim3A_2371 = arith.constant 49 : i32
      %broadcast_in_dim3A_2372 = vector.broadcast %broadcast_in_dim3A_2371 : i32 to vector<16xi32>
      %gt3A_2373 = arith.cmpf ogt, %get3A_2370, %select_n3A_2326 : vector<16xf32>
      %select_n3A_2374 = arith.select %gt3A_2373, %get3A_2370, %select_n3A_2326 : vector<16xi1>, vector<16xf32>
      %select_n3A_2375 = arith.select %gt3A_2373, %select_n3A_2326, %get3A_2370 : vector<16xi1>, vector<16xf32>
      %select_n3A_2376 = arith.select %gt3A_2373, %broadcast_in_dim3A_2372, %select_n3A_2328 : vector<16xi1>, vector<16xi32>
      %select_n3A_2377 = arith.select %gt3A_2373, %select_n3A_2328, %broadcast_in_dim3A_2372 : vector<16xi1>, vector<16xi32>
      %gt3A_2378 = arith.cmpf ogt, %select_n3A_2375, %select_n3A_2331 : vector<16xf32>
      %select_n3A_2379 = arith.select %gt3A_2378, %select_n3A_2375, %select_n3A_2331 : vector<16xi1>, vector<16xf32>
      %select_n3A_2380 = arith.select %gt3A_2378, %select_n3A_2331, %select_n3A_2375 : vector<16xi1>, vector<16xf32>
      %select_n3A_2381 = arith.select %gt3A_2378, %select_n3A_2377, %select_n3A_2333 : vector<16xi1>, vector<16xi32>
      %select_n3A_2382 = arith.select %gt3A_2378, %select_n3A_2333, %select_n3A_2377 : vector<16xi1>, vector<16xi32>
      %gt3A_2383 = arith.cmpf ogt, %select_n3A_2380, %select_n3A_2336 : vector<16xf32>
      %select_n3A_2384 = arith.select %gt3A_2383, %select_n3A_2380, %select_n3A_2336 : vector<16xi1>, vector<16xf32>
      %select_n3A_2385 = arith.select %gt3A_2383, %select_n3A_2336, %select_n3A_2380 : vector<16xi1>, vector<16xf32>
      %select_n3A_2386 = arith.select %gt3A_2383, %select_n3A_2382, %select_n3A_2338 : vector<16xi1>, vector<16xi32>
      %select_n3A_2387 = arith.select %gt3A_2383, %select_n3A_2338, %select_n3A_2382 : vector<16xi1>, vector<16xi32>
      %gt3A_2388 = arith.cmpf ogt, %select_n3A_2385, %select_n3A_2341 : vector<16xf32>
      %select_n3A_2389 = arith.select %gt3A_2388, %select_n3A_2385, %select_n3A_2341 : vector<16xi1>, vector<16xf32>
      %select_n3A_2390 = arith.select %gt3A_2388, %select_n3A_2341, %select_n3A_2385 : vector<16xi1>, vector<16xf32>
      %select_n3A_2391 = arith.select %gt3A_2388, %select_n3A_2387, %select_n3A_2343 : vector<16xi1>, vector<16xi32>
      %select_n3A_2392 = arith.select %gt3A_2388, %select_n3A_2343, %select_n3A_2387 : vector<16xi1>, vector<16xi32>
      %gt3A_2393 = arith.cmpf ogt, %select_n3A_2390, %select_n3A_2346 : vector<16xf32>
      %select_n3A_2394 = arith.select %gt3A_2393, %select_n3A_2390, %select_n3A_2346 : vector<16xi1>, vector<16xf32>
      %select_n3A_2395 = arith.select %gt3A_2393, %select_n3A_2346, %select_n3A_2390 : vector<16xi1>, vector<16xf32>
      %select_n3A_2396 = arith.select %gt3A_2393, %select_n3A_2392, %select_n3A_2348 : vector<16xi1>, vector<16xi32>
      %select_n3A_2397 = arith.select %gt3A_2393, %select_n3A_2348, %select_n3A_2392 : vector<16xi1>, vector<16xi32>
      %gt3A_2398 = arith.cmpf ogt, %select_n3A_2395, %select_n3A_2351 : vector<16xf32>
      %select_n3A_2399 = arith.select %gt3A_2398, %select_n3A_2395, %select_n3A_2351 : vector<16xi1>, vector<16xf32>
      %select_n3A_2400 = arith.select %gt3A_2398, %select_n3A_2351, %select_n3A_2395 : vector<16xi1>, vector<16xf32>
      %select_n3A_2401 = arith.select %gt3A_2398, %select_n3A_2397, %select_n3A_2353 : vector<16xi1>, vector<16xi32>
      %select_n3A_2402 = arith.select %gt3A_2398, %select_n3A_2353, %select_n3A_2397 : vector<16xi1>, vector<16xi32>
      %gt3A_2403 = arith.cmpf ogt, %select_n3A_2400, %select_n3A_2356 : vector<16xf32>
      %select_n3A_2404 = arith.select %gt3A_2403, %select_n3A_2400, %select_n3A_2356 : vector<16xi1>, vector<16xf32>
      %select_n3A_2405 = arith.select %gt3A_2403, %select_n3A_2356, %select_n3A_2400 : vector<16xi1>, vector<16xf32>
      %select_n3A_2406 = arith.select %gt3A_2403, %select_n3A_2402, %select_n3A_2358 : vector<16xi1>, vector<16xi32>
      %select_n3A_2407 = arith.select %gt3A_2403, %select_n3A_2358, %select_n3A_2402 : vector<16xi1>, vector<16xi32>
      %gt3A_2408 = arith.cmpf ogt, %select_n3A_2405, %select_n3A_2361 : vector<16xf32>
      %select_n3A_2409 = arith.select %gt3A_2408, %select_n3A_2405, %select_n3A_2361 : vector<16xi1>, vector<16xf32>
      %select_n3A_2410 = arith.select %gt3A_2408, %select_n3A_2361, %select_n3A_2405 : vector<16xi1>, vector<16xf32>
      %select_n3A_2411 = arith.select %gt3A_2408, %select_n3A_2407, %select_n3A_2363 : vector<16xi1>, vector<16xi32>
      %select_n3A_2412 = arith.select %gt3A_2408, %select_n3A_2363, %select_n3A_2407 : vector<16xi1>, vector<16xi32>
      %mul3A_2413 = arith.constant 16 : i32
      %mul3A_2414 = arith.muli %scan3A_8, %mul3A_2413 : i32
      %get3A_2415 = arith.constant 50 : i32
      %get3A_2416 = arith.index_cast %get3A_2415 : i32 to index
      %get3A_2417 = arith.index_cast %mul3A_2414 : i32 to index
      %get3A_2418 = tpu.vector_load %arg5[%get3A_2416, %get3A_2417] {strides = array<i32>} : memref<64x256xf32, #tpu.memory_space<vmem>>, vector<16xf32>,
      %broadcast_in_dim3A_2419 = arith.constant 50 : i32
      %broadcast_in_dim3A_2420 = vector.broadcast %broadcast_in_dim3A_2419 : i32 to vector<16xi32>
      %gt3A_2421 = arith.cmpf ogt, %get3A_2418, %select_n3A_2374 : vector<16xf32>
      %select_n3A_2422 = arith.select %gt3A_2421, %get3A_2418, %select_n3A_2374 : vector<16xi1>, vector<16xf32>
      %select_n3A_2423 = arith.select %gt3A_2421, %select_n3A_2374, %get3A_2418 : vector<16xi1>, vector<16xf32>
      %select_n3A_2424 = arith.select %gt3A_2421, %broadcast_in_dim3A_2420, %select_n3A_2376 : vector<16xi1>, vector<16xi32>
      %select_n3A_2425 = arith.select %gt3A_2421, %select_n3A_2376, %broadcast_in_dim3A_2420 : vector<16xi1>, vector<16xi32>
      %gt3A_2426 = arith.cmpf ogt, %select_n3A_2423, %select_n3A_2379 : vector<16xf32>
      %select_n3A_2427 = arith.select %gt3A_2426, %select_n3A_2423, %select_n3A_2379 : vector<16xi1>, vector<16xf32>
      %select_n3A_2428 = arith.select %gt3A_2426, %select_n3A_2379, %select_n3A_2423 : vector<16xi1>, vector<16xf32>
      %select_n3A_2429 = arith.select %gt3A_2426, %select_n3A_2425, %select_n3A_2381 : vector<16xi1>, vector<16xi32>
      %select_n3A_2430 = arith.select %gt3A_2426, %select_n3A_2381, %select_n3A_2425 : vector<16xi1>, vector<16xi32>
      %gt3A_2431 = arith.cmpf ogt, %select_n3A_2428, %select_n3A_2384 : vector<16xf32>
      %select_n3A_2432 = arith.select %gt3A_2431, %select_n3A_2428, %select_n3A_2384 : vector<16xi1>, vector<16xf32>
      %select_n3A_2433 = arith.select %gt3A_2431, %select_n3A_2384, %select_n3A_2428 : vector<16xi1>, vector<16xf32>
      %select_n3A_2434 = arith.select %gt3A_2431, %select_n3A_2430, %select_n3A_2386 : vector<16xi1>, vector<16xi32>
      %select_n3A_2435 = arith.select %gt3A_2431, %select_n3A_2386, %select_n3A_2430 : vector<16xi1>, vector<16xi32>
      %gt3A_2436 = arith.cmpf ogt, %select_n3A_2433, %select_n3A_2389 : vector<16xf32>
      %select_n3A_2437 = arith.select %gt3A_2436, %select_n3A_2433, %select_n3A_2389 : vector<16xi1>, vector<16xf32>
      %select_n3A_2438 = arith.select %gt3A_2436, %select_n3A_2389, %select_n3A_2433 : vector<16xi1>, vector<16xf32>
      %select_n3A_2439 = arith.select %gt3A_2436, %select_n3A_2435, %select_n3A_2391 : vector<16xi1>, vector<16xi32>
      %select_n3A_2440 = arith.select %gt3A_2436, %select_n3A_2391, %select_n3A_2435 : vector<16xi1>, vector<16xi32>
      %gt3A_2441 = arith.cmpf ogt, %select_n3A_2438, %select_n3A_2394 : vector<16xf32>
      %select_n3A_2442 = arith.select %gt3A_2441, %select_n3A_2438, %select_n3A_2394 : vector<16xi1>, vector<16xf32>
      %select_n3A_2443 = arith.select %gt3A_2441, %select_n3A_2394, %select_n3A_2438 : vector<16xi1>, vector<16xf32>
      %select_n3A_2444 = arith.select %gt3A_2441, %select_n3A_2440, %select_n3A_2396 : vector<16xi1>, vector<16xi32>
      %select_n3A_2445 = arith.select %gt3A_2441, %select_n3A_2396, %select_n3A_2440 : vector<16xi1>, vector<16xi32>
      %gt3A_2446 = arith.cmpf ogt, %select_n3A_2443, %select_n3A_2399 : vector<16xf32>
      %select_n3A_2447 = arith.select %gt3A_2446, %select_n3A_2443, %select_n3A_2399 : vector<16xi1>, vector<16xf32>
      %select_n3A_2448 = arith.select %gt3A_2446, %select_n3A_2399, %select_n3A_2443 : vector<16xi1>, vector<16xf32>
      %select_n3A_2449 = arith.select %gt3A_2446, %select_n3A_2445, %select_n3A_2401 : vector<16xi1>, vector<16xi32>
      %select_n3A_2450 = arith.select %gt3A_2446, %select_n3A_2401, %select_n3A_2445 : vector<16xi1>, vector<16xi32>
      %gt3A_2451 = arith.cmpf ogt, %select_n3A_2448, %select_n3A_2404 : vector<16xf32>
      %select_n3A_2452 = arith.select %gt3A_2451, %select_n3A_2448, %select_n3A_2404 : vector<16xi1>, vector<16xf32>
      %select_n3A_2453 = arith.select %gt3A_2451, %select_n3A_2404, %select_n3A_2448 : vector<16xi1>, vector<16xf32>
      %select_n3A_2454 = arith.select %gt3A_2451, %select_n3A_2450, %select_n3A_2406 : vector<16xi1>, vector<16xi32>
      %select_n3A_2455 = arith.select %gt3A_2451, %select_n3A_2406, %select_n3A_2450 : vector<16xi1>, vector<16xi32>
      %gt3A_2456 = arith.cmpf ogt, %select_n3A_2453, %select_n3A_2409 : vector<16xf32>
      %select_n3A_2457 = arith.select %gt3A_2456, %select_n3A_2453, %select_n3A_2409 : vector<16xi1>, vector<16xf32>
      %select_n3A_2458 = arith.select %gt3A_2456, %select_n3A_2409, %select_n3A_2453 : vector<16xi1>, vector<16xf32>
      %select_n3A_2459 = arith.select %gt3A_2456, %select_n3A_2455, %select_n3A_2411 : vector<16xi1>, vector<16xi32>
      %select_n3A_2460 = arith.select %gt3A_2456, %select_n3A_2411, %select_n3A_2455 : vector<16xi1>, vector<16xi32>
      %mul3A_2461 = arith.constant 16 : i32
      %mul3A_2462 = arith.muli %scan3A_8, %mul3A_2461 : i32
      %get3A_2463 = arith.constant 51 : i32
      %get3A_2464 = arith.index_cast %get3A_2463 : i32 to index
      %get3A_2465 = arith.index_cast %mul3A_2462 : i32 to index
      %get3A_2466 = tpu.vector_load %arg5[%get3A_2464, %get3A_2465] {strides = array<i32>} : memref<64x256xf32, #tpu.memory_space<vmem>>, vector<16xf32>,
      %broadcast_in_dim3A_2467 = arith.constant 51 : i32
      %broadcast_in_dim3A_2468 = vector.broadcast %broadcast_in_dim3A_2467 : i32 to vector<16xi32>
      %gt3A_2469 = arith.cmpf ogt, %get3A_2466, %select_n3A_2422 : vector<16xf32>
      %select_n3A_2470 = arith.select %gt3A_2469, %get3A_2466, %select_n3A_2422 : vector<16xi1>, vector<16xf32>
      %select_n3A_2471 = arith.select %gt3A_2469, %select_n3A_2422, %get3A_2466 : vector<16xi1>, vector<16xf32>
      %select_n3A_2472 = arith.select %gt3A_2469, %broadcast_in_dim3A_2468, %select_n3A_2424 : vector<16xi1>, vector<16xi32>
      %select_n3A_2473 = arith.select %gt3A_2469, %select_n3A_2424, %broadcast_in_dim3A_2468 : vector<16xi1>, vector<16xi32>
      %gt3A_2474 = arith.cmpf ogt, %select_n3A_2471, %select_n3A_2427 : vector<16xf32>
      %select_n3A_2475 = arith.select %gt3A_2474, %select_n3A_2471, %select_n3A_2427 : vector<16xi1>, vector<16xf32>
      %select_n3A_2476 = arith.select %gt3A_2474, %select_n3A_2427, %select_n3A_2471 : vector<16xi1>, vector<16xf32>
      %select_n3A_2477 = arith.select %gt3A_2474, %select_n3A_2473, %select_n3A_2429 : vector<16xi1>, vector<16xi32>
      %select_n3A_2478 = arith.select %gt3A_2474, %select_n3A_2429, %select_n3A_2473 : vector<16xi1>, vector<16xi32>
      %gt3A_2479 = arith.cmpf ogt, %select_n3A_2476, %select_n3A_2432 : vector<16xf32>
      %select_n3A_2480 = arith.select %gt3A_2479, %select_n3A_2476, %select_n3A_2432 : vector<16xi1>, vector<16xf32>
      %select_n3A_2481 = arith.select %gt3A_2479, %select_n3A_2432, %select_n3A_2476 : vector<16xi1>, vector<16xf32>
      %select_n3A_2482 = arith.select %gt3A_2479, %select_n3A_2478, %select_n3A_2434 : vector<16xi1>, vector<16xi32>
      %select_n3A_2483 = arith.select %gt3A_2479, %select_n3A_2434, %select_n3A_2478 : vector<16xi1>, vector<16xi32>
      %gt3A_2484 = arith.cmpf ogt, %select_n3A_2481, %select_n3A_2437 : vector<16xf32>
      %select_n3A_2485 = arith.select %gt3A_2484, %select_n3A_2481, %select_n3A_2437 : vector<16xi1>, vector<16xf32>
      %select_n3A_2486 = arith.select %gt3A_2484, %select_n3A_2437, %select_n3A_2481 : vector<16xi1>, vector<16xf32>
      %select_n3A_2487 = arith.select %gt3A_2484, %select_n3A_2483, %select_n3A_2439 : vector<16xi1>, vector<16xi32>
      %select_n3A_2488 = arith.select %gt3A_2484, %select_n3A_2439, %select_n3A_2483 : vector<16xi1>, vector<16xi32>
      %gt3A_2489 = arith.cmpf ogt, %select_n3A_2486, %select_n3A_2442 : vector<16xf32>
      %select_n3A_2490 = arith.select %gt3A_2489, %select_n3A_2486, %select_n3A_2442 : vector<16xi1>, vector<16xf32>
      %select_n3A_2491 = arith.select %gt3A_2489, %select_n3A_2442, %select_n3A_2486 : vector<16xi1>, vector<16xf32>
      %select_n3A_2492 = arith.select %gt3A_2489, %select_n3A_2488, %select_n3A_2444 : vector<16xi1>, vector<16xi32>
      %select_n3A_2493 = arith.select %gt3A_2489, %select_n3A_2444, %select_n3A_2488 : vector<16xi1>, vector<16xi32>
      %gt3A_2494 = arith.cmpf ogt, %select_n3A_2491, %select_n3A_2447 : vector<16xf32>
      %select_n3A_2495 = arith.select %gt3A_2494, %select_n3A_2491, %select_n3A_2447 : vector<16xi1>, vector<16xf32>
      %select_n3A_2496 = arith.select %gt3A_2494, %select_n3A_2447, %select_n3A_2491 : vector<16xi1>, vector<16xf32>
      %select_n3A_2497 = arith.select %gt3A_2494, %select_n3A_2493, %select_n3A_2449 : vector<16xi1>, vector<16xi32>
      %select_n3A_2498 = arith.select %gt3A_2494, %select_n3A_2449, %select_n3A_2493 : vector<16xi1>, vector<16xi32>
      %gt3A_2499 = arith.cmpf ogt, %select_n3A_2496, %select_n3A_2452 : vector<16xf32>
      %select_n3A_2500 = arith.select %gt3A_2499, %select_n3A_2496, %select_n3A_2452 : vector<16xi1>, vector<16xf32>
      %select_n3A_2501 = arith.select %gt3A_2499, %select_n3A_2452, %select_n3A_2496 : vector<16xi1>, vector<16xf32>
      %select_n3A_2502 = arith.select %gt3A_2499, %select_n3A_2498, %select_n3A_2454 : vector<16xi1>, vector<16xi32>
      %select_n3A_2503 = arith.select %gt3A_2499, %select_n3A_2454, %select_n3A_2498 : vector<16xi1>, vector<16xi32>
      %gt3A_2504 = arith.cmpf ogt, %select_n3A_2501, %select_n3A_2457 : vector<16xf32>
      %select_n3A_2505 = arith.select %gt3A_2504, %select_n3A_2501, %select_n3A_2457 : vector<16xi1>, vector<16xf32>
      %select_n3A_2506 = arith.select %gt3A_2504, %select_n3A_2457, %select_n3A_2501 : vector<16xi1>, vector<16xf32>
      %select_n3A_2507 = arith.select %gt3A_2504, %select_n3A_2503, %select_n3A_2459 : vector<16xi1>, vector<16xi32>
      %select_n3A_2508 = arith.select %gt3A_2504, %select_n3A_2459, %select_n3A_2503 : vector<16xi1>, vector<16xi32>
      %mul3A_2509 = arith.constant 16 : i32
      %mul3A_2510 = arith.muli %scan3A_8, %mul3A_2509 : i32
      %get3A_2511 = arith.constant 52 : i32
      %get3A_2512 = arith.index_cast %get3A_2511 : i32 to index
      %get3A_2513 = arith.index_cast %mul3A_2510 : i32 to index
      %get3A_2514 = tpu.vector_load %arg5[%get3A_2512, %get3A_2513] {strides = array<i32>} : memref<64x256xf32, #tpu.memory_space<vmem>>, vector<16xf32>,
      %broadcast_in_dim3A_2515 = arith.constant 52 : i32
      %broadcast_in_dim3A_2516 = vector.broadcast %broadcast_in_dim3A_2515 : i32 to vector<16xi32>
      %gt3A_2517 = arith.cmpf ogt, %get3A_2514, %select_n3A_2470 : vector<16xf32>
      %select_n3A_2518 = arith.select %gt3A_2517, %get3A_2514, %select_n3A_2470 : vector<16xi1>, vector<16xf32>
      %select_n3A_2519 = arith.select %gt3A_2517, %select_n3A_2470, %get3A_2514 : vector<16xi1>, vector<16xf32>
      %select_n3A_2520 = arith.select %gt3A_2517, %broadcast_in_dim3A_2516, %select_n3A_2472 : vector<16xi1>, vector<16xi32>
      %select_n3A_2521 = arith.select %gt3A_2517, %select_n3A_2472, %broadcast_in_dim3A_2516 : vector<16xi1>, vector<16xi32>
      %gt3A_2522 = arith.cmpf ogt, %select_n3A_2519, %select_n3A_2475 : vector<16xf32>
      %select_n3A_2523 = arith.select %gt3A_2522, %select_n3A_2519, %select_n3A_2475 : vector<16xi1>, vector<16xf32>
      %select_n3A_2524 = arith.select %gt3A_2522, %select_n3A_2475, %select_n3A_2519 : vector<16xi1>, vector<16xf32>
      %select_n3A_2525 = arith.select %gt3A_2522, %select_n3A_2521, %select_n3A_2477 : vector<16xi1>, vector<16xi32>
      %select_n3A_2526 = arith.select %gt3A_2522, %select_n3A_2477, %select_n3A_2521 : vector<16xi1>, vector<16xi32>
      %gt3A_2527 = arith.cmpf ogt, %select_n3A_2524, %select_n3A_2480 : vector<16xf32>
      %select_n3A_2528 = arith.select %gt3A_2527, %select_n3A_2524, %select_n3A_2480 : vector<16xi1>, vector<16xf32>
      %select_n3A_2529 = arith.select %gt3A_2527, %select_n3A_2480, %select_n3A_2524 : vector<16xi1>, vector<16xf32>
      %select_n3A_2530 = arith.select %gt3A_2527, %select_n3A_2526, %select_n3A_2482 : vector<16xi1>, vector<16xi32>
      %select_n3A_2531 = arith.select %gt3A_2527, %select_n3A_2482, %select_n3A_2526 : vector<16xi1>, vector<16xi32>
      %gt3A_2532 = arith.cmpf ogt, %select_n3A_2529, %select_n3A_2485 : vector<16xf32>
      %select_n3A_2533 = arith.select %gt3A_2532, %select_n3A_2529, %select_n3A_2485 : vector<16xi1>, vector<16xf32>
      %select_n3A_2534 = arith.select %gt3A_2532, %select_n3A_2485, %select_n3A_2529 : vector<16xi1>, vector<16xf32>
      %select_n3A_2535 = arith.select %gt3A_2532, %select_n3A_2531, %select_n3A_2487 : vector<16xi1>, vector<16xi32>
      %select_n3A_2536 = arith.select %gt3A_2532, %select_n3A_2487, %select_n3A_2531 : vector<16xi1>, vector<16xi32>
      %gt3A_2537 = arith.cmpf ogt, %select_n3A_2534, %select_n3A_2490 : vector<16xf32>
      %select_n3A_2538 = arith.select %gt3A_2537, %select_n3A_2534, %select_n3A_2490 : vector<16xi1>, vector<16xf32>
      %select_n3A_2539 = arith.select %gt3A_2537, %select_n3A_2490, %select_n3A_2534 : vector<16xi1>, vector<16xf32>
      %select_n3A_2540 = arith.select %gt3A_2537, %select_n3A_2536, %select_n3A_2492 : vector<16xi1>, vector<16xi32>
      %select_n3A_2541 = arith.select %gt3A_2537, %select_n3A_2492, %select_n3A_2536 : vector<16xi1>, vector<16xi32>
      %gt3A_2542 = arith.cmpf ogt, %select_n3A_2539, %select_n3A_2495 : vector<16xf32>
      %select_n3A_2543 = arith.select %gt3A_2542, %select_n3A_2539, %select_n3A_2495 : vector<16xi1>, vector<16xf32>
      %select_n3A_2544 = arith.select %gt3A_2542, %select_n3A_2495, %select_n3A_2539 : vector<16xi1>, vector<16xf32>
      %select_n3A_2545 = arith.select %gt3A_2542, %select_n3A_2541, %select_n3A_2497 : vector<16xi1>, vector<16xi32>
      %select_n3A_2546 = arith.select %gt3A_2542, %select_n3A_2497, %select_n3A_2541 : vector<16xi1>, vector<16xi32>
      %gt3A_2547 = arith.cmpf ogt, %select_n3A_2544, %select_n3A_2500 : vector<16xf32>
      %select_n3A_2548 = arith.select %gt3A_2547, %select_n3A_2544, %select_n3A_2500 : vector<16xi1>, vector<16xf32>
      %select_n3A_2549 = arith.select %gt3A_2547, %select_n3A_2500, %select_n3A_2544 : vector<16xi1>, vector<16xf32>
      %select_n3A_2550 = arith.select %gt3A_2547, %select_n3A_2546, %select_n3A_2502 : vector<16xi1>, vector<16xi32>
      %select_n3A_2551 = arith.select %gt3A_2547, %select_n3A_2502, %select_n3A_2546 : vector<16xi1>, vector<16xi32>
      %gt3A_2552 = arith.cmpf ogt, %select_n3A_2549, %select_n3A_2505 : vector<16xf32>
      %select_n3A_2553 = arith.select %gt3A_2552, %select_n3A_2549, %select_n3A_2505 : vector<16xi1>, vector<16xf32>
      %select_n3A_2554 = arith.select %gt3A_2552, %select_n3A_2505, %select_n3A_2549 : vector<16xi1>, vector<16xf32>
      %select_n3A_2555 = arith.select %gt3A_2552, %select_n3A_2551, %select_n3A_2507 : vector<16xi1>, vector<16xi32>
      %select_n3A_2556 = arith.select %gt3A_2552, %select_n3A_2507, %select_n3A_2551 : vector<16xi1>, vector<16xi32>
      %mul3A_2557 = arith.constant 16 : i32
      %mul3A_2558 = arith.muli %scan3A_8, %mul3A_2557 : i32
      %get3A_2559 = arith.constant 53 : i32
      %get3A_2560 = arith.index_cast %get3A_2559 : i32 to index
      %get3A_2561 = arith.index_cast %mul3A_2558 : i32 to index
      %get3A_2562 = tpu.vector_load %arg5[%get3A_2560, %get3A_2561] {strides = array<i32>} : memref<64x256xf32, #tpu.memory_space<vmem>>, vector<16xf32>,
      %broadcast_in_dim3A_2563 = arith.constant 53 : i32
      %broadcast_in_dim3A_2564 = vector.broadcast %broadcast_in_dim3A_2563 : i32 to vector<16xi32>
      %gt3A_2565 = arith.cmpf ogt, %get3A_2562, %select_n3A_2518 : vector<16xf32>
      %select_n3A_2566 = arith.select %gt3A_2565, %get3A_2562, %select_n3A_2518 : vector<16xi1>, vector<16xf32>
      %select_n3A_2567 = arith.select %gt3A_2565, %select_n3A_2518, %get3A_2562 : vector<16xi1>, vector<16xf32>
      %select_n3A_2568 = arith.select %gt3A_2565, %broadcast_in_dim3A_2564, %select_n3A_2520 : vector<16xi1>, vector<16xi32>
      %select_n3A_2569 = arith.select %gt3A_2565, %select_n3A_2520, %broadcast_in_dim3A_2564 : vector<16xi1>, vector<16xi32>
      %gt3A_2570 = arith.cmpf ogt, %select_n3A_2567, %select_n3A_2523 : vector<16xf32>
      %select_n3A_2571 = arith.select %gt3A_2570, %select_n3A_2567, %select_n3A_2523 : vector<16xi1>, vector<16xf32>
      %select_n3A_2572 = arith.select %gt3A_2570, %select_n3A_2523, %select_n3A_2567 : vector<16xi1>, vector<16xf32>
      %select_n3A_2573 = arith.select %gt3A_2570, %select_n3A_2569, %select_n3A_2525 : vector<16xi1>, vector<16xi32>
      %select_n3A_2574 = arith.select %gt3A_2570, %select_n3A_2525, %select_n3A_2569 : vector<16xi1>, vector<16xi32>
      %gt3A_2575 = arith.cmpf ogt, %select_n3A_2572, %select_n3A_2528 : vector<16xf32>
      %select_n3A_2576 = arith.select %gt3A_2575, %select_n3A_2572, %select_n3A_2528 : vector<16xi1>, vector<16xf32>
      %select_n3A_2577 = arith.select %gt3A_2575, %select_n3A_2528, %select_n3A_2572 : vector<16xi1>, vector<16xf32>
      %select_n3A_2578 = arith.select %gt3A_2575, %select_n3A_2574, %select_n3A_2530 : vector<16xi1>, vector<16xi32>
      %select_n3A_2579 = arith.select %gt3A_2575, %select_n3A_2530, %select_n3A_2574 : vector<16xi1>, vector<16xi32>
      %gt3A_2580 = arith.cmpf ogt, %select_n3A_2577, %select_n3A_2533 : vector<16xf32>
      %select_n3A_2581 = arith.select %gt3A_2580, %select_n3A_2577, %select_n3A_2533 : vector<16xi1>, vector<16xf32>
      %select_n3A_2582 = arith.select %gt3A_2580, %select_n3A_2533, %select_n3A_2577 : vector<16xi1>, vector<16xf32>
      %select_n3A_2583 = arith.select %gt3A_2580, %select_n3A_2579, %select_n3A_2535 : vector<16xi1>, vector<16xi32>
      %select_n3A_2584 = arith.select %gt3A_2580, %select_n3A_2535, %select_n3A_2579 : vector<16xi1>, vector<16xi32>
      %gt3A_2585 = arith.cmpf ogt, %select_n3A_2582, %select_n3A_2538 : vector<16xf32>
      %select_n3A_2586 = arith.select %gt3A_2585, %select_n3A_2582, %select_n3A_2538 : vector<16xi1>, vector<16xf32>
      %select_n3A_2587 = arith.select %gt3A_2585, %select_n3A_2538, %select_n3A_2582 : vector<16xi1>, vector<16xf32>
      %select_n3A_2588 = arith.select %gt3A_2585, %select_n3A_2584, %select_n3A_2540 : vector<16xi1>, vector<16xi32>
      %select_n3A_2589 = arith.select %gt3A_2585, %select_n3A_2540, %select_n3A_2584 : vector<16xi1>, vector<16xi32>
      %gt3A_2590 = arith.cmpf ogt, %select_n3A_2587, %select_n3A_2543 : vector<16xf32>
      %select_n3A_2591 = arith.select %gt3A_2590, %select_n3A_2587, %select_n3A_2543 : vector<16xi1>, vector<16xf32>
      %select_n3A_2592 = arith.select %gt3A_2590, %select_n3A_2543, %select_n3A_2587 : vector<16xi1>, vector<16xf32>
      %select_n3A_2593 = arith.select %gt3A_2590, %select_n3A_2589, %select_n3A_2545 : vector<16xi1>, vector<16xi32>
      %select_n3A_2594 = arith.select %gt3A_2590, %select_n3A_2545, %select_n3A_2589 : vector<16xi1>, vector<16xi32>
      %gt3A_2595 = arith.cmpf ogt, %select_n3A_2592, %select_n3A_2548 : vector<16xf32>
      %select_n3A_2596 = arith.select %gt3A_2595, %select_n3A_2592, %select_n3A_2548 : vector<16xi1>, vector<16xf32>
      %select_n3A_2597 = arith.select %gt3A_2595, %select_n3A_2548, %select_n3A_2592 : vector<16xi1>, vector<16xf32>
      %select_n3A_2598 = arith.select %gt3A_2595, %select_n3A_2594, %select_n3A_2550 : vector<16xi1>, vector<16xi32>
      %select_n3A_2599 = arith.select %gt3A_2595, %select_n3A_2550, %select_n3A_2594 : vector<16xi1>, vector<16xi32>
      %gt3A_2600 = arith.cmpf ogt, %select_n3A_2597, %select_n3A_2553 : vector<16xf32>
      %select_n3A_2601 = arith.select %gt3A_2600, %select_n3A_2597, %select_n3A_2553 : vector<16xi1>, vector<16xf32>
      %select_n3A_2602 = arith.select %gt3A_2600, %select_n3A_2553, %select_n3A_2597 : vector<16xi1>, vector<16xf32>
      %select_n3A_2603 = arith.select %gt3A_2600, %select_n3A_2599, %select_n3A_2555 : vector<16xi1>, vector<16xi32>
      %select_n3A_2604 = arith.select %gt3A_2600, %select_n3A_2555, %select_n3A_2599 : vector<16xi1>, vector<16xi32>
      %mul3A_2605 = arith.constant 16 : i32
      %mul3A_2606 = arith.muli %scan3A_8, %mul3A_2605 : i32
      %get3A_2607 = arith.constant 54 : i32
      %get3A_2608 = arith.index_cast %get3A_2607 : i32 to index
      %get3A_2609 = arith.index_cast %mul3A_2606 : i32 to index
      %get3A_2610 = tpu.vector_load %arg5[%get3A_2608, %get3A_2609] {strides = array<i32>} : memref<64x256xf32, #tpu.memory_space<vmem>>, vector<16xf32>,
      %broadcast_in_dim3A_2611 = arith.constant 54 : i32
      %broadcast_in_dim3A_2612 = vector.broadcast %broadcast_in_dim3A_2611 : i32 to vector<16xi32>
      %gt3A_2613 = arith.cmpf ogt, %get3A_2610, %select_n3A_2566 : vector<16xf32>
      %select_n3A_2614 = arith.select %gt3A_2613, %get3A_2610, %select_n3A_2566 : vector<16xi1>, vector<16xf32>
      %select_n3A_2615 = arith.select %gt3A_2613, %select_n3A_2566, %get3A_2610 : vector<16xi1>, vector<16xf32>
      %select_n3A_2616 = arith.select %gt3A_2613, %broadcast_in_dim3A_2612, %select_n3A_2568 : vector<16xi1>, vector<16xi32>
      %select_n3A_2617 = arith.select %gt3A_2613, %select_n3A_2568, %broadcast_in_dim3A_2612 : vector<16xi1>, vector<16xi32>
      %gt3A_2618 = arith.cmpf ogt, %select_n3A_2615, %select_n3A_2571 : vector<16xf32>
      %select_n3A_2619 = arith.select %gt3A_2618, %select_n3A_2615, %select_n3A_2571 : vector<16xi1>, vector<16xf32>
      %select_n3A_2620 = arith.select %gt3A_2618, %select_n3A_2571, %select_n3A_2615 : vector<16xi1>, vector<16xf32>
      %select_n3A_2621 = arith.select %gt3A_2618, %select_n3A_2617, %select_n3A_2573 : vector<16xi1>, vector<16xi32>
      %select_n3A_2622 = arith.select %gt3A_2618, %select_n3A_2573, %select_n3A_2617 : vector<16xi1>, vector<16xi32>
      %gt3A_2623 = arith.cmpf ogt, %select_n3A_2620, %select_n3A_2576 : vector<16xf32>
      %select_n3A_2624 = arith.select %gt3A_2623, %select_n3A_2620, %select_n3A_2576 : vector<16xi1>, vector<16xf32>
      %select_n3A_2625 = arith.select %gt3A_2623, %select_n3A_2576, %select_n3A_2620 : vector<16xi1>, vector<16xf32>
      %select_n3A_2626 = arith.select %gt3A_2623, %select_n3A_2622, %select_n3A_2578 : vector<16xi1>, vector<16xi32>
      %select_n3A_2627 = arith.select %gt3A_2623, %select_n3A_2578, %select_n3A_2622 : vector<16xi1>, vector<16xi32>
      %gt3A_2628 = arith.cmpf ogt, %select_n3A_2625, %select_n3A_2581 : vector<16xf32>
      %select_n3A_2629 = arith.select %gt3A_2628, %select_n3A_2625, %select_n3A_2581 : vector<16xi1>, vector<16xf32>
      %select_n3A_2630 = arith.select %gt3A_2628, %select_n3A_2581, %select_n3A_2625 : vector<16xi1>, vector<16xf32>
      %select_n3A_2631 = arith.select %gt3A_2628, %select_n3A_2627, %select_n3A_2583 : vector<16xi1>, vector<16xi32>
      %select_n3A_2632 = arith.select %gt3A_2628, %select_n3A_2583, %select_n3A_2627 : vector<16xi1>, vector<16xi32>
      %gt3A_2633 = arith.cmpf ogt, %select_n3A_2630, %select_n3A_2586 : vector<16xf32>
      %select_n3A_2634 = arith.select %gt3A_2633, %select_n3A_2630, %select_n3A_2586 : vector<16xi1>, vector<16xf32>
      %select_n3A_2635 = arith.select %gt3A_2633, %select_n3A_2586, %select_n3A_2630 : vector<16xi1>, vector<16xf32>
      %select_n3A_2636 = arith.select %gt3A_2633, %select_n3A_2632, %select_n3A_2588 : vector<16xi1>, vector<16xi32>
      %select_n3A_2637 = arith.select %gt3A_2633, %select_n3A_2588, %select_n3A_2632 : vector<16xi1>, vector<16xi32>
      %gt3A_2638 = arith.cmpf ogt, %select_n3A_2635, %select_n3A_2591 : vector<16xf32>
      %select_n3A_2639 = arith.select %gt3A_2638, %select_n3A_2635, %select_n3A_2591 : vector<16xi1>, vector<16xf32>
      %select_n3A_2640 = arith.select %gt3A_2638, %select_n3A_2591, %select_n3A_2635 : vector<16xi1>, vector<16xf32>
      %select_n3A_2641 = arith.select %gt3A_2638, %select_n3A_2637, %select_n3A_2593 : vector<16xi1>, vector<16xi32>
      %select_n3A_2642 = arith.select %gt3A_2638, %select_n3A_2593, %select_n3A_2637 : vector<16xi1>, vector<16xi32>
      %gt3A_2643 = arith.cmpf ogt, %select_n3A_2640, %select_n3A_2596 : vector<16xf32>
      %select_n3A_2644 = arith.select %gt3A_2643, %select_n3A_2640, %select_n3A_2596 : vector<16xi1>, vector<16xf32>
      %select_n3A_2645 = arith.select %gt3A_2643, %select_n3A_2596, %select_n3A_2640 : vector<16xi1>, vector<16xf32>
      %select_n3A_2646 = arith.select %gt3A_2643, %select_n3A_2642, %select_n3A_2598 : vector<16xi1>, vector<16xi32>
      %select_n3A_2647 = arith.select %gt3A_2643, %select_n3A_2598, %select_n3A_2642 : vector<16xi1>, vector<16xi32>
      %gt3A_2648 = arith.cmpf ogt, %select_n3A_2645, %select_n3A_2601 : vector<16xf32>
      %select_n3A_2649 = arith.select %gt3A_2648, %select_n3A_2645, %select_n3A_2601 : vector<16xi1>, vector<16xf32>
      %select_n3A_2650 = arith.select %gt3A_2648, %select_n3A_2601, %select_n3A_2645 : vector<16xi1>, vector<16xf32>
      %select_n3A_2651 = arith.select %gt3A_2648, %select_n3A_2647, %select_n3A_2603 : vector<16xi1>, vector<16xi32>
      %select_n3A_2652 = arith.select %gt3A_2648, %select_n3A_2603, %select_n3A_2647 : vector<16xi1>, vector<16xi32>
      %mul3A_2653 = arith.constant 16 : i32
      %mul3A_2654 = arith.muli %scan3A_8, %mul3A_2653 : i32
      %get3A_2655 = arith.constant 55 : i32
      %get3A_2656 = arith.index_cast %get3A_2655 : i32 to index
      %get3A_2657 = arith.index_cast %mul3A_2654 : i32 to index
      %get3A_2658 = tpu.vector_load %arg5[%get3A_2656, %get3A_2657] {strides = array<i32>} : memref<64x256xf32, #tpu.memory_space<vmem>>, vector<16xf32>,
      %broadcast_in_dim3A_2659 = arith.constant 55 : i32
      %broadcast_in_dim3A_2660 = vector.broadcast %broadcast_in_dim3A_2659 : i32 to vector<16xi32>
      %gt3A_2661 = arith.cmpf ogt, %get3A_2658, %select_n3A_2614 : vector<16xf32>
      %select_n3A_2662 = arith.select %gt3A_2661, %get3A_2658, %select_n3A_2614 : vector<16xi1>, vector<16xf32>
      %select_n3A_2663 = arith.select %gt3A_2661, %select_n3A_2614, %get3A_2658 : vector<16xi1>, vector<16xf32>
      %select_n3A_2664 = arith.select %gt3A_2661, %broadcast_in_dim3A_2660, %select_n3A_2616 : vector<16xi1>, vector<16xi32>
      %select_n3A_2665 = arith.select %gt3A_2661, %select_n3A_2616, %broadcast_in_dim3A_2660 : vector<16xi1>, vector<16xi32>
      %gt3A_2666 = arith.cmpf ogt, %select_n3A_2663, %select_n3A_2619 : vector<16xf32>
      %select_n3A_2667 = arith.select %gt3A_2666, %select_n3A_2663, %select_n3A_2619 : vector<16xi1>, vector<16xf32>
      %select_n3A_2668 = arith.select %gt3A_2666, %select_n3A_2619, %select_n3A_2663 : vector<16xi1>, vector<16xf32>
      %select_n3A_2669 = arith.select %gt3A_2666, %select_n3A_2665, %select_n3A_2621 : vector<16xi1>, vector<16xi32>
      %select_n3A_2670 = arith.select %gt3A_2666, %select_n3A_2621, %select_n3A_2665 : vector<16xi1>, vector<16xi32>
      %gt3A_2671 = arith.cmpf ogt, %select_n3A_2668, %select_n3A_2624 : vector<16xf32>
      %select_n3A_2672 = arith.select %gt3A_2671, %select_n3A_2668, %select_n3A_2624 : vector<16xi1>, vector<16xf32>
      %select_n3A_2673 = arith.select %gt3A_2671, %select_n3A_2624, %select_n3A_2668 : vector<16xi1>, vector<16xf32>
      %select_n3A_2674 = arith.select %gt3A_2671, %select_n3A_2670, %select_n3A_2626 : vector<16xi1>, vector<16xi32>
      %select_n3A_2675 = arith.select %gt3A_2671, %select_n3A_2626, %select_n3A_2670 : vector<16xi1>, vector<16xi32>
      %gt3A_2676 = arith.cmpf ogt, %select_n3A_2673, %select_n3A_2629 : vector<16xf32>
      %select_n3A_2677 = arith.select %gt3A_2676, %select_n3A_2673, %select_n3A_2629 : vector<16xi1>, vector<16xf32>
      %select_n3A_2678 = arith.select %gt3A_2676, %select_n3A_2629, %select_n3A_2673 : vector<16xi1>, vector<16xf32>
      %select_n3A_2679 = arith.select %gt3A_2676, %select_n3A_2675, %select_n3A_2631 : vector<16xi1>, vector<16xi32>
      %select_n3A_2680 = arith.select %gt3A_2676, %select_n3A_2631, %select_n3A_2675 : vector<16xi1>, vector<16xi32>
      %gt3A_2681 = arith.cmpf ogt, %select_n3A_2678, %select_n3A_2634 : vector<16xf32>
      %select_n3A_2682 = arith.select %gt3A_2681, %select_n3A_2678, %select_n3A_2634 : vector<16xi1>, vector<16xf32>
      %select_n3A_2683 = arith.select %gt3A_2681, %select_n3A_2634, %select_n3A_2678 : vector<16xi1>, vector<16xf32>
      %select_n3A_2684 = arith.select %gt3A_2681, %select_n3A_2680, %select_n3A_2636 : vector<16xi1>, vector<16xi32>
      %select_n3A_2685 = arith.select %gt3A_2681, %select_n3A_2636, %select_n3A_2680 : vector<16xi1>, vector<16xi32>
      %gt3A_2686 = arith.cmpf ogt, %select_n3A_2683, %select_n3A_2639 : vector<16xf32>
      %select_n3A_2687 = arith.select %gt3A_2686, %select_n3A_2683, %select_n3A_2639 : vector<16xi1>, vector<16xf32>
      %select_n3A_2688 = arith.select %gt3A_2686, %select_n3A_2639, %select_n3A_2683 : vector<16xi1>, vector<16xf32>
      %select_n3A_2689 = arith.select %gt3A_2686, %select_n3A_2685, %select_n3A_2641 : vector<16xi1>, vector<16xi32>
      %select_n3A_2690 = arith.select %gt3A_2686, %select_n3A_2641, %select_n3A_2685 : vector<16xi1>, vector<16xi32>
      %gt3A_2691 = arith.cmpf ogt, %select_n3A_2688, %select_n3A_2644 : vector<16xf32>
      %select_n3A_2692 = arith.select %gt3A_2691, %select_n3A_2688, %select_n3A_2644 : vector<16xi1>, vector<16xf32>
      %select_n3A_2693 = arith.select %gt3A_2691, %select_n3A_2644, %select_n3A_2688 : vector<16xi1>, vector<16xf32>
      %select_n3A_2694 = arith.select %gt3A_2691, %select_n3A_2690, %select_n3A_2646 : vector<16xi1>, vector<16xi32>
      %select_n3A_2695 = arith.select %gt3A_2691, %select_n3A_2646, %select_n3A_2690 : vector<16xi1>, vector<16xi32>
      %gt3A_2696 = arith.cmpf ogt, %select_n3A_2693, %select_n3A_2649 : vector<16xf32>
      %select_n3A_2697 = arith.select %gt3A_2696, %select_n3A_2693, %select_n3A_2649 : vector<16xi1>, vector<16xf32>
      %select_n3A_2698 = arith.select %gt3A_2696, %select_n3A_2649, %select_n3A_2693 : vector<16xi1>, vector<16xf32>
      %select_n3A_2699 = arith.select %gt3A_2696, %select_n3A_2695, %select_n3A_2651 : vector<16xi1>, vector<16xi32>
      %select_n3A_2700 = arith.select %gt3A_2696, %select_n3A_2651, %select_n3A_2695 : vector<16xi1>, vector<16xi32>
      %mul3A_2701 = arith.constant 16 : i32
      %mul3A_2702 = arith.muli %scan3A_8, %mul3A_2701 : i32
      %get3A_2703 = arith.constant 56 : i32
      %get3A_2704 = arith.index_cast %get3A_2703 : i32 to index
      %get3A_2705 = arith.index_cast %mul3A_2702 : i32 to index
      %get3A_2706 = tpu.vector_load %arg5[%get3A_2704, %get3A_2705] {strides = array<i32>} : memref<64x256xf32, #tpu.memory_space<vmem>>, vector<16xf32>,
      %broadcast_in_dim3A_2707 = arith.constant 56 : i32
      %broadcast_in_dim3A_2708 = vector.broadcast %broadcast_in_dim3A_2707 : i32 to vector<16xi32>
      %gt3A_2709 = arith.cmpf ogt, %get3A_2706, %select_n3A_2662 : vector<16xf32>
      %select_n3A_2710 = arith.select %gt3A_2709, %get3A_2706, %select_n3A_2662 : vector<16xi1>, vector<16xf32>
      %select_n3A_2711 = arith.select %gt3A_2709, %select_n3A_2662, %get3A_2706 : vector<16xi1>, vector<16xf32>
      %select_n3A_2712 = arith.select %gt3A_2709, %broadcast_in_dim3A_2708, %select_n3A_2664 : vector<16xi1>, vector<16xi32>
      %select_n3A_2713 = arith.select %gt3A_2709, %select_n3A_2664, %broadcast_in_dim3A_2708 : vector<16xi1>, vector<16xi32>
      %gt3A_2714 = arith.cmpf ogt, %select_n3A_2711, %select_n3A_2667 : vector<16xf32>
      %select_n3A_2715 = arith.select %gt3A_2714, %select_n3A_2711, %select_n3A_2667 : vector<16xi1>, vector<16xf32>
      %select_n3A_2716 = arith.select %gt3A_2714, %select_n3A_2667, %select_n3A_2711 : vector<16xi1>, vector<16xf32>
      %select_n3A_2717 = arith.select %gt3A_2714, %select_n3A_2713, %select_n3A_2669 : vector<16xi1>, vector<16xi32>
      %select_n3A_2718 = arith.select %gt3A_2714, %select_n3A_2669, %select_n3A_2713 : vector<16xi1>, vector<16xi32>
      %gt3A_2719 = arith.cmpf ogt, %select_n3A_2716, %select_n3A_2672 : vector<16xf32>
      %select_n3A_2720 = arith.select %gt3A_2719, %select_n3A_2716, %select_n3A_2672 : vector<16xi1>, vector<16xf32>
      %select_n3A_2721 = arith.select %gt3A_2719, %select_n3A_2672, %select_n3A_2716 : vector<16xi1>, vector<16xf32>
      %select_n3A_2722 = arith.select %gt3A_2719, %select_n3A_2718, %select_n3A_2674 : vector<16xi1>, vector<16xi32>
      %select_n3A_2723 = arith.select %gt3A_2719, %select_n3A_2674, %select_n3A_2718 : vector<16xi1>, vector<16xi32>
      %gt3A_2724 = arith.cmpf ogt, %select_n3A_2721, %select_n3A_2677 : vector<16xf32>
      %select_n3A_2725 = arith.select %gt3A_2724, %select_n3A_2721, %select_n3A_2677 : vector<16xi1>, vector<16xf32>
      %select_n3A_2726 = arith.select %gt3A_2724, %select_n3A_2677, %select_n3A_2721 : vector<16xi1>, vector<16xf32>
      %select_n3A_2727 = arith.select %gt3A_2724, %select_n3A_2723, %select_n3A_2679 : vector<16xi1>, vector<16xi32>
      %select_n3A_2728 = arith.select %gt3A_2724, %select_n3A_2679, %select_n3A_2723 : vector<16xi1>, vector<16xi32>
      %gt3A_2729 = arith.cmpf ogt, %select_n3A_2726, %select_n3A_2682 : vector<16xf32>
      %select_n3A_2730 = arith.select %gt3A_2729, %select_n3A_2726, %select_n3A_2682 : vector<16xi1>, vector<16xf32>
      %select_n3A_2731 = arith.select %gt3A_2729, %select_n3A_2682, %select_n3A_2726 : vector<16xi1>, vector<16xf32>
      %select_n3A_2732 = arith.select %gt3A_2729, %select_n3A_2728, %select_n3A_2684 : vector<16xi1>, vector<16xi32>
      %select_n3A_2733 = arith.select %gt3A_2729, %select_n3A_2684, %select_n3A_2728 : vector<16xi1>, vector<16xi32>
      %gt3A_2734 = arith.cmpf ogt, %select_n3A_2731, %select_n3A_2687 : vector<16xf32>
      %select_n3A_2735 = arith.select %gt3A_2734, %select_n3A_2731, %select_n3A_2687 : vector<16xi1>, vector<16xf32>
      %select_n3A_2736 = arith.select %gt3A_2734, %select_n3A_2687, %select_n3A_2731 : vector<16xi1>, vector<16xf32>
      %select_n3A_2737 = arith.select %gt3A_2734, %select_n3A_2733, %select_n3A_2689 : vector<16xi1>, vector<16xi32>
      %select_n3A_2738 = arith.select %gt3A_2734, %select_n3A_2689, %select_n3A_2733 : vector<16xi1>, vector<16xi32>
      %gt3A_2739 = arith.cmpf ogt, %select_n3A_2736, %select_n3A_2692 : vector<16xf32>
      %select_n3A_2740 = arith.select %gt3A_2739, %select_n3A_2736, %select_n3A_2692 : vector<16xi1>, vector<16xf32>
      %select_n3A_2741 = arith.select %gt3A_2739, %select_n3A_2692, %select_n3A_2736 : vector<16xi1>, vector<16xf32>
      %select_n3A_2742 = arith.select %gt3A_2739, %select_n3A_2738, %select_n3A_2694 : vector<16xi1>, vector<16xi32>
      %select_n3A_2743 = arith.select %gt3A_2739, %select_n3A_2694, %select_n3A_2738 : vector<16xi1>, vector<16xi32>
      %gt3A_2744 = arith.cmpf ogt, %select_n3A_2741, %select_n3A_2697 : vector<16xf32>
      %select_n3A_2745 = arith.select %gt3A_2744, %select_n3A_2741, %select_n3A_2697 : vector<16xi1>, vector<16xf32>
      %select_n3A_2746 = arith.select %gt3A_2744, %select_n3A_2697, %select_n3A_2741 : vector<16xi1>, vector<16xf32>
      %select_n3A_2747 = arith.select %gt3A_2744, %select_n3A_2743, %select_n3A_2699 : vector<16xi1>, vector<16xi32>
      %select_n3A_2748 = arith.select %gt3A_2744, %select_n3A_2699, %select_n3A_2743 : vector<16xi1>, vector<16xi32>
      %mul3A_2749 = arith.constant 16 : i32
      %mul3A_2750 = arith.muli %scan3A_8, %mul3A_2749 : i32
      %get3A_2751 = arith.constant 57 : i32
      %get3A_2752 = arith.index_cast %get3A_2751 : i32 to index
      %get3A_2753 = arith.index_cast %mul3A_2750 : i32 to index
      %get3A_2754 = tpu.vector_load %arg5[%get3A_2752, %get3A_2753] {strides = array<i32>} : memref<64x256xf32, #tpu.memory_space<vmem>>, vector<16xf32>,
      %broadcast_in_dim3A_2755 = arith.constant 57 : i32
      %broadcast_in_dim3A_2756 = vector.broadcast %broadcast_in_dim3A_2755 : i32 to vector<16xi32>
      %gt3A_2757 = arith.cmpf ogt, %get3A_2754, %select_n3A_2710 : vector<16xf32>
      %select_n3A_2758 = arith.select %gt3A_2757, %get3A_2754, %select_n3A_2710 : vector<16xi1>, vector<16xf32>
      %select_n3A_2759 = arith.select %gt3A_2757, %select_n3A_2710, %get3A_2754 : vector<16xi1>, vector<16xf32>
      %select_n3A_2760 = arith.select %gt3A_2757, %broadcast_in_dim3A_2756, %select_n3A_2712 : vector<16xi1>, vector<16xi32>
      %select_n3A_2761 = arith.select %gt3A_2757, %select_n3A_2712, %broadcast_in_dim3A_2756 : vector<16xi1>, vector<16xi32>
      %gt3A_2762 = arith.cmpf ogt, %select_n3A_2759, %select_n3A_2715 : vector<16xf32>
      %select_n3A_2763 = arith.select %gt3A_2762, %select_n3A_2759, %select_n3A_2715 : vector<16xi1>, vector<16xf32>
      %select_n3A_2764 = arith.select %gt3A_2762, %select_n3A_2715, %select_n3A_2759 : vector<16xi1>, vector<16xf32>
      %select_n3A_2765 = arith.select %gt3A_2762, %select_n3A_2761, %select_n3A_2717 : vector<16xi1>, vector<16xi32>
      %select_n3A_2766 = arith.select %gt3A_2762, %select_n3A_2717, %select_n3A_2761 : vector<16xi1>, vector<16xi32>
      %gt3A_2767 = arith.cmpf ogt, %select_n3A_2764, %select_n3A_2720 : vector<16xf32>
      %select_n3A_2768 = arith.select %gt3A_2767, %select_n3A_2764, %select_n3A_2720 : vector<16xi1>, vector<16xf32>
      %select_n3A_2769 = arith.select %gt3A_2767, %select_n3A_2720, %select_n3A_2764 : vector<16xi1>, vector<16xf32>
      %select_n3A_2770 = arith.select %gt3A_2767, %select_n3A_2766, %select_n3A_2722 : vector<16xi1>, vector<16xi32>
      %select_n3A_2771 = arith.select %gt3A_2767, %select_n3A_2722, %select_n3A_2766 : vector<16xi1>, vector<16xi32>
      %gt3A_2772 = arith.cmpf ogt, %select_n3A_2769, %select_n3A_2725 : vector<16xf32>
      %select_n3A_2773 = arith.select %gt3A_2772, %select_n3A_2769, %select_n3A_2725 : vector<16xi1>, vector<16xf32>
      %select_n3A_2774 = arith.select %gt3A_2772, %select_n3A_2725, %select_n3A_2769 : vector<16xi1>, vector<16xf32>
      %select_n3A_2775 = arith.select %gt3A_2772, %select_n3A_2771, %select_n3A_2727 : vector<16xi1>, vector<16xi32>
      %select_n3A_2776 = arith.select %gt3A_2772, %select_n3A_2727, %select_n3A_2771 : vector<16xi1>, vector<16xi32>
      %gt3A_2777 = arith.cmpf ogt, %select_n3A_2774, %select_n3A_2730 : vector<16xf32>
      %select_n3A_2778 = arith.select %gt3A_2777, %select_n3A_2774, %select_n3A_2730 : vector<16xi1>, vector<16xf32>
      %select_n3A_2779 = arith.select %gt3A_2777, %select_n3A_2730, %select_n3A_2774 : vector<16xi1>, vector<16xf32>
      %select_n3A_2780 = arith.select %gt3A_2777, %select_n3A_2776, %select_n3A_2732 : vector<16xi1>, vector<16xi32>
      %select_n3A_2781 = arith.select %gt3A_2777, %select_n3A_2732, %select_n3A_2776 : vector<16xi1>, vector<16xi32>
      %gt3A_2782 = arith.cmpf ogt, %select_n3A_2779, %select_n3A_2735 : vector<16xf32>
      %select_n3A_2783 = arith.select %gt3A_2782, %select_n3A_2779, %select_n3A_2735 : vector<16xi1>, vector<16xf32>
      %select_n3A_2784 = arith.select %gt3A_2782, %select_n3A_2735, %select_n3A_2779 : vector<16xi1>, vector<16xf32>
      %select_n3A_2785 = arith.select %gt3A_2782, %select_n3A_2781, %select_n3A_2737 : vector<16xi1>, vector<16xi32>
      %select_n3A_2786 = arith.select %gt3A_2782, %select_n3A_2737, %select_n3A_2781 : vector<16xi1>, vector<16xi32>
      %gt3A_2787 = arith.cmpf ogt, %select_n3A_2784, %select_n3A_2740 : vector<16xf32>
      %select_n3A_2788 = arith.select %gt3A_2787, %select_n3A_2784, %select_n3A_2740 : vector<16xi1>, vector<16xf32>
      %select_n3A_2789 = arith.select %gt3A_2787, %select_n3A_2740, %select_n3A_2784 : vector<16xi1>, vector<16xf32>
      %select_n3A_2790 = arith.select %gt3A_2787, %select_n3A_2786, %select_n3A_2742 : vector<16xi1>, vector<16xi32>
      %select_n3A_2791 = arith.select %gt3A_2787, %select_n3A_2742, %select_n3A_2786 : vector<16xi1>, vector<16xi32>
      %gt3A_2792 = arith.cmpf ogt, %select_n3A_2789, %select_n3A_2745 : vector<16xf32>
      %select_n3A_2793 = arith.select %gt3A_2792, %select_n3A_2789, %select_n3A_2745 : vector<16xi1>, vector<16xf32>
      %select_n3A_2794 = arith.select %gt3A_2792, %select_n3A_2745, %select_n3A_2789 : vector<16xi1>, vector<16xf32>
      %select_n3A_2795 = arith.select %gt3A_2792, %select_n3A_2791, %select_n3A_2747 : vector<16xi1>, vector<16xi32>
      %select_n3A_2796 = arith.select %gt3A_2792, %select_n3A_2747, %select_n3A_2791 : vector<16xi1>, vector<16xi32>
      %mul3A_2797 = arith.constant 16 : i32
      %mul3A_2798 = arith.muli %scan3A_8, %mul3A_2797 : i32
      %get3A_2799 = arith.constant 58 : i32
      %get3A_2800 = arith.index_cast %get3A_2799 : i32 to index
      %get3A_2801 = arith.index_cast %mul3A_2798 : i32 to index
      %get3A_2802 = tpu.vector_load %arg5[%get3A_2800, %get3A_2801] {strides = array<i32>} : memref<64x256xf32, #tpu.memory_space<vmem>>, vector<16xf32>,
      %broadcast_in_dim3A_2803 = arith.constant 58 : i32
      %broadcast_in_dim3A_2804 = vector.broadcast %broadcast_in_dim3A_2803 : i32 to vector<16xi32>
      %gt3A_2805 = arith.cmpf ogt, %get3A_2802, %select_n3A_2758 : vector<16xf32>
      %select_n3A_2806 = arith.select %gt3A_2805, %get3A_2802, %select_n3A_2758 : vector<16xi1>, vector<16xf32>
      %select_n3A_2807 = arith.select %gt3A_2805, %select_n3A_2758, %get3A_2802 : vector<16xi1>, vector<16xf32>
      %select_n3A_2808 = arith.select %gt3A_2805, %broadcast_in_dim3A_2804, %select_n3A_2760 : vector<16xi1>, vector<16xi32>
      %select_n3A_2809 = arith.select %gt3A_2805, %select_n3A_2760, %broadcast_in_dim3A_2804 : vector<16xi1>, vector<16xi32>
      %gt3A_2810 = arith.cmpf ogt, %select_n3A_2807, %select_n3A_2763 : vector<16xf32>
      %select_n3A_2811 = arith.select %gt3A_2810, %select_n3A_2807, %select_n3A_2763 : vector<16xi1>, vector<16xf32>
      %select_n3A_2812 = arith.select %gt3A_2810, %select_n3A_2763, %select_n3A_2807 : vector<16xi1>, vector<16xf32>
      %select_n3A_2813 = arith.select %gt3A_2810, %select_n3A_2809, %select_n3A_2765 : vector<16xi1>, vector<16xi32>
      %select_n3A_2814 = arith.select %gt3A_2810, %select_n3A_2765, %select_n3A_2809 : vector<16xi1>, vector<16xi32>
      %gt3A_2815 = arith.cmpf ogt, %select_n3A_2812, %select_n3A_2768 : vector<16xf32>
      %select_n3A_2816 = arith.select %gt3A_2815, %select_n3A_2812, %select_n3A_2768 : vector<16xi1>, vector<16xf32>
      %select_n3A_2817 = arith.select %gt3A_2815, %select_n3A_2768, %select_n3A_2812 : vector<16xi1>, vector<16xf32>
      %select_n3A_2818 = arith.select %gt3A_2815, %select_n3A_2814, %select_n3A_2770 : vector<16xi1>, vector<16xi32>
      %select_n3A_2819 = arith.select %gt3A_2815, %select_n3A_2770, %select_n3A_2814 : vector<16xi1>, vector<16xi32>
      %gt3A_2820 = arith.cmpf ogt, %select_n3A_2817, %select_n3A_2773 : vector<16xf32>
      %select_n3A_2821 = arith.select %gt3A_2820, %select_n3A_2817, %select_n3A_2773 : vector<16xi1>, vector<16xf32>
      %select_n3A_2822 = arith.select %gt3A_2820, %select_n3A_2773, %select_n3A_2817 : vector<16xi1>, vector<16xf32>
      %select_n3A_2823 = arith.select %gt3A_2820, %select_n3A_2819, %select_n3A_2775 : vector<16xi1>, vector<16xi32>
      %select_n3A_2824 = arith.select %gt3A_2820, %select_n3A_2775, %select_n3A_2819 : vector<16xi1>, vector<16xi32>
      %gt3A_2825 = arith.cmpf ogt, %select_n3A_2822, %select_n3A_2778 : vector<16xf32>
      %select_n3A_2826 = arith.select %gt3A_2825, %select_n3A_2822, %select_n3A_2778 : vector<16xi1>, vector<16xf32>
      %select_n3A_2827 = arith.select %gt3A_2825, %select_n3A_2778, %select_n3A_2822 : vector<16xi1>, vector<16xf32>
      %select_n3A_2828 = arith.select %gt3A_2825, %select_n3A_2824, %select_n3A_2780 : vector<16xi1>, vector<16xi32>
      %select_n3A_2829 = arith.select %gt3A_2825, %select_n3A_2780, %select_n3A_2824 : vector<16xi1>, vector<16xi32>
      %gt3A_2830 = arith.cmpf ogt, %select_n3A_2827, %select_n3A_2783 : vector<16xf32>
      %select_n3A_2831 = arith.select %gt3A_2830, %select_n3A_2827, %select_n3A_2783 : vector<16xi1>, vector<16xf32>
      %select_n3A_2832 = arith.select %gt3A_2830, %select_n3A_2783, %select_n3A_2827 : vector<16xi1>, vector<16xf32>
      %select_n3A_2833 = arith.select %gt3A_2830, %select_n3A_2829, %select_n3A_2785 : vector<16xi1>, vector<16xi32>
      %select_n3A_2834 = arith.select %gt3A_2830, %select_n3A_2785, %select_n3A_2829 : vector<16xi1>, vector<16xi32>
      %gt3A_2835 = arith.cmpf ogt, %select_n3A_2832, %select_n3A_2788 : vector<16xf32>
      %select_n3A_2836 = arith.select %gt3A_2835, %select_n3A_2832, %select_n3A_2788 : vector<16xi1>, vector<16xf32>
      %select_n3A_2837 = arith.select %gt3A_2835, %select_n3A_2788, %select_n3A_2832 : vector<16xi1>, vector<16xf32>
      %select_n3A_2838 = arith.select %gt3A_2835, %select_n3A_2834, %select_n3A_2790 : vector<16xi1>, vector<16xi32>
      %select_n3A_2839 = arith.select %gt3A_2835, %select_n3A_2790, %select_n3A_2834 : vector<16xi1>, vector<16xi32>
      %gt3A_2840 = arith.cmpf ogt, %select_n3A_2837, %select_n3A_2793 : vector<16xf32>
      %select_n3A_2841 = arith.select %gt3A_2840, %select_n3A_2837, %select_n3A_2793 : vector<16xi1>, vector<16xf32>
      %select_n3A_2842 = arith.select %gt3A_2840, %select_n3A_2793, %select_n3A_2837 : vector<16xi1>, vector<16xf32>
      %select_n3A_2843 = arith.select %gt3A_2840, %select_n3A_2839, %select_n3A_2795 : vector<16xi1>, vector<16xi32>
      %select_n3A_2844 = arith.select %gt3A_2840, %select_n3A_2795, %select_n3A_2839 : vector<16xi1>, vector<16xi32>
      %mul3A_2845 = arith.constant 16 : i32
      %mul3A_2846 = arith.muli %scan3A_8, %mul3A_2845 : i32
      %get3A_2847 = arith.constant 59 : i32
      %get3A_2848 = arith.index_cast %get3A_2847 : i32 to index
      %get3A_2849 = arith.index_cast %mul3A_2846 : i32 to index
      %get3A_2850 = tpu.vector_load %arg5[%get3A_2848, %get3A_2849] {strides = array<i32>} : memref<64x256xf32, #tpu.memory_space<vmem>>, vector<16xf32>,
      %broadcast_in_dim3A_2851 = arith.constant 59 : i32
      %broadcast_in_dim3A_2852 = vector.broadcast %broadcast_in_dim3A_2851 : i32 to vector<16xi32>
      %gt3A_2853 = arith.cmpf ogt, %get3A_2850, %select_n3A_2806 : vector<16xf32>
      %select_n3A_2854 = arith.select %gt3A_2853, %get3A_2850, %select_n3A_2806 : vector<16xi1>, vector<16xf32>
      %select_n3A_2855 = arith.select %gt3A_2853, %select_n3A_2806, %get3A_2850 : vector<16xi1>, vector<16xf32>
      %select_n3A_2856 = arith.select %gt3A_2853, %broadcast_in_dim3A_2852, %select_n3A_2808 : vector<16xi1>, vector<16xi32>
      %select_n3A_2857 = arith.select %gt3A_2853, %select_n3A_2808, %broadcast_in_dim3A_2852 : vector<16xi1>, vector<16xi32>
      %gt3A_2858 = arith.cmpf ogt, %select_n3A_2855, %select_n3A_2811 : vector<16xf32>
      %select_n3A_2859 = arith.select %gt3A_2858, %select_n3A_2855, %select_n3A_2811 : vector<16xi1>, vector<16xf32>
      %select_n3A_2860 = arith.select %gt3A_2858, %select_n3A_2811, %select_n3A_2855 : vector<16xi1>, vector<16xf32>
      %select_n3A_2861 = arith.select %gt3A_2858, %select_n3A_2857, %select_n3A_2813 : vector<16xi1>, vector<16xi32>
      %select_n3A_2862 = arith.select %gt3A_2858, %select_n3A_2813, %select_n3A_2857 : vector<16xi1>, vector<16xi32>
      %gt3A_2863 = arith.cmpf ogt, %select_n3A_2860, %select_n3A_2816 : vector<16xf32>
      %select_n3A_2864 = arith.select %gt3A_2863, %select_n3A_2860, %select_n3A_2816 : vector<16xi1>, vector<16xf32>
      %select_n3A_2865 = arith.select %gt3A_2863, %select_n3A_2816, %select_n3A_2860 : vector<16xi1>, vector<16xf32>
      %select_n3A_2866 = arith.select %gt3A_2863, %select_n3A_2862, %select_n3A_2818 : vector<16xi1>, vector<16xi32>
      %select_n3A_2867 = arith.select %gt3A_2863, %select_n3A_2818, %select_n3A_2862 : vector<16xi1>, vector<16xi32>
      %gt3A_2868 = arith.cmpf ogt, %select_n3A_2865, %select_n3A_2821 : vector<16xf32>
      %select_n3A_2869 = arith.select %gt3A_2868, %select_n3A_2865, %select_n3A_2821 : vector<16xi1>, vector<16xf32>
      %select_n3A_2870 = arith.select %gt3A_2868, %select_n3A_2821, %select_n3A_2865 : vector<16xi1>, vector<16xf32>
      %select_n3A_2871 = arith.select %gt3A_2868, %select_n3A_2867, %select_n3A_2823 : vector<16xi1>, vector<16xi32>
      %select_n3A_2872 = arith.select %gt3A_2868, %select_n3A_2823, %select_n3A_2867 : vector<16xi1>, vector<16xi32>
      %gt3A_2873 = arith.cmpf ogt, %select_n3A_2870, %select_n3A_2826 : vector<16xf32>
      %select_n3A_2874 = arith.select %gt3A_2873, %select_n3A_2870, %select_n3A_2826 : vector<16xi1>, vector<16xf32>
      %select_n3A_2875 = arith.select %gt3A_2873, %select_n3A_2826, %select_n3A_2870 : vector<16xi1>, vector<16xf32>
      %select_n3A_2876 = arith.select %gt3A_2873, %select_n3A_2872, %select_n3A_2828 : vector<16xi1>, vector<16xi32>
      %select_n3A_2877 = arith.select %gt3A_2873, %select_n3A_2828, %select_n3A_2872 : vector<16xi1>, vector<16xi32>
      %gt3A_2878 = arith.cmpf ogt, %select_n3A_2875, %select_n3A_2831 : vector<16xf32>
      %select_n3A_2879 = arith.select %gt3A_2878, %select_n3A_2875, %select_n3A_2831 : vector<16xi1>, vector<16xf32>
      %select_n3A_2880 = arith.select %gt3A_2878, %select_n3A_2831, %select_n3A_2875 : vector<16xi1>, vector<16xf32>
      %select_n3A_2881 = arith.select %gt3A_2878, %select_n3A_2877, %select_n3A_2833 : vector<16xi1>, vector<16xi32>
      %select_n3A_2882 = arith.select %gt3A_2878, %select_n3A_2833, %select_n3A_2877 : vector<16xi1>, vector<16xi32>
      %gt3A_2883 = arith.cmpf ogt, %select_n3A_2880, %select_n3A_2836 : vector<16xf32>
      %select_n3A_2884 = arith.select %gt3A_2883, %select_n3A_2880, %select_n3A_2836 : vector<16xi1>, vector<16xf32>
      %select_n3A_2885 = arith.select %gt3A_2883, %select_n3A_2836, %select_n3A_2880 : vector<16xi1>, vector<16xf32>
      %select_n3A_2886 = arith.select %gt3A_2883, %select_n3A_2882, %select_n3A_2838 : vector<16xi1>, vector<16xi32>
      %select_n3A_2887 = arith.select %gt3A_2883, %select_n3A_2838, %select_n3A_2882 : vector<16xi1>, vector<16xi32>
      %gt3A_2888 = arith.cmpf ogt, %select_n3A_2885, %select_n3A_2841 : vector<16xf32>
      %select_n3A_2889 = arith.select %gt3A_2888, %select_n3A_2885, %select_n3A_2841 : vector<16xi1>, vector<16xf32>
      %select_n3A_2890 = arith.select %gt3A_2888, %select_n3A_2841, %select_n3A_2885 : vector<16xi1>, vector<16xf32>
      %select_n3A_2891 = arith.select %gt3A_2888, %select_n3A_2887, %select_n3A_2843 : vector<16xi1>, vector<16xi32>
      %select_n3A_2892 = arith.select %gt3A_2888, %select_n3A_2843, %select_n3A_2887 : vector<16xi1>, vector<16xi32>
      %mul3A_2893 = arith.constant 16 : i32
      %mul3A_2894 = arith.muli %scan3A_8, %mul3A_2893 : i32
      %get3A_2895 = arith.constant 60 : i32
      %get3A_2896 = arith.index_cast %get3A_2895 : i32 to index
      %get3A_2897 = arith.index_cast %mul3A_2894 : i32 to index
      %get3A_2898 = tpu.vector_load %arg5[%get3A_2896, %get3A_2897] {strides = array<i32>} : memref<64x256xf32, #tpu.memory_space<vmem>>, vector<16xf32>,
      %broadcast_in_dim3A_2899 = arith.constant 60 : i32
      %broadcast_in_dim3A_2900 = vector.broadcast %broadcast_in_dim3A_2899 : i32 to vector<16xi32>
      %gt3A_2901 = arith.cmpf ogt, %get3A_2898, %select_n3A_2854 : vector<16xf32>
      %select_n3A_2902 = arith.select %gt3A_2901, %get3A_2898, %select_n3A_2854 : vector<16xi1>, vector<16xf32>
      %select_n3A_2903 = arith.select %gt3A_2901, %select_n3A_2854, %get3A_2898 : vector<16xi1>, vector<16xf32>
      %select_n3A_2904 = arith.select %gt3A_2901, %broadcast_in_dim3A_2900, %select_n3A_2856 : vector<16xi1>, vector<16xi32>
      %select_n3A_2905 = arith.select %gt3A_2901, %select_n3A_2856, %broadcast_in_dim3A_2900 : vector<16xi1>, vector<16xi32>
      %gt3A_2906 = arith.cmpf ogt, %select_n3A_2903, %select_n3A_2859 : vector<16xf32>
      %select_n3A_2907 = arith.select %gt3A_2906, %select_n3A_2903, %select_n3A_2859 : vector<16xi1>, vector<16xf32>
      %select_n3A_2908 = arith.select %gt3A_2906, %select_n3A_2859, %select_n3A_2903 : vector<16xi1>, vector<16xf32>
      %select_n3A_2909 = arith.select %gt3A_2906, %select_n3A_2905, %select_n3A_2861 : vector<16xi1>, vector<16xi32>
      %select_n3A_2910 = arith.select %gt3A_2906, %select_n3A_2861, %select_n3A_2905 : vector<16xi1>, vector<16xi32>
      %gt3A_2911 = arith.cmpf ogt, %select_n3A_2908, %select_n3A_2864 : vector<16xf32>
      %select_n3A_2912 = arith.select %gt3A_2911, %select_n3A_2908, %select_n3A_2864 : vector<16xi1>, vector<16xf32>
      %select_n3A_2913 = arith.select %gt3A_2911, %select_n3A_2864, %select_n3A_2908 : vector<16xi1>, vector<16xf32>
      %select_n3A_2914 = arith.select %gt3A_2911, %select_n3A_2910, %select_n3A_2866 : vector<16xi1>, vector<16xi32>
      %select_n3A_2915 = arith.select %gt3A_2911, %select_n3A_2866, %select_n3A_2910 : vector<16xi1>, vector<16xi32>
      %gt3A_2916 = arith.cmpf ogt, %select_n3A_2913, %select_n3A_2869 : vector<16xf32>
      %select_n3A_2917 = arith.select %gt3A_2916, %select_n3A_2913, %select_n3A_2869 : vector<16xi1>, vector<16xf32>
      %select_n3A_2918 = arith.select %gt3A_2916, %select_n3A_2869, %select_n3A_2913 : vector<16xi1>, vector<16xf32>
      %select_n3A_2919 = arith.select %gt3A_2916, %select_n3A_2915, %select_n3A_2871 : vector<16xi1>, vector<16xi32>
      %select_n3A_2920 = arith.select %gt3A_2916, %select_n3A_2871, %select_n3A_2915 : vector<16xi1>, vector<16xi32>
      %gt3A_2921 = arith.cmpf ogt, %select_n3A_2918, %select_n3A_2874 : vector<16xf32>
      %select_n3A_2922 = arith.select %gt3A_2921, %select_n3A_2918, %select_n3A_2874 : vector<16xi1>, vector<16xf32>
      %select_n3A_2923 = arith.select %gt3A_2921, %select_n3A_2874, %select_n3A_2918 : vector<16xi1>, vector<16xf32>
      %select_n3A_2924 = arith.select %gt3A_2921, %select_n3A_2920, %select_n3A_2876 : vector<16xi1>, vector<16xi32>
      %select_n3A_2925 = arith.select %gt3A_2921, %select_n3A_2876, %select_n3A_2920 : vector<16xi1>, vector<16xi32>
      %gt3A_2926 = arith.cmpf ogt, %select_n3A_2923, %select_n3A_2879 : vector<16xf32>
      %select_n3A_2927 = arith.select %gt3A_2926, %select_n3A_2923, %select_n3A_2879 : vector<16xi1>, vector<16xf32>
      %select_n3A_2928 = arith.select %gt3A_2926, %select_n3A_2879, %select_n3A_2923 : vector<16xi1>, vector<16xf32>
      %select_n3A_2929 = arith.select %gt3A_2926, %select_n3A_2925, %select_n3A_2881 : vector<16xi1>, vector<16xi32>
      %select_n3A_2930 = arith.select %gt3A_2926, %select_n3A_2881, %select_n3A_2925 : vector<16xi1>, vector<16xi32>
      %gt3A_2931 = arith.cmpf ogt, %select_n3A_2928, %select_n3A_2884 : vector<16xf32>
      %select_n3A_2932 = arith.select %gt3A_2931, %select_n3A_2928, %select_n3A_2884 : vector<16xi1>, vector<16xf32>
      %select_n3A_2933 = arith.select %gt3A_2931, %select_n3A_2884, %select_n3A_2928 : vector<16xi1>, vector<16xf32>
      %select_n3A_2934 = arith.select %gt3A_2931, %select_n3A_2930, %select_n3A_2886 : vector<16xi1>, vector<16xi32>
      %select_n3A_2935 = arith.select %gt3A_2931, %select_n3A_2886, %select_n3A_2930 : vector<16xi1>, vector<16xi32>
      %gt3A_2936 = arith.cmpf ogt, %select_n3A_2933, %select_n3A_2889 : vector<16xf32>
      %select_n3A_2937 = arith.select %gt3A_2936, %select_n3A_2933, %select_n3A_2889 : vector<16xi1>, vector<16xf32>
      %select_n3A_2938 = arith.select %gt3A_2936, %select_n3A_2889, %select_n3A_2933 : vector<16xi1>, vector<16xf32>
      %select_n3A_2939 = arith.select %gt3A_2936, %select_n3A_2935, %select_n3A_2891 : vector<16xi1>, vector<16xi32>
      %select_n3A_2940 = arith.select %gt3A_2936, %select_n3A_2891, %select_n3A_2935 : vector<16xi1>, vector<16xi32>
      %mul3A_2941 = arith.constant 16 : i32
      %mul3A_2942 = arith.muli %scan3A_8, %mul3A_2941 : i32
      %get3A_2943 = arith.constant 61 : i32
      %get3A_2944 = arith.index_cast %get3A_2943 : i32 to index
      %get3A_2945 = arith.index_cast %mul3A_2942 : i32 to index
      %get3A_2946 = tpu.vector_load %arg5[%get3A_2944, %get3A_2945] {strides = array<i32>} : memref<64x256xf32, #tpu.memory_space<vmem>>, vector<16xf32>,
      %broadcast_in_dim3A_2947 = arith.constant 61 : i32
      %broadcast_in_dim3A_2948 = vector.broadcast %broadcast_in_dim3A_2947 : i32 to vector<16xi32>
      %gt3A_2949 = arith.cmpf ogt, %get3A_2946, %select_n3A_2902 : vector<16xf32>
      %select_n3A_2950 = arith.select %gt3A_2949, %get3A_2946, %select_n3A_2902 : vector<16xi1>, vector<16xf32>
      %select_n3A_2951 = arith.select %gt3A_2949, %select_n3A_2902, %get3A_2946 : vector<16xi1>, vector<16xf32>
      %select_n3A_2952 = arith.select %gt3A_2949, %broadcast_in_dim3A_2948, %select_n3A_2904 : vector<16xi1>, vector<16xi32>
      %select_n3A_2953 = arith.select %gt3A_2949, %select_n3A_2904, %broadcast_in_dim3A_2948 : vector<16xi1>, vector<16xi32>
      %gt3A_2954 = arith.cmpf ogt, %select_n3A_2951, %select_n3A_2907 : vector<16xf32>
      %select_n3A_2955 = arith.select %gt3A_2954, %select_n3A_2951, %select_n3A_2907 : vector<16xi1>, vector<16xf32>
      %select_n3A_2956 = arith.select %gt3A_2954, %select_n3A_2907, %select_n3A_2951 : vector<16xi1>, vector<16xf32>
      %select_n3A_2957 = arith.select %gt3A_2954, %select_n3A_2953, %select_n3A_2909 : vector<16xi1>, vector<16xi32>
      %select_n3A_2958 = arith.select %gt3A_2954, %select_n3A_2909, %select_n3A_2953 : vector<16xi1>, vector<16xi32>
      %gt3A_2959 = arith.cmpf ogt, %select_n3A_2956, %select_n3A_2912 : vector<16xf32>
      %select_n3A_2960 = arith.select %gt3A_2959, %select_n3A_2956, %select_n3A_2912 : vector<16xi1>, vector<16xf32>
      %select_n3A_2961 = arith.select %gt3A_2959, %select_n3A_2912, %select_n3A_2956 : vector<16xi1>, vector<16xf32>
      %select_n3A_2962 = arith.select %gt3A_2959, %select_n3A_2958, %select_n3A_2914 : vector<16xi1>, vector<16xi32>
      %select_n3A_2963 = arith.select %gt3A_2959, %select_n3A_2914, %select_n3A_2958 : vector<16xi1>, vector<16xi32>
      %gt3A_2964 = arith.cmpf ogt, %select_n3A_2961, %select_n3A_2917 : vector<16xf32>
      %select_n3A_2965 = arith.select %gt3A_2964, %select_n3A_2961, %select_n3A_2917 : vector<16xi1>, vector<16xf32>
      %select_n3A_2966 = arith.select %gt3A_2964, %select_n3A_2917, %select_n3A_2961 : vector<16xi1>, vector<16xf32>
      %select_n3A_2967 = arith.select %gt3A_2964, %select_n3A_2963, %select_n3A_2919 : vector<16xi1>, vector<16xi32>
      %select_n3A_2968 = arith.select %gt3A_2964, %select_n3A_2919, %select_n3A_2963 : vector<16xi1>, vector<16xi32>
      %gt3A_2969 = arith.cmpf ogt, %select_n3A_2966, %select_n3A_2922 : vector<16xf32>
      %select_n3A_2970 = arith.select %gt3A_2969, %select_n3A_2966, %select_n3A_2922 : vector<16xi1>, vector<16xf32>
      %select_n3A_2971 = arith.select %gt3A_2969, %select_n3A_2922, %select_n3A_2966 : vector<16xi1>, vector<16xf32>
      %select_n3A_2972 = arith.select %gt3A_2969, %select_n3A_2968, %select_n3A_2924 : vector<16xi1>, vector<16xi32>
      %select_n3A_2973 = arith.select %gt3A_2969, %select_n3A_2924, %select_n3A_2968 : vector<16xi1>, vector<16xi32>
      %gt3A_2974 = arith.cmpf ogt, %select_n3A_2971, %select_n3A_2927 : vector<16xf32>
      %select_n3A_2975 = arith.select %gt3A_2974, %select_n3A_2971, %select_n3A_2927 : vector<16xi1>, vector<16xf32>
      %select_n3A_2976 = arith.select %gt3A_2974, %select_n3A_2927, %select_n3A_2971 : vector<16xi1>, vector<16xf32>
      %select_n3A_2977 = arith.select %gt3A_2974, %select_n3A_2973, %select_n3A_2929 : vector<16xi1>, vector<16xi32>
      %select_n3A_2978 = arith.select %gt3A_2974, %select_n3A_2929, %select_n3A_2973 : vector<16xi1>, vector<16xi32>
      %gt3A_2979 = arith.cmpf ogt, %select_n3A_2976, %select_n3A_2932 : vector<16xf32>
      %select_n3A_2980 = arith.select %gt3A_2979, %select_n3A_2976, %select_n3A_2932 : vector<16xi1>, vector<16xf32>
      %select_n3A_2981 = arith.select %gt3A_2979, %select_n3A_2932, %select_n3A_2976 : vector<16xi1>, vector<16xf32>
      %select_n3A_2982 = arith.select %gt3A_2979, %select_n3A_2978, %select_n3A_2934 : vector<16xi1>, vector<16xi32>
      %select_n3A_2983 = arith.select %gt3A_2979, %select_n3A_2934, %select_n3A_2978 : vector<16xi1>, vector<16xi32>
      %gt3A_2984 = arith.cmpf ogt, %select_n3A_2981, %select_n3A_2937 : vector<16xf32>
      %select_n3A_2985 = arith.select %gt3A_2984, %select_n3A_2981, %select_n3A_2937 : vector<16xi1>, vector<16xf32>
      %select_n3A_2986 = arith.select %gt3A_2984, %select_n3A_2937, %select_n3A_2981 : vector<16xi1>, vector<16xf32>
      %select_n3A_2987 = arith.select %gt3A_2984, %select_n3A_2983, %select_n3A_2939 : vector<16xi1>, vector<16xi32>
      %select_n3A_2988 = arith.select %gt3A_2984, %select_n3A_2939, %select_n3A_2983 : vector<16xi1>, vector<16xi32>
      %mul3A_2989 = arith.constant 16 : i32
      %mul3A_2990 = arith.muli %scan3A_8, %mul3A_2989 : i32
      %get3A_2991 = arith.constant 62 : i32
      %get3A_2992 = arith.index_cast %get3A_2991 : i32 to index
      %get3A_2993 = arith.index_cast %mul3A_2990 : i32 to index
      %get3A_2994 = tpu.vector_load %arg5[%get3A_2992, %get3A_2993] {strides = array<i32>} : memref<64x256xf32, #tpu.memory_space<vmem>>, vector<16xf32>,
      %broadcast_in_dim3A_2995 = arith.constant 62 : i32
      %broadcast_in_dim3A_2996 = vector.broadcast %broadcast_in_dim3A_2995 : i32 to vector<16xi32>
      %gt3A_2997 = arith.cmpf ogt, %get3A_2994, %select_n3A_2950 : vector<16xf32>
      %select_n3A_2998 = arith.select %gt3A_2997, %get3A_2994, %select_n3A_2950 : vector<16xi1>, vector<16xf32>
      %select_n3A_2999 = arith.select %gt3A_2997, %select_n3A_2950, %get3A_2994 : vector<16xi1>, vector<16xf32>
      %select_n3A_3000 = arith.select %gt3A_2997, %broadcast_in_dim3A_2996, %select_n3A_2952 : vector<16xi1>, vector<16xi32>
      %select_n3A_3001 = arith.select %gt3A_2997, %select_n3A_2952, %broadcast_in_dim3A_2996 : vector<16xi1>, vector<16xi32>
      %gt3A_3002 = arith.cmpf ogt, %select_n3A_2999, %select_n3A_2955 : vector<16xf32>
      %select_n3A_3003 = arith.select %gt3A_3002, %select_n3A_2999, %select_n3A_2955 : vector<16xi1>, vector<16xf32>
      %select_n3A_3004 = arith.select %gt3A_3002, %select_n3A_2955, %select_n3A_2999 : vector<16xi1>, vector<16xf32>
      %select_n3A_3005 = arith.select %gt3A_3002, %select_n3A_3001, %select_n3A_2957 : vector<16xi1>, vector<16xi32>
      %select_n3A_3006 = arith.select %gt3A_3002, %select_n3A_2957, %select_n3A_3001 : vector<16xi1>, vector<16xi32>
      %gt3A_3007 = arith.cmpf ogt, %select_n3A_3004, %select_n3A_2960 : vector<16xf32>
      %select_n3A_3008 = arith.select %gt3A_3007, %select_n3A_3004, %select_n3A_2960 : vector<16xi1>, vector<16xf32>
      %select_n3A_3009 = arith.select %gt3A_3007, %select_n3A_2960, %select_n3A_3004 : vector<16xi1>, vector<16xf32>
      %select_n3A_3010 = arith.select %gt3A_3007, %select_n3A_3006, %select_n3A_2962 : vector<16xi1>, vector<16xi32>
      %select_n3A_3011 = arith.select %gt3A_3007, %select_n3A_2962, %select_n3A_3006 : vector<16xi1>, vector<16xi32>
      %gt3A_3012 = arith.cmpf ogt, %select_n3A_3009, %select_n3A_2965 : vector<16xf32>
      %select_n3A_3013 = arith.select %gt3A_3012, %select_n3A_3009, %select_n3A_2965 : vector<16xi1>, vector<16xf32>
      %select_n3A_3014 = arith.select %gt3A_3012, %select_n3A_2965, %select_n3A_3009 : vector<16xi1>, vector<16xf32>
      %select_n3A_3015 = arith.select %gt3A_3012, %select_n3A_3011, %select_n3A_2967 : vector<16xi1>, vector<16xi32>
      %select_n3A_3016 = arith.select %gt3A_3012, %select_n3A_2967, %select_n3A_3011 : vector<16xi1>, vector<16xi32>
      %gt3A_3017 = arith.cmpf ogt, %select_n3A_3014, %select_n3A_2970 : vector<16xf32>
      %select_n3A_3018 = arith.select %gt3A_3017, %select_n3A_3014, %select_n3A_2970 : vector<16xi1>, vector<16xf32>
      %select_n3A_3019 = arith.select %gt3A_3017, %select_n3A_2970, %select_n3A_3014 : vector<16xi1>, vector<16xf32>
      %select_n3A_3020 = arith.select %gt3A_3017, %select_n3A_3016, %select_n3A_2972 : vector<16xi1>, vector<16xi32>
      %select_n3A_3021 = arith.select %gt3A_3017, %select_n3A_2972, %select_n3A_3016 : vector<16xi1>, vector<16xi32>
      %gt3A_3022 = arith.cmpf ogt, %select_n3A_3019, %select_n3A_2975 : vector<16xf32>
      %select_n3A_3023 = arith.select %gt3A_3022, %select_n3A_3019, %select_n3A_2975 : vector<16xi1>, vector<16xf32>
      %select_n3A_3024 = arith.select %gt3A_3022, %select_n3A_2975, %select_n3A_3019 : vector<16xi1>, vector<16xf32>
      %select_n3A_3025 = arith.select %gt3A_3022, %select_n3A_3021, %select_n3A_2977 : vector<16xi1>, vector<16xi32>
      %select_n3A_3026 = arith.select %gt3A_3022, %select_n3A_2977, %select_n3A_3021 : vector<16xi1>, vector<16xi32>
      %gt3A_3027 = arith.cmpf ogt, %select_n3A_3024, %select_n3A_2980 : vector<16xf32>
      %select_n3A_3028 = arith.select %gt3A_3027, %select_n3A_3024, %select_n3A_2980 : vector<16xi1>, vector<16xf32>
      %select_n3A_3029 = arith.select %gt3A_3027, %select_n3A_2980, %select_n3A_3024 : vector<16xi1>, vector<16xf32>
      %select_n3A_3030 = arith.select %gt3A_3027, %select_n3A_3026, %select_n3A_2982 : vector<16xi1>, vector<16xi32>
      %select_n3A_3031 = arith.select %gt3A_3027, %select_n3A_2982, %select_n3A_3026 : vector<16xi1>, vector<16xi32>
      %gt3A_3032 = arith.cmpf ogt, %select_n3A_3029, %select_n3A_2985 : vector<16xf32>
      %select_n3A_3033 = arith.select %gt3A_3032, %select_n3A_3029, %select_n3A_2985 : vector<16xi1>, vector<16xf32>
      %select_n3A_3034 = arith.select %gt3A_3032, %select_n3A_2985, %select_n3A_3029 : vector<16xi1>, vector<16xf32>
      %select_n3A_3035 = arith.select %gt3A_3032, %select_n3A_3031, %select_n3A_2987 : vector<16xi1>, vector<16xi32>
      %select_n3A_3036 = arith.select %gt3A_3032, %select_n3A_2987, %select_n3A_3031 : vector<16xi1>, vector<16xi32>
      %mul3A_3037 = arith.constant 16 : i32
      %mul3A_3038 = arith.muli %scan3A_8, %mul3A_3037 : i32
      %get3A_3039 = arith.constant 63 : i32
      %get3A_3040 = arith.index_cast %get3A_3039 : i32 to index
      %get3A_3041 = arith.index_cast %mul3A_3038 : i32 to index
      %get3A_3042 = tpu.vector_load %arg5[%get3A_3040, %get3A_3041] {strides = array<i32>} : memref<64x256xf32, #tpu.memory_space<vmem>>, vector<16xf32>,
      %broadcast_in_dim3A_3043 = arith.constant 63 : i32
      %broadcast_in_dim3A_3044 = vector.broadcast %broadcast_in_dim3A_3043 : i32 to vector<16xi32>
      %gt3A_3045 = arith.cmpf ogt, %get3A_3042, %select_n3A_2998 : vector<16xf32>
      %select_n3A_3046 = arith.select %gt3A_3045, %get3A_3042, %select_n3A_2998 : vector<16xi1>, vector<16xf32>
      %select_n3A_3047 = arith.select %gt3A_3045, %select_n3A_2998, %get3A_3042 : vector<16xi1>, vector<16xf32>
      %select_n3A_3048 = arith.select %gt3A_3045, %broadcast_in_dim3A_3044, %select_n3A_3000 : vector<16xi1>, vector<16xi32>
      %select_n3A_3049 = arith.select %gt3A_3045, %select_n3A_3000, %broadcast_in_dim3A_3044 : vector<16xi1>, vector<16xi32>
      %gt3A_3050 = arith.cmpf ogt, %select_n3A_3047, %select_n3A_3003 : vector<16xf32>
      %select_n3A_3051 = arith.select %gt3A_3050, %select_n3A_3047, %select_n3A_3003 : vector<16xi1>, vector<16xf32>
      %select_n3A_3052 = arith.select %gt3A_3050, %select_n3A_3003, %select_n3A_3047 : vector<16xi1>, vector<16xf32>
      %select_n3A_3053 = arith.select %gt3A_3050, %select_n3A_3049, %select_n3A_3005 : vector<16xi1>, vector<16xi32>
      %select_n3A_3054 = arith.select %gt3A_3050, %select_n3A_3005, %select_n3A_3049 : vector<16xi1>, vector<16xi32>
      %gt3A_3055 = arith.cmpf ogt, %select_n3A_3052, %select_n3A_3008 : vector<16xf32>
      %select_n3A_3056 = arith.select %gt3A_3055, %select_n3A_3052, %select_n3A_3008 : vector<16xi1>, vector<16xf32>
      %select_n3A_3057 = arith.select %gt3A_3055, %select_n3A_3008, %select_n3A_3052 : vector<16xi1>, vector<16xf32>
      %select_n3A_3058 = arith.select %gt3A_3055, %select_n3A_3054, %select_n3A_3010 : vector<16xi1>, vector<16xi32>
      %select_n3A_3059 = arith.select %gt3A_3055, %select_n3A_3010, %select_n3A_3054 : vector<16xi1>, vector<16xi32>
      %gt3A_3060 = arith.cmpf ogt, %select_n3A_3057, %select_n3A_3013 : vector<16xf32>
      %select_n3A_3061 = arith.select %gt3A_3060, %select_n3A_3057, %select_n3A_3013 : vector<16xi1>, vector<16xf32>
      %select_n3A_3062 = arith.select %gt3A_3060, %select_n3A_3013, %select_n3A_3057 : vector<16xi1>, vector<16xf32>
      %select_n3A_3063 = arith.select %gt3A_3060, %select_n3A_3059, %select_n3A_3015 : vector<16xi1>, vector<16xi32>
      %select_n3A_3064 = arith.select %gt3A_3060, %select_n3A_3015, %select_n3A_3059 : vector<16xi1>, vector<16xi32>
      %gt3A_3065 = arith.cmpf ogt, %select_n3A_3062, %select_n3A_3018 : vector<16xf32>
      %select_n3A_3066 = arith.select %gt3A_3065, %select_n3A_3062, %select_n3A_3018 : vector<16xi1>, vector<16xf32>
      %select_n3A_3067 = arith.select %gt3A_3065, %select_n3A_3018, %select_n3A_3062 : vector<16xi1>, vector<16xf32>
      %select_n3A_3068 = arith.select %gt3A_3065, %select_n3A_3064, %select_n3A_3020 : vector<16xi1>, vector<16xi32>
      %select_n3A_3069 = arith.select %gt3A_3065, %select_n3A_3020, %select_n3A_3064 : vector<16xi1>, vector<16xi32>
      %gt3A_3070 = arith.cmpf ogt, %select_n3A_3067, %select_n3A_3023 : vector<16xf32>
      %select_n3A_3071 = arith.select %gt3A_3070, %select_n3A_3067, %select_n3A_3023 : vector<16xi1>, vector<16xf32>
      %select_n3A_3072 = arith.select %gt3A_3070, %select_n3A_3023, %select_n3A_3067 : vector<16xi1>, vector<16xf32>
      %select_n3A_3073 = arith.select %gt3A_3070, %select_n3A_3069, %select_n3A_3025 : vector<16xi1>, vector<16xi32>
      %select_n3A_3074 = arith.select %gt3A_3070, %select_n3A_3025, %select_n3A_3069 : vector<16xi1>, vector<16xi32>
      %gt3A_3075 = arith.cmpf ogt, %select_n3A_3072, %select_n3A_3028 : vector<16xf32>
      %select_n3A_3076 = arith.select %gt3A_3075, %select_n3A_3072, %select_n3A_3028 : vector<16xi1>, vector<16xf32>
      %select_n3A_3077 = arith.select %gt3A_3075, %select_n3A_3028, %select_n3A_3072 : vector<16xi1>, vector<16xf32>
      %select_n3A_3078 = arith.select %gt3A_3075, %select_n3A_3074, %select_n3A_3030 : vector<16xi1>, vector<16xi32>
      %select_n3A_3079 = arith.select %gt3A_3075, %select_n3A_3030, %select_n3A_3074 : vector<16xi1>, vector<16xi32>
      %gt3A_3080 = arith.cmpf ogt, %select_n3A_3077, %select_n3A_3033 : vector<16xf32>
      %select_n3A_3081 = arith.select %gt3A_3080, %select_n3A_3077, %select_n3A_3033 : vector<16xi1>, vector<16xf32>
      %select_n3A_3082 = arith.select %gt3A_3080, %select_n3A_3033, %select_n3A_3077 : vector<16xi1>, vector<16xf32>
      %select_n3A_3083 = arith.select %gt3A_3080, %select_n3A_3079, %select_n3A_3035 : vector<16xi1>, vector<16xi32>
      %select_n3A_3084 = arith.select %gt3A_3080, %select_n3A_3035, %select_n3A_3079 : vector<16xi1>, vector<16xi32>
      %add3A_3085 = arith.addf %select_n3A_3046, %select_n3A_3051 : vector<16xf32>
      %add3A_3086 = arith.addf %add3A_3085, %select_n3A_3056 : vector<16xf32>
      %add3A_3087 = arith.addf %add3A_3086, %select_n3A_3061 : vector<16xf32>
      %add3A_3088 = arith.addf %add3A_3087, %select_n3A_3066 : vector<16xf32>
      %add3A_3089 = arith.addf %add3A_3088, %select_n3A_3071 : vector<16xf32>
      %add3A_3090 = arith.addf %add3A_3089, %select_n3A_3076 : vector<16xf32>
      %add3A_3091 = arith.addf %add3A_3090, %select_n3A_3081 : vector<16xf32>
      %broadcast_in_dim3A_3092 = arith.constant 0 : i32
      %broadcast_in_dim3A_3093 = vector.broadcast %broadcast_in_dim3A_3092 : i32 to vector<16xi32>
      %div3A = arith.divf %select_n3A_3046, %add3A_3091 : vector<16xf32>
      tpu.vector_store_idx %arg6[%add3A_12, %broadcast_in_dim3A_3093], %div3A : memref<256x8xf32, #tpu.memory_space<vmem>>[vector<16xi32>, vector<16xi32>], vector<16xf32>,
      tpu.vector_store_idx %arg7[%add3A_12, %broadcast_in_dim3A_3093], %select_n3A_3048 : memref<256x8xi32, #tpu.memory_space<vmem>>[vector<16xi32>, vector<16xi32>], vector<16xi32>,
      %broadcast_in_dim3A_3094 = arith.constant 1 : i32
      %broadcast_in_dim3A_3095 = vector.broadcast %broadcast_in_dim3A_3094 : i32 to vector<16xi32>
      %div3A_3096 = arith.divf %select_n3A_3051, %add3A_3091 : vector<16xf32>
      tpu.vector_store_idx %arg6[%add3A_12, %broadcast_in_dim3A_3095], %div3A_3096 : memref<256x8xf32, #tpu.memory_space<vmem>>[vector<16xi32>, vector<16xi32>], vector<16xf32>,
      tpu.vector_store_idx %arg7[%add3A_12, %broadcast_in_dim3A_3095], %select_n3A_3053 : memref<256x8xi32, #tpu.memory_space<vmem>>[vector<16xi32>, vector<16xi32>], vector<16xi32>,
      %broadcast_in_dim3A_3097 = arith.constant 2 : i32
      %broadcast_in_dim3A_3098 = vector.broadcast %broadcast_in_dim3A_3097 : i32 to vector<16xi32>
      %div3A_3099 = arith.divf %select_n3A_3056, %add3A_3091 : vector<16xf32>
      tpu.vector_store_idx %arg6[%add3A_12, %broadcast_in_dim3A_3098], %div3A_3099 : memref<256x8xf32, #tpu.memory_space<vmem>>[vector<16xi32>, vector<16xi32>], vector<16xf32>,
      tpu.vector_store_idx %arg7[%add3A_12, %broadcast_in_dim3A_3098], %select_n3A_3058 : memref<256x8xi32, #tpu.memory_space<vmem>>[vector<16xi32>, vector<16xi32>], vector<16xi32>,
      %broadcast_in_dim3A_3100 = arith.constant 3 : i32
      %broadcast_in_dim3A_3101 = vector.broadcast %broadcast_in_dim3A_3100 : i32 to vector<16xi32>
      %div3A_3102 = arith.divf %select_n3A_3061, %add3A_3091 : vector<16xf32>
      tpu.vector_store_idx %arg6[%add3A_12, %broadcast_in_dim3A_3101], %div3A_3102 : memref<256x8xf32, #tpu.memory_space<vmem>>[vector<16xi32>, vector<16xi32>], vector<16xf32>,
      tpu.vector_store_idx %arg7[%add3A_12, %broadcast_in_dim3A_3101], %select_n3A_3063 : memref<256x8xi32, #tpu.memory_space<vmem>>[vector<16xi32>, vector<16xi32>], vector<16xi32>,
      %broadcast_in_dim3A_3103 = arith.constant 4 : i32
      %broadcast_in_dim3A_3104 = vector.broadcast %broadcast_in_dim3A_3103 : i32 to vector<16xi32>
      %div3A_3105 = arith.divf %select_n3A_3066, %add3A_3091 : vector<16xf32>
      tpu.vector_store_idx %arg6[%add3A_12, %broadcast_in_dim3A_3104], %div3A_3105 : memref<256x8xf32, #tpu.memory_space<vmem>>[vector<16xi32>, vector<16xi32>], vector<16xf32>,
      tpu.vector_store_idx %arg7[%add3A_12, %broadcast_in_dim3A_3104], %select_n3A_3068 : memref<256x8xi32, #tpu.memory_space<vmem>>[vector<16xi32>, vector<16xi32>], vector<16xi32>,
      %broadcast_in_dim3A_3106 = arith.constant 5 : i32
      %broadcast_in_dim3A_3107 = vector.broadcast %broadcast_in_dim3A_3106 : i32 to vector<16xi32>
      %div3A_3108 = arith.divf %select_n3A_3071, %add3A_3091 : vector<16xf32>
      tpu.vector_store_idx %arg6[%add3A_12, %broadcast_in_dim3A_3107], %div3A_3108 : memref<256x8xf32, #tpu.memory_space<vmem>>[vector<16xi32>, vector<16xi32>], vector<16xf32>,
      tpu.vector_store_idx %arg7[%add3A_12, %broadcast_in_dim3A_3107], %select_n3A_3073 : memref<256x8xi32, #tpu.memory_space<vmem>>[vector<16xi32>, vector<16xi32>], vector<16xi32>,
      %broadcast_in_dim3A_3109 = arith.constant 6 : i32
      %broadcast_in_dim3A_3110 = vector.broadcast %broadcast_in_dim3A_3109 : i32 to vector<16xi32>
      %div3A_3111 = arith.divf %select_n3A_3076, %add3A_3091 : vector<16xf32>
      tpu.vector_store_idx %arg6[%add3A_12, %broadcast_in_dim3A_3110], %div3A_3111 : memref<256x8xf32, #tpu.memory_space<vmem>>[vector<16xi32>, vector<16xi32>], vector<16xf32>,
      tpu.vector_store_idx %arg7[%add3A_12, %broadcast_in_dim3A_3110], %select_n3A_3078 : memref<256x8xi32, #tpu.memory_space<vmem>>[vector<16xi32>, vector<16xi32>], vector<16xi32>,
      %broadcast_in_dim3A_3112 = arith.constant 7 : i32
      %broadcast_in_dim3A_3113 = vector.broadcast %broadcast_in_dim3A_3112 : i32 to vector<16xi32>
      %div3A_3114 = arith.divf %select_n3A_3081, %add3A_3091 : vector<16xf32>
      tpu.vector_store_idx %arg6[%add3A_12, %broadcast_in_dim3A_3113], %div3A_3114 : memref<256x8xf32, #tpu.memory_space<vmem>>[vector<16xi32>, vector<16xi32>], vector<16xf32>,
      tpu.vector_store_idx %arg7[%add3A_12, %broadcast_in_dim3A_3113], %select_n3A_3083 : memref<256x8xi32, #tpu.memory_space<vmem>>[vector<16xi32>, vector<16xi32>], vector<16xi32>,
    }
    %scan3A_7 = arith.constant 16 : i32
    "tpu.region"() ({
      %run_scoped3A = tpu.sem_alloc : memref<!tpu.dma_semaphore, #tpu.memory_space<semaphore_mem>>
      %dma_start3A = arith.constant 0 : i32
      %dma_start3A_8 = tpu.memref_slice %arg3[%mul3A_2, %dma_start3A] : memref<8192x8xf32, #tpu.memory_space<hbm>> -> memref<256x8xf32, #tpu.memory_space<hbm>>
      %dma_start3A_9 = arith.constant 0 : i32
      %dma_start3A_10 = tpu.memref_slice %arg3[%mul3A_2, %dma_start3A_9] : memref<8192x8xf32, #tpu.memory_space<hbm>> -> memref<256x8xf32, #tpu.memory_space<hbm>>
      tpu.enqueue_dma source(%arg6 : memref<256x8xf32, #tpu.memory_space<vmem>>) target(%dma_start3A_10 : memref<256x8xf32, #tpu.memory_space<hbm>>) target_semaphore(%run_scoped3A : memref<!tpu.dma_semaphore, #tpu.memory_space<semaphore_mem>>)
      %dma_wait3A = arith.constant 0 : i32
      %dma_wait3A_11 = tpu.memref_slice %arg3[%mul3A_2, %dma_wait3A] : memref<8192x8xf32, #tpu.memory_space<hbm>> -> memref<256x8xf32, #tpu.memory_space<hbm>>
      %dma_wait3A_12 = arith.constant 0 : i32
      %dma_wait3A_13 = tpu.memref_slice %arg3[%mul3A_2, %dma_wait3A_12] : memref<8192x8xf32, #tpu.memory_space<hbm>> -> memref<256x8xf32, #tpu.memory_space<hbm>>
      tpu.wait_dma2 semaphore(%run_scoped3A : memref<!tpu.dma_semaphore, #tpu.memory_space<semaphore_mem>>) src(%arg6 : memref<256x8xf32, #tpu.memory_space<vmem>>) dst(%dma_wait3A_13 : memref<256x8xf32, #tpu.memory_space<hbm>>)
      tpu.yield
    }) : () -> ()
    "tpu.region"() ({
      %run_scoped3A = tpu.sem_alloc : memref<!tpu.dma_semaphore, #tpu.memory_space<semaphore_mem>>
      %dma_start3A = arith.constant 0 : i32
      %dma_start3A_8 = tpu.memref_slice %arg4[%mul3A_2, %dma_start3A] : memref<8192x8xi32, #tpu.memory_space<hbm>> -> memref<256x8xi32, #tpu.memory_space<hbm>>
      %dma_start3A_9 = arith.constant 0 : i32
      %dma_start3A_10 = tpu.memref_slice %arg4[%mul3A_2, %dma_start3A_9] : memref<8192x8xi32, #tpu.memory_space<hbm>> -> memref<256x8xi32, #tpu.memory_space<hbm>>
      tpu.enqueue_dma source(%arg7 : memref<256x8xi32, #tpu.memory_space<vmem>>) target(%dma_start3A_10 : memref<256x8xi32, #tpu.memory_space<hbm>>) target_semaphore(%run_scoped3A : memref<!tpu.dma_semaphore, #tpu.memory_space<semaphore_mem>>)
      %dma_wait3A = arith.constant 0 : i32
      %dma_wait3A_11 = tpu.memref_slice %arg4[%mul3A_2, %dma_wait3A] : memref<8192x8xi32, #tpu.memory_space<hbm>> -> memref<256x8xi32, #tpu.memory_space<hbm>>
      %dma_wait3A_12 = arith.constant 0 : i32
      %dma_wait3A_13 = tpu.memref_slice %arg4[%mul3A_2, %dma_wait3A_12] : memref<8192x8xi32, #tpu.memory_space<hbm>> -> memref<256x8xi32, #tpu.memory_space<hbm>>
      tpu.wait_dma2 semaphore(%run_scoped3A : memref<!tpu.dma_semaphore, #tpu.memory_space<semaphore_mem>>) src(%arg7 : memref<256x8xi32, #tpu.memory_space<vmem>>) dst(%dma_wait3A_13 : memref<256x8xi32, #tpu.memory_space<hbm>>)
      tpu.yield
    }) : () -> ()
    return
  }
}

module attributes {stable_mosaic.version = 14 : i64} {
  func.func @_gemm_body(%arg0: i32, %arg1: memref<512x4096xf32, #tpu.memory_space<vmem>>, %arg2: memref<64x4096xf32, #tpu.memory_space<vmem>>, %arg3: memref<48xi32, #tpu.memory_space<smem>>, %arg4: memref<512x64xf32, #tpu.memory_space<vmem>>, %arg5: memref<64x512xf32, #tpu.memory_space<vmem>>) attributes {dimension_semantics = [#tpu.dimension_semantics<arbitrary>], iteration_bounds = array<i64: 16>, scalar_prefetch = 0 : i64, scratch_operands = 0 : i64, tpu.core_type = #tpu.core_type<tc>, window_params = [{transform_indices = @transform_0, window_bounds = array<i64: 512, 4096>}, {pipeline_mode = #tpu.pipeline_mode<synchronous>, transform_indices = @transform_1, window_bounds = array<i64: 64, 4096>}, {transform_indices = @transform_2, window_bounds = array<i64: 48>}, {transform_indices = @transform_3, window_bounds = array<i64: 512, 64>}, {transform_indices = @transform_4, window_bounds = array<i64: 64, 512>}]} {
    %get3A = arith.constant 0 : index
    %get3A_0 = arith.constant 0 : index
    %get3A_1 = vector.load %arg1[%get3A, %get3A_0] : memref<512x4096xf32, #tpu.memory_space<vmem>>, vector<512x4096xf32>
    %get3A_2 = arith.constant 0 : index
    %get3A_3 = arith.constant 0 : index
    %get3A_4 = vector.load %arg2[%get3A_2, %get3A_3] : memref<64x4096xf32, #tpu.memory_space<vmem>>, vector<64x4096xf32>
    %dot_general3A = arith.constant dense<0.000000e+00> : vector<512x64xf32>
    %dot_general3A_5 = tpu.matmul %get3A_1, %get3A_4, %dot_general3A {dimension_numbers = #tpu.dot_dimension_numbers<[1], [1], [0], [0], [0, 0, 1, 0], [], []>, transpose_lhs_hint = false} : vector<512x4096xf32>, vector<64x4096xf32>, vector<512x64xf32> -> vector<512x64xf32>
    %swap3A = arith.constant 0 : index
    %swap3A_6 = arith.constant 0 : index
    %swap3A_7 = vector.load %arg4[%swap3A, %swap3A_6] : memref<512x64xf32, #tpu.memory_space<vmem>>, vector<512x64xf32>
    tpu.vector_store %arg4[%swap3A, %swap3A_6], %dot_general3A_5 {strides = array<i32>} : memref<512x64xf32, #tpu.memory_space<vmem>>, vector<512x64xf32>,
    %iota3A = tpu.iota {dimensions = array<i32: 1>} : vector<1x64xi32>
    %broadcast_in_dim3A = arith.constant 0.000000e+00 : f32
    %broadcast_in_dim3A_8 = vector.broadcast %broadcast_in_dim3A : f32 to vector<1x64xf32>
    %get3A_9 = arith.constant 0 : index
    %get3A_10 = memref.load %arg3[%get3A_9] : memref<48xi32, #tpu.memory_space<smem>>
    %eq3A = vector.broadcast %get3A_10 : i32 to vector<1x64xi32>
    %eq3A_11 = arith.cmpi eq, %iota3A, %eq3A : vector<1x64xi32>
    %jit3A = arith.constant 1.000000e+00 : f32
    %broadcast_in_dim3A_12 = vector.broadcast %jit3A : f32 to vector<1x64xf32>
    %select_n3A = arith.select %eq3A_11, %broadcast_in_dim3A_12, %broadcast_in_dim3A_8 : vector<1x64xi1>, vector<1x64xf32>
    %get3A_13 = arith.constant 1 : index
    %get3A_14 = memref.load %arg3[%get3A_13] : memref<48xi32, #tpu.memory_space<smem>>
    %eq3A_15 = vector.broadcast %get3A_14 : i32 to vector<1x64xi32>
    %eq3A_16 = arith.cmpi eq, %iota3A, %eq3A_15 : vector<1x64xi32>
    %jit3A_17 = arith.constant 1.000000e+00 : f32
    %broadcast_in_dim3A_18 = vector.broadcast %jit3A_17 : f32 to vector<1x64xf32>
    %select_n3A_19 = arith.select %eq3A_16, %broadcast_in_dim3A_18, %select_n3A : vector<1x64xi1>, vector<1x64xf32>
    %get3A_20 = arith.constant 2 : index
    %get3A_21 = memref.load %arg3[%get3A_20] : memref<48xi32, #tpu.memory_space<smem>>
    %eq3A_22 = vector.broadcast %get3A_21 : i32 to vector<1x64xi32>
    %eq3A_23 = arith.cmpi eq, %iota3A, %eq3A_22 : vector<1x64xi32>
    %jit3A_24 = arith.constant 1.000000e+00 : f32
    %broadcast_in_dim3A_25 = vector.broadcast %jit3A_24 : f32 to vector<1x64xf32>
    %select_n3A_26 = arith.select %eq3A_23, %broadcast_in_dim3A_25, %select_n3A_19 : vector<1x64xi1>, vector<1x64xf32>
    %get3A_27 = arith.constant 3 : index
    %get3A_28 = memref.load %arg3[%get3A_27] : memref<48xi32, #tpu.memory_space<smem>>
    %eq3A_29 = vector.broadcast %get3A_28 : i32 to vector<1x64xi32>
    %eq3A_30 = arith.cmpi eq, %iota3A, %eq3A_29 : vector<1x64xi32>
    %jit3A_31 = arith.constant 1.000000e+00 : f32
    %broadcast_in_dim3A_32 = vector.broadcast %jit3A_31 : f32 to vector<1x64xf32>
    %select_n3A_33 = arith.select %eq3A_30, %broadcast_in_dim3A_32, %select_n3A_26 : vector<1x64xi1>, vector<1x64xf32>
    %get3A_34 = arith.constant 4 : index
    %get3A_35 = memref.load %arg3[%get3A_34] : memref<48xi32, #tpu.memory_space<smem>>
    %eq3A_36 = vector.broadcast %get3A_35 : i32 to vector<1x64xi32>
    %eq3A_37 = arith.cmpi eq, %iota3A, %eq3A_36 : vector<1x64xi32>
    %jit3A_38 = arith.constant 1.000000e+00 : f32
    %broadcast_in_dim3A_39 = vector.broadcast %jit3A_38 : f32 to vector<1x64xf32>
    %select_n3A_40 = arith.select %eq3A_37, %broadcast_in_dim3A_39, %select_n3A_33 : vector<1x64xi1>, vector<1x64xf32>
    %get3A_41 = arith.constant 5 : index
    %get3A_42 = memref.load %arg3[%get3A_41] : memref<48xi32, #tpu.memory_space<smem>>
    %eq3A_43 = vector.broadcast %get3A_42 : i32 to vector<1x64xi32>
    %eq3A_44 = arith.cmpi eq, %iota3A, %eq3A_43 : vector<1x64xi32>
    %jit3A_45 = arith.constant 1.000000e+00 : f32
    %broadcast_in_dim3A_46 = vector.broadcast %jit3A_45 : f32 to vector<1x64xf32>
    %select_n3A_47 = arith.select %eq3A_44, %broadcast_in_dim3A_46, %select_n3A_40 : vector<1x64xi1>, vector<1x64xf32>
    %get3A_48 = arith.constant 6 : index
    %get3A_49 = memref.load %arg3[%get3A_48] : memref<48xi32, #tpu.memory_space<smem>>
    %eq3A_50 = vector.broadcast %get3A_49 : i32 to vector<1x64xi32>
    %eq3A_51 = arith.cmpi eq, %iota3A, %eq3A_50 : vector<1x64xi32>
    %jit3A_52 = arith.constant 1.000000e+00 : f32
    %broadcast_in_dim3A_53 = vector.broadcast %jit3A_52 : f32 to vector<1x64xf32>
    %select_n3A_54 = arith.select %eq3A_51, %broadcast_in_dim3A_53, %select_n3A_47 : vector<1x64xi1>, vector<1x64xf32>
    %get3A_55 = arith.constant 7 : index
    %get3A_56 = memref.load %arg3[%get3A_55] : memref<48xi32, #tpu.memory_space<smem>>
    %eq3A_57 = vector.broadcast %get3A_56 : i32 to vector<1x64xi32>
    %eq3A_58 = arith.cmpi eq, %iota3A, %eq3A_57 : vector<1x64xi32>
    %jit3A_59 = arith.constant 1.000000e+00 : f32
    %broadcast_in_dim3A_60 = vector.broadcast %jit3A_59 : f32 to vector<1x64xf32>
    %select_n3A_61 = arith.select %eq3A_58, %broadcast_in_dim3A_60, %select_n3A_54 : vector<1x64xi1>, vector<1x64xf32>
    %get3A_62 = arith.constant 8 : index
    %get3A_63 = memref.load %arg3[%get3A_62] : memref<48xi32, #tpu.memory_space<smem>>
    %eq3A_64 = vector.broadcast %get3A_63 : i32 to vector<1x64xi32>
    %eq3A_65 = arith.cmpi eq, %iota3A, %eq3A_64 : vector<1x64xi32>
    %jit3A_66 = arith.constant 1.000000e+00 : f32
    %broadcast_in_dim3A_67 = vector.broadcast %jit3A_66 : f32 to vector<1x64xf32>
    %select_n3A_68 = arith.select %eq3A_65, %broadcast_in_dim3A_67, %select_n3A_61 : vector<1x64xi1>, vector<1x64xf32>
    %get3A_69 = arith.constant 9 : index
    %get3A_70 = memref.load %arg3[%get3A_69] : memref<48xi32, #tpu.memory_space<smem>>
    %eq3A_71 = vector.broadcast %get3A_70 : i32 to vector<1x64xi32>
    %eq3A_72 = arith.cmpi eq, %iota3A, %eq3A_71 : vector<1x64xi32>
    %jit3A_73 = arith.constant 1.000000e+00 : f32
    %broadcast_in_dim3A_74 = vector.broadcast %jit3A_73 : f32 to vector<1x64xf32>
    %select_n3A_75 = arith.select %eq3A_72, %broadcast_in_dim3A_74, %select_n3A_68 : vector<1x64xi1>, vector<1x64xf32>
    %get3A_76 = arith.constant 10 : index
    %get3A_77 = memref.load %arg3[%get3A_76] : memref<48xi32, #tpu.memory_space<smem>>
    %eq3A_78 = vector.broadcast %get3A_77 : i32 to vector<1x64xi32>
    %eq3A_79 = arith.cmpi eq, %iota3A, %eq3A_78 : vector<1x64xi32>
    %jit3A_80 = arith.constant 1.000000e+00 : f32
    %broadcast_in_dim3A_81 = vector.broadcast %jit3A_80 : f32 to vector<1x64xf32>
    %select_n3A_82 = arith.select %eq3A_79, %broadcast_in_dim3A_81, %select_n3A_75 : vector<1x64xi1>, vector<1x64xf32>
    %get3A_83 = arith.constant 11 : index
    %get3A_84 = memref.load %arg3[%get3A_83] : memref<48xi32, #tpu.memory_space<smem>>
    %eq3A_85 = vector.broadcast %get3A_84 : i32 to vector<1x64xi32>
    %eq3A_86 = arith.cmpi eq, %iota3A, %eq3A_85 : vector<1x64xi32>
    %jit3A_87 = arith.constant 1.000000e+00 : f32
    %broadcast_in_dim3A_88 = vector.broadcast %jit3A_87 : f32 to vector<1x64xf32>
    %select_n3A_89 = arith.select %eq3A_86, %broadcast_in_dim3A_88, %select_n3A_82 : vector<1x64xi1>, vector<1x64xf32>
    %get3A_90 = arith.constant 12 : index
    %get3A_91 = memref.load %arg3[%get3A_90] : memref<48xi32, #tpu.memory_space<smem>>
    %eq3A_92 = vector.broadcast %get3A_91 : i32 to vector<1x64xi32>
    %eq3A_93 = arith.cmpi eq, %iota3A, %eq3A_92 : vector<1x64xi32>
    %jit3A_94 = arith.constant 1.000000e+00 : f32
    %broadcast_in_dim3A_95 = vector.broadcast %jit3A_94 : f32 to vector<1x64xf32>
    %select_n3A_96 = arith.select %eq3A_93, %broadcast_in_dim3A_95, %select_n3A_89 : vector<1x64xi1>, vector<1x64xf32>
    %get3A_97 = arith.constant 13 : index
    %get3A_98 = memref.load %arg3[%get3A_97] : memref<48xi32, #tpu.memory_space<smem>>
    %eq3A_99 = vector.broadcast %get3A_98 : i32 to vector<1x64xi32>
    %eq3A_100 = arith.cmpi eq, %iota3A, %eq3A_99 : vector<1x64xi32>
    %jit3A_101 = arith.constant 1.000000e+00 : f32
    %broadcast_in_dim3A_102 = vector.broadcast %jit3A_101 : f32 to vector<1x64xf32>
    %select_n3A_103 = arith.select %eq3A_100, %broadcast_in_dim3A_102, %select_n3A_96 : vector<1x64xi1>, vector<1x64xf32>
    %get3A_104 = arith.constant 14 : index
    %get3A_105 = memref.load %arg3[%get3A_104] : memref<48xi32, #tpu.memory_space<smem>>
    %eq3A_106 = vector.broadcast %get3A_105 : i32 to vector<1x64xi32>
    %eq3A_107 = arith.cmpi eq, %iota3A, %eq3A_106 : vector<1x64xi32>
    %jit3A_108 = arith.constant 1.000000e+00 : f32
    %broadcast_in_dim3A_109 = vector.broadcast %jit3A_108 : f32 to vector<1x64xf32>
    %select_n3A_110 = arith.select %eq3A_107, %broadcast_in_dim3A_109, %select_n3A_103 : vector<1x64xi1>, vector<1x64xf32>
    %get3A_111 = arith.constant 15 : index
    %get3A_112 = memref.load %arg3[%get3A_111] : memref<48xi32, #tpu.memory_space<smem>>
    %eq3A_113 = vector.broadcast %get3A_112 : i32 to vector<1x64xi32>
    %eq3A_114 = arith.cmpi eq, %iota3A, %eq3A_113 : vector<1x64xi32>
    %jit3A_115 = arith.constant 1.000000e+00 : f32
    %broadcast_in_dim3A_116 = vector.broadcast %jit3A_115 : f32 to vector<1x64xf32>
    %select_n3A_117 = arith.select %eq3A_114, %broadcast_in_dim3A_116, %select_n3A_110 : vector<1x64xi1>, vector<1x64xf32>
    %get3A_118 = arith.constant 16 : index
    %get3A_119 = memref.load %arg3[%get3A_118] : memref<48xi32, #tpu.memory_space<smem>>
    %eq3A_120 = vector.broadcast %get3A_119 : i32 to vector<1x64xi32>
    %eq3A_121 = arith.cmpi eq, %iota3A, %eq3A_120 : vector<1x64xi32>
    %jit3A_122 = arith.constant 1.000000e+00 : f32
    %broadcast_in_dim3A_123 = vector.broadcast %jit3A_122 : f32 to vector<1x64xf32>
    %select_n3A_124 = arith.select %eq3A_121, %broadcast_in_dim3A_123, %select_n3A_117 : vector<1x64xi1>, vector<1x64xf32>
    %get3A_125 = arith.constant 17 : index
    %get3A_126 = memref.load %arg3[%get3A_125] : memref<48xi32, #tpu.memory_space<smem>>
    %eq3A_127 = vector.broadcast %get3A_126 : i32 to vector<1x64xi32>
    %eq3A_128 = arith.cmpi eq, %iota3A, %eq3A_127 : vector<1x64xi32>
    %jit3A_129 = arith.constant 1.000000e+00 : f32
    %broadcast_in_dim3A_130 = vector.broadcast %jit3A_129 : f32 to vector<1x64xf32>
    %select_n3A_131 = arith.select %eq3A_128, %broadcast_in_dim3A_130, %select_n3A_124 : vector<1x64xi1>, vector<1x64xf32>
    %get3A_132 = arith.constant 18 : index
    %get3A_133 = memref.load %arg3[%get3A_132] : memref<48xi32, #tpu.memory_space<smem>>
    %eq3A_134 = vector.broadcast %get3A_133 : i32 to vector<1x64xi32>
    %eq3A_135 = arith.cmpi eq, %iota3A, %eq3A_134 : vector<1x64xi32>
    %jit3A_136 = arith.constant 1.000000e+00 : f32
    %broadcast_in_dim3A_137 = vector.broadcast %jit3A_136 : f32 to vector<1x64xf32>
    %select_n3A_138 = arith.select %eq3A_135, %broadcast_in_dim3A_137, %select_n3A_131 : vector<1x64xi1>, vector<1x64xf32>
    %get3A_139 = arith.constant 19 : index
    %get3A_140 = memref.load %arg3[%get3A_139] : memref<48xi32, #tpu.memory_space<smem>>
    %eq3A_141 = vector.broadcast %get3A_140 : i32 to vector<1x64xi32>
    %eq3A_142 = arith.cmpi eq, %iota3A, %eq3A_141 : vector<1x64xi32>
    %jit3A_143 = arith.constant 1.000000e+00 : f32
    %broadcast_in_dim3A_144 = vector.broadcast %jit3A_143 : f32 to vector<1x64xf32>
    %select_n3A_145 = arith.select %eq3A_142, %broadcast_in_dim3A_144, %select_n3A_138 : vector<1x64xi1>, vector<1x64xf32>
    %get3A_146 = arith.constant 20 : index
    %get3A_147 = memref.load %arg3[%get3A_146] : memref<48xi32, #tpu.memory_space<smem>>
    %eq3A_148 = vector.broadcast %get3A_147 : i32 to vector<1x64xi32>
    %eq3A_149 = arith.cmpi eq, %iota3A, %eq3A_148 : vector<1x64xi32>
    %jit3A_150 = arith.constant 1.000000e+00 : f32
    %broadcast_in_dim3A_151 = vector.broadcast %jit3A_150 : f32 to vector<1x64xf32>
    %select_n3A_152 = arith.select %eq3A_149, %broadcast_in_dim3A_151, %select_n3A_145 : vector<1x64xi1>, vector<1x64xf32>
    %get3A_153 = arith.constant 21 : index
    %get3A_154 = memref.load %arg3[%get3A_153] : memref<48xi32, #tpu.memory_space<smem>>
    %eq3A_155 = vector.broadcast %get3A_154 : i32 to vector<1x64xi32>
    %eq3A_156 = arith.cmpi eq, %iota3A, %eq3A_155 : vector<1x64xi32>
    %jit3A_157 = arith.constant 1.000000e+00 : f32
    %broadcast_in_dim3A_158 = vector.broadcast %jit3A_157 : f32 to vector<1x64xf32>
    %select_n3A_159 = arith.select %eq3A_156, %broadcast_in_dim3A_158, %select_n3A_152 : vector<1x64xi1>, vector<1x64xf32>
    %get3A_160 = arith.constant 22 : index
    %get3A_161 = memref.load %arg3[%get3A_160] : memref<48xi32, #tpu.memory_space<smem>>
    %eq3A_162 = vector.broadcast %get3A_161 : i32 to vector<1x64xi32>
    %eq3A_163 = arith.cmpi eq, %iota3A, %eq3A_162 : vector<1x64xi32>
    %jit3A_164 = arith.constant 1.000000e+00 : f32
    %broadcast_in_dim3A_165 = vector.broadcast %jit3A_164 : f32 to vector<1x64xf32>
    %select_n3A_166 = arith.select %eq3A_163, %broadcast_in_dim3A_165, %select_n3A_159 : vector<1x64xi1>, vector<1x64xf32>
    %get3A_167 = arith.constant 23 : index
    %get3A_168 = memref.load %arg3[%get3A_167] : memref<48xi32, #tpu.memory_space<smem>>
    %eq3A_169 = vector.broadcast %get3A_168 : i32 to vector<1x64xi32>
    %eq3A_170 = arith.cmpi eq, %iota3A, %eq3A_169 : vector<1x64xi32>
    %jit3A_171 = arith.constant 1.000000e+00 : f32
    %broadcast_in_dim3A_172 = vector.broadcast %jit3A_171 : f32 to vector<1x64xf32>
    %select_n3A_173 = arith.select %eq3A_170, %broadcast_in_dim3A_172, %select_n3A_166 : vector<1x64xi1>, vector<1x64xf32>
    %get3A_174 = arith.constant 24 : index
    %get3A_175 = memref.load %arg3[%get3A_174] : memref<48xi32, #tpu.memory_space<smem>>
    %eq3A_176 = vector.broadcast %get3A_175 : i32 to vector<1x64xi32>
    %eq3A_177 = arith.cmpi eq, %iota3A, %eq3A_176 : vector<1x64xi32>
    %jit3A_178 = arith.constant 1.000000e+00 : f32
    %broadcast_in_dim3A_179 = vector.broadcast %jit3A_178 : f32 to vector<1x64xf32>
    %select_n3A_180 = arith.select %eq3A_177, %broadcast_in_dim3A_179, %select_n3A_173 : vector<1x64xi1>, vector<1x64xf32>
    %get3A_181 = arith.constant 25 : index
    %get3A_182 = memref.load %arg3[%get3A_181] : memref<48xi32, #tpu.memory_space<smem>>
    %eq3A_183 = vector.broadcast %get3A_182 : i32 to vector<1x64xi32>
    %eq3A_184 = arith.cmpi eq, %iota3A, %eq3A_183 : vector<1x64xi32>
    %jit3A_185 = arith.constant 1.000000e+00 : f32
    %broadcast_in_dim3A_186 = vector.broadcast %jit3A_185 : f32 to vector<1x64xf32>
    %select_n3A_187 = arith.select %eq3A_184, %broadcast_in_dim3A_186, %select_n3A_180 : vector<1x64xi1>, vector<1x64xf32>
    %get3A_188 = arith.constant 26 : index
    %get3A_189 = memref.load %arg3[%get3A_188] : memref<48xi32, #tpu.memory_space<smem>>
    %eq3A_190 = vector.broadcast %get3A_189 : i32 to vector<1x64xi32>
    %eq3A_191 = arith.cmpi eq, %iota3A, %eq3A_190 : vector<1x64xi32>
    %jit3A_192 = arith.constant 1.000000e+00 : f32
    %broadcast_in_dim3A_193 = vector.broadcast %jit3A_192 : f32 to vector<1x64xf32>
    %select_n3A_194 = arith.select %eq3A_191, %broadcast_in_dim3A_193, %select_n3A_187 : vector<1x64xi1>, vector<1x64xf32>
    %get3A_195 = arith.constant 27 : index
    %get3A_196 = memref.load %arg3[%get3A_195] : memref<48xi32, #tpu.memory_space<smem>>
    %eq3A_197 = vector.broadcast %get3A_196 : i32 to vector<1x64xi32>
    %eq3A_198 = arith.cmpi eq, %iota3A, %eq3A_197 : vector<1x64xi32>
    %jit3A_199 = arith.constant 1.000000e+00 : f32
    %broadcast_in_dim3A_200 = vector.broadcast %jit3A_199 : f32 to vector<1x64xf32>
    %select_n3A_201 = arith.select %eq3A_198, %broadcast_in_dim3A_200, %select_n3A_194 : vector<1x64xi1>, vector<1x64xf32>
    %get3A_202 = arith.constant 28 : index
    %get3A_203 = memref.load %arg3[%get3A_202] : memref<48xi32, #tpu.memory_space<smem>>
    %eq3A_204 = vector.broadcast %get3A_203 : i32 to vector<1x64xi32>
    %eq3A_205 = arith.cmpi eq, %iota3A, %eq3A_204 : vector<1x64xi32>
    %jit3A_206 = arith.constant 1.000000e+00 : f32
    %broadcast_in_dim3A_207 = vector.broadcast %jit3A_206 : f32 to vector<1x64xf32>
    %select_n3A_208 = arith.select %eq3A_205, %broadcast_in_dim3A_207, %select_n3A_201 : vector<1x64xi1>, vector<1x64xf32>
    %get3A_209 = arith.constant 29 : index
    %get3A_210 = memref.load %arg3[%get3A_209] : memref<48xi32, #tpu.memory_space<smem>>
    %eq3A_211 = vector.broadcast %get3A_210 : i32 to vector<1x64xi32>
    %eq3A_212 = arith.cmpi eq, %iota3A, %eq3A_211 : vector<1x64xi32>
    %jit3A_213 = arith.constant 1.000000e+00 : f32
    %broadcast_in_dim3A_214 = vector.broadcast %jit3A_213 : f32 to vector<1x64xf32>
    %select_n3A_215 = arith.select %eq3A_212, %broadcast_in_dim3A_214, %select_n3A_208 : vector<1x64xi1>, vector<1x64xf32>
    %get3A_216 = arith.constant 30 : index
    %get3A_217 = memref.load %arg3[%get3A_216] : memref<48xi32, #tpu.memory_space<smem>>
    %eq3A_218 = vector.broadcast %get3A_217 : i32 to vector<1x64xi32>
    %eq3A_219 = arith.cmpi eq, %iota3A, %eq3A_218 : vector<1x64xi32>
    %jit3A_220 = arith.constant 1.000000e+00 : f32
    %broadcast_in_dim3A_221 = vector.broadcast %jit3A_220 : f32 to vector<1x64xf32>
    %select_n3A_222 = arith.select %eq3A_219, %broadcast_in_dim3A_221, %select_n3A_215 : vector<1x64xi1>, vector<1x64xf32>
    %get3A_223 = arith.constant 31 : index
    %get3A_224 = memref.load %arg3[%get3A_223] : memref<48xi32, #tpu.memory_space<smem>>
    %eq3A_225 = vector.broadcast %get3A_224 : i32 to vector<1x64xi32>
    %eq3A_226 = arith.cmpi eq, %iota3A, %eq3A_225 : vector<1x64xi32>
    %jit3A_227 = arith.constant 1.000000e+00 : f32
    %broadcast_in_dim3A_228 = vector.broadcast %jit3A_227 : f32 to vector<1x64xf32>
    %select_n3A_229 = arith.select %eq3A_226, %broadcast_in_dim3A_228, %select_n3A_222 : vector<1x64xi1>, vector<1x64xf32>
    %get3A_230 = arith.constant 32 : index
    %get3A_231 = memref.load %arg3[%get3A_230] : memref<48xi32, #tpu.memory_space<smem>>
    %eq3A_232 = vector.broadcast %get3A_231 : i32 to vector<1x64xi32>
    %eq3A_233 = arith.cmpi eq, %iota3A, %eq3A_232 : vector<1x64xi32>
    %jit3A_234 = arith.constant 1.000000e+00 : f32
    %broadcast_in_dim3A_235 = vector.broadcast %jit3A_234 : f32 to vector<1x64xf32>
    %select_n3A_236 = arith.select %eq3A_233, %broadcast_in_dim3A_235, %select_n3A_229 : vector<1x64xi1>, vector<1x64xf32>
    %get3A_237 = arith.constant 33 : index
    %get3A_238 = memref.load %arg3[%get3A_237] : memref<48xi32, #tpu.memory_space<smem>>
    %eq3A_239 = vector.broadcast %get3A_238 : i32 to vector<1x64xi32>
    %eq3A_240 = arith.cmpi eq, %iota3A, %eq3A_239 : vector<1x64xi32>
    %jit3A_241 = arith.constant 1.000000e+00 : f32
    %broadcast_in_dim3A_242 = vector.broadcast %jit3A_241 : f32 to vector<1x64xf32>
    %select_n3A_243 = arith.select %eq3A_240, %broadcast_in_dim3A_242, %select_n3A_236 : vector<1x64xi1>, vector<1x64xf32>
    %get3A_244 = arith.constant 34 : index
    %get3A_245 = memref.load %arg3[%get3A_244] : memref<48xi32, #tpu.memory_space<smem>>
    %eq3A_246 = vector.broadcast %get3A_245 : i32 to vector<1x64xi32>
    %eq3A_247 = arith.cmpi eq, %iota3A, %eq3A_246 : vector<1x64xi32>
    %jit3A_248 = arith.constant 1.000000e+00 : f32
    %broadcast_in_dim3A_249 = vector.broadcast %jit3A_248 : f32 to vector<1x64xf32>
    %select_n3A_250 = arith.select %eq3A_247, %broadcast_in_dim3A_249, %select_n3A_243 : vector<1x64xi1>, vector<1x64xf32>
    %get3A_251 = arith.constant 35 : index
    %get3A_252 = memref.load %arg3[%get3A_251] : memref<48xi32, #tpu.memory_space<smem>>
    %eq3A_253 = vector.broadcast %get3A_252 : i32 to vector<1x64xi32>
    %eq3A_254 = arith.cmpi eq, %iota3A, %eq3A_253 : vector<1x64xi32>
    %jit3A_255 = arith.constant 1.000000e+00 : f32
    %broadcast_in_dim3A_256 = vector.broadcast %jit3A_255 : f32 to vector<1x64xf32>
    %select_n3A_257 = arith.select %eq3A_254, %broadcast_in_dim3A_256, %select_n3A_250 : vector<1x64xi1>, vector<1x64xf32>
    %get3A_258 = arith.constant 36 : index
    %get3A_259 = memref.load %arg3[%get3A_258] : memref<48xi32, #tpu.memory_space<smem>>
    %eq3A_260 = vector.broadcast %get3A_259 : i32 to vector<1x64xi32>
    %eq3A_261 = arith.cmpi eq, %iota3A, %eq3A_260 : vector<1x64xi32>
    %jit3A_262 = arith.constant 1.000000e+00 : f32
    %broadcast_in_dim3A_263 = vector.broadcast %jit3A_262 : f32 to vector<1x64xf32>
    %select_n3A_264 = arith.select %eq3A_261, %broadcast_in_dim3A_263, %select_n3A_257 : vector<1x64xi1>, vector<1x64xf32>
    %get3A_265 = arith.constant 37 : index
    %get3A_266 = memref.load %arg3[%get3A_265] : memref<48xi32, #tpu.memory_space<smem>>
    %eq3A_267 = vector.broadcast %get3A_266 : i32 to vector<1x64xi32>
    %eq3A_268 = arith.cmpi eq, %iota3A, %eq3A_267 : vector<1x64xi32>
    %jit3A_269 = arith.constant 1.000000e+00 : f32
    %broadcast_in_dim3A_270 = vector.broadcast %jit3A_269 : f32 to vector<1x64xf32>
    %select_n3A_271 = arith.select %eq3A_268, %broadcast_in_dim3A_270, %select_n3A_264 : vector<1x64xi1>, vector<1x64xf32>
    %get3A_272 = arith.constant 38 : index
    %get3A_273 = memref.load %arg3[%get3A_272] : memref<48xi32, #tpu.memory_space<smem>>
    %eq3A_274 = vector.broadcast %get3A_273 : i32 to vector<1x64xi32>
    %eq3A_275 = arith.cmpi eq, %iota3A, %eq3A_274 : vector<1x64xi32>
    %jit3A_276 = arith.constant 1.000000e+00 : f32
    %broadcast_in_dim3A_277 = vector.broadcast %jit3A_276 : f32 to vector<1x64xf32>
    %select_n3A_278 = arith.select %eq3A_275, %broadcast_in_dim3A_277, %select_n3A_271 : vector<1x64xi1>, vector<1x64xf32>
    %get3A_279 = arith.constant 39 : index
    %get3A_280 = memref.load %arg3[%get3A_279] : memref<48xi32, #tpu.memory_space<smem>>
    %eq3A_281 = vector.broadcast %get3A_280 : i32 to vector<1x64xi32>
    %eq3A_282 = arith.cmpi eq, %iota3A, %eq3A_281 : vector<1x64xi32>
    %jit3A_283 = arith.constant 1.000000e+00 : f32
    %broadcast_in_dim3A_284 = vector.broadcast %jit3A_283 : f32 to vector<1x64xf32>
    %select_n3A_285 = arith.select %eq3A_282, %broadcast_in_dim3A_284, %select_n3A_278 : vector<1x64xi1>, vector<1x64xf32>
    %get3A_286 = arith.constant 40 : index
    %get3A_287 = memref.load %arg3[%get3A_286] : memref<48xi32, #tpu.memory_space<smem>>
    %eq3A_288 = vector.broadcast %get3A_287 : i32 to vector<1x64xi32>
    %eq3A_289 = arith.cmpi eq, %iota3A, %eq3A_288 : vector<1x64xi32>
    %jit3A_290 = arith.constant 1.000000e+00 : f32
    %broadcast_in_dim3A_291 = vector.broadcast %jit3A_290 : f32 to vector<1x64xf32>
    %select_n3A_292 = arith.select %eq3A_289, %broadcast_in_dim3A_291, %select_n3A_285 : vector<1x64xi1>, vector<1x64xf32>
    %get3A_293 = arith.constant 41 : index
    %get3A_294 = memref.load %arg3[%get3A_293] : memref<48xi32, #tpu.memory_space<smem>>
    %eq3A_295 = vector.broadcast %get3A_294 : i32 to vector<1x64xi32>
    %eq3A_296 = arith.cmpi eq, %iota3A, %eq3A_295 : vector<1x64xi32>
    %jit3A_297 = arith.constant 1.000000e+00 : f32
    %broadcast_in_dim3A_298 = vector.broadcast %jit3A_297 : f32 to vector<1x64xf32>
    %select_n3A_299 = arith.select %eq3A_296, %broadcast_in_dim3A_298, %select_n3A_292 : vector<1x64xi1>, vector<1x64xf32>
    %get3A_300 = arith.constant 42 : index
    %get3A_301 = memref.load %arg3[%get3A_300] : memref<48xi32, #tpu.memory_space<smem>>
    %eq3A_302 = vector.broadcast %get3A_301 : i32 to vector<1x64xi32>
    %eq3A_303 = arith.cmpi eq, %iota3A, %eq3A_302 : vector<1x64xi32>
    %jit3A_304 = arith.constant 1.000000e+00 : f32
    %broadcast_in_dim3A_305 = vector.broadcast %jit3A_304 : f32 to vector<1x64xf32>
    %select_n3A_306 = arith.select %eq3A_303, %broadcast_in_dim3A_305, %select_n3A_299 : vector<1x64xi1>, vector<1x64xf32>
    %get3A_307 = arith.constant 43 : index
    %get3A_308 = memref.load %arg3[%get3A_307] : memref<48xi32, #tpu.memory_space<smem>>
    %eq3A_309 = vector.broadcast %get3A_308 : i32 to vector<1x64xi32>
    %eq3A_310 = arith.cmpi eq, %iota3A, %eq3A_309 : vector<1x64xi32>
    %jit3A_311 = arith.constant 1.000000e+00 : f32
    %broadcast_in_dim3A_312 = vector.broadcast %jit3A_311 : f32 to vector<1x64xf32>
    %select_n3A_313 = arith.select %eq3A_310, %broadcast_in_dim3A_312, %select_n3A_306 : vector<1x64xi1>, vector<1x64xf32>
    %get3A_314 = arith.constant 44 : index
    %get3A_315 = memref.load %arg3[%get3A_314] : memref<48xi32, #tpu.memory_space<smem>>
    %eq3A_316 = vector.broadcast %get3A_315 : i32 to vector<1x64xi32>
    %eq3A_317 = arith.cmpi eq, %iota3A, %eq3A_316 : vector<1x64xi32>
    %jit3A_318 = arith.constant 1.000000e+00 : f32
    %broadcast_in_dim3A_319 = vector.broadcast %jit3A_318 : f32 to vector<1x64xf32>
    %select_n3A_320 = arith.select %eq3A_317, %broadcast_in_dim3A_319, %select_n3A_313 : vector<1x64xi1>, vector<1x64xf32>
    %get3A_321 = arith.constant 45 : index
    %get3A_322 = memref.load %arg3[%get3A_321] : memref<48xi32, #tpu.memory_space<smem>>
    %eq3A_323 = vector.broadcast %get3A_322 : i32 to vector<1x64xi32>
    %eq3A_324 = arith.cmpi eq, %iota3A, %eq3A_323 : vector<1x64xi32>
    %jit3A_325 = arith.constant 1.000000e+00 : f32
    %broadcast_in_dim3A_326 = vector.broadcast %jit3A_325 : f32 to vector<1x64xf32>
    %select_n3A_327 = arith.select %eq3A_324, %broadcast_in_dim3A_326, %select_n3A_320 : vector<1x64xi1>, vector<1x64xf32>
    %get3A_328 = arith.constant 46 : index
    %get3A_329 = memref.load %arg3[%get3A_328] : memref<48xi32, #tpu.memory_space<smem>>
    %eq3A_330 = vector.broadcast %get3A_329 : i32 to vector<1x64xi32>
    %eq3A_331 = arith.cmpi eq, %iota3A, %eq3A_330 : vector<1x64xi32>
    %jit3A_332 = arith.constant 1.000000e+00 : f32
    %broadcast_in_dim3A_333 = vector.broadcast %jit3A_332 : f32 to vector<1x64xf32>
    %select_n3A_334 = arith.select %eq3A_331, %broadcast_in_dim3A_333, %select_n3A_327 : vector<1x64xi1>, vector<1x64xf32>
    %get3A_335 = arith.constant 47 : index
    %get3A_336 = memref.load %arg3[%get3A_335] : memref<48xi32, #tpu.memory_space<smem>>
    %eq3A_337 = vector.broadcast %get3A_336 : i32 to vector<1x64xi32>
    %eq3A_338 = arith.cmpi eq, %iota3A, %eq3A_337 : vector<1x64xi32>
    %jit3A_339 = arith.constant 1.000000e+00 : f32
    %broadcast_in_dim3A_340 = vector.broadcast %jit3A_339 : f32 to vector<1x64xf32>
    %select_n3A_341 = arith.select %eq3A_338, %broadcast_in_dim3A_340, %select_n3A_334 : vector<1x64xi1>, vector<1x64xf32>
    %mul3A = vector.broadcast %select_n3A_341 : vector<1x64xf32> to vector<512x64xf32>
    %mul3A_342 = arith.mulf %dot_general3A_5, %mul3A : vector<512x64xf32>
    %transpose3A = tpu.transpose %mul3A_342, [1, 0] : vector<512x64xf32> -> vector<64x512xf32>
    %swap3A_343 = arith.constant 0 : index
    %swap3A_344 = arith.constant 0 : index
    %swap3A_345 = vector.load %arg5[%swap3A_343, %swap3A_344] : memref<64x512xf32, #tpu.memory_space<vmem>>, vector<64x512xf32>
    tpu.vector_store %arg5[%swap3A_343, %swap3A_344], %transpose3A {strides = array<i32>} : memref<64x512xf32, #tpu.memory_space<vmem>>, vector<64x512xf32>,
    return
  }
  func.func @transform_0(%arg0: i32) -> (i32, i32) {
    %c0_i32 = arith.constant 0 : i32
    %c0_i32_0 = arith.constant 0 : i32
    return %arg0, %c0_i32 : i32, i32
  }
  func.func @transform_1(%arg0: i32) -> (i32, i32) {
    %c0_i32 = arith.constant 0 : i32
    %c0_i32_0 = arith.constant 0 : i32
    %c0_i32_1 = arith.constant 0 : i32
    return %c0_i32, %c0_i32_0 : i32, i32
  }
  func.func @transform_2(%arg0: i32) -> i32 {
    %c0_i32 = arith.constant 0 : i32
    %c0_i32_0 = arith.constant 0 : i32
    return %c0_i32 : i32
  }
  func.func @transform_3(%arg0: i32) -> (i32, i32) {
    %c0_i32 = arith.constant 0 : i32
    %c0_i32_0 = arith.constant 0 : i32
    return %arg0, %c0_i32 : i32, i32
  }
  func.func @transform_4(%arg0: i32) -> (i32, i32) {
    %c0_i32 = arith.constant 0 : i32
    %c0_i32_0 = arith.constant 0 : i32
    return %c0_i32, %arg0 : i32, i32
  }
}

</mosaic_0001>

<sc_bundles>
// kernel: kernel.4.cloned.1.call-start
scs
__scs_entry_jumppad:
0x0: {  	(pc) =	sbr.rel $0x88, $3  }
0x1: {  	(tag) =	ssettag $0x0;
	lr =	simm.s32 $0x1  }
0x2: {  	[smem:$0x3F9E] =	sst lr;
	_ =	strace $0xD0000000  }
0x3: {  	_ = 	snop  }
0x4: {  	_ = 	snop  }
0x5: {  	_ = 	snop  }
0x6: {  	_ = 	snop  }
0x7: {  	_ = 	snop  }
__scs_overlays_trampoline_lowered:
0x8: {  	[smem:$0x3FAD] =	sst s0  }
0x9: {  	[smem:$0x3FAE] =	sst s1  }
0xa: {  	[smem:$0x3FAF] =	sst s2  }
0xb: {  	[smem:$0x3FB0] =	sst s3  }
0xc: {  	[smem:$0x3FB1] =	sst s4  }
0xd: {  	[smem:$0x3FB2] =	sst s5  }
0xe: {  	[smem:$0x3FB3] =	sst s6  }
0xf: {  	[smem:$0x3FB4] =	sst s7  }
0x10: {  	[smem:$0x3FB5] =	sst s8  }
0x11: {  	[smem:$0x3FB6] =	sst s9;
	s0 =	simm.s32 @!p0 $0x0  }
0x12: {  	s1 =	sld [smem:$0x3F9C];
	s0 =	simm.s32 @p0 $0x1  }
0x13: {  	[smem:$0x3FB7] =	sst s0;
	s0 =	simm.s32 @!p1 $0x0  }
0x14: {  	s2 =	sld [smem:$0x3F9B];
	s0 =	simm.s32 @p1 $0x1  }
0x15: {  	[smem:$0x3FB8] =	sst s0;
	s0 =	simm.s32 @!p2 $0x0  }
0x16: {  	s3 =	sld [smem:$0x3FDB];
	s0 =	simm.s32 @p2 $0x1  }
0x17: {  	s4 =	simm.s32 $0x1BF5;
	[smem:$0x3FBA] =	sst s0  }
0x18: {  	s0 =	sld [smem:$0x3F9D];
	_ =	swait.ge [sflag:s4], $0x0  }
0x19: {  	s7 =	sld [smem:$0x3F9E]  }
0x1a: {  	s8 =	sadd.s32 $0xFFFFE003, lr  }
0x1b: {  	s9 =	sadd.s32 $0xFFFFFEF7, lr;
	s5 =	simm.s32 $0xFFFFFFFF;
	p2 =	slt.u32 s8, $0xFFFFF086  }
0x1c: {  	p1 =	slt.u32 s9, $0xF7A;
	s5 =	simm.s32 @!p2 $0x0  }
0x1d: {  	s5 =	simm.s32 @p1 $0x1;
	p0 =	seq.s32 s7, s2  }
0x1e: {  	s7 =	smul.u32 @!p0 $0xF7A, s2;
	p2 =	seq.s32 @!p0 s5, $0x0  }
0x1f: {  	s9 =	smul.u32 $0xF7A, s1;
	s8 =	simm.s32 @!p0 $0x1BF5;
	p2 =	por !p2, p0  }
0x20: {  	[sflag:s8] =	ssyncset.s32 @!p0 $0xFFFFF086;
	s6 =	sadd.s32 @!p0 s3, s7;
	s7 =	simm.s32 @!p0 $0x108  }
0x21: {  	s3 =	sadd.s32 s3, s9;
	s6 =	sadd.s32 @!p0 $0x88, s6;
	s7 =	simm.s32 @p2 $0x1082  }
0x22: {  	[simem:s7], [sflag:s8] =	dma.local @!p0 [hbm:s6], $0xF7A  }
0x23: {  	s9 =	sor.u32 $0xD0000000, s2;
	s6 =	simm.s32 $0x108;
	_ =	swait.ge @!p0 [sflag:s8], $0x0  }
0x24: {  	s3 =	sadd.s32 $0x88, s3;
	s6 =	simm.s32 @!p1 $0x1082;
	[sflag:s4] =	ssyncset.s32 $0xFFFFF086  }
0x25: {  	[simem:s6], [sflag:s4] =	dma.local [hbm:s3], $0xF7A  }
0x26: {  	[smem:$0x3F9E] =	sst s1;
	(tag) =	ssettag s2;
	_ =	strace s9  }
0x27: {  	s1 =	sld [smem:$0x3FAE]  }
0x28: {  	s2 =	sld [smem:$0x3FAF]  }
0x29: {  	s4 =	sld [smem:$0x3FB1]  }
0x2a: {  	p0 =	seq.s32 s5, $0x0;
	s5 =	sld [smem:$0x3FB2]  }
0x2b: {  	s6 =	sld [smem:$0x3FB3]  }
0x2c: {  	s7 =	sld [smem:$0x3FB4]  }
0x2d: {  	s3 =	simm.s32 $0x108;
	s8 =	sld [smem:$0x3FB5]  }
0x2e: {  	s3 =	simm.s32 @!p0 $0x1082;
	s9 =	sld [smem:$0x3FB6]  }
0x2f: {  	lr =	sadd.s32 s0, s3;
	s0 =	sld [smem:$0x3FAD]  }
0x30: {  	s3 =	sld [smem:$0x3FB0]  }
0x31: {  	[smem:$0x3FB9] =	sst s10  }
0x32: {  	s10 =	sld [smem:$0x3FB7];
	_ =	sdelay $0x3  }
0x33: {  	p0 =	seq.s32 s10, $0x1;
	s10 =	sld [smem:$0x3FB9];
	_ =	sdelay $0x3  }
0x34: {  	[smem:$0x3FB9] =	sst s10  }
0x35: {  	s10 =	sld [smem:$0x3FB8];
	_ =	sdelay $0x3  }
0x36: {  	p1 =	seq.s32 s10, $0x1;
	s10 =	sld [smem:$0x3FB9];
	_ =	sdelay $0x3  }
0x37: {  	[smem:$0x3FB9] =	sst s10  }
0x38: {  	s10 =	sld [smem:$0x3FBA]  }
0x39: {  	_ = 	snop;
	(pc) =	sbr.ind lr, $3  }
0x3a: {  	_ = 	snop  }
0x3b: {  	_ = 	snop  }
0x3c: {  	p2 =	seq.s32 s10, $0x1;
	s10 =	sld [smem:$0x3FB9]  }
0x3d: {  	_ =	shalt  }
0x3e: {  	_ =	shalt  }
0x3f: {  	_ =	shalt  }
0x40: {  	_ =	shalt  }
0x41: {  	_ =	shalt  }
0x42: {  	_ =	shalt  }
0x43: {  	_ =	shalt  }
0x44: {  	_ =	shalt  }
0x45: {  	_ =	shalt  }
0x46: {  	_ =	shalt  }
0x47: {  	_ =	shalt  }
0x48: {  	_ =	shalt  }
0x49: {  	_ =	shalt  }
0x4a: {  	_ =	shalt  }
0x4b: {  	_ =	shalt  }
0x4c: {  	_ =	shalt  }
0x4d: {  	_ =	shalt  }
0x4e: {  	_ =	shalt  }
0x4f: {  	_ =	shalt  }
0x50: {  	_ =	shalt  }
0x51: {  	_ =	shalt  }
0x52: {  	_ =	shalt  }
0x53: {  	_ =	shalt  }
0x54: {  	_ =	shalt  }
0x55: {  	_ =	shalt  }
0x56: {  	_ =	shalt  }
0x57: {  	_ =	shalt  }
0x58: {  	_ =	shalt  }
0x59: {  	_ =	shalt  }
0x5a: {  	_ =	shalt  }
0x5b: {  	_ =	shalt  }
0x5c: {  	_ =	shalt  }
0x5d: {  	_ =	shalt  }
0x5e: {  	_ =	shalt  }
0x5f: {  	_ =	shalt  }
0x60: {  	_ =	shalt  }
0x61: {  	_ =	shalt  }
0x62: {  	_ =	shalt  }
0x63: {  	_ =	shalt  }
0x64: {  	_ =	shalt  }
0x65: {  	_ =	shalt  }
0x66: {  	_ =	shalt  }
0x67: {  	_ =	shalt  }
0x68: {  	_ =	shalt  }
0x69: {  	_ =	shalt  }
0x6a: {  	_ =	shalt  }
0x6b: {  	_ =	shalt  }
0x6c: {  	_ =	shalt  }
0x6d: {  	_ =	shalt  }
0x6e: {  	_ =	shalt  }
0x6f: {  	_ =	shalt  }
0x70: {  	_ =	shalt  }
0x71: {  	_ =	shalt  }
0x72: {  	_ =	shalt  }
0x73: {  	_ =	shalt  }
0x74: {  	_ =	shalt  }
0x75: {  	_ =	shalt  }
0x76: {  	_ =	shalt  }
0x77: {  	_ =	shalt  }
0x78: {  	_ =	shalt  }
0x79: {  	_ =	shalt  }
0x7a: {  	_ =	shalt  }
0x7b: {  	_ =	shalt  }
0x7c: {  	_ =	shalt  }
0x7d: {  	_ =	shalt  }
0x7e: {  	_ =	shalt  }
0x7f: {  	_ =	shalt  }
0x80: {  	_ =	shalt  }
0x81: {  	_ =	shalt  }
0x82: {  	_ =	shalt  }
0x83: {  	_ =	shalt  }
0x84: {  	_ =	shalt  }
0x85: {  	_ =	shalt  }
0x86: {  	_ =	shalt  }
0x87: {  	_ =	shalt  }
.Lfunc_end0:
.L_simem_size_0:
called_computation_lowered:
.L_overlay_start_0:
0x88: {  	s2 =	sld [smem:$0x3FD9]  }
0x89: {  	s3 =	sld [smem:$0x3FFE];
	_ =	sdelay $0x1  }
0x8a: {  	s1 =	srdreg.scid  }
0x8b: {  	s0 =	sand.u32 $0x1, s1  }
0x8c: {  	s16 =	sshll.u32 s0, $0xA;
	s2 =	sadd.s32 s3, s2  }
0x8d: {  	s2 =	sadd.s32 s2, s16  }
0x8e: {  	[smem:$0x3FC5] =	sst s2  }
0x8f: {  	_ = 	snop  }
0x90: {  	(tm) =	ssettm $0x1  }
0x91: {  	s17 =	sld [smem:$0x3FFB];
	_ =	sdelay $0x3  }
0x92: {  	_ =	strace s17  }
0x93: {  	s2 =	sld [smem:$0x3FFC];
	_ =	sdelay $0x3  }
0x94: {  	_ =	strace s2  }
0x95: {  	s2 =	sld [smem:$0x3FFD];
	_ =	sdelay $0x3  }
0x96: {  	_ =	strace s2  }
0x97: {  	_ =	strace $0x8FFFFFFF  }
0x98: {  	s18 =	sld [smem:$0x3FDB];
	_ =	sdelay $0x1  }
0x99: {  	s19 =	simm.s32 $_scs_section_size  }
0x9a: {  	s4 =	simm.s32 $_size__tile_overlayer_lowered;
	s5 =	simm.s32 $_tile_overlayer_lowered  }
0x9b: {  	s22 =	simm.s32 $0x1BFF;
	s21 =	sshll.u32 s5, $0x1;
	s2 =	sadd.s32 s19, s18  }
0x9c: {  	s6 =	simm.s32 $0x0;
	s20 =	sshll.u32 s4, $0x1;
	s4 =	sadd.s32 s21, s2  }
0x9d: {  	[timem:s6], [sflag:s22] =	dma.local [hbm:s4], s20  }
0x9e: {  	_ =	swait.ge [sflag:s22], s20  }
0x9f: {  	s3 =	ssub.s32 $0x0, s20;
	[sflag:s22] =	ssyncset.done $0x0  }
0xa0: {  	[sflag:s22] =	ssyncadd.s32 s3;
	_ =	sdelay $0x1  }
0xa1: {  	s23 =	simm.s32 $0x1B8B  }
0xa2: {  	_ =	swait.ge [sflag:s23], $0x1  }
0xa3: {  	[sflag:s23] =	ssyncset.done $0x0  }
0xa4: {  	s25 =	simm.s32 $0x1B8E;
	s24 =	sld [smem:$0x3FFE];
	[sflag:s23] =	ssyncadd.s32 $0xFFFFFFFF  }
0xa5: {  	s26 =	simm.s32 $execute0_lowered;
	[smem:$0x3FD2] =	sst s25  }
0xa6: {  	s4 =	sshll.u32 s26, $0x1;
	_ =	strace $0x80000046;
	[dreg:$0x1] =	wrdreg $0xFFFFFFFF  }
0xa7: {  	s28 =	simm.s32 $_size_execute0_lowered;
	s2 =	sadd.s32 s2, s4;
	[dreg:$0x0] =	wrdreg $0x0  }
0xa8: {  	s4 =	sshll.u32 s28, $0x1;
	[dreg:$0x2] =	wrdreg s2  }
0xa9: {  	[dreg:$0x3] =	wrdreg s4  }
0xaa: {  	[dreg:$0x4] =	wrdreg $0xC0  }
0xab: {  	_ =	task [dreg:s6], $0x5FFFF  }
0xac: {  	[dreg:$0x1] =	wrdreg $0xFFFFFFFF  }
0xad: {  	[dreg:$0x0] =	wrdreg $0x60  }
0xae: {  	[dreg:$0x2] =	wrdreg s24  }
0xaf: {  	[dreg:$0x3] =	wrdreg $0x9  }
0xb0: {  	_ =	task.clear_ibuf [dreg:s6], $0x4FFFF;
	_ =	strace $0x90000046  }
0xb1: {  	s29 =	simm.s32 $0x9;
	_ =	strace $0x80000048  }
0xb2: {  	_ =	swait.ge [sflag:s29], $0x1  }
0xb3: {  	[sflag:s29] =	ssyncadd.s32 $0xFFFFFFFF  }
0xb4: {  	_ =	strace $0x90000048  }
0xb5: {  	_ =	sfence  }
0xb6: {  	s30 =	sld [smem:$0x0];
	_ =	sdelay $0x2  }
0xb7: {  	s31 =	sshll.u32 s1, $0xD;
	s1 =	sshrl.u32 s1, $0x2  }
0xb8: {  	s3 =	sand.u32 $0x4000, s31;
	s1 =	sadd.s32 s1, s30  }
0xb9: {  	s0 =	sor.u32 s3, s0;
	s1 =	sshll.u32 s1, $0x11  }
0xba: {  	s0 =	sor.u32 s1, s0  }
0xbb: {  	s0 =	sadd.s32 $0x8F2B, s0  }
0xbc: {  	[sflag:s0] =	ssyncadd.remote.s32 $0x1  }
0xbd: {  	_ =	sfence.sel $0xFFFF  }
0xbe: {  	[dreg:$0x0] =	wrdreg $0xFFFFFFFF;
	(pc) =	sbr.abs _section_cstart, $3  }
0xbf: {  	[dreg:$0x1] =	wrdreg $0xFFFFFFFF  }
0xc0: {  	_ =	task.clear_ibuf [dreg:s6], $0x2FFFF;
	_ =	strace $0x9FFFFFFF  }
0xc1: {  	(tm) =	ssettm $0x7FFFFFFF  }
tec
execute0_lowered:
.L_overlay_start_1:
0x0: {  	(tag) =	ssettag $0x1  }
0x1: {  	s3 =	rddreg [dreg:$0x0]  }
0x2: {  	s0 =	rddreg [dreg:$0x1];
	s4 =	srdreg.scid  }
0x3: {  	s2 =	simm.s32 $0x0;
	s1 =	stileid.u32;
	s8 =	simm.s32 $0x10000  }
0x4: {  	s9 =	simm.s32 $0x1;
	s10 =	simm.s32 $0x4000;
	s11 =	simm.s32 $0xC000  }
0x5: {  	s12 =	simm.s32 $0x0;
	s4 =	sand.u32 $0x1, s4;
	[smem:$0x7FF] =	sst s2  }
0x6: {  	s5 =	sshll.u32 s1, $0x9;
	s6 =	sshll.u32 s4, $0x8;
	s4 =	ssub.s32 $0x2, s4  }
0x7: {  	_ =	strace $0x80000047;
	s5 =	sor.u32 s6, s5;
	s7 =	sshrl.u32 s4, $0x1  }
0x8: {  	s6 =	sadd.s32 s5, s3;
	s5 =	sshll.u32 s5, $0x4;
	s7 =	ssub.s32 s4, s7  }
0x9: {  	v1 =	vlaneseq.u32;
	s5 =	sadd.s32 s5, s3;
	s3 =	sadd.s32 $0x1200, s6;
	s6 =	smax.u32 s7, $0x1  }
0xa: {  	v0 =	vimm.s32 $0x0;
	v1 =	vmul.u32 $0x80, v1;
	s7 =	simm.s32 $0x800;
	s4 =	sadd.s32 $0x11200, s5;
	s5 =	sadd.s32 $0x31200, s5  }
.LBB2_1:
0xb: {  	[tilespmem:s2], [sflag:$0x1] =	stream.strided.gather [hbm4b:s3+s7], $0x4000, s8, s7, $0x38;
	[tilespmem:$0x14000] =	vst v63  }
0xc: {  	_ =	swait.ge [sflag:s9], $0x4000  }
0xd: {  	[sflag:s9] =	ssyncset.done $0x0  }
0xe: {  	s13 =	simm.s32 $0x0;
	s14 =	simm.s32 $0x0;
	[sflag:s9] =	ssyncadd.s32 $0xFFFFC000  }
.LBB2_2:
0xf: {  	s15 =	sand.u32 $0x70, s14;
	s16 =	sand.u32 $0x400, s13  }
0x10: {  	s15 =	sor.u32 s15, s16  }
0x11: {  	v2 =	vld [tilespmem:s15+$0x0];
	_ =	sdelay $0x1  }
0x12: {  	v3 =	vld [tilespmem:s15+$0x80];
	_ =	sdelay $0x2  }
0x13: {  	v4 =	vld [tilespmem:s15+$0x100];
	vm0 =	vgt.f32 v2, $-Inf  }
0x14: {  	v2 =	vnsel vm0, $0xFF800000, v2  }
0x15: {  	vm0 =	vgt.f32 v3, v2  }
0x16: {  	v6 =	vld [tilespmem:s15+$0x180];
	vm1 =	vmneg vm0  }
0x17: {  	v5 =	vsel vm0, v2, v3;
	v2 =	vsel vm0, v3, v2;
	v3 =	vsel vm0, $0x1, v0  }
0x18: {  	vm2 =	vlt.f32 v5, $-Inf;
	vm3 =	vgt.f32 v5, $-Inf;
	vm6 =	vgt.f32 v4, v2  }
0x19: {  	vm5 =	vmor vm3, vm2;
	v7 =	vsel vm6, v2, v4;
	v2 =	vsel vm6, v4, v2  }
0x1a: {  	v10 =	vld [tilespmem:s15+$0x200];
	v20 =	vsel vm6, $0x2, v3;
	v3 =	vnsel vm6, $0x2, v3;
	vm0 =	vmand vm5, vm1  }
0x1b: {  	v5 =	vnsel vm5, $0xFF800000, v5;
	vm10 =	vgt.f32 v6, v2;
	v8 =	vsel vm0, $0x1, v0  }
0x1c: {  	vm7 =	vgt.f32 v7, v5;
	v23 =	vsel vm10, v2, v6;
	v2 =	vsel vm10, v6, v2  }
0x1d: {  	v24 =	vsel vm10, $0x3, v20;
	v4 =	vnsel vm10, $0x3, v20;
	v9 =	vsel vm7, v5, v7  }
0x1e: {  	v30 =	vld [tilespmem:s15+$0x280];
	v5 =	vsel vm7, v7, v5;
	v21 =	vsel vm7, v3, v8;
	v3 =	vsel vm7, v8, v3  }
0x1f: {  	vm15 =	vgt.f32 v10, v2;
	vm8 =	vlt.f32 v9, $-Inf;
	vm9 =	vgt.f32 v9, $-Inf  }
0x20: {  	vm11 =	vgt.f32 v23, v5;
	v12 =	vsel vm15, v2, v10;
	v2 =	vsel vm15, v10, v2  }
0x21: {  	v13 =	vsel vm15, $0x4, v24;
	v6 =	vnsel vm15, $0x4, v24;
	vm1 =	vmor vm9, vm8  }
0x22: {  	v15 =	vld [tilespmem:s15+$0x300];
	v11 =	vsel vm11, v5, v23;
	v5 =	vsel vm11, v23, v5;
	v25 =	vsel vm11, v4, v21  }
0x23: {  	v4 =	vsel vm11, v21, v4;
	vm7 =	vgt.f32 v30, v2;
	v22 =	vnsel vm1, $0xFF800000, v9  }
0x24: {  	v3 =	vnsel vm1, $0x0, v3;
	vm4 =	vgt.f32 v12, v5;
	v34 =	vsel vm7, v2, v30  }
0x25: {  	v2 =	vsel vm7, v30, v2;
	v36 =	vsel vm7, $0x5, v13;
	v13 =	vnsel vm7, $0x5, v13  }
0x26: {  	vm12 =	vgt.f32 v11, v22;
	v29 =	vsel vm4, v5, v12;
	v5 =	vsel vm4, v12, v5  }
0x27: {  	v31 =	vsel vm4, v6, v25;
	v6 =	vsel vm4, v25, v6;
	vm15 =	vgt.f32 v15, v2  }
0x28: {  	v26 =	vsel vm12, v11, v22;
	v8 =	vsel vm12, v22, v11;
	v27 =	vsel vm12, v4, v3  }
0x29: {  	v3 =	vsel vm12, v3, v4;
	vm11 =	vgt.f32 v34, v5;
	v42 =	vsel vm15, v2, v15  }
0x2a: {  	v2 =	vsel vm15, v15, v2;
	v44 =	vsel vm15, $0x6, v36;
	v10 =	vnsel vm15, $0x6, v36  }
0x2b: {  	vm13 =	vlt.f32 v8, $-Inf;
	vm14 =	vgt.f32 v8, $-Inf;
	vm5 =	vgt.f32 v29, v26  }
0x2c: {  	v35 =	vsel vm11, v5, v34;
	v5 =	vsel vm11, v34, v5;
	v16 =	vsel vm11, v13, v31  }
0x2d: {  	v12 =	vsel vm11, v31, v13;
	vm0 =	vmor vm14, vm13;
	v14 =	vsel vm5, v26, v29  }
0x2e: {  	v7 =	vsel vm5, v29, v26;
	v32 =	vsel vm5, v6, v27;
	v6 =	vsel vm5, v27, v6  }
0x2f: {  	v28 =	vnsel vm0, $0xFF800000, v8;
	v3 =	vnsel vm0, $0x0, v3;
	vm12 =	vgt.f32 v35, v7  }
0x30: {  	vm6 =	vgt.f32 v14, v28;
	v37 =	vsel vm12, v7, v35;
	v38 =	vsel vm12, v12, v32  }
0x31: {  	v8 =	vsel vm12, v32, v12;
	v33 =	vsel vm6, v14, v28;
	v4 =	vsel vm6, v28, v14  }
0x32: {  	v11 =	vsel vm6, v6, v3;
	v3 =	vsel vm6, v3, v6;
	v6 =	vsel vm12, v35, v7  }
0x33: {  	vm8 =	vlt.f32 v4, $-Inf;
	vm9 =	vgt.f32 v4, $-Inf;
	vm13 =	vgt.f32 v37, v33  }
0x34: {  	s31 =	sor.u32 s13, s14;
	vm10 =	vmor vm9, vm8;
	v39 =	vsel vm13, v33, v37;
	v9 =	vsel vm13, v37, v33  }
0x35: {  	s16 =	sor.u32 $0x380, s31;
	v12 =	vsel vm13, v8, v11;
	v8 =	vsel vm13, v11, v8;
	vm9 =	vgt.f32 v42, v5  }
0x36: {  	v46 =	vld [tilespmem:s16+$0x0];
	v4 =	vnsel vm10, $0xFF800000, v4;
	v3 =	vnsel vm10, $0x0, v3;
	v43 =	vsel vm9, v5, v42  }
0x37: {  	v5 =	vsel vm9, v42, v5;
	v17 =	vsel vm9, v10, v16;
	vm14 =	vgt.f32 v39, v4  }
0x38: {  	v10 =	vsel vm9, v16, v10;
	vm10 =	vgt.f32 v43, v6;
	v40 =	vsel vm14, v39, v4  }
0x39: {  	v4 =	vsel vm14, v4, v39;
	v41 =	vsel vm14, v8, v3;
	v3 =	vsel vm14, v3, v8  }
0x3a: {  	v45 =	vsel vm10, v6, v43;
	v6 =	vsel vm10, v43, v6;
	v47 =	vsel vm10, v10, v38  }
0x3b: {  	v7 =	vsel vm10, v38, v10;
	vm14 =	vgt.f32 v46, v2;
	vm6 =	vlt.f32 v4, $-Inf  }
0x3c: {  	vm7 =	vgt.f32 v4, $-Inf;
	vm11 =	vgt.f32 v45, v9;
	v52 =	vsel vm14, v2, v46  }
0x3d: {  	v2 =	vsel vm14, v46, v2;
	v54 =	vsel vm14, $0x7, v44;
	v15 =	vnsel vm14, $0x7, v44  }
0x3e: {  	vm8 =	vmor vm7, vm6;
	v18 =	vsel vm11, v9, v45;
	v9 =	vsel vm11, v45, v9  }
0x3f: {  	v10 =	vsel vm11, v7, v12;
	v7 =	vsel vm11, v12, v7;
	vm4 =	vgt.f32 v52, v5  }
0x40: {  	v4 =	vnsel vm8, $0xFF800000, v4;
	v3 =	vnsel vm8, $0x0, v3;
	vm12 =	vgt.f32 v18, v40  }
0x41: {  	v53 =	vsel vm4, v5, v52;
	v5 =	vsel vm4, v52, v5;
	v55 =	vsel vm4, v15, v17  }
0x42: {  	v15 =	vsel vm4, v17, v15;
	v48 =	vsel vm12, v40, v18;
	v11 =	vsel vm12, v18, v40  }
0x43: {  	v49 =	vsel vm12, v7, v41;
	v7 =	vsel vm12, v41, v7;
	vm10 =	vgt.f32 v53, v6  }
0x44: {  	vm13 =	vgt.f32 v48, v4;
	v19 =	vsel vm10, v6, v53;
	v6 =	vsel vm10, v53, v6  }
0x45: {  	v59 =	vld [tilespmem:s15+$0x800];
	v57 =	vsel vm10, v15, v47;
	v8 =	vsel vm10, v47, v15;
	v50 =	vsel vm13, v48, v4  }
0x46: {  	v4 =	vsel vm13, v4, v48;
	v51 =	vsel vm13, v7, v3;
	v3 =	vsel vm13, v3, v7  }
0x47: {  	vm11 =	vgt.f32 v19, v9;
	vm15 =	vlt.f32 v4, $-Inf;
	vm8 =	vgt.f32 v4, $-Inf  }
0x48: {  	v56 =	vsel vm11, v9, v19;
	v9 =	vsel vm11, v19, v9;
	v20 =	vsel vm11, v8, v10  }
0x49: {  	v31 =	vld [tilespmem:s15+$0x880];
	v8 =	vsel vm11, v10, v8;
	vm9 =	vmor vm8, vm15;
	vm12 =	vgt.f32 v56, v11  }
0x4a: {  	vm15 =	vgt.f32 v59, v2;
	v4 =	vnsel vm9, $0xFF800000, v4;
	v3 =	vnsel vm9, $0x0, v3  }
0x4b: {  	v58 =	vsel vm12, v11, v56;
	v60 =	vsel vm12, v56, v11;
	v61 =	vsel vm12, v8, v49  }
0x4c: {  	v8 =	vsel vm12, v49, v8;
	v25 =	vsel vm15, v2, v59;
	v2 =	vsel vm15, v59, v2  }
0x4d: {  	v27 =	vsel vm15, $0x8, v54;
	v16 =	vnsel vm15, $0x8, v54;
	vm13 =	vgt.f32 v58, v50  }
0x4e: {  	vm9 =	vgt.f32 v25, v5;
	vm15 =	vgt.f32 v31, v2;
	v62 =	vsel vm13, v50, v58  }
0x4f: {  	v13 =	vsel vm13, v58, v50;
	v14 =	vsel vm13, v8, v51;
	v8 =	vsel vm13, v51, v8  }
0x50: {  	v26 =	vsel vm9, v5, v25;
	v5 =	vsel vm9, v25, v5;
	v21 =	vsel vm9, v16, v55  }
0x51: {  	v16 =	vsel vm9, v55, v16;
	v22 =	vsel vm15, v2, v31;
	v2 =	vsel vm15, v31, v2  }
0x52: {  	v40 =	vsel vm15, $0x9, v27;
	v41 =	vnsel vm15, $0x9, v27;
	vm14 =	vgt.f32 v62, v4  }
0x53: {  	vm10 =	vgt.f32 v26, v6;
	vm5 =	vgt.f32 v22, v5;
	v63 =	vsel vm14, v62, v4  }
0x54: {  	v4 =	vsel vm14, v4, v62;
	v24 =	vsel vm14, v8, v3;
	v3 =	vsel vm14, v3, v8  }
0x55: {  	v46 =	vld [tilespmem:s15+$0x900];
	v28 =	vsel vm10, v6, v26;
	v6 =	vsel vm10, v26, v6;
	v29 =	vsel vm10, v16, v57  }
0x56: {  	v7 =	vsel vm10, v57, v16;
	v39 =	vsel vm5, v5, v22;
	v5 =	vsel vm5, v22, v5  }
0x57: {  	v42 =	vsel vm5, v41, v21;
	vm6 =	vlt.f32 v4, $-Inf;
	vm7 =	vgt.f32 v4, $-Inf  }
0x58: {  	v15 =	vsel vm5, v21, v41;
	vm11 =	vgt.f32 v28, v9;
	vm8 =	vmor vm7, vm6  }
0x59: {  	v30 =	vsel vm11, v9, v28;
	v9 =	vsel vm11, v28, v9;
	v32 =	vsel vm11, v7, v20  }
0x5a: {  	v7 =	vsel vm11, v20, v7;
	vm6 =	vgt.f32 v39, v6;
	vm11 =	vgt.f32 v46, v2  }
0x5b: {  	v4 =	vnsel vm8, $0xFF800000, v4;
	v3 =	vnsel vm8, $0x0, v3;
	vm12 =	vgt.f32 v30, v60  }
0x5c: {  	v43 =	vsel vm6, v6, v39;
	v6 =	vsel vm6, v39, v6;
	v44 =	vsel vm6, v15, v29  }
0x5d: {  	v8 =	vsel vm6, v29, v15;
	v53 =	vsel vm11, v2, v46;
	v2 =	vsel vm11, v46, v2  }
0x5e: {  	v56 =	vsel vm11, $0xA, v40;
	v33 =	vsel vm12, v60, v30;
	v10 =	vsel vm12, v30, v60  }
0x5f: {  	v34 =	vsel vm12, v7, v61;
	v7 =	vsel vm12, v61, v7;
	vm7 =	vgt.f32 v43, v9  }
0x60: {  	vm13 =	vgt.f32 v33, v13;
	v45 =	vsel vm7, v9, v43;
	v9 =	vsel vm7, v43, v9  }
0x61: {  	v47 =	vsel vm7, v8, v32;
	v8 =	vsel vm7, v32, v8;
	v35 =	vsel vm13, v33, v13  }
0x62: {  	v13 =	vsel vm13, v13, v33;
	v36 =	vsel vm13, v7, v14;
	v7 =	vsel vm13, v14, v7  }
0x63: {  	vm8 =	vgt.f32 v45, v10;
	vm13 =	vgt.f32 v53, v5;
	vm14 =	vgt.f32 v13, v63  }
0x64: {  	v48 =	vsel vm8, v45, v10;
	v10 =	vsel vm8, v10, v45;
	v49 =	vsel vm8, v8, v34  }
0x65: {  	v60 =	vld [tilespmem:s15+$0x980];
	v8 =	vsel vm8, v34, v8;
	v55 =	vsel vm13, v5, v53;
	v5 =	vsel vm13, v53, v5  }
0x66: {  	v37 =	vsel vm14, v13, v63;
	v12 =	vsel vm14, v63, v13;
	v38 =	vsel vm14, v7, v24  }
0x67: {  	v7 =	vsel vm14, v24, v7;
	vm9 =	vgt.f32 v10, v35;
	vm14 =	vgt.f32 v55, v6  }
0x68: {  	vm4 =	vgt.f32 v12, v4;
	v50 =	vsel vm9, v10, v35;
	v10 =	vsel vm9, v35, v10  }
0x69: {  	v51 =	vsel vm9, v8, v36;
	v8 =	vsel vm9, v36, v8;
	v57 =	vsel vm14, v6, v55  }
0x6a: {  	v6 =	vsel vm14, v55, v6;
	vm7 =	vgt.f32 v60, v2;
	v4 =	vsel vm4, v12, v4  }
0x6b: {  	v3 =	vsel vm4, v7, v3;
	vm10 =	vgt.f32 v10, v37;
	v12 =	vnsel vm11, $0xA, v40  }
0x6c: {  	vm15 =	vgt.f32 v57, v9;
	v27 =	vsel vm7, v2, v60;
	v2 =	vsel vm7, v60, v2  }
0x6d: {  	v29 =	vsel vm7, $0xB, v56;
	v52 =	vsel vm10, v10, v37;
	v10 =	vsel vm10, v37, v10  }
0x6e: {  	v54 =	vsel vm10, v8, v38;
	v8 =	vsel vm10, v38, v8;
	v58 =	vsel vm13, v12, v42  }
0x6f: {  	v12 =	vsel vm13, v42, v12;
	v59 =	vsel vm15, v9, v57;
	v9 =	vsel vm15, v57, v9  }
0x70: {  	v34 =	vld [tilespmem:s15+$0xA00];
	vm9 =	vgt.f32 v27, v5;
	vm12 =	vgt.f32 v10, v4;
	v16 =	vsel vm14, v12, v44  }
0x71: {  	v7 =	vsel vm14, v44, v12;
	vm4 =	vgt.f32 v59, v48;
	v28 =	vsel vm9, v5, v27  }
0x72: {  	v5 =	vsel vm9, v27, v5;
	v4 =	vsel vm12, v10, v4;
	v3 =	vsel vm12, v8, v3  }
0x73: {  	v61 =	vsel vm15, v7, v47;
	v62 =	vsel vm4, v48, v59;
	v7 =	vsel vm15, v47, v7  }
0x74: {  	v10 =	vsel vm4, v59, v48;
	vm10 =	vgt.f32 v28, v6;
	v8 =	vnsel vm7, $0xB, v56  }
0x75: {  	vm15 =	vgt.f32 v34, v2;
	vm5 =	vgt.f32 v62, v50;
	v63 =	vsel vm4, v7, v49  }
0x76: {  	v7 =	vsel vm4, v49, v7;
	v30 =	vsel vm10, v6, v28;
	v31 =	vsel vm9, v8, v58  }
0x77: {  	v8 =	vsel vm9, v58, v8;
	v6 =	vsel vm10, v28, v6;
	v41 =	vsel vm15, v2, v34  }
0x78: {  	v2 =	vsel vm15, v34, v2;
	v43 =	vsel vm15, $0xC, v29;
	v12 =	vnsel vm15, $0xC, v29  }
0x79: {  	v23 =	vsel vm5, v50, v62;
	v18 =	vsel vm5, v62, v50;
	v24 =	vsel vm5, v7, v51  }
0x7a: {  	v7 =	vsel vm5, v51, v7;
	vm11 =	vgt.f32 v30, v9;
	v32 =	vsel vm10, v8, v16  }
0x7b: {  	v8 =	vsel vm10, v16, v8;
	vm5 =	vgt.f32 v41, v5;
	vm6 =	vgt.f32 v23, v52  }
0x7c: {  	v33 =	vsel vm11, v9, v30;
	v9 =	vsel vm11, v30, v9;
	v16 =	vsel vm11, v8, v61  }
0x7d: {  	v8 =	vsel vm11, v61, v8;
	v42 =	vsel vm5, v5, v41;
	v5 =	vsel vm5, v41, v5  }
0x7e: {  	v48 =	vld [tilespmem:s15+$0xA80];
	v44 =	vsel vm5, v12, v31;
	v12 =	vsel vm5, v31, v12;
	v25 =	vsel vm6, v23, v52  }
0x7f: {  	v15 =	vsel vm6, v52, v23;
	v26 =	vsel vm6, v7, v54;
	v7 =	vsel vm6, v54, v7  }
0x80: {  	vm12 =	vgt.f32 v33, v10;
	vm6 =	vgt.f32 v42, v6;
	vm8 =	vgt.f32 v15, v4  }
0x81: {  	v35 =	vsel vm12, v10, v33;
	v10 =	vsel vm12, v33, v10;
	v36 =	vsel vm12, v8, v63  }
0x82: {  	v8 =	vsel vm12, v63, v8;
	v45 =	vsel vm6, v6, v42;
	v6 =	vsel vm6, v42, v6  }
0x83: {  	v46 =	vsel vm6, v12, v32;
	vm11 =	vgt.f32 v48, v2;
	v4 =	vsel vm8, v15, v4  }
0x84: {  	v62 =	vld [tilespmem:s15+$0xB00];
	v3 =	vsel vm8, v7, v3;
	vm13 =	vgt.f32 v35, v18;
	vm7 =	vgt.f32 v45, v9  }
0x85: {  	v7 =	vsel vm6, v32, v12;
	v55 =	vsel vm11, v2, v48;
	v2 =	vsel vm11, v48, v2  }
0x86: {  	v58 =	vsel vm11, $0xD, v43;
	v37 =	vsel vm13, v35, v18;
	v13 =	vsel vm13, v18, v35  }
0x87: {  	v38 =	vsel vm13, v8, v24;
	v8 =	vsel vm13, v24, v8;
	v47 =	vsel vm7, v9, v45  }
0x88: {  	v9 =	vsel vm7, v45, v9;
	v49 =	vsel vm7, v7, v16;
	v7 =	vsel vm7, v16, v7  }
0x89: {  	vm13 =	vgt.f32 v55, v5;
	vm7 =	vgt.f32 v62, v2;
	vm14 =	vgt.f32 v13, v25  }
0x8a: {  	vm8 =	vgt.f32 v47, v10;
	v57 =	vsel vm13, v5, v55;
	v5 =	vsel vm13, v55, v5  }
0x8b: {  	v30 =	vsel vm7, v2, v62;
	v2 =	vsel vm7, v62, v2;
	v32 =	vsel vm7, $0xE, v58  }
0x8c: {  	v39 =	vsel vm14, v13, v25;
	v11 =	vsel vm14, v25, v13;
	v40 =	vsel vm14, v8, v26  }
0x8d: {  	v8 =	vsel vm14, v26, v8;
	v50 =	vsel vm8, v47, v10;
	v10 =	vsel vm8, v10, v47  }
0x8e: {  	v51 =	vsel vm8, v7, v36;
	v7 =	vsel vm8, v36, v7;
	vm14 =	vgt.f32 v57, v6  }
0x8f: {  	vm4 =	vgt.f32 v11, v4;
	vm9 =	vgt.f32 v10, v37;
	v59 =	vsel vm14, v6, v57  }
0x90: {  	v6 =	vsel vm14, v57, v6;
	v4 =	vsel vm4, v11, v4;
	v3 =	vsel vm4, v8, v3  }
0x91: {  	v52 =	vsel vm9, v10, v37;
	v10 =	vsel vm9, v37, v10;
	v53 =	vsel vm9, v7, v38  }
0x92: {  	v7 =	vsel vm9, v38, v7;
	v11 =	vnsel vm11, $0xD, v43;
	vm15 =	vgt.f32 v59, v9  }
0x93: {  	vm9 =	vgt.f32 v30, v5;
	vm10 =	vgt.f32 v10, v39;
	v60 =	vsel vm13, v11, v44  }
0x94: {  	v11 =	vsel vm13, v44, v11;
	v61 =	vsel vm15, v9, v59;
	v9 =	vsel vm15, v59, v9  }
0x95: {  	v31 =	vsel vm9, v5, v30;
	v5 =	vsel vm9, v30, v5;
	v54 =	vsel vm10, v10, v39  }
0x96: {  	v10 =	vsel vm10, v39, v10;
	v56 =	vsel vm10, v7, v40;
	v7 =	vsel vm10, v40, v7  }
0x97: {  	v15 =	vsel vm14, v11, v46;
	v8 =	vsel vm14, v46, v11;
	vm4 =	vgt.f32 v61, v50  }
0x98: {  	vm10 =	vgt.f32 v31, v6;
	vm12 =	vgt.f32 v10, v4;
	v63 =	vsel vm15, v8, v49  }
0x99: {  	v24 =	vsel vm4, v50, v61;
	v8 =	vsel vm15, v49, v8;
	v33 =	vsel vm10, v6, v31  }
0x9a: {  	v37 =	vld [tilespmem:s15+$0xB80];
	v6 =	vsel vm10, v31, v6;
	v4 =	vsel vm12, v10, v4;
	v3 =	vsel vm12, v7, v3  }
0x9b: {  	v10 =	vsel vm4, v61, v50;
	vm5 =	vgt.f32 v24, v52;
	v25 =	vsel vm4, v8, v51  }
0x9c: {  	v8 =	vsel vm4, v51, v8;
	v7 =	vnsel vm7, $0xE, v58;
	vm11 =	vgt.f32 v33, v9  }
0x9d: {  	v26 =	vsel vm5, v52, v24;
	v14 =	vsel vm5, v24, v52;
	v27 =	vsel vm5, v8, v53  }
0x9e: {  	v8 =	vsel vm5, v53, v8;
	v34 =	vsel vm9, v7, v60;
	v7 =	vsel vm9, v60, v7  }
0x9f: {  	v36 =	vsel vm11, v9, v33;
	v9 =	vsel vm11, v33, v9;
	vm15 =	vgt.f32 v37, v2  }
0xa0: {  	vm6 =	vgt.f32 v26, v54;
	v35 =	vsel vm10, v7, v15;
	v7 =	vsel vm10, v15, v7  }
0xa1: {  	vm12 =	vgt.f32 v36, v10;
	v44 =	vsel vm15, v2, v37;
	v2 =	vsel vm15, v37, v2  }
0xa2: {  	v46 =	vsel vm15, $0xF, v32;
	v11 =	vnsel vm15, $0xF, v32;
	v28 =	vsel vm6, v26, v54  }
0xa3: {  	v12 =	vsel vm6, v54, v26;
	v29 =	vsel vm6, v8, v56;
	v8 =	vsel vm6, v56, v8  }
0xa4: {  	v15 =	vsel vm11, v7, v63;
	v7 =	vsel vm11, v63, v7;
	v38 =	vsel vm12, v10, v36  }
0xa5: {  	v51 =	vld [tilespmem:s15+$0x1000];
	v10 =	vsel vm12, v36, v10;
	vm5 =	vgt.f32 v44, v5;
	vm8 =	vgt.f32 v12, v4  }
0xa6: {  	v39 =	vsel vm12, v7, v25;
	vm13 =	vgt.f32 v38, v14;
	v7 =	vsel vm12, v25, v7  }
0xa7: {  	v45 =	vsel vm5, v5, v44;
	v5 =	vsel vm5, v44, v5;
	v47 =	vsel vm5, v11, v34  }
0xa8: {  	v11 =	vsel vm5, v34, v11;
	v4 =	vsel vm8, v12, v4;
	v3 =	vsel vm8, v8, v3  }
0xa9: {  	v40 =	vsel vm13, v38, v14;
	v13 =	vsel vm13, v14, v38;
	v41 =	vsel vm13, v7, v27  }
0xaa: {  	v7 =	vsel vm13, v27, v7;
	vm6 =	vgt.f32 v45, v6;
	vm11 =	vgt.f32 v51, v2  }
0xab: {  	vm14 =	vgt.f32 v13, v28;
	v48 =	vsel vm6, v6, v45;
	v6 =	vsel vm6, v45, v6  }
0xac: {  	v49 =	vsel vm6, v11, v35;
	v8 =	vsel vm6, v35, v11;
	v58 =	vsel vm11, v2, v51  }
0xad: {  	v2 =	vsel vm11, v51, v2;
	v61 =	vsel vm11, $0x10, v46;
	v12 =	vnsel vm11, $0x10, v46  }
0xae: {  	v42 =	vsel vm14, v13, v28;
	v13 =	vsel vm14, v28, v13;
	v43 =	vsel vm14, v7, v29  }
0xaf: {  	v25 =	vld [tilespmem:s15+$0x1080];
	v7 =	vsel vm14, v29, v7;
	vm7 =	vgt.f32 v48, v9;
	vm13 =	vgt.f32 v58, v5  }
0xb0: {  	vm4 =	vgt.f32 v13, v4;
	v50 =	vsel vm7, v9, v48;
	v9 =	vsel vm7, v48, v9  }
0xb1: {  	v52 =	vsel vm7, v8, v15;
	v8 =	vsel vm7, v15, v8;
	v60 =	vsel vm13, v5, v58  }
0xb2: {  	v5 =	vsel vm13, v58, v5;
	v63 =	vsel vm13, v12, v47;
	v12 =	vsel vm13, v47, v12  }
0xb3: {  	v4 =	vsel vm4, v13, v4;
	v3 =	vsel vm4, v7, v3;
	vm8 =	vgt.f32 v50, v10  }
0xb4: {  	vm14 =	vgt.f32 v60, v6;
	vm7 =	vgt.f32 v25, v2;
	v53 =	vsel vm8, v50, v10  }
0xb5: {  	v10 =	vsel vm8, v10, v50;
	v54 =	vsel vm8, v8, v39;
	v8 =	vsel vm8, v39, v8  }
0xb6: {  	v62 =	vsel vm14, v6, v60;
	v6 =	vsel vm14, v60, v6;
	v13 =	vsel vm14, v12, v49  }
0xb7: {  	v7 =	vsel vm14, v49, v12;
	v34 =	vsel vm7, v2, v25;
	v2 =	vsel vm7, v25, v2  }
0xb8: {  	v36 =	vsel vm7, $0x11, v61;
	vm9 =	vgt.f32 v10, v40;
	vm15 =	vgt.f32 v62, v9  }
0xb9: {  	v55 =	vsel vm9, v10, v40;
	v10 =	vsel vm9, v40, v10;
	v56 =	vsel vm9, v8, v41  }
0xba: {  	v8 =	vsel vm9, v41, v8;
	v24 =	vsel vm15, v9, v62;
	v9 =	vsel vm15, v62, v9  }
0xbb: {  	v26 =	vsel vm15, v7, v52;
	v7 =	vsel vm15, v52, v7;
	vm9 =	vgt.f32 v34, v5  }
0xbc: {  	vm10 =	vgt.f32 v10, v42;
	vm4 =	vgt.f32 v24, v53;
	v35 =	vsel vm9, v5, v34  }
0xbd: {  	v5 =	vsel vm9, v34, v5;
	v57 =	vsel vm10, v10, v42;
	v10 =	vsel vm10, v42, v10  }
0xbe: {  	v59 =	vsel vm10, v8, v43;
	v8 =	vsel vm10, v43, v8;
	v27 =	vsel vm4, v53, v24  }
0xbf: {  	v28 =	vsel vm4, v7, v54;
	v7 =	vsel vm4, v54, v7;
	vm10 =	vgt.f32 v35, v6  }
0xc0: {  	vm12 =	vgt.f32 v10, v4;
	vm5 =	vgt.f32 v27, v55;
	v37 =	vsel vm10, v6, v35  }
0xc1: {  	v41 =	vld [tilespmem:s15+$0x1100];
	v6 =	vsel vm10, v35, v6;
	v4 =	vsel vm12, v10, v4;
	v3 =	vsel vm12, v8, v3  }
0xc2: {  	v10 =	vsel vm4, v24, v53;
	v29 =	vsel vm5, v55, v27;
	v30 =	vsel vm5, v27, v55  }
0xc3: {  	v31 =	vsel vm5, v7, v56;
	v7 =	vsel vm5, v56, v7;
	v8 =	vnsel vm7, $0x11, v61  }
0xc4: {  	vm11 =	vgt.f32 v37, v9;
	vm6 =	vgt.f32 v29, v57;
	v38 =	vsel vm9, v8, v63  }
0xc5: {  	v8 =	vsel vm9, v63, v8;
	v40 =	vsel vm11, v9, v37;
	v9 =	vsel vm11, v37, v9  }
0xc6: {  	vm15 =	vgt.f32 v41, v2;
	v32 =	vsel vm6, v29, v57;
	v11 =	vsel vm6, v57, v29  }
0xc7: {  	v33 =	vsel vm6, v7, v59;
	v7 =	vsel vm6, v59, v7;
	v39 =	vsel vm10, v8, v13  }
0xc8: {  	v8 =	vsel vm10, v13, v8;
	vm12 =	vgt.f32 v40, v10;
	v48 =	vsel vm15, v2, v41  }
0xc9: {  	v2 =	vsel vm15, v41, v2;
	v50 =	vsel vm15, $0x12, v36;
	vm8 =	vgt.f32 v11, v4  }
0xca: {  	v13 =	vsel vm11, v8, v26;
	v8 =	vsel vm11, v26, v8;
	v42 =	vsel vm12, v10, v40  }
0xcb: {  	v55 =	vld [tilespmem:s15+$0x1180];
	v10 =	vsel vm12, v40, v10;
	vm5 =	vgt.f32 v48, v5;
	v4 =	vsel vm8, v11, v4  }
0xcc: {  	v3 =	vsel vm8, v7, v3;
	v43 =	vsel vm12, v8, v28;
	vm13 =	vgt.f32 v42, v30  }
0xcd: {  	v8 =	vsel vm12, v28, v8;
	v49 =	vsel vm5, v5, v48;
	v11 =	vnsel vm15, $0x12, v36  }
0xce: {  	v5 =	vsel vm5, v48, v5;
	v44 =	vsel vm13, v42, v30;
	v17 =	vsel vm13, v30, v42  }
0xcf: {  	v45 =	vsel vm13, v8, v31;
	v8 =	vsel vm13, v31, v8;
	vm6 =	vgt.f32 v49, v6  }
0xd0: {  	v51 =	vsel vm5, v11, v38;
	v11 =	vsel vm5, v38, v11;
	vm11 =	vgt.f32 v55, v2  }
0xd1: {  	vm14 =	vgt.f32 v17, v32;
	v52 =	vsel vm6, v6, v49;
	v6 =	vsel vm6, v49, v6  }
0xd2: {  	v53 =	vsel vm6, v11, v39;
	v7 =	vsel vm6, v39, v11;
	v62 =	vsel vm11, v2, v55  }
0xd3: {  	v2 =	vsel vm11, v55, v2;
	v25 =	vsel vm11, $0x13, v50;
	v12 =	vnsel vm11, $0x13, v50  }
0xd4: {  	v29 =	vld [tilespmem:s15+$0x1200];
	v46 =	vsel vm14, v17, v32;
	v16 =	vsel vm14, v32, v17;
	v47 =	vsel vm14, v8, v33  }
0xd5: {  	v8 =	vsel vm14, v33, v8;
	vm7 =	vgt.f32 v52, v9;
	vm13 =	vgt.f32 v62, v5  }
0xd6: {  	vm4 =	vgt.f32 v16, v4;
	v54 =	vsel vm7, v9, v52;
	v9 =	vsel vm7, v52, v9  }
0xd7: {  	v56 =	vsel vm7, v7, v13;
	v7 =	vsel vm7, v13, v7;
	v24 =	vsel vm13, v5, v62  }
0xd8: {  	v5 =	vsel vm13, v62, v5;
	v27 =	vsel vm13, v12, v51;
	v12 =	vsel vm13, v51, v12  }
0xd9: {  	vm7 =	vgt.f32 v29, v2;
	v4 =	vsel vm4, v16, v4;
	v3 =	vsel vm4, v8, v3  }
0xda: {  	vm8 =	vgt.f32 v54, v10;
	vm14 =	vgt.f32 v24, v6;
	v38 =	vsel vm7, v2, v29  }
0xdb: {  	v2 =	vsel vm7, v29, v2;
	v40 =	vsel vm7, $0x14, v25;
	v57 =	vsel vm8, v54, v10  }
0xdc: {  	v10 =	vsel vm8, v10, v54;
	v58 =	vsel vm8, v7, v43;
	v7 =	vsel vm8, v43, v7  }
0xdd: {  	v26 =	vsel vm14, v6, v24;
	v6 =	vsel vm14, v24, v6;
	v14 =	vsel vm14, v12, v53  }
0xde: {  	v8 =	vsel vm14, v53, v12;
	vm9 =	vgt.f32 v10, v44;
	vm15 =	vgt.f32 v26, v9  }
0xdf: {  	v59 =	vsel vm9, v10, v44;
	v10 =	vsel vm9, v44, v10;
	v60 =	vsel vm9, v7, v45  }
0xe0: {  	v7 =	vsel vm9, v45, v7;
	v28 =	vsel vm15, v9, v26;
	v9 =	vsel vm15, v26, v9  }
0xe1: {  	v30 =	vsel vm15, v8, v56;
	v8 =	vsel vm15, v56, v8;
	vm9 =	vgt.f32 v38, v5  }
0xe2: {  	vm10 =	vgt.f32 v10, v46;
	vm4 =	vgt.f32 v28, v57;
	v39 =	vsel vm9, v5, v38  }
0xe3: {  	v5 =	vsel vm9, v38, v5;
	v61 =	vsel vm10, v10, v46;
	v10 =	vsel vm10, v46, v10  }
0xe4: {  	v63 =	vsel vm10, v7, v47;
	v7 =	vsel vm10, v47, v7;
	v31 =	vsel vm4, v57, v28  }
0xe5: {  	v32 =	vsel vm4, v8, v58;
	v8 =	vsel vm4, v58, v8;
	vm10 =	vgt.f32 v39, v6  }
0xe6: {  	vm12 =	vgt.f32 v10, v4;
	vm5 =	vgt.f32 v31, v59;
	v41 =	vsel vm10, v6, v39  }
0xe7: {  	v45 =	vld [tilespmem:s15+$0x1280];
	v6 =	vsel vm10, v39, v6;
	v4 =	vsel vm12, v10, v4;
	v3 =	vsel vm12, v7, v3  }
0xe8: {  	v10 =	vsel vm4, v28, v57;
	v33 =	vsel vm5, v59, v31;
	v34 =	vsel vm5, v31, v59  }
0xe9: {  	v35 =	vsel vm5, v8, v60;
	v8 =	vsel vm5, v60, v8;
	v7 =	vnsel vm7, $0x14, v25  }
0xea: {  	vm11 =	vgt.f32 v41, v9;
	vm6 =	vgt.f32 v33, v61;
	v42 =	vsel vm9, v7, v27  }
0xeb: {  	v7 =	vsel vm9, v27, v7;
	v44 =	vsel vm11, v9, v41;
	v9 =	vsel vm11, v41, v9  }
0xec: {  	vm15 =	vgt.f32 v45, v2;
	v36 =	vsel vm6, v33, v61;
	v11 =	vsel vm6, v61, v33  }
0xed: {  	v37 =	vsel vm6, v8, v63;
	v8 =	vsel vm6, v63, v8;
	v43 =	vsel vm10, v7, v14  }
0xee: {  	v7 =	vsel vm10, v14, v7;
	vm12 =	vgt.f32 v44, v10;
	v52 =	vsel vm15, v2, v45  }
0xef: {  	v2 =	vsel vm15, v45, v2;
	v54 =	vsel vm15, $0x15, v40;
	vm8 =	vgt.f32 v11, v4  }
0xf0: {  	v14 =	vsel vm11, v7, v30;
	v7 =	vsel vm11, v30, v7;
	v46 =	vsel vm12, v10, v44  }
0xf1: {  	v59 =	vld [tilespmem:s15+$0x1300];
	v10 =	vsel vm12, v44, v10;
	vm5 =	vgt.f32 v52, v5;
	v4 =	vsel vm8, v11, v4  }
0xf2: {  	v3 =	vsel vm8, v8, v3;
	v47 =	vsel vm12, v7, v32;
	vm13 =	vgt.f32 v46, v34  }
0xf3: {  	v7 =	vsel vm12, v32, v7;
	v53 =	vsel vm5, v5, v52;
	v11 =	vnsel vm15, $0x15, v40  }
0xf4: {  	v5 =	vsel vm5, v52, v5;
	v48 =	vsel vm13, v46, v34;
	v16 =	vsel vm13, v34, v46  }
0xf5: {  	v49 =	vsel vm13, v7, v35;
	v7 =	vsel vm13, v35, v7;
	vm6 =	vgt.f32 v53, v6  }
0xf6: {  	v55 =	vsel vm5, v11, v42;
	v11 =	vsel vm5, v42, v11;
	vm11 =	vgt.f32 v59, v2  }
0xf7: {  	vm14 =	vgt.f32 v16, v36;
	v56 =	vsel vm6, v6, v53;
	v6 =	vsel vm6, v53, v6  }
0xf8: {  	v57 =	vsel vm6, v11, v43;
	v8 =	vsel vm6, v43, v11;
	v26 =	vsel vm11, v2, v59  }
0xf9: {  	v2 =	vsel vm11, v59, v2;
	v29 =	vsel vm11, $0x16, v54;
	v12 =	vnsel vm11, $0x16, v54  }
0xfa: {  	v33 =	vld [tilespmem:s15+$0x1380];
	v50 =	vsel vm14, v16, v36;
	v15 =	vsel vm14, v36, v16;
	v51 =	vsel vm14, v7, v37  }
0xfb: {  	v7 =	vsel vm14, v37, v7;
	vm7 =	vgt.f32 v56, v9;
	vm13 =	vgt.f32 v26, v5  }
0xfc: {  	vm4 =	vgt.f32 v15, v4;
	v58 =	vsel vm7, v9, v56;
	v9 =	vsel vm7, v56, v9  }
0xfd: {  	v60 =	vsel vm7, v8, v14;
	v8 =	vsel vm7, v14, v8;
	v28 =	vsel vm13, v5, v26  }
0xfe: {  	v5 =	vsel vm13, v26, v5;
	v31 =	vsel vm13, v12, v55;
	v12 =	vsel vm13, v55, v12  }
0xff: {  	vm7 =	vgt.f32 v33, v2;
	v4 =	vsel vm4, v15, v4;
	v3 =	vsel vm4, v7, v3  }
0x100: {  	vm8 =	vgt.f32 v58, v10;
	vm14 =	vgt.f32 v28, v6;
	v42 =	vsel vm7, v2, v33  }
0x101: {  	v2 =	vsel vm7, v33, v2;
	v44 =	vsel vm7, $0x17, v29;
	v61 =	vsel vm8, v58, v10  }
0x102: {  	v10 =	vsel vm8, v10, v58;
	v62 =	vsel vm8, v8, v47;
	v8 =	vsel vm8, v47, v8  }
0x103: {  	v30 =	vsel vm14, v6, v28;
	v6 =	vsel vm14, v28, v6;
	v15 =	vsel vm14, v12, v57  }
0x104: {  	v7 =	vsel vm14, v57, v12;
	vm9 =	vgt.f32 v10, v48;
	vm15 =	vgt.f32 v30, v9  }
0x105: {  	v63 =	vsel vm9, v10, v48;
	v10 =	vsel vm9, v48, v10;
	v24 =	vsel vm9, v8, v49  }
0x106: {  	v8 =	vsel vm9, v49, v8;
	v32 =	vsel vm15, v9, v30;
	v9 =	vsel vm15, v30, v9  }
0x107: {  	v34 =	vsel vm15, v7, v60;
	v7 =	vsel vm15, v60, v7;
	vm9 =	vgt.f32 v42, v5  }
0x108: {  	vm10 =	vgt.f32 v10, v50;
	vm4 =	vgt.f32 v32, v61;
	v43 =	vsel vm9, v5, v42  }
0x109: {  	v5 =	vsel vm9, v42, v5;
	v25 =	vsel vm10, v10, v50;
	v10 =	vsel vm10, v50, v10  }
0x10a: {  	v27 =	vsel vm10, v8, v51;
	v8 =	vsel vm10, v51, v8;
	v35 =	vsel vm4, v61, v32  }
0x10b: {  	v36 =	vsel vm4, v7, v62;
	v7 =	vsel vm4, v62, v7;
	vm10 =	vgt.f32 v43, v6  }
0x10c: {  	vm12 =	vgt.f32 v10, v4;
	vm5 =	vgt.f32 v35, v63;
	v45 =	vsel vm10, v6, v43  }
0x10d: {  	v49 =	vld [tilespmem:s15+$0x1800];
	v6 =	vsel vm10, v43, v6;
	v4 =	vsel vm12, v10, v4;
	v3 =	vsel vm12, v8, v3  }
0x10e: {  	v10 =	vsel vm4, v32, v61;
	v37 =	vsel vm5, v63, v35;
	v38 =	vsel vm5, v35, v63  }
0x10f: {  	v39 =	vsel vm5, v7, v24;
	v7 =	vsel vm5, v24, v7;
	v8 =	vnsel vm7, $0x17, v29  }
0x110: {  	vm11 =	vgt.f32 v45, v9;
	vm6 =	vgt.f32 v37, v25;
	v46 =	vsel vm9, v8, v31  }
0x111: {  	v8 =	vsel vm9, v31, v8;
	v48 =	vsel vm11, v9, v45;
	v9 =	vsel vm11, v45, v9  }
0x112: {  	vm15 =	vgt.f32 v49, v2;
	v40 =	vsel vm6, v37, v25;
	v11 =	vsel vm6, v25, v37  }
0x113: {  	v41 =	vsel vm6, v7, v27;
	v7 =	vsel vm6, v27, v7;
	v47 =	vsel vm10, v8, v15  }
0x114: {  	v8 =	vsel vm10, v15, v8;
	vm12 =	vgt.f32 v48, v10;
	v56 =	vsel vm15, v2, v49  }
0x115: {  	v2 =	vsel vm15, v49, v2;
	v58 =	vsel vm15, $0x18, v44;
	vm8 =	vgt.f32 v11, v4  }
0x116: {  	v15 =	vsel vm11, v8, v34;
	v8 =	vsel vm11, v34, v8;
	v50 =	vsel vm12, v10, v48  }
0x117: {  	v63 =	vld [tilespmem:s15+$0x1880];
	v10 =	vsel vm12, v48, v10;
	vm5 =	vgt.f32 v56, v5;
	v4 =	vsel vm8, v11, v4  }
0x118: {  	v3 =	vsel vm8, v7, v3;
	v51 =	vsel vm12, v8, v36;
	vm13 =	vgt.f32 v50, v38  }
0x119: {  	v8 =	vsel vm12, v36, v8;
	v57 =	vsel vm5, v5, v56;
	v11 =	vnsel vm15, $0x18, v44  }
0x11a: {  	v5 =	vsel vm5, v56, v5;
	v52 =	vsel vm13, v50, v38;
	v16 =	vsel vm13, v38, v50  }
0x11b: {  	v53 =	vsel vm13, v8, v39;
	v8 =	vsel vm13, v39, v8;
	vm6 =	vgt.f32 v57, v6  }
0x11c: {  	v59 =	vsel vm5, v11, v46;
	v11 =	vsel vm5, v46, v11;
	vm11 =	vgt.f32 v63, v2  }
0x11d: {  	vm14 =	vgt.f32 v16, v40;
	v60 =	vsel vm6, v6, v57;
	v6 =	vsel vm6, v57, v6  }
0x11e: {  	v61 =	vsel vm6, v11, v47;
	v7 =	vsel vm6, v47, v11;
	v30 =	vsel vm11, v2, v63  }
0x11f: {  	v2 =	vsel vm11, v63, v2;
	v33 =	vsel vm11, $0x19, v58;
	v12 =	vnsel vm11, $0x19, v58  }
0x120: {  	v37 =	vld [tilespmem:s15+$0x1900];
	v54 =	vsel vm14, v16, v40;
	v13 =	vsel vm14, v40, v16;
	v55 =	vsel vm14, v8, v41  }
0x121: {  	v8 =	vsel vm14, v41, v8;
	vm7 =	vgt.f32 v60, v9;
	vm13 =	vgt.f32 v30, v5  }
0x122: {  	vm4 =	vgt.f32 v13, v4;
	v62 =	vsel vm7, v9, v60;
	v9 =	vsel vm7, v60, v9  }
0x123: {  	v24 =	vsel vm7, v7, v15;
	v7 =	vsel vm7, v15, v7;
	v32 =	vsel vm13, v5, v30  }
0x124: {  	v5 =	vsel vm13, v30, v5;
	v35 =	vsel vm13, v12, v59;
	v12 =	vsel vm13, v59, v12  }
0x125: {  	vm7 =	vgt.f32 v37, v2;
	v4 =	vsel vm4, v13, v4;
	v3 =	vsel vm4, v8, v3  }
0x126: {  	vm8 =	vgt.f32 v62, v10;
	vm14 =	vgt.f32 v32, v6;
	v46 =	vsel vm7, v2, v37  }
0x127: {  	v2 =	vsel vm7, v37, v2;
	v48 =	vsel vm7, $0x1A, v33;
	v25 =	vsel vm8, v62, v10  }
0x128: {  	v10 =	vsel vm8, v10, v62;
	v26 =	vsel vm8, v7, v51;
	v7 =	vsel vm8, v51, v7  }
0x129: {  	v34 =	vsel vm14, v6, v32;
	v6 =	vsel vm14, v32, v6;
	v13 =	vsel vm14, v12, v61  }
0x12a: {  	v8 =	vsel vm14, v61, v12;
	vm9 =	vgt.f32 v10, v52;
	vm15 =	vgt.f32 v34, v9  }
0x12b: {  	v27 =	vsel vm9, v10, v52;
	v10 =	vsel vm9, v52, v10;
	v28 =	vsel vm9, v7, v53  }
0x12c: {  	v7 =	vsel vm9, v53, v7;
	v36 =	vsel vm15, v9, v34;
	v9 =	vsel vm15, v34, v9  }
0x12d: {  	v38 =	vsel vm15, v8, v24;
	v8 =	vsel vm15, v24, v8;
	vm9 =	vgt.f32 v46, v5  }
0x12e: {  	vm10 =	vgt.f32 v10, v54;
	vm4 =	vgt.f32 v36, v25;
	v47 =	vsel vm9, v5, v46  }
0x12f: {  	v5 =	vsel vm9, v46, v5;
	v29 =	vsel vm10, v10, v54;
	v10 =	vsel vm10, v54, v10  }
0x130: {  	v31 =	vsel vm10, v7, v55;
	v7 =	vsel vm10, v55, v7;
	v39 =	vsel vm4, v25, v36  }
0x131: {  	v40 =	vsel vm4, v8, v26;
	v8 =	vsel vm4, v26, v8;
	vm10 =	vgt.f32 v47, v6  }
0x132: {  	vm12 =	vgt.f32 v10, v4;
	vm5 =	vgt.f32 v39, v27;
	v49 =	vsel vm10, v6, v47  }
0x133: {  	v53 =	vld [tilespmem:s15+$0x1980];
	v6 =	vsel vm10, v47, v6;
	v4 =	vsel vm12, v10, v4;
	v3 =	vsel vm12, v7, v3  }
0x134: {  	v10 =	vsel vm4, v36, v25;
	v41 =	vsel vm5, v27, v39;
	v42 =	vsel vm5, v39, v27  }
0x135: {  	v43 =	vsel vm5, v8, v28;
	v8 =	vsel vm5, v28, v8;
	v7 =	vnsel vm7, $0x1A, v33  }
0x136: {  	vm11 =	vgt.f32 v49, v9;
	vm6 =	vgt.f32 v41, v29;
	v50 =	vsel vm9, v7, v35  }
0x137: {  	v7 =	vsel vm9, v35, v7;
	v52 =	vsel vm11, v9, v49;
	v9 =	vsel vm11, v49, v9  }
0x138: {  	vm15 =	vgt.f32 v53, v2;
	v44 =	vsel vm6, v41, v29;
	v11 =	vsel vm6, v29, v41  }
0x139: {  	v45 =	vsel vm6, v8, v31;
	v8 =	vsel vm6, v31, v8;
	v51 =	vsel vm10, v7, v13  }
0x13a: {  	v7 =	vsel vm10, v13, v7;
	vm12 =	vgt.f32 v52, v10;
	v60 =	vsel vm15, v2, v53  }
0x13b: {  	v2 =	vsel vm15, v53, v2;
	v62 =	vsel vm15, $0x1B, v48;
	vm8 =	vgt.f32 v11, v4  }
0x13c: {  	v13 =	vsel vm11, v7, v38;
	v7 =	vsel vm11, v38, v7;
	v54 =	vsel vm12, v10, v52  }
0x13d: {  	v27 =	vld [tilespmem:s15+$0x1A00];
	v10 =	vsel vm12, v52, v10;
	vm5 =	vgt.f32 v60, v5;
	v4 =	vsel vm8, v11, v4  }
0x13e: {  	v3 =	vsel vm8, v8, v3;
	v55 =	vsel vm12, v7, v40;
	vm13 =	vgt.f32 v54, v42  }
0x13f: {  	v7 =	vsel vm12, v40, v7;
	v61 =	vsel vm5, v5, v60;
	v11 =	vnsel vm15, $0x1B, v48  }
0x140: {  	v5 =	vsel vm5, v60, v5;
	v56 =	vsel vm13, v54, v42;
	v16 =	vsel vm13, v42, v54  }
0x141: {  	v57 =	vsel vm13, v7, v43;
	v7 =	vsel vm13, v43, v7;
	vm6 =	vgt.f32 v61, v6  }
0x142: {  	v63 =	vsel vm5, v11, v50;
	v11 =	vsel vm5, v50, v11;
	vm11 =	vgt.f32 v27, v2  }
0x143: {  	vm14 =	vgt.f32 v16, v44;
	v24 =	vsel vm6, v6, v61;
	v6 =	vsel vm6, v61, v6  }
0x144: {  	v25 =	vsel vm6, v11, v51;
	v8 =	vsel vm6, v51, v11;
	v34 =	vsel vm11, v2, v27  }
0x145: {  	v2 =	vsel vm11, v27, v2;
	v37 =	vsel vm11, $0x1C, v62;
	v12 =	vnsel vm11, $0x1C, v62  }
0x146: {  	v41 =	vld [tilespmem:s15+$0x1A80];
	v58 =	vsel vm14, v16, v44;
	v14 =	vsel vm14, v44, v16;
	v59 =	vsel vm14, v7, v45  }
0x147: {  	v7 =	vsel vm14, v45, v7;
	vm7 =	vgt.f32 v24, v9;
	vm13 =	vgt.f32 v34, v5  }
0x148: {  	vm4 =	vgt.f32 v14, v4;
	v26 =	vsel vm7, v9, v24;
	v9 =	vsel vm7, v24, v9  }
0x149: {  	v28 =	vsel vm7, v8, v13;
	v8 =	vsel vm7, v13, v8;
	v36 =	vsel vm13, v5, v34  }
0x14a: {  	v5 =	vsel vm13, v34, v5;
	v39 =	vsel vm13, v12, v63;
	v12 =	vsel vm13, v63, v12  }
0x14b: {  	vm7 =	vgt.f32 v41, v2;
	v4 =	vsel vm4, v14, v4;
	v3 =	vsel vm4, v7, v3  }
0x14c: {  	vm8 =	vgt.f32 v26, v10;
	vm14 =	vgt.f32 v36, v6;
	v50 =	vsel vm7, v2, v41  }
0x14d: {  	v2 =	vsel vm7, v41, v2;
	v52 =	vsel vm7, $0x1D, v37;
	v29 =	vsel vm8, v26, v10  }
0x14e: {  	v10 =	vsel vm8, v10, v26;
	v30 =	vsel vm8, v8, v55;
	v8 =	vsel vm8, v55, v8  }
0x14f: {  	v38 =	vsel vm14, v6, v36;
	v6 =	vsel vm14, v36, v6;
	v14 =	vsel vm14, v12, v25  }
0x150: {  	v7 =	vsel vm14, v25, v12;
	vm9 =	vgt.f32 v10, v56;
	vm15 =	vgt.f32 v38, v9  }
0x151: {  	v31 =	vsel vm9, v10, v56;
	v10 =	vsel vm9, v56, v10;
	v32 =	vsel vm9, v8, v57  }
0x152: {  	v8 =	vsel vm9, v57, v8;
	v40 =	vsel vm15, v9, v38;
	v9 =	vsel vm15, v38, v9  }
0x153: {  	v42 =	vsel vm15, v7, v28;
	v7 =	vsel vm15, v28, v7;
	vm9 =	vgt.f32 v50, v5  }
0x154: {  	vm10 =	vgt.f32 v10, v58;
	vm4 =	vgt.f32 v40, v29;
	v51 =	vsel vm9, v5, v50  }
0x155: {  	v5 =	vsel vm9, v50, v5;
	v33 =	vsel vm10, v10, v58;
	v10 =	vsel vm10, v58, v10  }
0x156: {  	v35 =	vsel vm10, v8, v59;
	v8 =	vsel vm10, v59, v8;
	v43 =	vsel vm4, v29, v40  }
0x157: {  	v44 =	vsel vm4, v7, v30;
	v7 =	vsel vm4, v30, v7;
	vm10 =	vgt.f32 v51, v6  }
0x158: {  	vm12 =	vgt.f32 v10, v4;
	vm5 =	vgt.f32 v43, v31;
	v53 =	vsel vm10, v6, v51  }
0x159: {  	v57 =	vld [tilespmem:s15+$0x1B00];
	v6 =	vsel vm10, v51, v6;
	v4 =	vsel vm12, v10, v4;
	v3 =	vsel vm12, v8, v3  }
0x15a: {  	v10 =	vsel vm4, v40, v29;
	v45 =	vsel vm5, v31, v43;
	v46 =	vsel vm5, v43, v31  }
0x15b: {  	v47 =	vsel vm5, v7, v32;
	v7 =	vsel vm5, v32, v7;
	v8 =	vnsel vm7, $0x1D, v37  }
0x15c: {  	vm11 =	vgt.f32 v53, v9;
	vm6 =	vgt.f32 v45, v33;
	v54 =	vsel vm9, v8, v39  }
0x15d: {  	v8 =	vsel vm9, v39, v8;
	v56 =	vsel vm11, v9, v53;
	v9 =	vsel vm11, v53, v9  }
0x15e: {  	vm15 =	vgt.f32 v57, v2;
	v48 =	vsel vm6, v45, v33;
	v11 =	vsel vm6, v33, v45  }
0x15f: {  	v49 =	vsel vm6, v7, v35;
	v7 =	vsel vm6, v35, v7;
	v55 =	vsel vm10, v8, v14  }
0x160: {  	v8 =	vsel vm10, v14, v8;
	vm12 =	vgt.f32 v56, v10;
	v24 =	vsel vm15, v2, v57  }
0x161: {  	v2 =	vsel vm15, v57, v2;
	v26 =	vsel vm15, $0x1E, v52;
	vm8 =	vgt.f32 v11, v4  }
0x162: {  	v14 =	vsel vm11, v8, v42;
	v8 =	vsel vm11, v42, v8;
	v58 =	vsel vm12, v10, v56  }
0x163: {  	v31 =	vld [tilespmem:s15+$0x1B80];
	v10 =	vsel vm12, v56, v10;
	vm5 =	vgt.f32 v24, v5;
	v4 =	vsel vm8, v11, v4  }
0x164: {  	v3 =	vsel vm8, v7, v3;
	v59 =	vsel vm12, v8, v44;
	vm13 =	vgt.f32 v58, v46  }
0x165: {  	v8 =	vsel vm12, v44, v8;
	v25 =	vsel vm5, v5, v24;
	v11 =	vnsel vm15, $0x1E, v52  }
0x166: {  	v5 =	vsel vm5, v24, v5;
	v60 =	vsel vm13, v58, v46;
	v16 =	vsel vm13, v46, v58  }
0x167: {  	v61 =	vsel vm13, v8, v47;
	v8 =	vsel vm13, v47, v8;
	vm6 =	vgt.f32 v25, v6  }
0x168: {  	v27 =	vsel vm5, v11, v54;
	v11 =	vsel vm5, v54, v11;
	vm11 =	vgt.f32 v31, v2  }
0x169: {  	vm14 =	vgt.f32 v16, v48;
	v28 =	vsel vm6, v6, v25;
	v6 =	vsel vm6, v25, v6  }
0x16a: {  	v29 =	vsel vm6, v11, v55;
	v7 =	vsel vm6, v55, v11;
	v38 =	vsel vm11, v2, v31  }
0x16b: {  	v2 =	vsel vm11, v31, v2;
	v41 =	vsel vm11, $0x1F, v26;
	v12 =	vnsel vm11, $0x1F, v26  }
0x16c: {  	v45 =	vld [tilespmem:s15+$0x2000];
	v62 =	vsel vm14, v16, v48;
	v15 =	vsel vm14, v48, v16;
	v63 =	vsel vm14, v8, v49  }
0x16d: {  	v8 =	vsel vm14, v49, v8;
	vm7 =	vgt.f32 v28, v9;
	vm13 =	vgt.f32 v38, v5  }
0x16e: {  	vm4 =	vgt.f32 v15, v4;
	v30 =	vsel vm7, v9, v28;
	v9 =	vsel vm7, v28, v9  }
0x16f: {  	v32 =	vsel vm7, v7, v14;
	v7 =	vsel vm7, v14, v7;
	v40 =	vsel vm13, v5, v38  }
0x170: {  	v5 =	vsel vm13, v38, v5;
	v43 =	vsel vm13, v12, v27;
	v12 =	vsel vm13, v27, v12  }
0x171: {  	vm7 =	vgt.f32 v45, v2;
	v4 =	vsel vm4, v15, v4;
	v3 =	vsel vm4, v8, v3  }
0x172: {  	vm8 =	vgt.f32 v30, v10;
	vm14 =	vgt.f32 v40, v6;
	v54 =	vsel vm7, v2, v45  }
0x173: {  	v2 =	vsel vm7, v45, v2;
	v56 =	vsel vm7, $0x20, v41;
	v33 =	vsel vm8, v30, v10  }
0x174: {  	v10 =	vsel vm8, v10, v30;
	v34 =	vsel vm8, v7, v59;
	v7 =	vsel vm8, v59, v7  }
0x175: {  	v42 =	vsel vm14, v6, v40;
	v6 =	vsel vm14, v40, v6;
	v15 =	vsel vm14, v12, v29  }
0x176: {  	v8 =	vsel vm14, v29, v12;
	vm9 =	vgt.f32 v10, v60;
	vm15 =	vgt.f32 v42, v9  }
0x177: {  	v35 =	vsel vm9, v10, v60;
	v10 =	vsel vm9, v60, v10;
	v36 =	vsel vm9, v7, v61  }
0x178: {  	v7 =	vsel vm9, v61, v7;
	v44 =	vsel vm15, v9, v42;
	v9 =	vsel vm15, v42, v9  }
0x179: {  	v46 =	vsel vm15, v8, v32;
	v8 =	vsel vm15, v32, v8;
	vm9 =	vgt.f32 v54, v5  }
0x17a: {  	vm10 =	vgt.f32 v10, v62;
	vm4 =	vgt.f32 v44, v33;
	v55 =	vsel vm9, v5, v54  }
0x17b: {  	v5 =	vsel vm9, v54, v5;
	v37 =	vsel vm10, v10, v62;
	v10 =	vsel vm10, v62, v10  }
0x17c: {  	v39 =	vsel vm10, v7, v63;
	v7 =	vsel vm10, v63, v7;
	v47 =	vsel vm4, v33, v44  }
0x17d: {  	v48 =	vsel vm4, v8, v34;
	v8 =	vsel vm4, v34, v8;
	vm10 =	vgt.f32 v55, v6  }
0x17e: {  	vm12 =	vgt.f32 v10, v4;
	vm5 =	vgt.f32 v47, v35;
	v57 =	vsel vm10, v6, v55  }
0x17f: {  	v61 =	vld [tilespmem:s15+$0x2080];
	v6 =	vsel vm10, v55, v6;
	v4 =	vsel vm12, v10, v4;
	v3 =	vsel vm12, v7, v3  }
0x180: {  	v10 =	vsel vm4, v44, v33;
	v49 =	vsel vm5, v35, v47;
	v50 =	vsel vm5, v47, v35  }
0x181: {  	v51 =	vsel vm5, v8, v36;
	v8 =	vsel vm5, v36, v8;
	v7 =	vnsel vm7, $0x20, v41  }
0x182: {  	vm11 =	vgt.f32 v57, v9;
	vm6 =	vgt.f32 v49, v37;
	v58 =	vsel vm9, v7, v43  }
0x183: {  	v7 =	vsel vm9, v43, v7;
	v60 =	vsel vm11, v9, v57;
	v9 =	vsel vm11, v57, v9  }
0x184: {  	vm15 =	vgt.f32 v61, v2;
	v52 =	vsel vm6, v49, v37;
	v11 =	vsel vm6, v37, v49  }
0x185: {  	v53 =	vsel vm6, v8, v39;
	v8 =	vsel vm6, v39, v8;
	v59 =	vsel vm10, v7, v15  }
0x186: {  	v7 =	vsel vm10, v15, v7;
	vm12 =	vgt.f32 v60, v10;
	v28 =	vsel vm15, v2, v61  }
0x187: {  	v2 =	vsel vm15, v61, v2;
	v30 =	vsel vm15, $0x21, v56;
	vm8 =	vgt.f32 v11, v4  }
0x188: {  	v15 =	vsel vm11, v7, v46;
	v7 =	vsel vm11, v46, v7;
	v62 =	vsel vm12, v10, v60  }
0x189: {  	v35 =	vld [tilespmem:s15+$0x2100];
	v10 =	vsel vm12, v60, v10;
	vm5 =	vgt.f32 v28, v5;
	v4 =	vsel vm8, v11, v4  }
0x18a: {  	v3 =	vsel vm8, v8, v3;
	v63 =	vsel vm12, v7, v48;
	vm13 =	vgt.f32 v62, v50  }
0x18b: {  	v7 =	vsel vm12, v48, v7;
	v29 =	vsel vm5, v5, v28;
	v11 =	vnsel vm15, $0x21, v56  }
0x18c: {  	v5 =	vsel vm5, v28, v5;
	v24 =	vsel vm13, v62, v50;
	v16 =	vsel vm13, v50, v62  }
0x18d: {  	v25 =	vsel vm13, v7, v51;
	v7 =	vsel vm13, v51, v7;
	vm6 =	vgt.f32 v29, v6  }
0x18e: {  	v31 =	vsel vm5, v11, v58;
	v11 =	vsel vm5, v58, v11;
	vm11 =	vgt.f32 v35, v2  }
0x18f: {  	vm14 =	vgt.f32 v16, v52;
	v32 =	vsel vm6, v6, v29;
	v6 =	vsel vm6, v29, v6  }
0x190: {  	v33 =	vsel vm6, v11, v59;
	v8 =	vsel vm6, v59, v11;
	v42 =	vsel vm11, v2, v35  }
0x191: {  	v2 =	vsel vm11, v35, v2;
	v45 =	vsel vm11, $0x22, v30;
	v12 =	vnsel vm11, $0x22, v30  }
0x192: {  	v49 =	vld [tilespmem:s15+$0x2180];
	v26 =	vsel vm14, v16, v52;
	v13 =	vsel vm14, v52, v16;
	v27 =	vsel vm14, v7, v53  }
0x193: {  	v7 =	vsel vm14, v53, v7;
	vm7 =	vgt.f32 v32, v9;
	vm13 =	vgt.f32 v42, v5  }
0x194: {  	vm4 =	vgt.f32 v13, v4;
	v34 =	vsel vm7, v9, v32;
	v9 =	vsel vm7, v32, v9  }
0x195: {  	v36 =	vsel vm7, v8, v15;
	v8 =	vsel vm7, v15, v8;
	v44 =	vsel vm13, v5, v42  }
0x196: {  	v5 =	vsel vm13, v42, v5;
	v47 =	vsel vm13, v12, v31;
	v12 =	vsel vm13, v31, v12  }
0x197: {  	vm7 =	vgt.f32 v49, v2;
	v4 =	vsel vm4, v13, v4;
	v3 =	vsel vm4, v7, v3  }
0x198: {  	vm8 =	vgt.f32 v34, v10;
	vm14 =	vgt.f32 v44, v6;
	v58 =	vsel vm7, v2, v49  }
0x199: {  	v2 =	vsel vm7, v49, v2;
	v60 =	vsel vm7, $0x23, v45;
	v37 =	vsel vm8, v34, v10  }
0x19a: {  	v10 =	vsel vm8, v10, v34;
	v38 =	vsel vm8, v8, v63;
	v8 =	vsel vm8, v63, v8  }
0x19b: {  	v46 =	vsel vm14, v6, v44;
	v6 =	vsel vm14, v44, v6;
	v13 =	vsel vm14, v12, v33  }
0x19c: {  	v7 =	vsel vm14, v33, v12;
	vm9 =	vgt.f32 v10, v24;
	vm15 =	vgt.f32 v46, v9  }
0x19d: {  	v39 =	vsel vm9, v10, v24;
	v10 =	vsel vm9, v24, v10;
	v40 =	vsel vm9, v8, v25  }
0x19e: {  	v8 =	vsel vm9, v25, v8;
	v48 =	vsel vm15, v9, v46;
	v9 =	vsel vm15, v46, v9  }
0x19f: {  	v50 =	vsel vm15, v7, v36;
	v7 =	vsel vm15, v36, v7;
	vm9 =	vgt.f32 v58, v5  }
0x1a0: {  	vm10 =	vgt.f32 v10, v26;
	vm4 =	vgt.f32 v48, v37;
	v59 =	vsel vm9, v5, v58  }
0x1a1: {  	v5 =	vsel vm9, v58, v5;
	v41 =	vsel vm10, v10, v26;
	v10 =	vsel vm10, v26, v10  }
0x1a2: {  	v43 =	vsel vm10, v8, v27;
	v8 =	vsel vm10, v27, v8;
	v51 =	vsel vm4, v37, v48  }
0x1a3: {  	v52 =	vsel vm4, v7, v38;
	v7 =	vsel vm4, v38, v7;
	vm10 =	vgt.f32 v59, v6  }
0x1a4: {  	vm12 =	vgt.f32 v10, v4;
	vm5 =	vgt.f32 v51, v39;
	v61 =	vsel vm10, v6, v59  }
0x1a5: {  	v25 =	vld [tilespmem:s15+$0x2200];
	v6 =	vsel vm10, v59, v6;
	v4 =	vsel vm12, v10, v4;
	v3 =	vsel vm12, v8, v3  }
0x1a6: {  	v10 =	vsel vm4, v48, v37;
	v53 =	vsel vm5, v39, v51;
	v54 =	vsel vm5, v51, v39  }
0x1a7: {  	v55 =	vsel vm5, v7, v40;
	v7 =	vsel vm5, v40, v7;
	v8 =	vnsel vm7, $0x23, v45  }
0x1a8: {  	vm11 =	vgt.f32 v61, v9;
	vm6 =	vgt.f32 v53, v41;
	v62 =	vsel vm9, v8, v47  }
0x1a9: {  	v8 =	vsel vm9, v47, v8;
	v24 =	vsel vm11, v9, v61;
	v9 =	vsel vm11, v61, v9  }
0x1aa: {  	vm15 =	vgt.f32 v25, v2;
	v56 =	vsel vm6, v53, v41;
	v11 =	vsel vm6, v41, v53  }
0x1ab: {  	v57 =	vsel vm6, v7, v43;
	v7 =	vsel vm6, v43, v7;
	v63 =	vsel vm10, v8, v13  }
0x1ac: {  	v8 =	vsel vm10, v13, v8;
	vm12 =	vgt.f32 v24, v10;
	v32 =	vsel vm15, v2, v25  }
0x1ad: {  	v2 =	vsel vm15, v25, v2;
	v34 =	vsel vm15, $0x24, v60;
	vm8 =	vgt.f32 v11, v4  }
0x1ae: {  	v13 =	vsel vm11, v8, v50;
	v8 =	vsel vm11, v50, v8;
	v26 =	vsel vm12, v10, v24  }
0x1af: {  	v39 =	vld [tilespmem:s15+$0x2280];
	v10 =	vsel vm12, v24, v10;
	vm5 =	vgt.f32 v32, v5;
	v4 =	vsel vm8, v11, v4  }
0x1b0: {  	v3 =	vsel vm8, v7, v3;
	v27 =	vsel vm12, v8, v52;
	vm13 =	vgt.f32 v26, v54  }
0x1b1: {  	v8 =	vsel vm12, v52, v8;
	v33 =	vsel vm5, v5, v32;
	v11 =	vnsel vm15, $0x24, v60  }
0x1b2: {  	v5 =	vsel vm5, v32, v5;
	v28 =	vsel vm13, v26, v54;
	v16 =	vsel vm13, v54, v26  }
0x1b3: {  	v29 =	vsel vm13, v8, v55;
	v8 =	vsel vm13, v55, v8;
	vm6 =	vgt.f32 v33, v6  }
0x1b4: {  	v35 =	vsel vm5, v11, v62;
	v11 =	vsel vm5, v62, v11;
	vm11 =	vgt.f32 v39, v2  }
0x1b5: {  	vm14 =	vgt.f32 v16, v56;
	v36 =	vsel vm6, v6, v33;
	v6 =	vsel vm6, v33, v6  }
0x1b6: {  	v37 =	vsel vm6, v11, v63;
	v7 =	vsel vm6, v63, v11;
	v46 =	vsel vm11, v2, v39  }
0x1b7: {  	v2 =	vsel vm11, v39, v2;
	v49 =	vsel vm11, $0x25, v34;
	v12 =	vnsel vm11, $0x25, v34  }
0x1b8: {  	v53 =	vld [tilespmem:s15+$0x2300];
	v30 =	vsel vm14, v16, v56;
	v14 =	vsel vm14, v56, v16;
	v31 =	vsel vm14, v8, v57  }
0x1b9: {  	v8 =	vsel vm14, v57, v8;
	vm7 =	vgt.f32 v36, v9;
	vm13 =	vgt.f32 v46, v5  }
0x1ba: {  	vm4 =	vgt.f32 v14, v4;
	v38 =	vsel vm7, v9, v36;
	v9 =	vsel vm7, v36, v9  }
0x1bb: {  	v40 =	vsel vm7, v7, v13;
	v7 =	vsel vm7, v13, v7;
	v48 =	vsel vm13, v5, v46  }
0x1bc: {  	v5 =	vsel vm13, v46, v5;
	v51 =	vsel vm13, v12, v35;
	v12 =	vsel vm13, v35, v12  }
0x1bd: {  	vm7 =	vgt.f32 v53, v2;
	v4 =	vsel vm4, v14, v4;
	v3 =	vsel vm4, v8, v3  }
0x1be: {  	vm8 =	vgt.f32 v38, v10;
	vm14 =	vgt.f32 v48, v6;
	v62 =	vsel vm7, v2, v53  }
0x1bf: {  	v2 =	vsel vm7, v53, v2;
	v24 =	vsel vm7, $0x26, v49;
	v41 =	vsel vm8, v38, v10  }
0x1c0: {  	v10 =	vsel vm8, v10, v38;
	v42 =	vsel vm8, v7, v27;
	v7 =	vsel vm8, v27, v7  }
0x1c1: {  	v50 =	vsel vm14, v6, v48;
	v6 =	vsel vm14, v48, v6;
	v14 =	vsel vm14, v12, v37  }
0x1c2: {  	v8 =	vsel vm14, v37, v12;
	vm9 =	vgt.f32 v10, v28;
	vm15 =	vgt.f32 v50, v9  }
0x1c3: {  	v43 =	vsel vm9, v10, v28;
	v10 =	vsel vm9, v28, v10;
	v44 =	vsel vm9, v7, v29  }
0x1c4: {  	v7 =	vsel vm9, v29, v7;
	v52 =	vsel vm15, v9, v50;
	v9 =	vsel vm15, v50, v9  }
0x1c5: {  	v54 =	vsel vm15, v8, v40;
	v8 =	vsel vm15, v40, v8;
	vm9 =	vgt.f32 v62, v5  }
0x1c6: {  	vm10 =	vgt.f32 v10, v30;
	vm4 =	vgt.f32 v52, v41;
	v63 =	vsel vm9, v5, v62  }
0x1c7: {  	v5 =	vsel vm9, v62, v5;
	v45 =	vsel vm10, v10, v30;
	v10 =	vsel vm10, v30, v10  }
0x1c8: {  	v47 =	vsel vm10, v7, v31;
	v7 =	vsel vm10, v31, v7;
	v55 =	vsel vm4, v41, v52  }
0x1c9: {  	v56 =	vsel vm4, v8, v42;
	v8 =	vsel vm4, v42, v8;
	vm10 =	vgt.f32 v63, v6  }
0x1ca: {  	vm12 =	vgt.f32 v10, v4;
	vm5 =	vgt.f32 v55, v43;
	v25 =	vsel vm10, v6, v63  }
0x1cb: {  	v29 =	vld [tilespmem:s15+$0x2380];
	v6 =	vsel vm10, v63, v6;
	v4 =	vsel vm12, v10, v4;
	v3 =	vsel vm12, v7, v3  }
0x1cc: {  	v10 =	vsel vm4, v52, v41;
	v57 =	vsel vm5, v43, v55;
	v58 =	vsel vm5, v55, v43  }
0x1cd: {  	v59 =	vsel vm5, v8, v44;
	v8 =	vsel vm5, v44, v8;
	v7 =	vnsel vm7, $0x26, v49  }
0x1ce: {  	vm11 =	vgt.f32 v25, v9;
	vm6 =	vgt.f32 v57, v45;
	v26 =	vsel vm9, v7, v51  }
0x1cf: {  	v7 =	vsel vm9, v51, v7;
	v28 =	vsel vm11, v9, v25;
	v9 =	vsel vm11, v25, v9  }
0x1d0: {  	vm15 =	vgt.f32 v29, v2;
	v60 =	vsel vm6, v57, v45;
	v11 =	vsel vm6, v45, v57  }
0x1d1: {  	v61 =	vsel vm6, v8, v47;
	v8 =	vsel vm6, v47, v8;
	v27 =	vsel vm10, v7, v14  }
0x1d2: {  	v7 =	vsel vm10, v14, v7;
	vm12 =	vgt.f32 v28, v10;
	v36 =	vsel vm15, v2, v29  }
0x1d3: {  	v2 =	vsel vm15, v29, v2;
	v38 =	vsel vm15, $0x27, v24;
	vm8 =	vgt.f32 v11, v4  }
0x1d4: {  	v14 =	vsel vm11, v7, v54;
	v7 =	vsel vm11, v54, v7;
	v30 =	vsel vm12, v10, v28  }
0x1d5: {  	v43 =	vld [tilespmem:s15+$0x2800];
	v10 =	vsel vm12, v28, v10;
	vm5 =	vgt.f32 v36, v5;
	v4 =	vsel vm8, v11, v4  }
0x1d6: {  	v3 =	vsel vm8, v8, v3;
	v31 =	vsel vm12, v7, v56;
	vm13 =	vgt.f32 v30, v58  }
0x1d7: {  	v7 =	vsel vm12, v56, v7;
	v37 =	vsel vm5, v5, v36;
	v11 =	vnsel vm15, $0x27, v24  }
0x1d8: {  	v5 =	vsel vm5, v36, v5;
	v32 =	vsel vm13, v30, v58;
	v16 =	vsel vm13, v58, v30  }
0x1d9: {  	v33 =	vsel vm13, v7, v59;
	v7 =	vsel vm13, v59, v7;
	vm6 =	vgt.f32 v37, v6  }
0x1da: {  	v39 =	vsel vm5, v11, v26;
	v11 =	vsel vm5, v26, v11;
	vm11 =	vgt.f32 v43, v2  }
0x1db: {  	vm14 =	vgt.f32 v16, v60;
	v40 =	vsel vm6, v6, v37;
	v6 =	vsel vm6, v37, v6  }
0x1dc: {  	v41 =	vsel vm6, v11, v27;
	v8 =	vsel vm6, v27, v11;
	v50 =	vsel vm11, v2, v43  }
0x1dd: {  	v2 =	vsel vm11, v43, v2;
	v53 =	vsel vm11, $0x28, v38;
	v12 =	vnsel vm11, $0x28, v38  }
0x1de: {  	v57 =	vld [tilespmem:s15+$0x2880];
	v34 =	vsel vm14, v16, v60;
	v15 =	vsel vm14, v60, v16;
	v35 =	vsel vm14, v7, v61  }
0x1df: {  	v7 =	vsel vm14, v61, v7;
	vm7 =	vgt.f32 v40, v9;
	vm13 =	vgt.f32 v50, v5  }
0x1e0: {  	vm4 =	vgt.f32 v15, v4;
	v42 =	vsel vm7, v9, v40;
	v9 =	vsel vm7, v40, v9  }
0x1e1: {  	v44 =	vsel vm7, v8, v14;
	v8 =	vsel vm7, v14, v8;
	v52 =	vsel vm13, v5, v50  }
0x1e2: {  	v5 =	vsel vm13, v50, v5;
	v55 =	vsel vm13, v12, v39;
	v12 =	vsel vm13, v39, v12  }
0x1e3: {  	vm7 =	vgt.f32 v57, v2;
	v4 =	vsel vm4, v15, v4;
	v3 =	vsel vm4, v7, v3  }
0x1e4: {  	vm8 =	vgt.f32 v42, v10;
	vm14 =	vgt.f32 v52, v6;
	v26 =	vsel vm7, v2, v57  }
0x1e5: {  	v2 =	vsel vm7, v57, v2;
	v28 =	vsel vm7, $0x29, v53;
	v45 =	vsel vm8, v42, v10  }
0x1e6: {  	v10 =	vsel vm8, v10, v42;
	v46 =	vsel vm8, v8, v31;
	v8 =	vsel vm8, v31, v8  }
0x1e7: {  	v54 =	vsel vm14, v6, v52;
	v6 =	vsel vm14, v52, v6;
	v15 =	vsel vm14, v12, v41  }
0x1e8: {  	v7 =	vsel vm14, v41, v12;
	vm9 =	vgt.f32 v10, v32;
	vm15 =	vgt.f32 v54, v9  }
0x1e9: {  	v47 =	vsel vm9, v10, v32;
	v10 =	vsel vm9, v32, v10;
	v48 =	vsel vm9, v8, v33  }
0x1ea: {  	v8 =	vsel vm9, v33, v8;
	v56 =	vsel vm15, v9, v54;
	v9 =	vsel vm15, v54, v9  }
0x1eb: {  	v58 =	vsel vm15, v7, v44;
	v7 =	vsel vm15, v44, v7;
	vm9 =	vgt.f32 v26, v5  }
0x1ec: {  	vm10 =	vgt.f32 v10, v34;
	vm4 =	vgt.f32 v56, v45;
	v27 =	vsel vm9, v5, v26  }
0x1ed: {  	v5 =	vsel vm9, v26, v5;
	v49 =	vsel vm10, v10, v34;
	v10 =	vsel vm10, v34, v10  }
0x1ee: {  	v51 =	vsel vm10, v8, v35;
	v8 =	vsel vm10, v35, v8;
	v59 =	vsel vm4, v45, v56  }
0x1ef: {  	v60 =	vsel vm4, v7, v46;
	v7 =	vsel vm4, v46, v7;
	vm10 =	vgt.f32 v27, v6  }
0x1f0: {  	vm12 =	vgt.f32 v10, v4;
	vm5 =	vgt.f32 v59, v47;
	v29 =	vsel vm10, v6, v27  }
0x1f1: {  	v33 =	vld [tilespmem:s15+$0x2900];
	v6 =	vsel vm10, v27, v6;
	v4 =	vsel vm12, v10, v4;
	v3 =	vsel vm12, v8, v3  }
0x1f2: {  	v10 =	vsel vm4, v56, v45;
	v61 =	vsel vm5, v47, v59;
	v62 =	vsel vm5, v59, v47  }
0x1f3: {  	v63 =	vsel vm5, v7, v48;
	v7 =	vsel vm5, v48, v7;
	v8 =	vnsel vm7, $0x29, v53  }
0x1f4: {  	vm11 =	vgt.f32 v29, v9;
	vm6 =	vgt.f32 v61, v49;
	v30 =	vsel vm9, v8, v55  }
0x1f5: {  	v8 =	vsel vm9, v55, v8;
	v32 =	vsel vm11, v9, v29;
	v9 =	vsel vm11, v29, v9  }
0x1f6: {  	vm15 =	vgt.f32 v33, v2;
	v24 =	vsel vm6, v61, v49;
	v11 =	vsel vm6, v49, v61  }
0x1f7: {  	v25 =	vsel vm6, v7, v51;
	v7 =	vsel vm6, v51, v7;
	v31 =	vsel vm10, v8, v15  }
0x1f8: {  	v8 =	vsel vm10, v15, v8;
	vm12 =	vgt.f32 v32, v10;
	v40 =	vsel vm15, v2, v33  }
0x1f9: {  	v2 =	vsel vm15, v33, v2;
	v42 =	vsel vm15, $0x2A, v28;
	vm8 =	vgt.f32 v11, v4  }
0x1fa: {  	v15 =	vsel vm11, v8, v58;
	v8 =	vsel vm11, v58, v8;
	v34 =	vsel vm12, v10, v32  }
0x1fb: {  	v47 =	vld [tilespmem:s15+$0x2980];
	v10 =	vsel vm12, v32, v10;
	vm5 =	vgt.f32 v40, v5;
	v4 =	vsel vm8, v11, v4  }
0x1fc: {  	v3 =	vsel vm8, v7, v3;
	v35 =	vsel vm12, v8, v60;
	vm13 =	vgt.f32 v34, v62  }
0x1fd: {  	v8 =	vsel vm12, v60, v8;
	v41 =	vsel vm5, v5, v40;
	v11 =	vnsel vm15, $0x2A, v28  }
0x1fe: {  	v5 =	vsel vm5, v40, v5;
	v36 =	vsel vm13, v34, v62;
	v16 =	vsel vm13, v62, v34  }
0x1ff: {  	v37 =	vsel vm13, v8, v63;
	v8 =	vsel vm13, v63, v8;
	vm6 =	vgt.f32 v41, v6  }
0x200: {  	v43 =	vsel vm5, v11, v30;
	v11 =	vsel vm5, v30, v11;
	vm11 =	vgt.f32 v47, v2  }
0x201: {  	vm14 =	vgt.f32 v16, v24;
	v44 =	vsel vm6, v6, v41;
	v6 =	vsel vm6, v41, v6  }
0x202: {  	v45 =	vsel vm6, v11, v31;
	v7 =	vsel vm6, v31, v11;
	v54 =	vsel vm11, v2, v47  }
0x203: {  	v2 =	vsel vm11, v47, v2;
	v57 =	vsel vm11, $0x2B, v42;
	v12 =	vnsel vm11, $0x2B, v42  }
0x204: {  	v61 =	vld [tilespmem:s15+$0x2A00];
	v38 =	vsel vm14, v16, v24;
	v13 =	vsel vm14, v24, v16;
	v39 =	vsel vm14, v8, v25  }
0x205: {  	v8 =	vsel vm14, v25, v8;
	vm7 =	vgt.f32 v44, v9;
	vm13 =	vgt.f32 v54, v5  }
0x206: {  	vm4 =	vgt.f32 v13, v4;
	v46 =	vsel vm7, v9, v44;
	v9 =	vsel vm7, v44, v9  }
0x207: {  	v48 =	vsel vm7, v7, v15;
	v7 =	vsel vm7, v15, v7;
	v56 =	vsel vm13, v5, v54  }
0x208: {  	v5 =	vsel vm13, v54, v5;
	v59 =	vsel vm13, v12, v43;
	v12 =	vsel vm13, v43, v12  }
0x209: {  	vm7 =	vgt.f32 v61, v2;
	v4 =	vsel vm4, v13, v4;
	v3 =	vsel vm4, v8, v3  }
0x20a: {  	vm8 =	vgt.f32 v46, v10;
	vm14 =	vgt.f32 v56, v6;
	v30 =	vsel vm7, v2, v61  }
0x20b: {  	v2 =	vsel vm7, v61, v2;
	v32 =	vsel vm7, $0x2C, v57;
	v49 =	vsel vm8, v46, v10  }
0x20c: {  	v10 =	vsel vm8, v10, v46;
	v50 =	vsel vm8, v7, v35;
	v7 =	vsel vm8, v35, v7  }
0x20d: {  	v58 =	vsel vm14, v6, v56;
	v6 =	vsel vm14, v56, v6;
	v13 =	vsel vm14, v12, v45  }
0x20e: {  	v8 =	vsel vm14, v45, v12;
	vm9 =	vgt.f32 v10, v36;
	vm15 =	vgt.f32 v58, v9  }
0x20f: {  	v51 =	vsel vm9, v10, v36;
	v10 =	vsel vm9, v36, v10;
	v52 =	vsel vm9, v7, v37  }
0x210: {  	v7 =	vsel vm9, v37, v7;
	v60 =	vsel vm15, v9, v58;
	v9 =	vsel vm15, v58, v9  }
0x211: {  	v62 =	vsel vm15, v8, v48;
	v8 =	vsel vm15, v48, v8;
	vm9 =	vgt.f32 v30, v5  }
0x212: {  	vm10 =	vgt.f32 v10, v38;
	vm4 =	vgt.f32 v60, v49;
	v31 =	vsel vm9, v5, v30  }
0x213: {  	v5 =	vsel vm9, v30, v5;
	v53 =	vsel vm10, v10, v38;
	v10 =	vsel vm10, v38, v10  }
0x214: {  	v55 =	vsel vm10, v7, v39;
	v7 =	vsel vm10, v39, v7;
	v63 =	vsel vm4, v49, v60  }
0x215: {  	v24 =	vsel vm4, v8, v50;
	v8 =	vsel vm4, v50, v8;
	vm10 =	vgt.f32 v31, v6  }
0x216: {  	vm12 =	vgt.f32 v10, v4;
	vm5 =	vgt.f32 v63, v51;
	v33 =	vsel vm10, v6, v31  }
0x217: {  	v37 =	vld [tilespmem:s15+$0x2A80];
	v6 =	vsel vm10, v31, v6;
	v4 =	vsel vm12, v10, v4;
	v3 =	vsel vm12, v7, v3  }
0x218: {  	v10 =	vsel vm4, v60, v49;
	v25 =	vsel vm5, v51, v63;
	v26 =	vsel vm5, v63, v51  }
0x219: {  	v27 =	vsel vm5, v8, v52;
	v8 =	vsel vm5, v52, v8;
	v7 =	vnsel vm7, $0x2C, v57  }
0x21a: {  	vm11 =	vgt.f32 v33, v9;
	vm6 =	vgt.f32 v25, v53;
	v34 =	vsel vm9, v7, v59  }
0x21b: {  	v7 =	vsel vm9, v59, v7;
	v36 =	vsel vm11, v9, v33;
	v9 =	vsel vm11, v33, v9  }
0x21c: {  	vm15 =	vgt.f32 v37, v2;
	v28 =	vsel vm6, v25, v53;
	v11 =	vsel vm6, v53, v25  }
0x21d: {  	v29 =	vsel vm6, v8, v55;
	v8 =	vsel vm6, v55, v8;
	v35 =	vsel vm10, v7, v13  }
0x21e: {  	v7 =	vsel vm10, v13, v7;
	vm12 =	vgt.f32 v36, v10;
	v44 =	vsel vm15, v2, v37  }
0x21f: {  	v2 =	vsel vm15, v37, v2;
	v46 =	vsel vm15, $0x2D, v32;
	vm8 =	vgt.f32 v11, v4  }
0x220: {  	v13 =	vsel vm11, v7, v62;
	v7 =	vsel vm11, v62, v7;
	v38 =	vsel vm12, v10, v36  }
0x221: {  	v51 =	vld [tilespmem:s15+$0x2B00];
	v10 =	vsel vm12, v36, v10;
	vm5 =	vgt.f32 v44, v5;
	v4 =	vsel vm8, v11, v4  }
0x222: {  	v3 =	vsel vm8, v8, v3;
	v39 =	vsel vm12, v7, v24;
	vm13 =	vgt.f32 v38, v26  }
0x223: {  	v7 =	vsel vm12, v24, v7;
	v45 =	vsel vm5, v5, v44;
	v11 =	vnsel vm15, $0x2D, v32  }
0x224: {  	v5 =	vsel vm5, v44, v5;
	v40 =	vsel vm13, v38, v26;
	v16 =	vsel vm13, v26, v38  }
0x225: {  	v41 =	vsel vm13, v7, v27;
	v7 =	vsel vm13, v27, v7;
	vm6 =	vgt.f32 v45, v6  }
0x226: {  	v47 =	vsel vm5, v11, v34;
	v11 =	vsel vm5, v34, v11;
	vm11 =	vgt.f32 v51, v2  }
0x227: {  	vm14 =	vgt.f32 v16, v28;
	v48 =	vsel vm6, v6, v45;
	v6 =	vsel vm6, v45, v6  }
0x228: {  	v49 =	vsel vm6, v11, v35;
	v8 =	vsel vm6, v35, v11;
	v58 =	vsel vm11, v2, v51  }
0x229: {  	v2 =	vsel vm11, v51, v2;
	v61 =	vsel vm11, $0x2E, v46;
	v12 =	vnsel vm11, $0x2E, v46  }
0x22a: {  	v25 =	vld [tilespmem:s15+$0x2B80];
	v42 =	vsel vm14, v16, v28;
	v14 =	vsel vm14, v28, v16;
	v43 =	vsel vm14, v7, v29  }
0x22b: {  	v7 =	vsel vm14, v29, v7;
	vm7 =	vgt.f32 v48, v9;
	vm13 =	vgt.f32 v58, v5  }
0x22c: {  	vm4 =	vgt.f32 v14, v4;
	v50 =	vsel vm7, v9, v48;
	v9 =	vsel vm7, v48, v9  }
0x22d: {  	v52 =	vsel vm7, v8, v13;
	v8 =	vsel vm7, v13, v8;
	v60 =	vsel vm13, v5, v58  }
0x22e: {  	v5 =	vsel vm13, v58, v5;
	v63 =	vsel vm13, v12, v47;
	v12 =	vsel vm13, v47, v12  }
0x22f: {  	vm7 =	vgt.f32 v25, v2;
	v4 =	vsel vm4, v14, v4;
	v3 =	vsel vm4, v7, v3  }
0x230: {  	vm8 =	vgt.f32 v50, v10;
	vm14 =	vgt.f32 v60, v6;
	v34 =	vsel vm7, v2, v25  }
0x231: {  	v2 =	vsel vm7, v25, v2;
	v36 =	vsel vm7, $0x2F, v61;
	v53 =	vsel vm8, v50, v10  }
0x232: {  	v10 =	vsel vm8, v10, v50;
	v54 =	vsel vm8, v8, v39;
	v8 =	vsel vm8, v39, v8  }
0x233: {  	v62 =	vsel vm14, v6, v60;
	v6 =	vsel vm14, v60, v6;
	v14 =	vsel vm14, v12, v49  }
0x234: {  	v7 =	vsel vm14, v49, v12;
	vm9 =	vgt.f32 v10, v40;
	vm15 =	vgt.f32 v62, v9  }
0x235: {  	v55 =	vsel vm9, v10, v40;
	v10 =	vsel vm9, v40, v10;
	v56 =	vsel vm9, v8, v41  }
0x236: {  	v8 =	vsel vm9, v41, v8;
	v24 =	vsel vm15, v9, v62;
	v9 =	vsel vm15, v62, v9  }
0x237: {  	v26 =	vsel vm15, v7, v52;
	v7 =	vsel vm15, v52, v7;
	vm9 =	vgt.f32 v34, v5  }
0x238: {  	vm10 =	vgt.f32 v10, v42;
	vm4 =	vgt.f32 v24, v53;
	v35 =	vsel vm9, v5, v34  }
0x239: {  	v5 =	vsel vm9, v34, v5;
	v57 =	vsel vm10, v10, v42;
	v10 =	vsel vm10, v42, v10  }
0x23a: {  	v59 =	vsel vm10, v8, v43;
	v8 =	vsel vm10, v43, v8;
	v27 =	vsel vm4, v53, v24  }
0x23b: {  	v28 =	vsel vm4, v7, v54;
	v7 =	vsel vm4, v54, v7;
	vm10 =	vgt.f32 v35, v6  }
0x23c: {  	vm12 =	vgt.f32 v10, v4;
	vm5 =	vgt.f32 v27, v55;
	v37 =	vsel vm10, v6, v35  }
0x23d: {  	v41 =	vld [tilespmem:s15+$0x3000];
	v6 =	vsel vm10, v35, v6;
	v4 =	vsel vm12, v10, v4;
	v3 =	vsel vm12, v8, v3  }
0x23e: {  	v10 =	vsel vm4, v24, v53;
	v29 =	vsel vm5, v55, v27;
	v30 =	vsel vm5, v27, v55  }
0x23f: {  	v31 =	vsel vm5, v7, v56;
	v7 =	vsel vm5, v56, v7;
	v8 =	vnsel vm7, $0x2F, v61  }
0x240: {  	vm11 =	vgt.f32 v37, v9;
	vm6 =	vgt.f32 v29, v57;
	v38 =	vsel vm9, v8, v63  }
0x241: {  	v8 =	vsel vm9, v63, v8;
	v40 =	vsel vm11, v9, v37;
	v9 =	vsel vm11, v37, v9  }
0x242: {  	vm15 =	vgt.f32 v41, v2;
	v32 =	vsel vm6, v29, v57;
	v11 =	vsel vm6, v57, v29  }
0x243: {  	v33 =	vsel vm6, v7, v59;
	v7 =	vsel vm6, v59, v7;
	v39 =	vsel vm10, v8, v14  }
0x244: {  	v8 =	vsel vm10, v14, v8;
	vm12 =	vgt.f32 v40, v10;
	v48 =	vsel vm15, v2, v41  }
0x245: {  	v2 =	vsel vm15, v41, v2;
	v50 =	vsel vm15, $0x30, v36;
	vm8 =	vgt.f32 v11, v4  }
0x246: {  	v14 =	vsel vm11, v8, v26;
	v8 =	vsel vm11, v26, v8;
	v42 =	vsel vm12, v10, v40  }
0x247: {  	v55 =	vld [tilespmem:s15+$0x3080];
	v10 =	vsel vm12, v40, v10;
	vm5 =	vgt.f32 v48, v5;
	v4 =	vsel vm8, v11, v4  }
0x248: {  	v3 =	vsel vm8, v7, v3;
	v43 =	vsel vm12, v8, v28;
	vm13 =	vgt.f32 v42, v30  }
0x249: {  	v8 =	vsel vm12, v28, v8;
	v49 =	vsel vm5, v5, v48;
	v11 =	vnsel vm15, $0x30, v36  }
0x24a: {  	v5 =	vsel vm5, v48, v5;
	v44 =	vsel vm13, v42, v30;
	v16 =	vsel vm13, v30, v42  }
0x24b: {  	v45 =	vsel vm13, v8, v31;
	v8 =	vsel vm13, v31, v8;
	vm6 =	vgt.f32 v49, v6  }
0x24c: {  	v51 =	vsel vm5, v11, v38;
	v11 =	vsel vm5, v38, v11;
	vm11 =	vgt.f32 v55, v2  }
0x24d: {  	vm14 =	vgt.f32 v16, v32;
	v52 =	vsel vm6, v6, v49;
	v6 =	vsel vm6, v49, v6  }
0x24e: {  	v53 =	vsel vm6, v11, v39;
	v7 =	vsel vm6, v39, v11;
	v62 =	vsel vm11, v2, v55  }
0x24f: {  	v2 =	vsel vm11, v55, v2;
	v24 =	vsel vm11, $0x31, v50;
	v12 =	vnsel vm11, $0x31, v50  }
0x250: {  	v46 =	vsel vm14, v16, v32;
	v15 =	vsel vm14, v32, v16;
	v47 =	vsel vm14, v8, v33  }
0x251: {  	v28 =	vld [tilespmem:s15+$0x3100];
	v8 =	vsel vm14, v33, v8;
	vm7 =	vgt.f32 v52, v9;
	vm13 =	vgt.f32 v62, v5  }
0x252: {  	vm4 =	vgt.f32 v15, v4;
	v54 =	vsel vm7, v9, v52;
	v9 =	vsel vm7, v52, v9  }
0x253: {  	v56 =	vsel vm7, v7, v14;
	v7 =	vsel vm7, v14, v7;
	v23 =	vsel vm13, v5, v62  }
0x254: {  	v5 =	vsel vm13, v62, v5;
	v26 =	vsel vm13, v12, v51;
	v12 =	vsel vm13, v51, v12  }
0x255: {  	v4 =	vsel vm4, v15, v4;
	v3 =	vsel vm4, v8, v3;
	vm8 =	vgt.f32 v54, v10  }
0x256: {  	vm14 =	vgt.f32 v23, v6;
	vm7 =	vgt.f32 v28, v2;
	v57 =	vsel vm8, v54, v10  }
0x257: {  	v10 =	vsel vm8, v10, v54;
	v58 =	vsel vm8, v7, v43;
	v7 =	vsel vm8, v43, v7  }
0x258: {  	v25 =	vsel vm14, v6, v23;
	v6 =	vsel vm14, v23, v6;
	v15 =	vsel vm14, v12, v53  }
0x259: {  	v8 =	vsel vm14, v53, v12;
	v37 =	vsel vm7, v2, v28;
	v2 =	vsel vm7, v28, v2  }
0x25a: {  	v39 =	vsel vm7, $0x32, v24;
	v23 =	vimm.s32 $0x0;
	vm9 =	vgt.f32 v10, v44  }
0x25b: {  	vm15 =	vgt.f32 v25, v9;
	v59 =	vsel vm9, v10, v44;
	v10 =	vsel vm9, v44, v10  }
0x25c: {  	v60 =	vsel vm9, v7, v45;
	v7 =	vsel vm9, v45, v7;
	v27 =	vsel vm15, v9, v25  }
0x25d: {  	v9 =	vsel vm15, v25, v9;
	v29 =	vsel vm15, v8, v56;
	v8 =	vsel vm15, v56, v8  }
0x25e: {  	vm9 =	vgt.f32 v37, v5;
	vm10 =	vgt.f32 v10, v46;
	vm4 =	vgt.f32 v27, v57  }
0x25f: {  	v38 =	vsel vm9, v5, v37;
	v5 =	vsel vm9, v37, v5;
	v61 =	vsel vm10, v10, v46  }
0x260: {  	v10 =	vsel vm10, v46, v10;
	v63 =	vsel vm10, v7, v47;
	v7 =	vsel vm10, v47, v7  }
0x261: {  	v30 =	vsel vm4, v57, v27;
	v31 =	vsel vm4, v8, v58;
	v8 =	vsel vm4, v58, v8  }
0x262: {  	vm10 =	vgt.f32 v38, v6;
	vm12 =	vgt.f32 v10, v4;
	vm5 =	vgt.f32 v30, v59  }
0x263: {  	v44 =	vld [tilespmem:s15+$0x3180];
	v40 =	vsel vm10, v6, v38;
	v6 =	vsel vm10, v38, v6;
	v4 =	vsel vm12, v10, v4  }
0x264: {  	v3 =	vsel vm12, v7, v3;
	v10 =	vsel vm4, v27, v57;
	v32 =	vsel vm5, v59, v30  }
0x265: {  	v33 =	vsel vm5, v30, v59;
	v34 =	vsel vm5, v8, v60;
	v8 =	vsel vm5, v60, v8  }
0x266: {  	v7 =	vnsel vm7, $0x32, v24;
	vm11 =	vgt.f32 v40, v9;
	vm6 =	vgt.f32 v32, v61  }
0x267: {  	v41 =	vsel vm9, v7, v26;
	v7 =	vsel vm9, v26, v7;
	v43 =	vsel vm11, v9, v40  }
0x268: {  	v9 =	vsel vm11, v40, v9;
	vm15 =	vgt.f32 v44, v2;
	v35 =	vsel vm6, v32, v61  }
0x269: {  	v58 =	vld [tilespmem:s15+$0x3200];
	v11 =	vsel vm6, v61, v32;
	v36 =	vsel vm6, v8, v63;
	v8 =	vsel vm6, v63, v8  }
0x26a: {  	v42 =	vsel vm10, v7, v15;
	v7 =	vsel vm10, v15, v7;
	vm12 =	vgt.f32 v43, v10  }
0x26b: {  	v51 =	vsel vm15, v2, v44;
	v2 =	vsel vm15, v44, v2;
	v53 =	vsel vm15, $0x33, v39  }
0x26c: {  	vm8 =	vgt.f32 v11, v4;
	v15 =	vsel vm11, v7, v29;
	v7 =	vsel vm11, v29, v7  }
0x26d: {  	v45 =	vsel vm12, v10, v43;
	v10 =	vsel vm12, v43, v10;
	vm5 =	vgt.f32 v51, v5  }
0x26e: {  	vm11 =	vgt.f32 v58, v2;
	v4 =	vsel vm8, v11, v4;
	v3 =	vsel vm8, v8, v3  }
0x26f: {  	v46 =	vsel vm12, v7, v31;
	vm13 =	vgt.f32 v45, v33;
	v7 =	vsel vm12, v31, v7  }
0x270: {  	v52 =	vsel vm5, v5, v51;
	v11 =	vnsel vm15, $0x33, v39;
	v5 =	vsel vm5, v51, v5  }
0x271: {  	v25 =	vsel vm11, v2, v58;
	v2 =	vsel vm11, v58, v2;
	v28 =	vsel vm11, $0x34, v53  }
0x272: {  	v12 =	vnsel vm11, $0x34, v53;
	v47 =	vsel vm13, v45, v33;
	v16 =	vsel vm13, v33, v45  }
0x273: {  	v48 =	vsel vm13, v7, v34;
	v7 =	vsel vm13, v34, v7;
	vm6 =	vgt.f32 v52, v6  }
0x274: {  	v54 =	vsel vm5, v11, v41;
	v11 =	vsel vm5, v41, v11;
	vm13 =	vgt.f32 v25, v5  }
0x275: {  	vm14 =	vgt.f32 v16, v35;
	v55 =	vsel vm6, v6, v52;
	v6 =	vsel vm6, v52, v6  }
0x276: {  	v56 =	vsel vm6, v11, v42;
	v8 =	vsel vm6, v42, v11;
	v27 =	vsel vm13, v5, v25  }
0x277: {  	v32 =	vld [tilespmem:s15+$0x3280];
	v5 =	vsel vm13, v25, v5;
	v30 =	vsel vm13, v12, v54;
	v12 =	vsel vm13, v54, v12  }
0x278: {  	v49 =	vsel vm14, v16, v35;
	v13 =	vsel vm14, v35, v16;
	v50 =	vsel vm14, v7, v36  }
0x279: {  	v7 =	vsel vm14, v36, v7;
	vm7 =	vgt.f32 v55, v9;
	vm14 =	vgt.f32 v27, v6  }
0x27a: {  	vm4 =	vgt.f32 v13, v4;
	v57 =	vsel vm7, v9, v55;
	v9 =	vsel vm7, v55, v9  }
0x27b: {  	v59 =	vsel vm7, v8, v15;
	v8 =	vsel vm7, v15, v8;
	v29 =	vsel vm14, v6, v27  }
0x27c: {  	v6 =	vsel vm14, v27, v6;
	vm7 =	vgt.f32 v32, v2;
	v4 =	vsel vm4, v13, v4  }
0x27d: {  	v3 =	vsel vm4, v7, v3;
	vm8 =	vgt.f32 v57, v10;
	vm15 =	vgt.f32 v29, v9  }
0x27e: {  	v13 =	vsel vm14, v12, v56;
	v7 =	vsel vm14, v56, v12;
	v41 =	vsel vm7, v2, v32  }
0x27f: {  	v2 =	vsel vm7, v32, v2;
	v43 =	vsel vm7, $0x35, v28;
	v60 =	vsel vm8, v57, v10  }
0x280: {  	v10 =	vsel vm8, v10, v57;
	v61 =	vsel vm8, v8, v46;
	v8 =	vsel vm8, v46, v8  }
0x281: {  	v31 =	vsel vm15, v9, v29;
	v9 =	vsel vm15, v29, v9;
	v33 =	vsel vm15, v7, v59  }
0x282: {  	v7 =	vsel vm15, v59, v7;
	vm9 =	vgt.f32 v10, v47;
	vm4 =	vgt.f32 v31, v60  }
0x283: {  	v62 =	vsel vm9, v10, v47;
	v10 =	vsel vm9, v47, v10;
	v63 =	vsel vm9, v8, v48  }
0x284: {  	v8 =	vsel vm9, v48, v8;
	v34 =	vsel vm4, v60, v31;
	v35 =	vsel vm4, v7, v61  }
0x285: {  	v7 =	vsel vm4, v61, v7;
	vm9 =	vgt.f32 v41, v5;
	vm10 =	vgt.f32 v10, v49  }
0x286: {  	vm5 =	vgt.f32 v34, v62;
	v42 =	vsel vm9, v5, v41;
	v5 =	vsel vm9, v41, v5  }
0x287: {  	v24 =	vsel vm10, v10, v49;
	v10 =	vsel vm10, v49, v10;
	v26 =	vsel vm10, v8, v50  }
0x288: {  	v8 =	vsel vm10, v50, v8;
	v36 =	vsel vm5, v62, v34;
	v37 =	vsel vm5, v34, v62  }
0x289: {  	v38 =	vsel vm5, v7, v63;
	v7 =	vsel vm5, v63, v7;
	vm10 =	vgt.f32 v42, v6  }
0x28a: {  	vm12 =	vgt.f32 v10, v4;
	vm6 =	vgt.f32 v36, v24;
	v44 =	vsel vm10, v6, v42  }
0x28b: {  	v48 =	vld [tilespmem:s15+$0x3300];
	v6 =	vsel vm10, v42, v6;
	v4 =	vsel vm12, v10, v4;
	v3 =	vsel vm12, v8, v3  }
0x28c: {  	v10 =	vsel vm4, v31, v60;
	v39 =	vsel vm6, v36, v24;
	v11 =	vsel vm6, v24, v36  }
0x28d: {  	v40 =	vsel vm6, v7, v26;
	v7 =	vsel vm6, v26, v7;
	v8 =	vnsel vm7, $0x35, v28  }
0x28e: {  	vm11 =	vgt.f32 v44, v9;
	vm8 =	vgt.f32 v11, v4;
	v45 =	vsel vm9, v8, v30  }
0x28f: {  	v8 =	vsel vm9, v30, v8;
	v47 =	vsel vm11, v9, v44;
	v9 =	vsel vm11, v44, v9  }
0x290: {  	v62 =	vld [tilespmem:s15+$0x3380];
	vm15 =	vgt.f32 v48, v2;
	v4 =	vsel vm8, v11, v4;
	v3 =	vsel vm8, v7, v3  }
0x291: {  	v46 =	vsel vm10, v8, v13;
	v8 =	vsel vm10, v13, v8;
	vm12 =	vgt.f32 v47, v10  }
0x292: {  	v55 =	vsel vm15, v2, v48;
	v2 =	vsel vm15, v48, v2;
	v57 =	vsel vm15, $0x36, v43  }
0x293: {  	v11 =	vnsel vm15, $0x36, v43;
	v13 =	vsel vm11, v8, v33;
	v8 =	vsel vm11, v33, v8  }
0x294: {  	v49 =	vsel vm12, v10, v47;
	v10 =	vsel vm12, v47, v10;
	vm5 =	vgt.f32 v55, v5  }
0x295: {  	vm11 =	vgt.f32 v62, v2;
	v50 =	vsel vm12, v8, v35;
	vm13 =	vgt.f32 v49, v37  }
0x296: {  	v8 =	vsel vm12, v35, v8;
	v56 =	vsel vm5, v5, v55;
	v5 =	vsel vm5, v55, v5  }
0x297: {  	v58 =	vsel vm5, v11, v45;
	v11 =	vsel vm5, v45, v11;
	v29 =	vsel vm11, v2, v62  }
0x298: {  	v2 =	vsel vm11, v62, v2;
	v32 =	vsel vm11, $0x37, v57;
	v12 =	vnsel vm11, $0x37, v57  }
0x299: {  	v51 =	vsel vm13, v49, v37;
	v16 =	vsel vm13, v37, v49;
	v52 =	vsel vm13, v8, v38  }
0x29a: {  	v8 =	vsel vm13, v38, v8;
	vm6 =	vgt.f32 v56, v6;
	vm13 =	vgt.f32 v29, v5  }
0x29b: {  	vm14 =	vgt.f32 v16, v39;
	v59 =	vsel vm6, v6, v56;
	v6 =	vsel vm6, v56, v6  }
0x29c: {  	v60 =	vsel vm6, v11, v46;
	v7 =	vsel vm6, v46, v11;
	v31 =	vsel vm13, v5, v29  }
0x29d: {  	v36 =	vld [tilespmem:s15+$0x3800];
	v5 =	vsel vm13, v29, v5;
	v34 =	vsel vm13, v12, v58;
	v12 =	vsel vm13, v58, v12  }
0x29e: {  	v53 =	vsel vm14, v16, v39;
	v14 =	vsel vm14, v39, v16;
	v54 =	vsel vm14, v8, v40  }
0x29f: {  	v8 =	vsel vm14, v40, v8;
	vm7 =	vgt.f32 v59, v9;
	vm14 =	vgt.f32 v31, v6  }
0x2a0: {  	vm4 =	vgt.f32 v14, v4;
	v61 =	vsel vm7, v9, v59;
	v9 =	vsel vm7, v59, v9  }
0x2a1: {  	v63 =	vsel vm7, v7, v13;
	v7 =	vsel vm7, v13, v7;
	v33 =	vsel vm14, v6, v31  }
0x2a2: {  	v6 =	vsel vm14, v31, v6;
	vm7 =	vgt.f32 v36, v2;
	v4 =	vsel vm4, v14, v4  }
0x2a3: {  	v3 =	vsel vm4, v8, v3;
	vm8 =	vgt.f32 v61, v10;
	vm15 =	vgt.f32 v33, v9  }
0x2a4: {  	v14 =	vsel vm14, v12, v60;
	v8 =	vsel vm14, v60, v12;
	v45 =	vsel vm7, v2, v36  }
0x2a5: {  	v2 =	vsel vm7, v36, v2;
	v47 =	vsel vm7, $0x38, v32;
	v24 =	vsel vm8, v61, v10  }
0x2a6: {  	v10 =	vsel vm8, v10, v61;
	v25 =	vsel vm8, v7, v50;
	v7 =	vsel vm8, v50, v7  }
0x2a7: {  	v35 =	vsel vm15, v9, v33;
	v9 =	vsel vm15, v33, v9;
	v37 =	vsel vm15, v8, v63  }
0x2a8: {  	v8 =	vsel vm15, v63, v8;
	vm9 =	vgt.f32 v10, v51;
	vm4 =	vgt.f32 v35, v24  }
0x2a9: {  	v26 =	vsel vm9, v10, v51;
	v10 =	vsel vm9, v51, v10;
	v27 =	vsel vm9, v7, v52  }
0x2aa: {  	v7 =	vsel vm9, v52, v7;
	v38 =	vsel vm4, v24, v35;
	v39 =	vsel vm4, v8, v25  }
0x2ab: {  	v8 =	vsel vm4, v25, v8;
	vm9 =	vgt.f32 v45, v5;
	vm10 =	vgt.f32 v10, v53  }
0x2ac: {  	vm5 =	vgt.f32 v38, v26;
	v46 =	vsel vm9, v5, v45;
	v5 =	vsel vm9, v45, v5  }
0x2ad: {  	v28 =	vsel vm10, v10, v53;
	v10 =	vsel vm10, v53, v10;
	v30 =	vsel vm10, v7, v54  }
0x2ae: {  	v7 =	vsel vm10, v54, v7;
	v40 =	vsel vm5, v26, v38;
	v41 =	vsel vm5, v38, v26  }
0x2af: {  	v42 =	vsel vm5, v8, v27;
	v8 =	vsel vm5, v27, v8;
	vm10 =	vgt.f32 v46, v6  }
0x2b0: {  	vm12 =	vgt.f32 v10, v4;
	vm6 =	vgt.f32 v40, v28;
	v48 =	vsel vm10, v6, v46  }
0x2b1: {  	v52 =	vld [tilespmem:s15+$0x3880];
	v6 =	vsel vm10, v46, v6;
	v4 =	vsel vm12, v10, v4;
	v3 =	vsel vm12, v7, v3  }
0x2b2: {  	v10 =	vsel vm4, v35, v24;
	v43 =	vsel vm6, v40, v28;
	v11 =	vsel vm6, v28, v40  }
0x2b3: {  	v44 =	vsel vm6, v8, v30;
	v8 =	vsel vm6, v30, v8;
	v7 =	vnsel vm7, $0x38, v32  }
0x2b4: {  	vm11 =	vgt.f32 v48, v9;
	vm8 =	vgt.f32 v11, v4;
	v49 =	vsel vm9, v7, v34  }
0x2b5: {  	v7 =	vsel vm9, v34, v7;
	v51 =	vsel vm11, v9, v48;
	v9 =	vsel vm11, v48, v9  }
0x2b6: {  	v26 =	vld [tilespmem:s15+$0x3900];
	vm15 =	vgt.f32 v52, v2;
	v4 =	vsel vm8, v11, v4;
	v3 =	vsel vm8, v8, v3  }
0x2b7: {  	v50 =	vsel vm10, v7, v14;
	v7 =	vsel vm10, v14, v7;
	vm12 =	vgt.f32 v51, v10  }
0x2b8: {  	v59 =	vsel vm15, v2, v52;
	v2 =	vsel vm15, v52, v2;
	v61 =	vsel vm15, $0x39, v47  }
0x2b9: {  	v11 =	vnsel vm15, $0x39, v47;
	v14 =	vsel vm11, v7, v37;
	v7 =	vsel vm11, v37, v7  }
0x2ba: {  	v53 =	vsel vm12, v10, v51;
	v10 =	vsel vm12, v51, v10;
	vm5 =	vgt.f32 v59, v5  }
0x2bb: {  	vm11 =	vgt.f32 v26, v2;
	v54 =	vsel vm12, v7, v39;
	vm13 =	vgt.f32 v53, v41  }
0x2bc: {  	v7 =	vsel vm12, v39, v7;
	v60 =	vsel vm5, v5, v59;
	v5 =	vsel vm5, v59, v5  }
0x2bd: {  	v62 =	vsel vm5, v11, v49;
	v11 =	vsel vm5, v49, v11;
	v33 =	vsel vm11, v2, v26  }
0x2be: {  	v2 =	vsel vm11, v26, v2;
	v12 =	vnsel vm11, $0x3A, v61;
	v55 =	vsel vm13, v53, v41  }
0x2bf: {  	v16 =	vsel vm13, v41, v53;
	v56 =	vsel vm13, v7, v42;
	v7 =	vsel vm13, v42, v7  }
0x2c0: {  	vm6 =	vgt.f32 v60, v6;
	vm13 =	vgt.f32 v33, v5;
	vm14 =	vgt.f32 v16, v43  }
0x2c1: {  	v63 =	vsel vm6, v6, v60;
	v6 =	vsel vm6, v60, v6;
	v24 =	vsel vm6, v11, v50  }
0x2c2: {  	v8 =	vsel vm6, v50, v11;
	v35 =	vsel vm13, v5, v33;
	v5 =	vsel vm13, v33, v5  }
0x2c3: {  	v37 =	vsel vm13, v12, v62;
	v12 =	vsel vm13, v62, v12;
	v62 =	vimm.s32 $0x0  }
0x2c4: {  	v57 =	vsel vm14, v16, v43;
	v15 =	vsel vm14, v43, v16;
	v58 =	vsel vm14, v7, v44  }
0x2c5: {  	v39 =	vld [tilespmem:s15+$0x3980];
	v7 =	vsel vm14, v44, v7;
	vm7 =	vgt.f32 v63, v9;
	vm14 =	vgt.f32 v35, v6  }
0x2c6: {  	vm4 =	vgt.f32 v15, v4;
	v25 =	vsel vm7, v9, v63;
	v9 =	vsel vm7, v63, v9  }
0x2c7: {  	v27 =	vsel vm7, v8, v14;
	v8 =	vsel vm7, v14, v8;
	v36 =	vsel vm14, v6, v35  }
0x2c8: {  	v6 =	vsel vm14, v35, v6;
	v4 =	vsel vm4, v15, v4;
	v3 =	vsel vm4, v7, v3  }
0x2c9: {  	vm8 =	vgt.f32 v25, v10;
	vm15 =	vgt.f32 v36, v9;
	v15 =	vsel vm14, v12, v24  }
0x2ca: {  	v7 =	vsel vm14, v24, v12;
	vm0 =	vgt.f32 v39, v2;
	v24 =	vimm.s32 $0x0  }
0x2cb: {  	v51 =	vld [tilespmem:s15+$0x3A00];
	v28 =	vsel vm8, v25, v10;
	v10 =	vsel vm8, v10, v25;
	v29 =	vsel vm8, v8, v54  }
0x2cc: {  	v8 =	vsel vm8, v54, v8;
	v38 =	vsel vm15, v9, v36;
	v9 =	vsel vm15, v36, v9  }
0x2cd: {  	v40 =	vsel vm15, v7, v27;
	v7 =	vsel vm15, v27, v7;
	v48 =	vsel vm0, v2, v39  }
0x2ce: {  	v12 =	vsel vm0, v39, v2;
	v25 =	vimm.s32 $0x0;
	v27 =	vimm.s32 $0x0  }
0x2cf: {  	vm9 =	vgt.f32 v10, v55;
	vm4 =	vgt.f32 v38, v28;
	vm8 =	vgt.f32 v48, v5  }
0x2d0: {  	vm13 =	vgt.f32 v51, v12;
	v30 =	vsel vm9, v10, v55;
	v10 =	vsel vm9, v55, v10  }
0x2d1: {  	v31 =	vsel vm9, v8, v56;
	v8 =	vsel vm9, v56, v8;
	v41 =	vsel vm4, v28, v38  }
0x2d2: {  	v42 =	vsel vm4, v7, v29;
	v7 =	vsel vm4, v29, v7;
	v55 =	vsel vm13, v12, v51  }
0x2d3: {  	v23 =	vsel vm13, $0xFFFFFFFF, v23;
	v12 =	vsel vm13, v51, v12;
	vm10 =	vgt.f32 v10, v57  }
0x2d4: {  	v29 =	vimm.s32 $0x0;
	vm5 =	vgt.f32 v41, v30;
	v32 =	vsel vm10, v10, v57  }
0x2d5: {  	v10 =	vsel vm10, v57, v10;
	v34 =	vsel vm10, v8, v58;
	v8 =	vsel vm10, v58, v8  }
0x2d6: {  	v43 =	vsel vm5, v30, v41;
	v44 =	vsel vm5, v41, v30;
	v45 =	vsel vm5, v7, v31  }
0x2d7: {  	v7 =	vsel vm5, v31, v7;
	v31 =	vimm.s32 $0x0;
	vm12 =	vgt.f32 v10, v4  }
0x2d8: {  	v56 =	vld [tilespmem:s15+$0x3A80];
	vm6 =	vgt.f32 v43, v32;
	v4 =	vsel vm12, v10, v4;
	v3 =	vsel vm12, v8, v3  }
0x2d9: {  	v8 =	vsel vm11, $0x3A, v61;
	v10 =	vsel vm4, v38, v28;
	v46 =	vsel vm6, v43, v32  }
0x2da: {  	v11 =	vsel vm6, v32, v43;
	v47 =	vsel vm6, v7, v34;
	v7 =	vsel vm6, v34, v7  }
0x2db: {  	v61 =	vimm.s32 $0x0;
	v34 =	vimm.s32 $0x0;
	v38 =	vimm.s32 $0x0  }
0x2dc: {  	v43 =	vimm.s32 $0x0;
	vm7 =	vgt.f32 v11, v4;
	v49 =	vnsel vm0, $0x3B, v8  }
0x2dd: {  	vm2 =	vgt.f32 v56, v12;
	v8 =	vsel vm0, $0x3B, v8;
	v11 =	vsel vm7, v11, v4  }
0x2de: {  	v7 =	vsel vm7, v7, v3;
	v3 =	vsel vm8, v5, v48;
	v5 =	vsel vm8, v48, v5  }
0x2df: {  	v2 =	vsel vm8, v49, v37;
	v4 =	vsel vm8, v37, v49;
	v63 =	vsel vm2, v12, v56  }
0x2e0: {  	v37 =	vimm.s32 $0x0;
	v12 =	vsel vm2, v56, v12;
	vm9 =	vgt.f32 v3, v6  }
0x2e1: {  	vm14 =	vgt.f32 v55, v5;
	v50 =	vsel vm9, v6, v3;
	v6 =	vsel vm9, v3, v6  }
0x2e2: {  	v3 =	vsel vm9, v4, v15;
	v15 =	vsel vm9, v15, v4;
	v57 =	vsel vm14, v5, v55  }
0x2e3: {  	v24 =	vsel vm14, $0xFFFFFFFF, v24;
	v5 =	vsel vm14, v55, v5;
	vm10 =	vgt.f32 v50, v9  }
0x2e4: {  	vm5 =	vgt.f32 v57, v6;
	v52 =	vsel vm10, v9, v50;
	v9 =	vsel vm10, v50, v9  }
0x2e5: {  	v4 =	vsel vm10, v15, v40;
	v15 =	vsel vm10, v40, v15;
	v59 =	vsel vm5, v6, v57  }
0x2e6: {  	v25 =	vsel vm5, $0xFFFFFFFF, v25;
	v6 =	vsel vm5, v57, v6;
	vm11 =	vgt.f32 v52, v10  }
0x2e7: {  	v57 =	vimm.s32 $0x0;
	vm9 =	vgt.f32 v59, v9;
	v53 =	vsel vm11, v52, v10  }
0x2e8: {  	v10 =	vsel vm11, v10, v52;
	v20 =	vsel vm11, v15, v42;
	v14 =	vsel vm11, v42, v15  }
0x2e9: {  	v60 =	vsel vm9, v9, v59;
	v22 =	vsel vm9, $0xFFFFFFFF, v61;
	vm11 =	vgt.f32 v63, v5  }
0x2ea: {  	v9 =	vsel vm9, v59, v9;
	v59 =	vimm.s32 $0x0;
	v61 =	vimm.s32 $0x0  }
0x2eb: {  	vm12 =	vgt.f32 v10, v44;
	[tilespmem:$0x1FF10] =	vst v22;
	vm10 =	vgt.f32 v60, v53;
	v22 =	vsel vm2, $0xFFFFFFFF, v27  }
0x2ec: {  	v30 =	vsel vm11, v5, v63;
	v54 =	vsel vm12, v10, v44;
	v10 =	vsel vm12, v44, v10  }
0x2ed: {  	v18 =	vsel vm12, v14, v45;
	v14 =	vsel vm12, v45, v14;
	v21 =	vsel vm10, $0xFFFFFFFF, v62  }
0x2ee: {  	[tilespmem:$0x1FF40] =	vst v22;
	v28 =	vsel vm10, v53, v60;
	vm12 =	vmmov vm11;
	v22 =	vsel vm11, $0xFFFFFFFF, v31  }
0x2ef: {  	vm13 =	vgt.f32 v30, v6;
	v62 =	vimm.s32 $0x0;
	vm15 =	vgt.f32 v10, v46  }
0x2f0: {  	vm6 =	vgt.f32 v28, v54;
	[tilespmem:$0x1FF50] =	vst v22;
	v33 =	vsel vm13, v6, v30;
	v22 =	vsel vm13, $0xFFFFFFFF, v34  }
0x2f1: {  	v5 =	vsel vm12, v63, v5;
	v6 =	vsel vm13, v30, v6;
	v58 =	vsel vm15, v10, v46  }
0x2f2: {  	v35 =	vld [tilespmem:s15+$0x3B00];
	v10 =	vsel vm15, v46, v10;
	v13 =	vsel vm15, v14, v47;
	v14 =	vsel vm15, v47, v14  }
0x2f3: {  	v19 =	vsel vm6, $0xFFFFFFFF, v29;
	v32 =	vsel vm6, v54, v28;
	vm14 =	vgt.f32 v33, v9  }
0x2f4: {  	[tilespmem:$0x1FF00] =	vst v25;
	v47 =	vimm.s32 $0x0;
	vm8 =	vgt.f32 v10, v11;
	v25 =	vsel vm14, $0xFFFFFFFF, v37  }
0x2f5: {  	v39 =	vsel vm14, v9, v33;
	v9 =	vsel vm14, v33, v9;
	v37 =	vmov s14  }
0x2f6: {  	v44 =	vld [tilespmem:s15+$0x3B80];
	v10 =	vsel vm8, v10, v11;
	v7 =	vsel vm8, v14, v7;
	v11 =	vsel vm10, v60, v53  }
0x2f7: {  	vm10 =	vgt.f32 v32, v58;
	v14 =	vsel vm6, v28, v54;
	vm8 =	vgt.f32 v35, v12  }
0x2f8: {  	v36 =	vsel vm10, v58, v32;
	v17 =	vsel vm10, v32, v58;
	vm11 =	vgt.f32 v39, v11  }
0x2f9: {  	[tilespmem:$0x1FF20] =	vst v21;
	v42 =	vsel vm8, v12, v35;
	v21 =	vsel vm8, $0xFFFFFFFF, v43;
	v12 =	vsel vm8, v35, v12  }
0x2fa: {  	vm15 =	vgt.f32 v36, v10;
	v40 =	vsel vm11, v11, v39;
	v11 =	vsel vm11, v39, v11  }
0x2fb: {  	[tilespmem:$0x1FEF0] =	vst v24;
	vm12 =	vgt.f32 v42, v5;
	vm7 =	vgt.f32 v44, v12;
	v24 =	vsel vm15, $0xFFFFFFFF, v38  }
0x2fc: {  	v10 =	vsel vm15, v36, v10;
	vm6 =	vgt.f32 v40, v14;
	v46 =	vsel vm12, v5, v42  }
0x2fd: {  	v5 =	vsel vm12, v42, v5;
	v50 =	vsel vm7, v12, v44;
	v12 =	vsel vm7, v44, v12  }
0x2fe: {  	v41 =	vsel vm6, v14, v40;
	v14 =	vsel vm6, v40, v14;
	vm5 =	vgt.f32 v46, v6  }
0x2ff: {  	vm8 =	vgt.f32 v50, v5;
	vm2 =	vgt.f32 v41, v17;
	v48 =	vsel vm5, v6, v46  }
0x300: {  	v6 =	vsel vm5, v46, v6;
	v51 =	vsel vm8, v50, v5;
	v5 =	vsel vm8, v5, v50  }
0x301: {  	v45 =	vsel vm2, v17, v41;
	v16 =	vsel vm2, v41, v17;
	vm3 =	vgt.f32 v48, v9  }
0x302: {  	vm9 =	vgt.f32 v45, v10;
	v49 =	vsel vm3, v48, v9;
	v9 =	vsel vm3, v9, v48  }
0x303: {  	[tilespmem:$0x1FFA0] =	vst v21;
	v21 =	vadd.f32 v51, v12;
	v17 =	vsel vm9, $0xFFFFFFFF, v47;
	vm4 =	vgt.f32 v9, v11  }
0x304: {  	v10 =	vsel vm9, v45, v10;
	vm9 =	vgt.f32 v5, v6;
	v52 =	vsel vm4, v9, v11  }
0x305: {  	v9 =	vsel vm4, v11, v9;
	v53 =	vsel vm9, v5, v6;
	v5 =	vsel vm9, v6, v5  }
0x306: {  	v54 =	vadd.f32 v53, v21;
	vm15 =	vgt.f32 v9, v14;
	vm14 =	vgt.f32 v5, v49  }
0x307: {  	v55 =	vsel vm15, v9, v14;
	v56 =	vsel vm14, v5, v49;
	v5 =	vsel vm14, v49, v5  }
0x308: {  	[tilespmem:$0x1FEE0] =	vst v23;
	v9 =	vsel vm15, v14, v9;
	v6 =	vadd.f32 v56, v54;
	vm13 =	vgt.f32 v5, v52  }
0x309: {  	v23 =	vld [tilespmem:$0x1FEE0];
	[tilespmem:$0x1FF30] =	vst v19;
	vm1 =	vgt.f32 v9, v16;
	v14 =	vsel vm13, v5, v52;
	v5 =	vsel vm13, v52, v5  }
0x30a: {  	[tilespmem:$0x1FF60] =	vst v24;
	v24 =	vimm.s32 $0x0;
	v58 =	vsel vm1, v9, v16;
	vm0 =	vgt.f32 v5, v55  }
0x30b: {  	[tilespmem:$0x1FF80] =	vst v25;
	v9 =	vsel vm1, v16, v9;
	v6 =	vadd.f32 v14, v6;
	v19 =	vsel vm0, $0xFFFFFFFF, v59  }
0x30c: {  	v25 =	vld [tilespmem:$0x1FEF0];
	[tilespmem:$0x1FF90] =	vst v17;
	v60 =	vsel vm0, v5, v55;
	v5 =	vsel vm0, v55, v5;
	vm0 =	vgt.f32 v9, v10  }
0x30d: {  	v26 =	vld [tilespmem:$0x1FF00];
	v17 =	vsel vm1, $0xFFFFFFFF, v57;
	[tilespmem:$0x1FFC0] =	vst v19;
	v6 =	vadd.f32 v60, v6;
	v19 =	vsel vm0, $0xFFFFFFFF, v61  }
0x30e: {  	v30 =	vld [tilespmem:$0x1FF40];
	vm1 =	vgt.f32 v5, v58;
	v9 =	vsel vm0, v9, v10;
	vm0 =	vnez.u8 v23  }
0x30f: {  	v27 =	vld [tilespmem:$0x1FF10];
	v10 =	vsel vm1, $0xFFFFFFFF, v62;
	v63 =	vsel vm1, v5, v58;
	v5 =	vsel vm1, v58, v5  }
0x310: {  	v28 =	vld [tilespmem:$0x1FF20];
	[tilespmem:$0x1FFB0] =	vst v17;
	v17 =	vnsel vm0, $0x3C, v8;
	v8 =	vsel vm0, $0x3C, v8;
	vm1 =	vgt.f32 v5, v9  }
0x311: {  	v29 =	vld [tilespmem:$0x1FF30];
	vm0 =	vnez.u8 v25;
	v6 =	vadd.f32 v63, v6;
	v5 =	vsel vm1, v5, v9  }
0x312: {  	v9 =	vsel vm0, v2, v17;
	v2 =	vsel vm0, v17, v2;
	vm0 =	vnez.u8 v26  }
0x313: {  	v33 =	vld [tilespmem:$0x1FF60];
	[tilespmem:$0x1FFE0] =	vst v19;
	v19 =	vsel vm1, $0xFFFFFFFF, v24;
	vm1 =	vnez.u8 v30;
	v17 =	vsel vm0, v3, v9  }
0x314: {  	[tilespmem:$0x1FF70] =	vst v22;
	v32 =	vld [tilespmem:$0x1FF50];
	v6 =	vadd.f32 v5, v6;
	v3 =	vsel vm0, v9, v3;
	vm0 =	vnez.u8 v27  }
0x315: {  	v35 =	vld [tilespmem:$0x1FF70];
	v9 =	vsel vm0, v17, v4;
	v4 =	vsel vm0, v4, v17;
	vm0 =	vnez.u8 v28  }
0x316: {  	v36 =	vld [tilespmem:$0x1FF80];
	v17 =	vsel vm0, v4, v20;
	v4 =	vsel vm0, v20, v4;
	vm0 =	vnez.u8 v29  }
0x317: {  	v34 =	vsel vm1, $0x3D, v8;
	(erf) = vrcp.f32 v6;
	v6 =	vsel vm0, v4, v18  }
0x318: {  	v42 =	vld [tilespmem:$0x1FFA0];
	v4 =	vsel vm0, v18, v4;
	v18 =	vnsel vm1, $0x3D, v8;
	vm0 =	vnez.u8 v33  }
0x319: {  	v31 =	vsel vm10, v4, v13;
	v4 =	vsel vm10, v13, v4;
	vm10 =	vnez.u8 v32  }
0x31a: {  	v13 =	vsel vm10, v2, v18;
	v4 =	vsel vm0, v4, v7;
	vm0 =	vnez.u8 v35  }
0x31b: {  	v2 =	vsel vm10, v18, v2;
	vm10 =	vnez.u8 v36;
	v8 =	vsel vm0, v3, v13  }
0x31c: {  	v3 =	vsel vm0, v13, v3;
	v13 =	vsel vm10, v9, v8;
	v8 =	vsel vm10, v8, v9  }
0x31d: {  	v9 =	vshll.u32 v37, $0x7;
	vm10 =	vnez.u8 v42;
	v38 =	vsel vm11, v17, v13  }
0x31e: {  	v13 =	vsel vm11, v13, v17;
	v9 =	vor.u32 v1, v9;
	v18 =	vnsel vm10, $0x3E, v34  }
0x31f: {  	v7 =	vsel vm10, $0x3E, v34;
	v39 =	vsel vm6, v6, v38;
	v6 =	vsel vm6, v38, v6  }
0x320: {  	v43 =	vsel vm12, v2, v18;
	v45 =	vor.u32 $0x1, v9;
	v2 =	vsel vm12, v18, v2  }
0x321: {  	v48 =	vor.u32 $0x2, v9;
	v49 =	vsel vm7, $0x3F, v7;
	v46 =	vsel vm5, v3, v43  }
0x322: {  	v7 =	vnsel vm7, $0x3F, v7;
	v3 =	vsel vm5, v43, v3;
	v44 =	vpop (erf);
	v47 =	vsel vm3, v46, v8  }
0x323: {  	[tilespmem:$0x1FFD0] =	vst v10;
	v8 =	vsel vm3, v8, v46;
	v12 =	vmul.f32 v44, v12;
	v15 =	vmul.f32 v44, v51  }
0x324: {  	[tilespmem:$0x1FFF0] =	vst v19;
	v18 =	vsel vm4, v8, v13;
	v51 =	vsel vm8, v7, v2;
	v11 =	vmul.f32 v44, v53  }
0x325: {  	v62 =	vld [tilespmem:$0x1FFC0];
	v8 =	vsel vm4, v13, v8;
	v2 =	vsel vm8, v2, v7;
	[tilespmem:v9+s10+$0x0] =	vst.idx.msk $0xffff, v12  }
0x326: {  	v50 =	vor.u32 $0x3, v9;
	v54 =	vmul.f32 v44, v56;
	v14 =	vmul.f32 v44, v14;
	[tilespmem:v9+s11+$0x0] =	vst.idx.msk $0xffff, v49  }
0x327: {  	v52 =	vor.u32 $0x4, v9;
	v59 =	vmul.f32 v44, v60;
	v53 =	vsel vm9, v2, v3;
	[tilespmem:v45+s10+$0x0] =	vst.idx.msk $0xffff, v15  }
0x328: {  	v55 =	vor.u32 $0x5, v9;
	v2 =	vsel vm9, v3, v2;
	v3 =	vsel vm15, v8, v6;
	[tilespmem:v45+s11+$0x0] =	vst.idx.msk $0xffff, v51  }
0x329: {  	v57 =	vor.u32 $0x6, v9;
	v56 =	vsel vm14, v2, v47;
	v2 =	vsel vm14, v47, v2;
	[tilespmem:v48+s10+$0x0] =	vst.idx.msk $0xffff, v11  }
0x32a: {  	vm12 =	vnez.u8 v62;
	v60 =	vld [tilespmem:$0x1FFB0];
	v58 =	vsel vm13, v2, v18;
	v2 =	vsel vm13, v18, v2;
	[tilespmem:v48+s11+$0x0] =	vst.idx.msk $0xffff, v53  }
0x32b: {  	v61 =	vor.u32 $0x7, v9;
	v9 =	vsel vm12, v2, v3;
	v2 =	vsel vm12, v3, v2;
	v3 =	vld [tilespmem:$0x1FFD0];
	[tilespmem:v50+s10+$0x0] =	vst.idx.msk $0xffff, v54  }
0x32c: {  	[tilespmem:v50+s11+$0x0] =	vst.idx.msk $0xffff, v56  }
0x32d: {  	[tilespmem:v52+s10+$0x0] =	vst.idx.msk $0xffff, v14  }
0x32e: {  	v17 =	vsel vm2, v39, v31;
	[tilespmem:v52+s11+$0x0] =	vst.idx.msk $0xffff, v58  }
0x32f: {  	v41 =	vld [tilespmem:$0x1FF90];
	v10 =	vmul.f32 v44, v63;
	v6 =	vsel vm15, v6, v8;
	vm11 =	vnez.u8 v60;
	[tilespmem:v55+s10+$0x0] =	vst.idx.msk $0xffff, v59  }
0x330: {  	vm13 =	vnez.u8 v3;
	v14 =	vsel vm11, v6, v17;
	[tilespmem:v55+s11+$0x0] =	vst.idx.msk $0xffff, v9  }
0x331: {  	v63 =	vld [tilespmem:$0x1FFE0];
	v3 =	vsel vm13, v2, v14;
	[tilespmem:v57+s10+$0x0] =	vst.idx.msk $0xffff, v10  }
0x332: {  	[tilespmem:v57+s11+$0x0] =	vst.idx.msk $0xffff, v3;
	v3 =	vld [tilespmem:$0x1FFF0];
	_ =	sdelay $0x1  }
0x333: {  	p0 =	sne.s32 s14, $0xF0;
	vm6 =	vnez.u8 v41;
	v40 =	vsel vm2, v31, v39  }
.Ltmp0:
0x334: {  	v4 =	vsel vm6, v40, v4;
	(pc) =	sbr.rel @p0 .LBB2_2-.Ltmp0, $4  }
0x335: {  	v5 =	vmul.f32 v44, v5;
	vm14 =	vnez.u8 v63;
	v6 =	vsel vm11, v17, v6  }
0x336: {  	v4 =	vsel vm14, v6, v4;
	v2 =	vsel vm13, v14, v2;
	vm15 =	vnez.u8 v3  }
0x337: {  	[tilespmem:v61+s10+$0x0] =	vst.idx.msk $0xffff, v5;
	v2 =	vsel vm15, v2, v4  }
0x338: {  	s13 =	sadd.s32 $0x80, s13;
	s14 =	sadd.s32 $0x10, s14;
	[tilespmem:v61+s11+$0x0] =	vst.idx.msk $0xffff, v2  }
0x339: {  	[hbm4b:s4+s2] =	stream.linear.scatter [tilespmem:s10], [sflag:$0x1], $0x8000, $0x38;
	[tilespmem:$0x14000] =	vst v63  }
0x33a: {  	s12 =	sadd.s32 $0x1, s12;
	_ =	swait.ge [sflag:s9], $0x8000  }
0x33b: {  	p0 =	sne.s32 s12, s6;
	[sflag:s9] =	ssyncset.done $0x0  }
.Ltmp1:
0x33c: {  	[sflag:s9] =	ssyncadd.s32 $0xFFFF8000;
	(pc) =	sbr.rel @p0 .LBB2_1-.Ltmp1, $4  }
0x33d: {  	[hbm4b:s5+s2] =	stream.linear.scatter [tilespmem:s11], [sflag:$0x1], $0x8000, $0x38;
	[tilespmem:$0x14000] =	vst v63  }
0x33e: {  	_ =	swait.ge [sflag:s9], $0x8000  }
0x33f: {  	[sflag:s9] =	ssyncset.done $0x0  }
0x340: {  	[sflag:s9] =	ssyncadd.s32 $0xFFFF8000  }
0x341: {  	_ =	sfence.sel $0x180000  }
0x342: {  	[bflag:$0x0] =	sbarrier.arrive $0xFFFF  }
0x343: {  	p0 =	sne.s32 s1, $0x0;
	_ =	strace $0x90000047  }
0x344: {  	s0 =	sadd.s32 @!p0 $0x100000, s0;
	[bflag:$0x2] =	sbarrier.arrive $0xFFFF  }
0x345: {  	[sflag:s0] =	ssyncadd.tile.s32 @!p0 $0x1;
	_ =	shalt  }
.Lfunc_end2:
_tile_overlayer_lowered:
.L_overlay_start_2:
0x346: {  	(tag) =	ssettag $0x2  }
0x347: {  	s0 =	rddreg [dreg:$0x0];
	s2 =	stileid.u32  }
0x348: {  	s1 =	rddreg [dreg:$0x1];
	p0 =	sne.s32 s2, $0x0  }
0x349: {  	s3 =	rddreg [dreg:$0x2];
	[bflag:$0x3] =	sbarrier.arrive $0xFFFF;
	s2 =	simm.s32 @!p0 $0x1C01  }
0x34a: {  	[timem:s3], [sflag:s2] =	dma.local @!p0 [hbm:s0], s1  }
0x34b: {  	s0 =	simm.s32 @!p0 $0x1  }
0x34c: {  	_ =	swait.ge @!p0 [sflag:s0], s1  }
0x34d: {  	s1 =	ssub.s32 @!p0 $0x0, s1;
	[sflag:s0] =	ssyncset.done @!p0 $0x0  }
0x34e: {  	[sflag:s0] =	ssyncadd.s32 @!p0 s1  }
0x34f: {  	[bflag:$0x3] =	sbarrier.arrive $0xFFFF  }
0x350: {  	_ =	shalt  }

</sc_bundles>
